<compile_context>
chip_gen: v7x
topology: tpu7x:2x2x1
jax: 0.10.2.dev20260603
libtpu: 0.0.44.dev20260713+nightly
codegen_flags: <defaults>
</compile_context>

<pallas_src>
import functools

import jax
import jax.numpy as jnp
from jax import lax
from jax.experimental import pallas as pl
from jax.experimental.pallas import tpu as pltpu
from jax.experimental.pallas import tpu_sc as plsc

D_MODEL = 768
B_TOTAL = 4 * 8192
NUM_CORES = 2
NUM_SUBCORES = 16
NUM_WORKERS = NUM_CORES * NUM_SUBCORES
B_PER_WORKER = B_TOTAL // NUM_WORKERS
W_PER_ROW = NUM_WORKERS // 4
CHUNK = 64
NUM_CHUNKS = B_PER_WORKER // CHUNK

_mesh = plsc.VectorSubcoreMesh(core_axis_name="c", subcore_axis_name="s")


@jax.jit
def _sc_gather(pe, position_ids):
    @functools.partial(
        pl.kernel,
        mesh=_mesh,
        out_type=jax.ShapeDtypeStruct((B_TOTAL, D_MODEL), jnp.float32),
        scratch_types=[
            pltpu.VMEM((B_PER_WORKER,), jnp.int32),
            pltpu.VMEM((2, CHUNK, D_MODEL), jnp.float32),
            pltpu.SemaphoreType.DMA((2,)),
            pltpu.SemaphoreType.DMA((2,)),
        ],
    )
    def k(table_hbm, idx_hbm, out_hbm, idx_v, rows_v, gsem, ssem):
        wid = lax.axis_index("s") * NUM_CORES + lax.axis_index("c")
        base = wid * B_PER_WORKER
        pltpu.sync_copy(
            idx_hbm.at[wid // W_PER_ROW,
                       pl.ds((wid % W_PER_ROW) * B_PER_WORKER, B_PER_WORKER)],
            idx_v,
        )

        HALF = CHUNK // 2

        def start_gather(b, c):
            h0 = pltpu.async_copy(
                table_hbm.at[idx_v.at[pl.ds(c * CHUNK, HALF)]],
                rows_v.at[b, pl.ds(0, HALF)], gsem.at[b],
            )
            h1 = pltpu.async_copy(
                table_hbm.at[idx_v.at[pl.ds(c * CHUNK + HALF, HALF)]],
                rows_v.at[b, pl.ds(HALF, HALF)], gsem.at[b],
            )
            return (h0, h1)

        def start_store(b, c):
            return pltpu.async_copy(
                rows_v.at[b], out_hbm.at[pl.ds(base + c * CHUNK, CHUNK)],
                ssem.at[b],
            )

        g = [None, None]
        s = [None, None]
        g[0] = start_gather(0, 0)
        for c in range(NUM_CHUNKS):
            b = c & 1
            nb = 1 - b
            if c + 1 < NUM_CHUNKS:
                if s[nb] is not None:
                    s[nb].wait()
                g[nb] = start_gather(nb, c + 1)
            g[b][0].wait()
            g[b][1].wait()
            s[b] = start_store(b, c)
        s[0].wait()
        s[1].wait()

    return k(pe, position_ids)


def kernel(position_ids, pe):
    out = _sc_gather(pe, position_ids.astype(jnp.int32))
    return out.reshape(position_ids.shape + (pe.shape[1],))

# --- scband reference (transcript-rebuilt; emitter-appended) ---
"""Pipeline reference for scband-absolute-positional-encoding-59373627899925 (READ-ONLY COPY).

The authoritative reference and input builder live on the scoring server;
editing this copy changes nothing except your own understanding.
"""

import jax, jax.numpy as jnp
import numpy as np

MAX_LEN = 8192
D_MODEL = 768

def setup_inputs(seed: int = 0) -> dict:
    key = jax.random.key(seed)
    k1, k2 = jax.random.split(key)
    position_ids = jax.random.randint(k1, (4, 8192), 0, MAX_LEN, dtype=jnp.int64 if jax.config.jax_enable_x64 else jnp.int32)
    pe = jax.random.normal(k2, (MAX_LEN, D_MODEL), dtype=jnp.float32)
    return {"position_ids": position_ids, "pe": pe}

def reference(position_ids, pe):
    # nn.Embedding lookup: gather rows of pe by position_ids
    return jnp.take(pe, position_ids, axis=0)

if __name__ == "__main__":
    import jax
    _d = setup_inputs()
    print(jax.jit(kernel)(*tuple(_d.values())))

</pallas_src>

<mosaic_0001>
#map = affine_map<(d0, d1) -> (0, 0)>
module attributes {stable_mosaic.version = 14 : i64} {
  func.func @k(%arg0: i32, %arg1: i32, %arg2: memref<8192x768xf32, #tpu.memory_space<hbm>>, %arg3: memref<4x8192xi32, #tpu.memory_space<hbm>>, %arg4: memref<32768x768xf32, #tpu.memory_space<hbm>>, %arg5: memref<1024xi32, #tpu.memory_space<vmem>>, %arg6: memref<2x64x768xf32, #tpu.memory_space<vmem>>, %arg7: memref<2x!tpu.dma_semaphore, #tpu.memory_space<semaphore_mem>>, %arg8: memref<2x!tpu.dma_semaphore, #tpu.memory_space<semaphore_mem>>) attributes {dimension_semantics = [#tpu.dimension_semantics<core_parallel>, #tpu.dimension_semantics<subcore_parallel>], iteration_bounds = array<i64: 2, 16>, scalar_prefetch = 0 : i64, scratch_operands = 4 : i64, tpu.core_type = #tpu.core_type<sc_vector_subcore>, window_params = [{transform_indices = #map}, {transform_indices = #map}, {transform_indices = #map}]} {
    %mul3A = arith.constant 2 : i32
    %mul3A_0 = arith.muli %arg1, %mul3A : i32
    %add3A = arith.addi %mul3A_0, %arg0 : i32
    %mul3A_1 = arith.constant 1024 : i32
    %mul3A_2 = arith.muli %add3A, %mul3A_1 : i32
    %jit3A = arith.constant 8 : i32
    %div3A = arith.divsi %add3A, %jit3A : i32
    %sign3A = arith.constant 0 : i32
    %sign3A_3 = arith.cmpi sgt, %add3A, %sign3A : i32
    %sign3A_4 = arith.extui %sign3A_3 : i1 to i32
    %sign3A_5 = arith.constant 0 : i32
    %sign3A_6 = arith.cmpi slt, %add3A, %sign3A_5 : i32
    %sign3A_7 = arith.extui %sign3A_6 : i1 to i32
    %sign3A_8 = arith.subi %sign3A_4, %sign3A_7 : i32
    %sign3A_9 = arith.constant 0 : i32
    %sign3A_10 = arith.cmpi sgt, %jit3A, %sign3A_9 : i32
    %sign3A_11 = arith.extui %sign3A_10 : i1 to i32
    %sign3A_12 = arith.constant 0 : i32
    %sign3A_13 = arith.cmpi slt, %jit3A, %sign3A_12 : i32
    %sign3A_14 = arith.extui %sign3A_13 : i1 to i32
    %sign3A_15 = arith.subi %sign3A_11, %sign3A_14 : i32
    %ne3A = arith.cmpi ne, %sign3A_8, %sign3A_15 : i32
    %rem3A = arith.remsi %add3A, %jit3A : i32
    %ne3A_16 = arith.constant 0 : i32
    %ne3A_17 = arith.cmpi ne, %rem3A, %ne3A_16 : i32
    %and3A = arith.andi %ne3A, %ne3A_17 : i1
    %sub3A = arith.constant 1 : i32
    %sub3A_18 = arith.subi %div3A, %sub3A : i32
    %select_n3A = arith.select %and3A, %sub3A_18, %div3A : i32
    %jit3A_19 = arith.constant 8 : i32
    %eq3A = arith.constant 0 : i32
    %eq3A_20 = arith.cmpi eq, %jit3A_19, %eq3A : i32
    %jit3A_21 = arith.constant 1 : i32
    %select_n3A_22 = arith.select %eq3A_20, %jit3A_21, %jit3A_19 : i32
    %rem3A_23 = arith.remsi %add3A, %select_n3A_22 : i32
    %ne3A_24 = arith.constant 0 : i32
    %ne3A_25 = arith.cmpi ne, %rem3A_23, %ne3A_24 : i32
    %lt3A = arith.constant 0 : i32
    %lt3A_26 = arith.cmpi slt, %rem3A_23, %lt3A : i32
    %lt3A_27 = arith.constant 0 : i32
    %lt3A_28 = arith.cmpi slt, %select_n3A_22, %lt3A_27 : i32
    %ne3A_29 = arith.xori %lt3A_26, %lt3A_28 : i1
    %and3A_30 = arith.andi %ne3A_29, %ne3A_25 : i1
    %add3A_31 = arith.addi %rem3A_23, %select_n3A_22 : i32
    %select_n3A_32 = arith.select %and3A_30, %add3A_31, %rem3A_23 : i32
    %mul3A_33 = arith.constant 1024 : i32
    %mul3A_34 = arith.muli %select_n3A_32, %mul3A_33 : i32
    "tpu.region"() ({
      %run_scoped3A = tpu.sem_alloc : memref<!tpu.dma_semaphore, #tpu.memory_space<semaphore_mem>>
      %dma_start3A_1409 = tpu.memref_slice %arg3[%select_n3A, %mul3A_34] : memref<4x8192xi32, #tpu.memory_space<hbm>> -> memref<1x1024xi32, #tpu.memory_space<hbm>>
      %dma_start3A_1410 = tpu.memref_squeeze %dma_start3A_1409 : memref<1x1024xi32, #tpu.memory_space<hbm>> -> memref<1024xi32, #tpu.memory_space<hbm>>
      %dma_start3A_1411 = tpu.memref_slice %arg3[%select_n3A, %mul3A_34] : memref<4x8192xi32, #tpu.memory_space<hbm>> -> memref<1x1024xi32, #tpu.memory_space<hbm>>
      %dma_start3A_1412 = tpu.memref_squeeze %dma_start3A_1411 : memref<1x1024xi32, #tpu.memory_space<hbm>> -> memref<1024xi32, #tpu.memory_space<hbm>>
      tpu.enqueue_dma source(%dma_start3A_1412 : memref<1024xi32, #tpu.memory_space<hbm>>) target(%arg5 : memref<1024xi32, #tpu.memory_space<vmem>>) target_semaphore(%run_scoped3A : memref<!tpu.dma_semaphore, #tpu.memory_space<semaphore_mem>>)
      %dma_wait3A_1413 = tpu.memref_slice %arg3[%select_n3A, %mul3A_34] : memref<4x8192xi32, #tpu.memory_space<hbm>> -> memref<1x1024xi32, #tpu.memory_space<hbm>>
      %dma_wait3A_1414 = tpu.memref_squeeze %dma_wait3A_1413 : memref<1x1024xi32, #tpu.memory_space<hbm>> -> memref<1024xi32, #tpu.memory_space<hbm>>
      %dma_wait3A_1415 = tpu.memref_slice %arg3[%select_n3A, %mul3A_34] : memref<4x8192xi32, #tpu.memory_space<hbm>> -> memref<1x1024xi32, #tpu.memory_space<hbm>>
      %dma_wait3A_1416 = tpu.memref_squeeze %dma_wait3A_1415 : memref<1x1024xi32, #tpu.memory_space<hbm>> -> memref<1024xi32, #tpu.memory_space<hbm>>
      tpu.wait_dma2 semaphore(%run_scoped3A : memref<!tpu.dma_semaphore, #tpu.memory_space<semaphore_mem>>) src(%dma_wait3A_1416 : memref<1024xi32, #tpu.memory_space<hbm>>) dst(%arg5 : memref<1024xi32, #tpu.memory_space<vmem>>)
      tpu.yield
    }) : () -> ()
    %dma_start3A = arith.constant 0 : i32
    %dma_start3A_35 = arith.constant 0 : i32
    %dma_start3A_36 = arith.constant 0 : i32
    %dma_start3A_37 = arith.constant 0 : i32
    %dma_start3A_38 = tpu.memref_slice %arg6[%dma_start3A, %dma_start3A_36, %dma_start3A_37] : memref<2x64x768xf32, #tpu.memory_space<vmem>> -> memref<1x32x768xf32, #tpu.memory_space<vmem>>
    %dma_start3A_39 = tpu.memref_squeeze %dma_start3A_38 : memref<1x32x768xf32, #tpu.memory_space<vmem>> -> memref<32x768xf32, #tpu.memory_space<vmem>>
    %dma_start3A_40 = arith.constant 0 : i32
    %dma_start3A_41 = tpu.memref_slice %arg5[%dma_start3A_40] : memref<1024xi32, #tpu.memory_space<vmem>> -> memref<32xi32, #tpu.memory_space<vmem>>
    %dma_start3A_42 = arith.constant 0 : i32
    %dma_start3A_43 = arith.constant 0 : i32
    %dma_start3A_44 = tpu.memref_slice %arg2[%dma_start3A_42, %dma_start3A_43] : memref<8192x768xf32, #tpu.memory_space<hbm>> -> memref<8192x768xf32, #tpu.memory_space<hbm>>
    %dma_start3A_45 = tpu.memref_slice %arg7[%dma_start3A_35] : memref<2x!tpu.dma_semaphore, #tpu.memory_space<semaphore_mem>> -> memref<1x!tpu.dma_semaphore, #tpu.memory_space<semaphore_mem>>
    %dma_start3A_46 = tpu.memref_squeeze %dma_start3A_45 : memref<1x!tpu.dma_semaphore, #tpu.memory_space<semaphore_mem>> -> memref<!tpu.dma_semaphore, #tpu.memory_space<semaphore_mem>>
    tpu.enqueue_indirect_dma source(%dma_start3A_44 : memref<8192x768xf32, #tpu.memory_space<hbm>>) target(%dma_start3A_39 : memref<32x768xf32, #tpu.memory_space<vmem>>) offsets(%dma_start3A_41 : memref<32xi32, #tpu.memory_space<vmem>>) semaphore(%dma_start3A_46 : memref<!tpu.dma_semaphore, #tpu.memory_space<semaphore_mem>>)
    %dma_start3A_47 = arith.constant 0 : i32
    %dma_start3A_48 = arith.constant 0 : i32
    %dma_start3A_49 = arith.constant 32 : i32
    %dma_start3A_50 = arith.constant 0 : i32
    %dma_start3A_51 = tpu.memref_slice %arg6[%dma_start3A_47, %dma_start3A_49, %dma_start3A_50] : memref<2x64x768xf32, #tpu.memory_space<vmem>> -> memref<1x32x768xf32, #tpu.memory_space<vmem>>
    %dma_start3A_52 = tpu.memref_squeeze %dma_start3A_51 : memref<1x32x768xf32, #tpu.memory_space<vmem>> -> memref<32x768xf32, #tpu.memory_space<vmem>>
    %dma_start3A_53 = arith.constant 32 : i32
    %dma_start3A_54 = tpu.memref_slice %arg5[%dma_start3A_53] : memref<1024xi32, #tpu.memory_space<vmem>> -> memref<32xi32, #tpu.memory_space<vmem>>
    %dma_start3A_55 = arith.constant 0 : i32
    %dma_start3A_56 = arith.constant 0 : i32
    %dma_start3A_57 = tpu.memref_slice %arg2[%dma_start3A_55, %dma_start3A_56] : memref<8192x768xf32, #tpu.memory_space<hbm>> -> memref<8192x768xf32, #tpu.memory_space<hbm>>
    %dma_start3A_58 = tpu.memref_slice %arg7[%dma_start3A_48] : memref<2x!tpu.dma_semaphore, #tpu.memory_space<semaphore_mem>> -> memref<1x!tpu.dma_semaphore, #tpu.memory_space<semaphore_mem>>
    %dma_start3A_59 = tpu.memref_squeeze %dma_start3A_58 : memref<1x!tpu.dma_semaphore, #tpu.memory_space<semaphore_mem>> -> memref<!tpu.dma_semaphore, #tpu.memory_space<semaphore_mem>>
    tpu.enqueue_indirect_dma source(%dma_start3A_57 : memref<8192x768xf32, #tpu.memory_space<hbm>>) target(%dma_start3A_52 : memref<32x768xf32, #tpu.memory_space<vmem>>) offsets(%dma_start3A_54 : memref<32xi32, #tpu.memory_space<vmem>>) semaphore(%dma_start3A_59 : memref<!tpu.dma_semaphore, #tpu.memory_space<semaphore_mem>>)
    %dma_start3A_60 = arith.constant 1 : i32
    %dma_start3A_61 = arith.constant 1 : i32
    %dma_start3A_62 = arith.constant 0 : i32
    %dma_start3A_63 = arith.constant 0 : i32
    %dma_start3A_64 = tpu.memref_slice %arg6[%dma_start3A_60, %dma_start3A_62, %dma_start3A_63] : memref<2x64x768xf32, #tpu.memory_space<vmem>> -> memref<1x32x768xf32, #tpu.memory_space<vmem>>
    %dma_start3A_65 = tpu.memref_squeeze %dma_start3A_64 : memref<1x32x768xf32, #tpu.memory_space<vmem>> -> memref<32x768xf32, #tpu.memory_space<vmem>>
    %dma_start3A_66 = arith.constant 64 : i32
    %dma_start3A_67 = tpu.memref_slice %arg5[%dma_start3A_66] : memref<1024xi32, #tpu.memory_space<vmem>> -> memref<32xi32, #tpu.memory_space<vmem>>
    %dma_start3A_68 = arith.constant 0 : i32
    %dma_start3A_69 = arith.constant 0 : i32
    %dma_start3A_70 = tpu.memref_slice %arg2[%dma_start3A_68, %dma_start3A_69] : memref<8192x768xf32, #tpu.memory_space<hbm>> -> memref<8192x768xf32, #tpu.memory_space<hbm>>
    %dma_start3A_71 = tpu.memref_slice %arg7[%dma_start3A_61] : memref<2x!tpu.dma_semaphore, #tpu.memory_space<semaphore_mem>> -> memref<1x!tpu.dma_semaphore, #tpu.memory_space<semaphore_mem>>
    %dma_start3A_72 = tpu.memref_squeeze %dma_start3A_71 : memref<1x!tpu.dma_semaphore, #tpu.memory_space<semaphore_mem>> -> memref<!tpu.dma_semaphore, #tpu.memory_space<semaphore_mem>>
    tpu.enqueue_indirect_dma source(%dma_start3A_70 : memref<8192x768xf32, #tpu.memory_space<hbm>>) target(%dma_start3A_65 : memref<32x768xf32, #tpu.memory_space<vmem>>) offsets(%dma_start3A_67 : memref<32xi32, #tpu.memory_space<vmem>>) semaphore(%dma_start3A_72 : memref<!tpu.dma_semaphore, #tpu.memory_space<semaphore_mem>>)
    %dma_start3A_73 = arith.constant 1 : i32
    %dma_start3A_74 = arith.constant 1 : i32
    %dma_start3A_75 = arith.constant 32 : i32
    %dma_start3A_76 = arith.constant 0 : i32
    %dma_start3A_77 = tpu.memref_slice %arg6[%dma_start3A_73, %dma_start3A_75, %dma_start3A_76] : memref<2x64x768xf32, #tpu.memory_space<vmem>> -> memref<1x32x768xf32, #tpu.memory_space<vmem>>
    %dma_start3A_78 = tpu.memref_squeeze %dma_start3A_77 : memref<1x32x768xf32, #tpu.memory_space<vmem>> -> memref<32x768xf32, #tpu.memory_space<vmem>>
    %dma_start3A_79 = arith.constant 96 : i32
    %dma_start3A_80 = tpu.memref_slice %arg5[%dma_start3A_79] : memref<1024xi32, #tpu.memory_space<vmem>> -> memref<32xi32, #tpu.memory_space<vmem>>
    %dma_start3A_81 = arith.constant 0 : i32
    %dma_start3A_82 = arith.constant 0 : i32
    %dma_start3A_83 = tpu.memref_slice %arg2[%dma_start3A_81, %dma_start3A_82] : memref<8192x768xf32, #tpu.memory_space<hbm>> -> memref<8192x768xf32, #tpu.memory_space<hbm>>
    %dma_start3A_84 = tpu.memref_slice %arg7[%dma_start3A_74] : memref<2x!tpu.dma_semaphore, #tpu.memory_space<semaphore_mem>> -> memref<1x!tpu.dma_semaphore, #tpu.memory_space<semaphore_mem>>
    %dma_start3A_85 = tpu.memref_squeeze %dma_start3A_84 : memref<1x!tpu.dma_semaphore, #tpu.memory_space<semaphore_mem>> -> memref<!tpu.dma_semaphore, #tpu.memory_space<semaphore_mem>>
    tpu.enqueue_indirect_dma source(%dma_start3A_83 : memref<8192x768xf32, #tpu.memory_space<hbm>>) target(%dma_start3A_78 : memref<32x768xf32, #tpu.memory_space<vmem>>) offsets(%dma_start3A_80 : memref<32xi32, #tpu.memory_space<vmem>>) semaphore(%dma_start3A_85 : memref<!tpu.dma_semaphore, #tpu.memory_space<semaphore_mem>>)
    %dma_wait3A = arith.constant 0 : i32
    %dma_wait3A_86 = arith.constant 0 : i32
    %dma_wait3A_87 = arith.constant 0 : i32
    %dma_wait3A_88 = arith.constant 0 : i32
    %dma_wait3A_89 = tpu.memref_slice %arg6[%dma_wait3A, %dma_wait3A_87, %dma_wait3A_88] : memref<2x64x768xf32, #tpu.memory_space<vmem>> -> memref<1x32x768xf32, #tpu.memory_space<vmem>>
    %dma_wait3A_90 = tpu.memref_squeeze %dma_wait3A_89 : memref<1x32x768xf32, #tpu.memory_space<vmem>> -> memref<32x768xf32, #tpu.memory_space<vmem>>
    %dma_wait3A_91 = arith.constant 0 : i32
    %dma_wait3A_92 = tpu.memref_slice %arg5[%dma_wait3A_91] : memref<1024xi32, #tpu.memory_space<vmem>> -> memref<32xi32, #tpu.memory_space<vmem>>
    %dma_wait3A_93 = arith.constant 0 : i32
    %dma_wait3A_94 = arith.constant 0 : i32
    %dma_wait3A_95 = tpu.memref_slice %arg2[%dma_wait3A_93, %dma_wait3A_94] : memref<8192x768xf32, #tpu.memory_space<hbm>> -> memref<8192x768xf32, #tpu.memory_space<hbm>>
    %dma_wait3A_96 = tpu.memref_slice %arg7[%dma_wait3A_86] : memref<2x!tpu.dma_semaphore, #tpu.memory_space<semaphore_mem>> -> memref<1x!tpu.dma_semaphore, #tpu.memory_space<semaphore_mem>>
    %dma_wait3A_97 = tpu.memref_squeeze %dma_wait3A_96 : memref<1x!tpu.dma_semaphore, #tpu.memory_space<semaphore_mem>> -> memref<!tpu.dma_semaphore, #tpu.memory_space<semaphore_mem>>
    tpu.wait_indirect_dma semaphore(%dma_wait3A_97 : memref<!tpu.dma_semaphore, #tpu.memory_space<semaphore_mem>>) src(%dma_wait3A_95 : memref<8192x768xf32, #tpu.memory_space<hbm>>) dst(%dma_wait3A_90 : memref<32x768xf32, #tpu.memory_space<vmem>>)
    %dma_wait3A_98 = arith.constant 0 : i32
    %dma_wait3A_99 = arith.constant 0 : i32
    %dma_wait3A_100 = arith.constant 32 : i32
    %dma_wait3A_101 = arith.constant 0 : i32
    %dma_wait3A_102 = tpu.memref_slice %arg6[%dma_wait3A_98, %dma_wait3A_100, %dma_wait3A_101] : memref<2x64x768xf32, #tpu.memory_space<vmem>> -> memref<1x32x768xf32, #tpu.memory_space<vmem>>
    %dma_wait3A_103 = tpu.memref_squeeze %dma_wait3A_102 : memref<1x32x768xf32, #tpu.memory_space<vmem>> -> memref<32x768xf32, #tpu.memory_space<vmem>>
    %dma_wait3A_104 = arith.constant 32 : i32
    %dma_wait3A_105 = tpu.memref_slice %arg5[%dma_wait3A_104] : memref<1024xi32, #tpu.memory_space<vmem>> -> memref<32xi32, #tpu.memory_space<vmem>>
    %dma_wait3A_106 = arith.constant 0 : i32
    %dma_wait3A_107 = arith.constant 0 : i32
    %dma_wait3A_108 = tpu.memref_slice %arg2[%dma_wait3A_106, %dma_wait3A_107] : memref<8192x768xf32, #tpu.memory_space<hbm>> -> memref<8192x768xf32, #tpu.memory_space<hbm>>
    %dma_wait3A_109 = tpu.memref_slice %arg7[%dma_wait3A_99] : memref<2x!tpu.dma_semaphore, #tpu.memory_space<semaphore_mem>> -> memref<1x!tpu.dma_semaphore, #tpu.memory_space<semaphore_mem>>
    %dma_wait3A_110 = tpu.memref_squeeze %dma_wait3A_109 : memref<1x!tpu.dma_semaphore, #tpu.memory_space<semaphore_mem>> -> memref<!tpu.dma_semaphore, #tpu.memory_space<semaphore_mem>>
    tpu.wait_indirect_dma semaphore(%dma_wait3A_110 : memref<!tpu.dma_semaphore, #tpu.memory_space<semaphore_mem>>) src(%dma_wait3A_108 : memref<8192x768xf32, #tpu.memory_space<hbm>>) dst(%dma_wait3A_103 : memref<32x768xf32, #tpu.memory_space<vmem>>)
    %add3A_111 = arith.constant 0 : i32
    %add3A_112 = arith.addi %mul3A_2, %add3A_111 : i32
    %dma_start3A_113 = arith.constant 0 : i32
    %dma_start3A_114 = arith.constant 0 : i32
    %dma_start3A_115 = arith.constant 0 : i32
    %dma_start3A_116 = arith.constant 0 : i32
    %dma_start3A_117 = tpu.memref_slice %arg6[%dma_start3A_113, %dma_start3A_115, %dma_start3A_116] : memref<2x64x768xf32, #tpu.memory_space<vmem>> -> memref<1x64x768xf32, #tpu.memory_space<vmem>>
    %dma_start3A_118 = tpu.memref_squeeze %dma_start3A_117 : memref<1x64x768xf32, #tpu.memory_space<vmem>> -> memref<64x768xf32, #tpu.memory_space<vmem>>
    %dma_start3A_119 = arith.constant 0 : i32
    %dma_start3A_120 = tpu.memref_slice %arg4[%add3A_112, %dma_start3A_119] : memref<32768x768xf32, #tpu.memory_space<hbm>> -> memref<64x768xf32, #tpu.memory_space<hbm>>
    %dma_start3A_121 = tpu.memref_slice %arg8[%dma_start3A_114] : memref<2x!tpu.dma_semaphore, #tpu.memory_space<semaphore_mem>> -> memref<1x!tpu.dma_semaphore, #tpu.memory_space<semaphore_mem>>
    %dma_start3A_122 = tpu.memref_squeeze %dma_start3A_121 : memref<1x!tpu.dma_semaphore, #tpu.memory_space<semaphore_mem>> -> memref<!tpu.dma_semaphore, #tpu.memory_space<semaphore_mem>>
    %dma_start3A_123 = arith.constant 0 : i32
    %dma_start3A_124 = tpu.memref_slice %arg4[%add3A_112, %dma_start3A_123] : memref<32768x768xf32, #tpu.memory_space<hbm>> -> memref<64x768xf32, #tpu.memory_space<hbm>>
    %dma_start3A_125 = arith.constant 0 : i32
    %dma_start3A_126 = arith.constant 0 : i32
    %dma_start3A_127 = tpu.memref_slice %arg6[%dma_start3A_113, %dma_start3A_125, %dma_start3A_126] : memref<2x64x768xf32, #tpu.memory_space<vmem>> -> memref<1x64x768xf32, #tpu.memory_space<vmem>>
    %dma_start3A_128 = tpu.memref_squeeze %dma_start3A_127 : memref<1x64x768xf32, #tpu.memory_space<vmem>> -> memref<64x768xf32, #tpu.memory_space<vmem>>
    tpu.enqueue_dma source(%dma_start3A_128 : memref<64x768xf32, #tpu.memory_space<vmem>>) target(%dma_start3A_124 : memref<64x768xf32, #tpu.memory_space<hbm>>) target_semaphore(%dma_start3A_122 : memref<!tpu.dma_semaphore, #tpu.memory_space<semaphore_mem>>)
    %dma_wait3A_129 = arith.constant 0 : i32
    %dma_wait3A_130 = arith.constant 0 : i32
    %dma_wait3A_131 = arith.constant 0 : i32
    %dma_wait3A_132 = arith.constant 0 : i32
    %dma_wait3A_133 = tpu.memref_slice %arg6[%dma_wait3A_129, %dma_wait3A_131, %dma_wait3A_132] : memref<2x64x768xf32, #tpu.memory_space<vmem>> -> memref<1x64x768xf32, #tpu.memory_space<vmem>>
    %dma_wait3A_134 = tpu.memref_squeeze %dma_wait3A_133 : memref<1x64x768xf32, #tpu.memory_space<vmem>> -> memref<64x768xf32, #tpu.memory_space<vmem>>
    %dma_wait3A_135 = arith.constant 0 : i32
    %dma_wait3A_136 = tpu.memref_slice %arg4[%add3A_112, %dma_wait3A_135] : memref<32768x768xf32, #tpu.memory_space<hbm>> -> memref<64x768xf32, #tpu.memory_space<hbm>>
    %dma_wait3A_137 = tpu.memref_slice %arg8[%dma_wait3A_130] : memref<2x!tpu.dma_semaphore, #tpu.memory_space<semaphore_mem>> -> memref<1x!tpu.dma_semaphore, #tpu.memory_space<semaphore_mem>>
    %dma_wait3A_138 = tpu.memref_squeeze %dma_wait3A_137 : memref<1x!tpu.dma_semaphore, #tpu.memory_space<semaphore_mem>> -> memref<!tpu.dma_semaphore, #tpu.memory_space<semaphore_mem>>
    %dma_wait3A_139 = arith.constant 0 : i32
    %dma_wait3A_140 = tpu.memref_slice %arg4[%add3A_112, %dma_wait3A_139] : memref<32768x768xf32, #tpu.memory_space<hbm>> -> memref<64x768xf32, #tpu.memory_space<hbm>>
    %dma_wait3A_141 = arith.constant 0 : i32
    %dma_wait3A_142 = arith.constant 0 : i32
    %dma_wait3A_143 = tpu.memref_slice %arg6[%dma_wait3A_129, %dma_wait3A_141, %dma_wait3A_142] : memref<2x64x768xf32, #tpu.memory_space<vmem>> -> memref<1x64x768xf32, #tpu.memory_space<vmem>>
    %dma_wait3A_144 = tpu.memref_squeeze %dma_wait3A_143 : memref<1x64x768xf32, #tpu.memory_space<vmem>> -> memref<64x768xf32, #tpu.memory_space<vmem>>
    tpu.wait_dma2 semaphore(%dma_wait3A_138 : memref<!tpu.dma_semaphore, #tpu.memory_space<semaphore_mem>>) src(%dma_wait3A_144 : memref<64x768xf32, #tpu.memory_space<vmem>>) dst(%dma_wait3A_140 : memref<64x768xf32, #tpu.memory_space<hbm>>)
    %dma_start3A_145 = arith.constant 0 : i32
    %dma_start3A_146 = arith.constant 0 : i32
    %dma_start3A_147 = arith.constant 0 : i32
    %dma_start3A_148 = arith.constant 0 : i32
    %dma_start3A_149 = tpu.memref_slice %arg6[%dma_start3A_145, %dma_start3A_147, %dma_start3A_148] : memref<2x64x768xf32, #tpu.memory_space<vmem>> -> memref<1x32x768xf32, #tpu.memory_space<vmem>>
    %dma_start3A_150 = tpu.memref_squeeze %dma_start3A_149 : memref<1x32x768xf32, #tpu.memory_space<vmem>> -> memref<32x768xf32, #tpu.memory_space<vmem>>
    %dma_start3A_151 = arith.constant 128 : i32
    %dma_start3A_152 = tpu.memref_slice %arg5[%dma_start3A_151] : memref<1024xi32, #tpu.memory_space<vmem>> -> memref<32xi32, #tpu.memory_space<vmem>>
    %dma_start3A_153 = arith.constant 0 : i32
    %dma_start3A_154 = arith.constant 0 : i32
    %dma_start3A_155 = tpu.memref_slice %arg2[%dma_start3A_153, %dma_start3A_154] : memref<8192x768xf32, #tpu.memory_space<hbm>> -> memref<8192x768xf32, #tpu.memory_space<hbm>>
    %dma_start3A_156 = tpu.memref_slice %arg7[%dma_start3A_146] : memref<2x!tpu.dma_semaphore, #tpu.memory_space<semaphore_mem>> -> memref<1x!tpu.dma_semaphore, #tpu.memory_space<semaphore_mem>>
    %dma_start3A_157 = tpu.memref_squeeze %dma_start3A_156 : memref<1x!tpu.dma_semaphore, #tpu.memory_space<semaphore_mem>> -> memref<!tpu.dma_semaphore, #tpu.memory_space<semaphore_mem>>
    tpu.enqueue_indirect_dma source(%dma_start3A_155 : memref<8192x768xf32, #tpu.memory_space<hbm>>) target(%dma_start3A_150 : memref<32x768xf32, #tpu.memory_space<vmem>>) offsets(%dma_start3A_152 : memref<32xi32, #tpu.memory_space<vmem>>) semaphore(%dma_start3A_157 : memref<!tpu.dma_semaphore, #tpu.memory_space<semaphore_mem>>)
    %dma_start3A_158 = arith.constant 0 : i32
    %dma_start3A_159 = arith.constant 0 : i32
    %dma_start3A_160 = arith.constant 32 : i32
    %dma_start3A_161 = arith.constant 0 : i32
    %dma_start3A_162 = tpu.memref_slice %arg6[%dma_start3A_158, %dma_start3A_160, %dma_start3A_161] : memref<2x64x768xf32, #tpu.memory_space<vmem>> -> memref<1x32x768xf32, #tpu.memory_space<vmem>>
    %dma_start3A_163 = tpu.memref_squeeze %dma_start3A_162 : memref<1x32x768xf32, #tpu.memory_space<vmem>> -> memref<32x768xf32, #tpu.memory_space<vmem>>
    %dma_start3A_164 = arith.constant 160 : i32
    %dma_start3A_165 = tpu.memref_slice %arg5[%dma_start3A_164] : memref<1024xi32, #tpu.memory_space<vmem>> -> memref<32xi32, #tpu.memory_space<vmem>>
    %dma_start3A_166 = arith.constant 0 : i32
    %dma_start3A_167 = arith.constant 0 : i32
    %dma_start3A_168 = tpu.memref_slice %arg2[%dma_start3A_166, %dma_start3A_167] : memref<8192x768xf32, #tpu.memory_space<hbm>> -> memref<8192x768xf32, #tpu.memory_space<hbm>>
    %dma_start3A_169 = tpu.memref_slice %arg7[%dma_start3A_159] : memref<2x!tpu.dma_semaphore, #tpu.memory_space<semaphore_mem>> -> memref<1x!tpu.dma_semaphore, #tpu.memory_space<semaphore_mem>>
    %dma_start3A_170 = tpu.memref_squeeze %dma_start3A_169 : memref<1x!tpu.dma_semaphore, #tpu.memory_space<semaphore_mem>> -> memref<!tpu.dma_semaphore, #tpu.memory_space<semaphore_mem>>
    tpu.enqueue_indirect_dma source(%dma_start3A_168 : memref<8192x768xf32, #tpu.memory_space<hbm>>) target(%dma_start3A_163 : memref<32x768xf32, #tpu.memory_space<vmem>>) offsets(%dma_start3A_165 : memref<32xi32, #tpu.memory_space<vmem>>) semaphore(%dma_start3A_170 : memref<!tpu.dma_semaphore, #tpu.memory_space<semaphore_mem>>)
    %dma_wait3A_171 = arith.constant 1 : i32
    %dma_wait3A_172 = arith.constant 1 : i32
    %dma_wait3A_173 = arith.constant 0 : i32
    %dma_wait3A_174 = arith.constant 0 : i32
    %dma_wait3A_175 = tpu.memref_slice %arg6[%dma_wait3A_171, %dma_wait3A_173, %dma_wait3A_174] : memref<2x64x768xf32, #tpu.memory_space<vmem>> -> memref<1x32x768xf32, #tpu.memory_space<vmem>>
    %dma_wait3A_176 = tpu.memref_squeeze %dma_wait3A_175 : memref<1x32x768xf32, #tpu.memory_space<vmem>> -> memref<32x768xf32, #tpu.memory_space<vmem>>
    %dma_wait3A_177 = arith.constant 64 : i32
    %dma_wait3A_178 = tpu.memref_slice %arg5[%dma_wait3A_177] : memref<1024xi32, #tpu.memory_space<vmem>> -> memref<32xi32, #tpu.memory_space<vmem>>
    %dma_wait3A_179 = arith.constant 0 : i32
    %dma_wait3A_180 = arith.constant 0 : i32
    %dma_wait3A_181 = tpu.memref_slice %arg2[%dma_wait3A_179, %dma_wait3A_180] : memref<8192x768xf32, #tpu.memory_space<hbm>> -> memref<8192x768xf32, #tpu.memory_space<hbm>>
    %dma_wait3A_182 = tpu.memref_slice %arg7[%dma_wait3A_172] : memref<2x!tpu.dma_semaphore, #tpu.memory_space<semaphore_mem>> -> memref<1x!tpu.dma_semaphore, #tpu.memory_space<semaphore_mem>>
    %dma_wait3A_183 = tpu.memref_squeeze %dma_wait3A_182 : memref<1x!tpu.dma_semaphore, #tpu.memory_space<semaphore_mem>> -> memref<!tpu.dma_semaphore, #tpu.memory_space<semaphore_mem>>
    tpu.wait_indirect_dma semaphore(%dma_wait3A_183 : memref<!tpu.dma_semaphore, #tpu.memory_space<semaphore_mem>>) src(%dma_wait3A_181 : memref<8192x768xf32, #tpu.memory_space<hbm>>) dst(%dma_wait3A_176 : memref<32x768xf32, #tpu.memory_space<vmem>>)
    %dma_wait3A_184 = arith.constant 1 : i32
    %dma_wait3A_185 = arith.constant 1 : i32
    %dma_wait3A_186 = arith.constant 32 : i32
    %dma_wait3A_187 = arith.constant 0 : i32
    %dma_wait3A_188 = tpu.memref_slice %arg6[%dma_wait3A_184, %dma_wait3A_186, %dma_wait3A_187] : memref<2x64x768xf32, #tpu.memory_space<vmem>> -> memref<1x32x768xf32, #tpu.memory_space<vmem>>
    %dma_wait3A_189 = tpu.memref_squeeze %dma_wait3A_188 : memref<1x32x768xf32, #tpu.memory_space<vmem>> -> memref<32x768xf32, #tpu.memory_space<vmem>>
    %dma_wait3A_190 = arith.constant 96 : i32
    %dma_wait3A_191 = tpu.memref_slice %arg5[%dma_wait3A_190] : memref<1024xi32, #tpu.memory_space<vmem>> -> memref<32xi32, #tpu.memory_space<vmem>>
    %dma_wait3A_192 = arith.constant 0 : i32
    %dma_wait3A_193 = arith.constant 0 : i32
    %dma_wait3A_194 = tpu.memref_slice %arg2[%dma_wait3A_192, %dma_wait3A_193] : memref<8192x768xf32, #tpu.memory_space<hbm>> -> memref<8192x768xf32, #tpu.memory_space<hbm>>
    %dma_wait3A_195 = tpu.memref_slice %arg7[%dma_wait3A_185] : memref<2x!tpu.dma_semaphore, #tpu.memory_space<semaphore_mem>> -> memref<1x!tpu.dma_semaphore, #tpu.memory_space<semaphore_mem>>
    %dma_wait3A_196 = tpu.memref_squeeze %dma_wait3A_195 : memref<1x!tpu.dma_semaphore, #tpu.memory_space<semaphore_mem>> -> memref<!tpu.dma_semaphore, #tpu.memory_space<semaphore_mem>>
    tpu.wait_indirect_dma semaphore(%dma_wait3A_196 : memref<!tpu.dma_semaphore, #tpu.memory_space<semaphore_mem>>) src(%dma_wait3A_194 : memref<8192x768xf32, #tpu.memory_space<hbm>>) dst(%dma_wait3A_189 : memref<32x768xf32, #tpu.memory_space<vmem>>)
    %add3A_197 = arith.constant 64 : i32
    %add3A_198 = arith.addi %mul3A_2, %add3A_197 : i32
    %dma_start3A_199 = arith.constant 1 : i32
    %dma_start3A_200 = arith.constant 1 : i32
    %dma_start3A_201 = arith.constant 0 : i32
    %dma_start3A_202 = arith.constant 0 : i32
    %dma_start3A_203 = tpu.memref_slice %arg6[%dma_start3A_199, %dma_start3A_201, %dma_start3A_202] : memref<2x64x768xf32, #tpu.memory_space<vmem>> -> memref<1x64x768xf32, #tpu.memory_space<vmem>>
    %dma_start3A_204 = tpu.memref_squeeze %dma_start3A_203 : memref<1x64x768xf32, #tpu.memory_space<vmem>> -> memref<64x768xf32, #tpu.memory_space<vmem>>
    %dma_start3A_205 = arith.constant 0 : i32
    %dma_start3A_206 = tpu.memref_slice %arg4[%add3A_198, %dma_start3A_205] : memref<32768x768xf32, #tpu.memory_space<hbm>> -> memref<64x768xf32, #tpu.memory_space<hbm>>
    %dma_start3A_207 = tpu.memref_slice %arg8[%dma_start3A_200] : memref<2x!tpu.dma_semaphore, #tpu.memory_space<semaphore_mem>> -> memref<1x!tpu.dma_semaphore, #tpu.memory_space<semaphore_mem>>
    %dma_start3A_208 = tpu.memref_squeeze %dma_start3A_207 : memref<1x!tpu.dma_semaphore, #tpu.memory_space<semaphore_mem>> -> memref<!tpu.dma_semaphore, #tpu.memory_space<semaphore_mem>>
    %dma_start3A_209 = arith.constant 0 : i32
    %dma_start3A_210 = tpu.memref_slice %arg4[%add3A_198, %dma_start3A_209] : memref<32768x768xf32, #tpu.memory_space<hbm>> -> memref<64x768xf32, #tpu.memory_space<hbm>>
    %dma_start3A_211 = arith.constant 0 : i32
    %dma_start3A_212 = arith.constant 0 : i32
    %dma_start3A_213 = tpu.memref_slice %arg6[%dma_start3A_199, %dma_start3A_211, %dma_start3A_212] : memref<2x64x768xf32, #tpu.memory_space<vmem>> -> memref<1x64x768xf32, #tpu.memory_space<vmem>>
    %dma_start3A_214 = tpu.memref_squeeze %dma_start3A_213 : memref<1x64x768xf32, #tpu.memory_space<vmem>> -> memref<64x768xf32, #tpu.memory_space<vmem>>
    tpu.enqueue_dma source(%dma_start3A_214 : memref<64x768xf32, #tpu.memory_space<vmem>>) target(%dma_start3A_210 : memref<64x768xf32, #tpu.memory_space<hbm>>) target_semaphore(%dma_start3A_208 : memref<!tpu.dma_semaphore, #tpu.memory_space<semaphore_mem>>)
    %dma_wait3A_215 = arith.constant 1 : i32
    %dma_wait3A_216 = arith.constant 1 : i32
    %dma_wait3A_217 = arith.constant 0 : i32
    %dma_wait3A_218 = arith.constant 0 : i32
    %dma_wait3A_219 = tpu.memref_slice %arg6[%dma_wait3A_215, %dma_wait3A_217, %dma_wait3A_218] : memref<2x64x768xf32, #tpu.memory_space<vmem>> -> memref<1x64x768xf32, #tpu.memory_space<vmem>>
    %dma_wait3A_220 = tpu.memref_squeeze %dma_wait3A_219 : memref<1x64x768xf32, #tpu.memory_space<vmem>> -> memref<64x768xf32, #tpu.memory_space<vmem>>
    %dma_wait3A_221 = arith.constant 0 : i32
    %dma_wait3A_222 = tpu.memref_slice %arg4[%add3A_198, %dma_wait3A_221] : memref<32768x768xf32, #tpu.memory_space<hbm>> -> memref<64x768xf32, #tpu.memory_space<hbm>>
    %dma_wait3A_223 = tpu.memref_slice %arg8[%dma_wait3A_216] : memref<2x!tpu.dma_semaphore, #tpu.memory_space<semaphore_mem>> -> memref<1x!tpu.dma_semaphore, #tpu.memory_space<semaphore_mem>>
    %dma_wait3A_224 = tpu.memref_squeeze %dma_wait3A_223 : memref<1x!tpu.dma_semaphore, #tpu.memory_space<semaphore_mem>> -> memref<!tpu.dma_semaphore, #tpu.memory_space<semaphore_mem>>
    %dma_wait3A_225 = arith.constant 0 : i32
    %dma_wait3A_226 = tpu.memref_slice %arg4[%add3A_198, %dma_wait3A_225] : memref<32768x768xf32, #tpu.memory_space<hbm>> -> memref<64x768xf32, #tpu.memory_space<hbm>>
    %dma_wait3A_227 = arith.constant 0 : i32
    %dma_wait3A_228 = arith.constant 0 : i32
    %dma_wait3A_229 = tpu.memref_slice %arg6[%dma_wait3A_215, %dma_wait3A_227, %dma_wait3A_228] : memref<2x64x768xf32, #tpu.memory_space<vmem>> -> memref<1x64x768xf32, #tpu.memory_space<vmem>>
    %dma_wait3A_230 = tpu.memref_squeeze %dma_wait3A_229 : memref<1x64x768xf32, #tpu.memory_space<vmem>> -> memref<64x768xf32, #tpu.memory_space<vmem>>
    tpu.wait_dma2 semaphore(%dma_wait3A_224 : memref<!tpu.dma_semaphore, #tpu.memory_space<semaphore_mem>>) src(%dma_wait3A_230 : memref<64x768xf32, #tpu.memory_space<vmem>>) dst(%dma_wait3A_226 : memref<64x768xf32, #tpu.memory_space<hbm>>)
    %dma_start3A_231 = arith.constant 1 : i32
    %dma_start3A_232 = arith.constant 1 : i32
    %dma_start3A_233 = arith.constant 0 : i32
    %dma_start3A_234 = arith.constant 0 : i32
    %dma_start3A_235 = tpu.memref_slice %arg6[%dma_start3A_231, %dma_start3A_233, %dma_start3A_234] : memref<2x64x768xf32, #tpu.memory_space<vmem>> -> memref<1x32x768xf32, #tpu.memory_space<vmem>>
    %dma_start3A_236 = tpu.memref_squeeze %dma_start3A_235 : memref<1x32x768xf32, #tpu.memory_space<vmem>> -> memref<32x768xf32, #tpu.memory_space<vmem>>
    %dma_start3A_237 = arith.constant 192 : i32
    %dma_start3A_238 = tpu.memref_slice %arg5[%dma_start3A_237] : memref<1024xi32, #tpu.memory_space<vmem>> -> memref<32xi32, #tpu.memory_space<vmem>>
    %dma_start3A_239 = arith.constant 0 : i32
    %dma_start3A_240 = arith.constant 0 : i32
    %dma_start3A_241 = tpu.memref_slice %arg2[%dma_start3A_239, %dma_start3A_240] : memref<8192x768xf32, #tpu.memory_space<hbm>> -> memref<8192x768xf32, #tpu.memory_space<hbm>>
    %dma_start3A_242 = tpu.memref_slice %arg7[%dma_start3A_232] : memref<2x!tpu.dma_semaphore, #tpu.memory_space<semaphore_mem>> -> memref<1x!tpu.dma_semaphore, #tpu.memory_space<semaphore_mem>>
    %dma_start3A_243 = tpu.memref_squeeze %dma_start3A_242 : memref<1x!tpu.dma_semaphore, #tpu.memory_space<semaphore_mem>> -> memref<!tpu.dma_semaphore, #tpu.memory_space<semaphore_mem>>
    tpu.enqueue_indirect_dma source(%dma_start3A_241 : memref<8192x768xf32, #tpu.memory_space<hbm>>) target(%dma_start3A_236 : memref<32x768xf32, #tpu.memory_space<vmem>>) offsets(%dma_start3A_238 : memref<32xi32, #tpu.memory_space<vmem>>) semaphore(%dma_start3A_243 : memref<!tpu.dma_semaphore, #tpu.memory_space<semaphore_mem>>)
    %dma_start3A_244 = arith.constant 1 : i32
    %dma_start3A_245 = arith.constant 1 : i32
    %dma_start3A_246 = arith.constant 32 : i32
    %dma_start3A_247 = arith.constant 0 : i32
    %dma_start3A_248 = tpu.memref_slice %arg6[%dma_start3A_244, %dma_start3A_246, %dma_start3A_247] : memref<2x64x768xf32, #tpu.memory_space<vmem>> -> memref<1x32x768xf32, #tpu.memory_space<vmem>>
    %dma_start3A_249 = tpu.memref_squeeze %dma_start3A_248 : memref<1x32x768xf32, #tpu.memory_space<vmem>> -> memref<32x768xf32, #tpu.memory_space<vmem>>
    %dma_start3A_250 = arith.constant 224 : i32
    %dma_start3A_251 = tpu.memref_slice %arg5[%dma_start3A_250] : memref<1024xi32, #tpu.memory_space<vmem>> -> memref<32xi32, #tpu.memory_space<vmem>>
    %dma_start3A_252 = arith.constant 0 : i32
    %dma_start3A_253 = arith.constant 0 : i32
    %dma_start3A_254 = tpu.memref_slice %arg2[%dma_start3A_252, %dma_start3A_253] : memref<8192x768xf32, #tpu.memory_space<hbm>> -> memref<8192x768xf32, #tpu.memory_space<hbm>>
    %dma_start3A_255 = tpu.memref_slice %arg7[%dma_start3A_245] : memref<2x!tpu.dma_semaphore, #tpu.memory_space<semaphore_mem>> -> memref<1x!tpu.dma_semaphore, #tpu.memory_space<semaphore_mem>>
    %dma_start3A_256 = tpu.memref_squeeze %dma_start3A_255 : memref<1x!tpu.dma_semaphore, #tpu.memory_space<semaphore_mem>> -> memref<!tpu.dma_semaphore, #tpu.memory_space<semaphore_mem>>
    tpu.enqueue_indirect_dma source(%dma_start3A_254 : memref<8192x768xf32, #tpu.memory_space<hbm>>) target(%dma_start3A_249 : memref<32x768xf32, #tpu.memory_space<vmem>>) offsets(%dma_start3A_251 : memref<32xi32, #tpu.memory_space<vmem>>) semaphore(%dma_start3A_256 : memref<!tpu.dma_semaphore, #tpu.memory_space<semaphore_mem>>)
    %dma_wait3A_257 = arith.constant 0 : i32
    %dma_wait3A_258 = arith.constant 0 : i32
    %dma_wait3A_259 = arith.constant 0 : i32
    %dma_wait3A_260 = arith.constant 0 : i32
    %dma_wait3A_261 = tpu.memref_slice %arg6[%dma_wait3A_257, %dma_wait3A_259, %dma_wait3A_260] : memref<2x64x768xf32, #tpu.memory_space<vmem>> -> memref<1x32x768xf32, #tpu.memory_space<vmem>>
    %dma_wait3A_262 = tpu.memref_squeeze %dma_wait3A_261 : memref<1x32x768xf32, #tpu.memory_space<vmem>> -> memref<32x768xf32, #tpu.memory_space<vmem>>
    %dma_wait3A_263 = arith.constant 128 : i32
    %dma_wait3A_264 = tpu.memref_slice %arg5[%dma_wait3A_263] : memref<1024xi32, #tpu.memory_space<vmem>> -> memref<32xi32, #tpu.memory_space<vmem>>
    %dma_wait3A_265 = arith.constant 0 : i32
    %dma_wait3A_266 = arith.constant 0 : i32
    %dma_wait3A_267 = tpu.memref_slice %arg2[%dma_wait3A_265, %dma_wait3A_266] : memref<8192x768xf32, #tpu.memory_space<hbm>> -> memref<8192x768xf32, #tpu.memory_space<hbm>>
    %dma_wait3A_268 = tpu.memref_slice %arg7[%dma_wait3A_258] : memref<2x!tpu.dma_semaphore, #tpu.memory_space<semaphore_mem>> -> memref<1x!tpu.dma_semaphore, #tpu.memory_space<semaphore_mem>>
    %dma_wait3A_269 = tpu.memref_squeeze %dma_wait3A_268 : memref<1x!tpu.dma_semaphore, #tpu.memory_space<semaphore_mem>> -> memref<!tpu.dma_semaphore, #tpu.memory_space<semaphore_mem>>
    tpu.wait_indirect_dma semaphore(%dma_wait3A_269 : memref<!tpu.dma_semaphore, #tpu.memory_space<semaphore_mem>>) src(%dma_wait3A_267 : memref<8192x768xf32, #tpu.memory_space<hbm>>) dst(%dma_wait3A_262 : memref<32x768xf32, #tpu.memory_space<vmem>>)
    %dma_wait3A_270 = arith.constant 0 : i32
    %dma_wait3A_271 = arith.constant 0 : i32
    %dma_wait3A_272 = arith.constant 32 : i32
    %dma_wait3A_273 = arith.constant 0 : i32
    %dma_wait3A_274 = tpu.memref_slice %arg6[%dma_wait3A_270, %dma_wait3A_272, %dma_wait3A_273] : memref<2x64x768xf32, #tpu.memory_space<vmem>> -> memref<1x32x768xf32, #tpu.memory_space<vmem>>
    %dma_wait3A_275 = tpu.memref_squeeze %dma_wait3A_274 : memref<1x32x768xf32, #tpu.memory_space<vmem>> -> memref<32x768xf32, #tpu.memory_space<vmem>>
    %dma_wait3A_276 = arith.constant 160 : i32
    %dma_wait3A_277 = tpu.memref_slice %arg5[%dma_wait3A_276] : memref<1024xi32, #tpu.memory_space<vmem>> -> memref<32xi32, #tpu.memory_space<vmem>>
    %dma_wait3A_278 = arith.constant 0 : i32
    %dma_wait3A_279 = arith.constant 0 : i32
    %dma_wait3A_280 = tpu.memref_slice %arg2[%dma_wait3A_278, %dma_wait3A_279] : memref<8192x768xf32, #tpu.memory_space<hbm>> -> memref<8192x768xf32, #tpu.memory_space<hbm>>
    %dma_wait3A_281 = tpu.memref_slice %arg7[%dma_wait3A_271] : memref<2x!tpu.dma_semaphore, #tpu.memory_space<semaphore_mem>> -> memref<1x!tpu.dma_semaphore, #tpu.memory_space<semaphore_mem>>
    %dma_wait3A_282 = tpu.memref_squeeze %dma_wait3A_281 : memref<1x!tpu.dma_semaphore, #tpu.memory_space<semaphore_mem>> -> memref<!tpu.dma_semaphore, #tpu.memory_space<semaphore_mem>>
    tpu.wait_indirect_dma semaphore(%dma_wait3A_282 : memref<!tpu.dma_semaphore, #tpu.memory_space<semaphore_mem>>) src(%dma_wait3A_280 : memref<8192x768xf32, #tpu.memory_space<hbm>>) dst(%dma_wait3A_275 : memref<32x768xf32, #tpu.memory_space<vmem>>)
    %add3A_283 = arith.constant 128 : i32
    %add3A_284 = arith.addi %mul3A_2, %add3A_283 : i32
    %dma_start3A_285 = arith.constant 0 : i32
    %dma_start3A_286 = arith.constant 0 : i32
    %dma_start3A_287 = arith.constant 0 : i32
    %dma_start3A_288 = arith.constant 0 : i32
    %dma_start3A_289 = tpu.memref_slice %arg6[%dma_start3A_285, %dma_start3A_287, %dma_start3A_288] : memref<2x64x768xf32, #tpu.memory_space<vmem>> -> memref<1x64x768xf32, #tpu.memory_space<vmem>>
    %dma_start3A_290 = tpu.memref_squeeze %dma_start3A_289 : memref<1x64x768xf32, #tpu.memory_space<vmem>> -> memref<64x768xf32, #tpu.memory_space<vmem>>
    %dma_start3A_291 = arith.constant 0 : i32
    %dma_start3A_292 = tpu.memref_slice %arg4[%add3A_284, %dma_start3A_291] : memref<32768x768xf32, #tpu.memory_space<hbm>> -> memref<64x768xf32, #tpu.memory_space<hbm>>
    %dma_start3A_293 = tpu.memref_slice %arg8[%dma_start3A_286] : memref<2x!tpu.dma_semaphore, #tpu.memory_space<semaphore_mem>> -> memref<1x!tpu.dma_semaphore, #tpu.memory_space<semaphore_mem>>
    %dma_start3A_294 = tpu.memref_squeeze %dma_start3A_293 : memref<1x!tpu.dma_semaphore, #tpu.memory_space<semaphore_mem>> -> memref<!tpu.dma_semaphore, #tpu.memory_space<semaphore_mem>>
    %dma_start3A_295 = arith.constant 0 : i32
    %dma_start3A_296 = tpu.memref_slice %arg4[%add3A_284, %dma_start3A_295] : memref<32768x768xf32, #tpu.memory_space<hbm>> -> memref<64x768xf32, #tpu.memory_space<hbm>>
    %dma_start3A_297 = arith.constant 0 : i32
    %dma_start3A_298 = arith.constant 0 : i32
    %dma_start3A_299 = tpu.memref_slice %arg6[%dma_start3A_285, %dma_start3A_297, %dma_start3A_298] : memref<2x64x768xf32, #tpu.memory_space<vmem>> -> memref<1x64x768xf32, #tpu.memory_space<vmem>>
    %dma_start3A_300 = tpu.memref_squeeze %dma_start3A_299 : memref<1x64x768xf32, #tpu.memory_space<vmem>> -> memref<64x768xf32, #tpu.memory_space<vmem>>
    tpu.enqueue_dma source(%dma_start3A_300 : memref<64x768xf32, #tpu.memory_space<vmem>>) target(%dma_start3A_296 : memref<64x768xf32, #tpu.memory_space<hbm>>) target_semaphore(%dma_start3A_294 : memref<!tpu.dma_semaphore, #tpu.memory_space<semaphore_mem>>)
    %dma_wait3A_301 = arith.constant 0 : i32
    %dma_wait3A_302 = arith.constant 0 : i32
    %dma_wait3A_303 = arith.constant 0 : i32
    %dma_wait3A_304 = arith.constant 0 : i32
    %dma_wait3A_305 = tpu.memref_slice %arg6[%dma_wait3A_301, %dma_wait3A_303, %dma_wait3A_304] : memref<2x64x768xf32, #tpu.memory_space<vmem>> -> memref<1x64x768xf32, #tpu.memory_space<vmem>>
    %dma_wait3A_306 = tpu.memref_squeeze %dma_wait3A_305 : memref<1x64x768xf32, #tpu.memory_space<vmem>> -> memref<64x768xf32, #tpu.memory_space<vmem>>
    %dma_wait3A_307 = arith.constant 0 : i32
    %dma_wait3A_308 = tpu.memref_slice %arg4[%add3A_284, %dma_wait3A_307] : memref<32768x768xf32, #tpu.memory_space<hbm>> -> memref<64x768xf32, #tpu.memory_space<hbm>>
    %dma_wait3A_309 = tpu.memref_slice %arg8[%dma_wait3A_302] : memref<2x!tpu.dma_semaphore, #tpu.memory_space<semaphore_mem>> -> memref<1x!tpu.dma_semaphore, #tpu.memory_space<semaphore_mem>>
    %dma_wait3A_310 = tpu.memref_squeeze %dma_wait3A_309 : memref<1x!tpu.dma_semaphore, #tpu.memory_space<semaphore_mem>> -> memref<!tpu.dma_semaphore, #tpu.memory_space<semaphore_mem>>
    %dma_wait3A_311 = arith.constant 0 : i32
    %dma_wait3A_312 = tpu.memref_slice %arg4[%add3A_284, %dma_wait3A_311] : memref<32768x768xf32, #tpu.memory_space<hbm>> -> memref<64x768xf32, #tpu.memory_space<hbm>>
    %dma_wait3A_313 = arith.constant 0 : i32
    %dma_wait3A_314 = arith.constant 0 : i32
    %dma_wait3A_315 = tpu.memref_slice %arg6[%dma_wait3A_301, %dma_wait3A_313, %dma_wait3A_314] : memref<2x64x768xf32, #tpu.memory_space<vmem>> -> memref<1x64x768xf32, #tpu.memory_space<vmem>>
    %dma_wait3A_316 = tpu.memref_squeeze %dma_wait3A_315 : memref<1x64x768xf32, #tpu.memory_space<vmem>> -> memref<64x768xf32, #tpu.memory_space<vmem>>
    tpu.wait_dma2 semaphore(%dma_wait3A_310 : memref<!tpu.dma_semaphore, #tpu.memory_space<semaphore_mem>>) src(%dma_wait3A_316 : memref<64x768xf32, #tpu.memory_space<vmem>>) dst(%dma_wait3A_312 : memref<64x768xf32, #tpu.memory_space<hbm>>)
    %dma_start3A_317 = arith.constant 0 : i32
    %dma_start3A_318 = arith.constant 0 : i32
    %dma_start3A_319 = arith.constant 0 : i32
    %dma_start3A_320 = arith.constant 0 : i32
    %dma_start3A_321 = tpu.memref_slice %arg6[%dma_start3A_317, %dma_start3A_319, %dma_start3A_320] : memref<2x64x768xf32, #tpu.memory_space<vmem>> -> memref<1x32x768xf32, #tpu.memory_space<vmem>>
    %dma_start3A_322 = tpu.memref_squeeze %dma_start3A_321 : memref<1x32x768xf32, #tpu.memory_space<vmem>> -> memref<32x768xf32, #tpu.memory_space<vmem>>
    %dma_start3A_323 = arith.constant 256 : i32
    %dma_start3A_324 = tpu.memref_slice %arg5[%dma_start3A_323] : memref<1024xi32, #tpu.memory_space<vmem>> -> memref<32xi32, #tpu.memory_space<vmem>>
    %dma_start3A_325 = arith.constant 0 : i32
    %dma_start3A_326 = arith.constant 0 : i32
    %dma_start3A_327 = tpu.memref_slice %arg2[%dma_start3A_325, %dma_start3A_326] : memref<8192x768xf32, #tpu.memory_space<hbm>> -> memref<8192x768xf32, #tpu.memory_space<hbm>>
    %dma_start3A_328 = tpu.memref_slice %arg7[%dma_start3A_318] : memref<2x!tpu.dma_semaphore, #tpu.memory_space<semaphore_mem>> -> memref<1x!tpu.dma_semaphore, #tpu.memory_space<semaphore_mem>>
    %dma_start3A_329 = tpu.memref_squeeze %dma_start3A_328 : memref<1x!tpu.dma_semaphore, #tpu.memory_space<semaphore_mem>> -> memref<!tpu.dma_semaphore, #tpu.memory_space<semaphore_mem>>
    tpu.enqueue_indirect_dma source(%dma_start3A_327 : memref<8192x768xf32, #tpu.memory_space<hbm>>) target(%dma_start3A_322 : memref<32x768xf32, #tpu.memory_space<vmem>>) offsets(%dma_start3A_324 : memref<32xi32, #tpu.memory_space<vmem>>) semaphore(%dma_start3A_329 : memref<!tpu.dma_semaphore, #tpu.memory_space<semaphore_mem>>)
    %dma_start3A_330 = arith.constant 0 : i32
    %dma_start3A_331 = arith.constant 0 : i32
    %dma_start3A_332 = arith.constant 32 : i32
    %dma_start3A_333 = arith.constant 0 : i32
    %dma_start3A_334 = tpu.memref_slice %arg6[%dma_start3A_330, %dma_start3A_332, %dma_start3A_333] : memref<2x64x768xf32, #tpu.memory_space<vmem>> -> memref<1x32x768xf32, #tpu.memory_space<vmem>>
    %dma_start3A_335 = tpu.memref_squeeze %dma_start3A_334 : memref<1x32x768xf32, #tpu.memory_space<vmem>> -> memref<32x768xf32, #tpu.memory_space<vmem>>
    %dma_start3A_336 = arith.constant 288 : i32
    %dma_start3A_337 = tpu.memref_slice %arg5[%dma_start3A_336] : memref<1024xi32, #tpu.memory_space<vmem>> -> memref<32xi32, #tpu.memory_space<vmem>>
    %dma_start3A_338 = arith.constant 0 : i32
    %dma_start3A_339 = arith.constant 0 : i32
    %dma_start3A_340 = tpu.memref_slice %arg2[%dma_start3A_338, %dma_start3A_339] : memref<8192x768xf32, #tpu.memory_space<hbm>> -> memref<8192x768xf32, #tpu.memory_space<hbm>>
    %dma_start3A_341 = tpu.memref_slice %arg7[%dma_start3A_331] : memref<2x!tpu.dma_semaphore, #tpu.memory_space<semaphore_mem>> -> memref<1x!tpu.dma_semaphore, #tpu.memory_space<semaphore_mem>>
    %dma_start3A_342 = tpu.memref_squeeze %dma_start3A_341 : memref<1x!tpu.dma_semaphore, #tpu.memory_space<semaphore_mem>> -> memref<!tpu.dma_semaphore, #tpu.memory_space<semaphore_mem>>
    tpu.enqueue_indirect_dma source(%dma_start3A_340 : memref<8192x768xf32, #tpu.memory_space<hbm>>) target(%dma_start3A_335 : memref<32x768xf32, #tpu.memory_space<vmem>>) offsets(%dma_start3A_337 : memref<32xi32, #tpu.memory_space<vmem>>) semaphore(%dma_start3A_342 : memref<!tpu.dma_semaphore, #tpu.memory_space<semaphore_mem>>)
    %dma_wait3A_343 = arith.constant 1 : i32
    %dma_wait3A_344 = arith.constant 1 : i32
    %dma_wait3A_345 = arith.constant 0 : i32
    %dma_wait3A_346 = arith.constant 0 : i32
    %dma_wait3A_347 = tpu.memref_slice %arg6[%dma_wait3A_343, %dma_wait3A_345, %dma_wait3A_346] : memref<2x64x768xf32, #tpu.memory_space<vmem>> -> memref<1x32x768xf32, #tpu.memory_space<vmem>>
    %dma_wait3A_348 = tpu.memref_squeeze %dma_wait3A_347 : memref<1x32x768xf32, #tpu.memory_space<vmem>> -> memref<32x768xf32, #tpu.memory_space<vmem>>
    %dma_wait3A_349 = arith.constant 192 : i32
    %dma_wait3A_350 = tpu.memref_slice %arg5[%dma_wait3A_349] : memref<1024xi32, #tpu.memory_space<vmem>> -> memref<32xi32, #tpu.memory_space<vmem>>
    %dma_wait3A_351 = arith.constant 0 : i32
    %dma_wait3A_352 = arith.constant 0 : i32
    %dma_wait3A_353 = tpu.memref_slice %arg2[%dma_wait3A_351, %dma_wait3A_352] : memref<8192x768xf32, #tpu.memory_space<hbm>> -> memref<8192x768xf32, #tpu.memory_space<hbm>>
    %dma_wait3A_354 = tpu.memref_slice %arg7[%dma_wait3A_344] : memref<2x!tpu.dma_semaphore, #tpu.memory_space<semaphore_mem>> -> memref<1x!tpu.dma_semaphore, #tpu.memory_space<semaphore_mem>>
    %dma_wait3A_355 = tpu.memref_squeeze %dma_wait3A_354 : memref<1x!tpu.dma_semaphore, #tpu.memory_space<semaphore_mem>> -> memref<!tpu.dma_semaphore, #tpu.memory_space<semaphore_mem>>
    tpu.wait_indirect_dma semaphore(%dma_wait3A_355 : memref<!tpu.dma_semaphore, #tpu.memory_space<semaphore_mem>>) src(%dma_wait3A_353 : memref<8192x768xf32, #tpu.memory_space<hbm>>) dst(%dma_wait3A_348 : memref<32x768xf32, #tpu.memory_space<vmem>>)
    %dma_wait3A_356 = arith.constant 1 : i32
    %dma_wait3A_357 = arith.constant 1 : i32
    %dma_wait3A_358 = arith.constant 32 : i32
    %dma_wait3A_359 = arith.constant 0 : i32
    %dma_wait3A_360 = tpu.memref_slice %arg6[%dma_wait3A_356, %dma_wait3A_358, %dma_wait3A_359] : memref<2x64x768xf32, #tpu.memory_space<vmem>> -> memref<1x32x768xf32, #tpu.memory_space<vmem>>
    %dma_wait3A_361 = tpu.memref_squeeze %dma_wait3A_360 : memref<1x32x768xf32, #tpu.memory_space<vmem>> -> memref<32x768xf32, #tpu.memory_space<vmem>>
    %dma_wait3A_362 = arith.constant 224 : i32
    %dma_wait3A_363 = tpu.memref_slice %arg5[%dma_wait3A_362] : memref<1024xi32, #tpu.memory_space<vmem>> -> memref<32xi32, #tpu.memory_space<vmem>>
    %dma_wait3A_364 = arith.constant 0 : i32
    %dma_wait3A_365 = arith.constant 0 : i32
    %dma_wait3A_366 = tpu.memref_slice %arg2[%dma_wait3A_364, %dma_wait3A_365] : memref<8192x768xf32, #tpu.memory_space<hbm>> -> memref<8192x768xf32, #tpu.memory_space<hbm>>
    %dma_wait3A_367 = tpu.memref_slice %arg7[%dma_wait3A_357] : memref<2x!tpu.dma_semaphore, #tpu.memory_space<semaphore_mem>> -> memref<1x!tpu.dma_semaphore, #tpu.memory_space<semaphore_mem>>
    %dma_wait3A_368 = tpu.memref_squeeze %dma_wait3A_367 : memref<1x!tpu.dma_semaphore, #tpu.memory_space<semaphore_mem>> -> memref<!tpu.dma_semaphore, #tpu.memory_space<semaphore_mem>>
    tpu.wait_indirect_dma semaphore(%dma_wait3A_368 : memref<!tpu.dma_semaphore, #tpu.memory_space<semaphore_mem>>) src(%dma_wait3A_366 : memref<8192x768xf32, #tpu.memory_space<hbm>>) dst(%dma_wait3A_361 : memref<32x768xf32, #tpu.memory_space<vmem>>)
    %add3A_369 = arith.constant 192 : i32
    %add3A_370 = arith.addi %mul3A_2, %add3A_369 : i32
    %dma_start3A_371 = arith.constant 1 : i32
    %dma_start3A_372 = arith.constant 1 : i32
    %dma_start3A_373 = arith.constant 0 : i32
    %dma_start3A_374 = arith.constant 0 : i32
    %dma_start3A_375 = tpu.memref_slice %arg6[%dma_start3A_371, %dma_start3A_373, %dma_start3A_374] : memref<2x64x768xf32, #tpu.memory_space<vmem>> -> memref<1x64x768xf32, #tpu.memory_space<vmem>>
    %dma_start3A_376 = tpu.memref_squeeze %dma_start3A_375 : memref<1x64x768xf32, #tpu.memory_space<vmem>> -> memref<64x768xf32, #tpu.memory_space<vmem>>
    %dma_start3A_377 = arith.constant 0 : i32
    %dma_start3A_378 = tpu.memref_slice %arg4[%add3A_370, %dma_start3A_377] : memref<32768x768xf32, #tpu.memory_space<hbm>> -> memref<64x768xf32, #tpu.memory_space<hbm>>
    %dma_start3A_379 = tpu.memref_slice %arg8[%dma_start3A_372] : memref<2x!tpu.dma_semaphore, #tpu.memory_space<semaphore_mem>> -> memref<1x!tpu.dma_semaphore, #tpu.memory_space<semaphore_mem>>
    %dma_start3A_380 = tpu.memref_squeeze %dma_start3A_379 : memref<1x!tpu.dma_semaphore, #tpu.memory_space<semaphore_mem>> -> memref<!tpu.dma_semaphore, #tpu.memory_space<semaphore_mem>>
    %dma_start3A_381 = arith.constant 0 : i32
    %dma_start3A_382 = tpu.memref_slice %arg4[%add3A_370, %dma_start3A_381] : memref<32768x768xf32, #tpu.memory_space<hbm>> -> memref<64x768xf32, #tpu.memory_space<hbm>>
    %dma_start3A_383 = arith.constant 0 : i32
    %dma_start3A_384 = arith.constant 0 : i32
    %dma_start3A_385 = tpu.memref_slice %arg6[%dma_start3A_371, %dma_start3A_383, %dma_start3A_384] : memref<2x64x768xf32, #tpu.memory_space<vmem>> -> memref<1x64x768xf32, #tpu.memory_space<vmem>>
    %dma_start3A_386 = tpu.memref_squeeze %dma_start3A_385 : memref<1x64x768xf32, #tpu.memory_space<vmem>> -> memref<64x768xf32, #tpu.memory_space<vmem>>
    tpu.enqueue_dma source(%dma_start3A_386 : memref<64x768xf32, #tpu.memory_space<vmem>>) target(%dma_start3A_382 : memref<64x768xf32, #tpu.memory_space<hbm>>) target_semaphore(%dma_start3A_380 : memref<!tpu.dma_semaphore, #tpu.memory_space<semaphore_mem>>)
    %dma_wait3A_387 = arith.constant 1 : i32
    %dma_wait3A_388 = arith.constant 1 : i32
    %dma_wait3A_389 = arith.constant 0 : i32
    %dma_wait3A_390 = arith.constant 0 : i32
    %dma_wait3A_391 = tpu.memref_slice %arg6[%dma_wait3A_387, %dma_wait3A_389, %dma_wait3A_390] : memref<2x64x768xf32, #tpu.memory_space<vmem>> -> memref<1x64x768xf32, #tpu.memory_space<vmem>>
    %dma_wait3A_392 = tpu.memref_squeeze %dma_wait3A_391 : memref<1x64x768xf32, #tpu.memory_space<vmem>> -> memref<64x768xf32, #tpu.memory_space<vmem>>
    %dma_wait3A_393 = arith.constant 0 : i32
    %dma_wait3A_394 = tpu.memref_slice %arg4[%add3A_370, %dma_wait3A_393] : memref<32768x768xf32, #tpu.memory_space<hbm>> -> memref<64x768xf32, #tpu.memory_space<hbm>>
    %dma_wait3A_395 = tpu.memref_slice %arg8[%dma_wait3A_388] : memref<2x!tpu.dma_semaphore, #tpu.memory_space<semaphore_mem>> -> memref<1x!tpu.dma_semaphore, #tpu.memory_space<semaphore_mem>>
    %dma_wait3A_396 = tpu.memref_squeeze %dma_wait3A_395 : memref<1x!tpu.dma_semaphore, #tpu.memory_space<semaphore_mem>> -> memref<!tpu.dma_semaphore, #tpu.memory_space<semaphore_mem>>
    %dma_wait3A_397 = arith.constant 0 : i32
    %dma_wait3A_398 = tpu.memref_slice %arg4[%add3A_370, %dma_wait3A_397] : memref<32768x768xf32, #tpu.memory_space<hbm>> -> memref<64x768xf32, #tpu.memory_space<hbm>>
    %dma_wait3A_399 = arith.constant 0 : i32
    %dma_wait3A_400 = arith.constant 0 : i32
    %dma_wait3A_401 = tpu.memref_slice %arg6[%dma_wait3A_387, %dma_wait3A_399, %dma_wait3A_400] : memref<2x64x768xf32, #tpu.memory_space<vmem>> -> memref<1x64x768xf32, #tpu.memory_space<vmem>>
    %dma_wait3A_402 = tpu.memref_squeeze %dma_wait3A_401 : memref<1x64x768xf32, #tpu.memory_space<vmem>> -> memref<64x768xf32, #tpu.memory_space<vmem>>
    tpu.wait_dma2 semaphore(%dma_wait3A_396 : memref<!tpu.dma_semaphore, #tpu.memory_space<semaphore_mem>>) src(%dma_wait3A_402 : memref<64x768xf32, #tpu.memory_space<vmem>>) dst(%dma_wait3A_398 : memref<64x768xf32, #tpu.memory_space<hbm>>)
    %dma_start3A_403 = arith.constant 1 : i32
    %dma_start3A_404 = arith.constant 1 : i32
    %dma_start3A_405 = arith.constant 0 : i32
    %dma_start3A_406 = arith.constant 0 : i32
    %dma_start3A_407 = tpu.memref_slice %arg6[%dma_start3A_403, %dma_start3A_405, %dma_start3A_406] : memref<2x64x768xf32, #tpu.memory_space<vmem>> -> memref<1x32x768xf32, #tpu.memory_space<vmem>>
    %dma_start3A_408 = tpu.memref_squeeze %dma_start3A_407 : memref<1x32x768xf32, #tpu.memory_space<vmem>> -> memref<32x768xf32, #tpu.memory_space<vmem>>
    %dma_start3A_409 = arith.constant 320 : i32
    %dma_start3A_410 = tpu.memref_slice %arg5[%dma_start3A_409] : memref<1024xi32, #tpu.memory_space<vmem>> -> memref<32xi32, #tpu.memory_space<vmem>>
    %dma_start3A_411 = arith.constant 0 : i32
    %dma_start3A_412 = arith.constant 0 : i32
    %dma_start3A_413 = tpu.memref_slice %arg2[%dma_start3A_411, %dma_start3A_412] : memref<8192x768xf32, #tpu.memory_space<hbm>> -> memref<8192x768xf32, #tpu.memory_space<hbm>>
    %dma_start3A_414 = tpu.memref_slice %arg7[%dma_start3A_404] : memref<2x!tpu.dma_semaphore, #tpu.memory_space<semaphore_mem>> -> memref<1x!tpu.dma_semaphore, #tpu.memory_space<semaphore_mem>>
    %dma_start3A_415 = tpu.memref_squeeze %dma_start3A_414 : memref<1x!tpu.dma_semaphore, #tpu.memory_space<semaphore_mem>> -> memref<!tpu.dma_semaphore, #tpu.memory_space<semaphore_mem>>
    tpu.enqueue_indirect_dma source(%dma_start3A_413 : memref<8192x768xf32, #tpu.memory_space<hbm>>) target(%dma_start3A_408 : memref<32x768xf32, #tpu.memory_space<vmem>>) offsets(%dma_start3A_410 : memref<32xi32, #tpu.memory_space<vmem>>) semaphore(%dma_start3A_415 : memref<!tpu.dma_semaphore, #tpu.memory_space<semaphore_mem>>)
    %dma_start3A_416 = arith.constant 1 : i32
    %dma_start3A_417 = arith.constant 1 : i32
    %dma_start3A_418 = arith.constant 32 : i32
    %dma_start3A_419 = arith.constant 0 : i32
    %dma_start3A_420 = tpu.memref_slice %arg6[%dma_start3A_416, %dma_start3A_418, %dma_start3A_419] : memref<2x64x768xf32, #tpu.memory_space<vmem>> -> memref<1x32x768xf32, #tpu.memory_space<vmem>>
    %dma_start3A_421 = tpu.memref_squeeze %dma_start3A_420 : memref<1x32x768xf32, #tpu.memory_space<vmem>> -> memref<32x768xf32, #tpu.memory_space<vmem>>
    %dma_start3A_422 = arith.constant 352 : i32
    %dma_start3A_423 = tpu.memref_slice %arg5[%dma_start3A_422] : memref<1024xi32, #tpu.memory_space<vmem>> -> memref<32xi32, #tpu.memory_space<vmem>>
    %dma_start3A_424 = arith.constant 0 : i32
    %dma_start3A_425 = arith.constant 0 : i32
    %dma_start3A_426 = tpu.memref_slice %arg2[%dma_start3A_424, %dma_start3A_425] : memref<8192x768xf32, #tpu.memory_space<hbm>> -> memref<8192x768xf32, #tpu.memory_space<hbm>>
    %dma_start3A_427 = tpu.memref_slice %arg7[%dma_start3A_417] : memref<2x!tpu.dma_semaphore, #tpu.memory_space<semaphore_mem>> -> memref<1x!tpu.dma_semaphore, #tpu.memory_space<semaphore_mem>>
    %dma_start3A_428 = tpu.memref_squeeze %dma_start3A_427 : memref<1x!tpu.dma_semaphore, #tpu.memory_space<semaphore_mem>> -> memref<!tpu.dma_semaphore, #tpu.memory_space<semaphore_mem>>
    tpu.enqueue_indirect_dma source(%dma_start3A_426 : memref<8192x768xf32, #tpu.memory_space<hbm>>) target(%dma_start3A_421 : memref<32x768xf32, #tpu.memory_space<vmem>>) offsets(%dma_start3A_423 : memref<32xi32, #tpu.memory_space<vmem>>) semaphore(%dma_start3A_428 : memref<!tpu.dma_semaphore, #tpu.memory_space<semaphore_mem>>)
    %dma_wait3A_429 = arith.constant 0 : i32
    %dma_wait3A_430 = arith.constant 0 : i32
    %dma_wait3A_431 = arith.constant 0 : i32
    %dma_wait3A_432 = arith.constant 0 : i32
    %dma_wait3A_433 = tpu.memref_slice %arg6[%dma_wait3A_429, %dma_wait3A_431, %dma_wait3A_432] : memref<2x64x768xf32, #tpu.memory_space<vmem>> -> memref<1x32x768xf32, #tpu.memory_space<vmem>>
    %dma_wait3A_434 = tpu.memref_squeeze %dma_wait3A_433 : memref<1x32x768xf32, #tpu.memory_space<vmem>> -> memref<32x768xf32, #tpu.memory_space<vmem>>
    %dma_wait3A_435 = arith.constant 256 : i32
    %dma_wait3A_436 = tpu.memref_slice %arg5[%dma_wait3A_435] : memref<1024xi32, #tpu.memory_space<vmem>> -> memref<32xi32, #tpu.memory_space<vmem>>
    %dma_wait3A_437 = arith.constant 0 : i32
    %dma_wait3A_438 = arith.constant 0 : i32
    %dma_wait3A_439 = tpu.memref_slice %arg2[%dma_wait3A_437, %dma_wait3A_438] : memref<8192x768xf32, #tpu.memory_space<hbm>> -> memref<8192x768xf32, #tpu.memory_space<hbm>>
    %dma_wait3A_440 = tpu.memref_slice %arg7[%dma_wait3A_430] : memref<2x!tpu.dma_semaphore, #tpu.memory_space<semaphore_mem>> -> memref<1x!tpu.dma_semaphore, #tpu.memory_space<semaphore_mem>>
    %dma_wait3A_441 = tpu.memref_squeeze %dma_wait3A_440 : memref<1x!tpu.dma_semaphore, #tpu.memory_space<semaphore_mem>> -> memref<!tpu.dma_semaphore, #tpu.memory_space<semaphore_mem>>
    tpu.wait_indirect_dma semaphore(%dma_wait3A_441 : memref<!tpu.dma_semaphore, #tpu.memory_space<semaphore_mem>>) src(%dma_wait3A_439 : memref<8192x768xf32, #tpu.memory_space<hbm>>) dst(%dma_wait3A_434 : memref<32x768xf32, #tpu.memory_space<vmem>>)
    %dma_wait3A_442 = arith.constant 0 : i32
    %dma_wait3A_443 = arith.constant 0 : i32
    %dma_wait3A_444 = arith.constant 32 : i32
    %dma_wait3A_445 = arith.constant 0 : i32
    %dma_wait3A_446 = tpu.memref_slice %arg6[%dma_wait3A_442, %dma_wait3A_444, %dma_wait3A_445] : memref<2x64x768xf32, #tpu.memory_space<vmem>> -> memref<1x32x768xf32, #tpu.memory_space<vmem>>
    %dma_wait3A_447 = tpu.memref_squeeze %dma_wait3A_446 : memref<1x32x768xf32, #tpu.memory_space<vmem>> -> memref<32x768xf32, #tpu.memory_space<vmem>>
    %dma_wait3A_448 = arith.constant 288 : i32
    %dma_wait3A_449 = tpu.memref_slice %arg5[%dma_wait3A_448] : memref<1024xi32, #tpu.memory_space<vmem>> -> memref<32xi32, #tpu.memory_space<vmem>>
    %dma_wait3A_450 = arith.constant 0 : i32
    %dma_wait3A_451 = arith.constant 0 : i32
    %dma_wait3A_452 = tpu.memref_slice %arg2[%dma_wait3A_450, %dma_wait3A_451] : memref<8192x768xf32, #tpu.memory_space<hbm>> -> memref<8192x768xf32, #tpu.memory_space<hbm>>
    %dma_wait3A_453 = tpu.memref_slice %arg7[%dma_wait3A_443] : memref<2x!tpu.dma_semaphore, #tpu.memory_space<semaphore_mem>> -> memref<1x!tpu.dma_semaphore, #tpu.memory_space<semaphore_mem>>
    %dma_wait3A_454 = tpu.memref_squeeze %dma_wait3A_453 : memref<1x!tpu.dma_semaphore, #tpu.memory_space<semaphore_mem>> -> memref<!tpu.dma_semaphore, #tpu.memory_space<semaphore_mem>>
    tpu.wait_indirect_dma semaphore(%dma_wait3A_454 : memref<!tpu.dma_semaphore, #tpu.memory_space<semaphore_mem>>) src(%dma_wait3A_452 : memref<8192x768xf32, #tpu.memory_space<hbm>>) dst(%dma_wait3A_447 : memref<32x768xf32, #tpu.memory_space<vmem>>)
    %add3A_455 = arith.constant 256 : i32
    %add3A_456 = arith.addi %mul3A_2, %add3A_455 : i32
    %dma_start3A_457 = arith.constant 0 : i32
    %dma_start3A_458 = arith.constant 0 : i32
    %dma_start3A_459 = arith.constant 0 : i32
    %dma_start3A_460 = arith.constant 0 : i32
    %dma_start3A_461 = tpu.memref_slice %arg6[%dma_start3A_457, %dma_start3A_459, %dma_start3A_460] : memref<2x64x768xf32, #tpu.memory_space<vmem>> -> memref<1x64x768xf32, #tpu.memory_space<vmem>>
    %dma_start3A_462 = tpu.memref_squeeze %dma_start3A_461 : memref<1x64x768xf32, #tpu.memory_space<vmem>> -> memref<64x768xf32, #tpu.memory_space<vmem>>
    %dma_start3A_463 = arith.constant 0 : i32
    %dma_start3A_464 = tpu.memref_slice %arg4[%add3A_456, %dma_start3A_463] : memref<32768x768xf32, #tpu.memory_space<hbm>> -> memref<64x768xf32, #tpu.memory_space<hbm>>
    %dma_start3A_465 = tpu.memref_slice %arg8[%dma_start3A_458] : memref<2x!tpu.dma_semaphore, #tpu.memory_space<semaphore_mem>> -> memref<1x!tpu.dma_semaphore, #tpu.memory_space<semaphore_mem>>
    %dma_start3A_466 = tpu.memref_squeeze %dma_start3A_465 : memref<1x!tpu.dma_semaphore, #tpu.memory_space<semaphore_mem>> -> memref<!tpu.dma_semaphore, #tpu.memory_space<semaphore_mem>>
    %dma_start3A_467 = arith.constant 0 : i32
    %dma_start3A_468 = tpu.memref_slice %arg4[%add3A_456, %dma_start3A_467] : memref<32768x768xf32, #tpu.memory_space<hbm>> -> memref<64x768xf32, #tpu.memory_space<hbm>>
    %dma_start3A_469 = arith.constant 0 : i32
    %dma_start3A_470 = arith.constant 0 : i32
    %dma_start3A_471 = tpu.memref_slice %arg6[%dma_start3A_457, %dma_start3A_469, %dma_start3A_470] : memref<2x64x768xf32, #tpu.memory_space<vmem>> -> memref<1x64x768xf32, #tpu.memory_space<vmem>>
    %dma_start3A_472 = tpu.memref_squeeze %dma_start3A_471 : memref<1x64x768xf32, #tpu.memory_space<vmem>> -> memref<64x768xf32, #tpu.memory_space<vmem>>
    tpu.enqueue_dma source(%dma_start3A_472 : memref<64x768xf32, #tpu.memory_space<vmem>>) target(%dma_start3A_468 : memref<64x768xf32, #tpu.memory_space<hbm>>) target_semaphore(%dma_start3A_466 : memref<!tpu.dma_semaphore, #tpu.memory_space<semaphore_mem>>)
    %dma_wait3A_473 = arith.constant 0 : i32
    %dma_wait3A_474 = arith.constant 0 : i32
    %dma_wait3A_475 = arith.constant 0 : i32
    %dma_wait3A_476 = arith.constant 0 : i32
    %dma_wait3A_477 = tpu.memref_slice %arg6[%dma_wait3A_473, %dma_wait3A_475, %dma_wait3A_476] : memref<2x64x768xf32, #tpu.memory_space<vmem>> -> memref<1x64x768xf32, #tpu.memory_space<vmem>>
    %dma_wait3A_478 = tpu.memref_squeeze %dma_wait3A_477 : memref<1x64x768xf32, #tpu.memory_space<vmem>> -> memref<64x768xf32, #tpu.memory_space<vmem>>
    %dma_wait3A_479 = arith.constant 0 : i32
    %dma_wait3A_480 = tpu.memref_slice %arg4[%add3A_456, %dma_wait3A_479] : memref<32768x768xf32, #tpu.memory_space<hbm>> -> memref<64x768xf32, #tpu.memory_space<hbm>>
    %dma_wait3A_481 = tpu.memref_slice %arg8[%dma_wait3A_474] : memref<2x!tpu.dma_semaphore, #tpu.memory_space<semaphore_mem>> -> memref<1x!tpu.dma_semaphore, #tpu.memory_space<semaphore_mem>>
    %dma_wait3A_482 = tpu.memref_squeeze %dma_wait3A_481 : memref<1x!tpu.dma_semaphore, #tpu.memory_space<semaphore_mem>> -> memref<!tpu.dma_semaphore, #tpu.memory_space<semaphore_mem>>
    %dma_wait3A_483 = arith.constant 0 : i32
    %dma_wait3A_484 = tpu.memref_slice %arg4[%add3A_456, %dma_wait3A_483] : memref<32768x768xf32, #tpu.memory_space<hbm>> -> memref<64x768xf32, #tpu.memory_space<hbm>>
    %dma_wait3A_485 = arith.constant 0 : i32
    %dma_wait3A_486 = arith.constant 0 : i32
    %dma_wait3A_487 = tpu.memref_slice %arg6[%dma_wait3A_473, %dma_wait3A_485, %dma_wait3A_486] : memref<2x64x768xf32, #tpu.memory_space<vmem>> -> memref<1x64x768xf32, #tpu.memory_space<vmem>>
    %dma_wait3A_488 = tpu.memref_squeeze %dma_wait3A_487 : memref<1x64x768xf32, #tpu.memory_space<vmem>> -> memref<64x768xf32, #tpu.memory_space<vmem>>
    tpu.wait_dma2 semaphore(%dma_wait3A_482 : memref<!tpu.dma_semaphore, #tpu.memory_space<semaphore_mem>>) src(%dma_wait3A_488 : memref<64x768xf32, #tpu.memory_space<vmem>>) dst(%dma_wait3A_484 : memref<64x768xf32, #tpu.memory_space<hbm>>)
    %dma_start3A_489 = arith.constant 0 : i32
    %dma_start3A_490 = arith.constant 0 : i32
    %dma_start3A_491 = arith.constant 0 : i32
    %dma_start3A_492 = arith.constant 0 : i32
    %dma_start3A_493 = tpu.memref_slice %arg6[%dma_start3A_489, %dma_start3A_491, %dma_start3A_492] : memref<2x64x768xf32, #tpu.memory_space<vmem>> -> memref<1x32x768xf32, #tpu.memory_space<vmem>>
    %dma_start3A_494 = tpu.memref_squeeze %dma_start3A_493 : memref<1x32x768xf32, #tpu.memory_space<vmem>> -> memref<32x768xf32, #tpu.memory_space<vmem>>
    %dma_start3A_495 = arith.constant 384 : i32
    %dma_start3A_496 = tpu.memref_slice %arg5[%dma_start3A_495] : memref<1024xi32, #tpu.memory_space<vmem>> -> memref<32xi32, #tpu.memory_space<vmem>>
    %dma_start3A_497 = arith.constant 0 : i32
    %dma_start3A_498 = arith.constant 0 : i32
    %dma_start3A_499 = tpu.memref_slice %arg2[%dma_start3A_497, %dma_start3A_498] : memref<8192x768xf32, #tpu.memory_space<hbm>> -> memref<8192x768xf32, #tpu.memory_space<hbm>>
    %dma_start3A_500 = tpu.memref_slice %arg7[%dma_start3A_490] : memref<2x!tpu.dma_semaphore, #tpu.memory_space<semaphore_mem>> -> memref<1x!tpu.dma_semaphore, #tpu.memory_space<semaphore_mem>>
    %dma_start3A_501 = tpu.memref_squeeze %dma_start3A_500 : memref<1x!tpu.dma_semaphore, #tpu.memory_space<semaphore_mem>> -> memref<!tpu.dma_semaphore, #tpu.memory_space<semaphore_mem>>
    tpu.enqueue_indirect_dma source(%dma_start3A_499 : memref<8192x768xf32, #tpu.memory_space<hbm>>) target(%dma_start3A_494 : memref<32x768xf32, #tpu.memory_space<vmem>>) offsets(%dma_start3A_496 : memref<32xi32, #tpu.memory_space<vmem>>) semaphore(%dma_start3A_501 : memref<!tpu.dma_semaphore, #tpu.memory_space<semaphore_mem>>)
    %dma_start3A_502 = arith.constant 0 : i32
    %dma_start3A_503 = arith.constant 0 : i32
    %dma_start3A_504 = arith.constant 32 : i32
    %dma_start3A_505 = arith.constant 0 : i32
    %dma_start3A_506 = tpu.memref_slice %arg6[%dma_start3A_502, %dma_start3A_504, %dma_start3A_505] : memref<2x64x768xf32, #tpu.memory_space<vmem>> -> memref<1x32x768xf32, #tpu.memory_space<vmem>>
    %dma_start3A_507 = tpu.memref_squeeze %dma_start3A_506 : memref<1x32x768xf32, #tpu.memory_space<vmem>> -> memref<32x768xf32, #tpu.memory_space<vmem>>
    %dma_start3A_508 = arith.constant 416 : i32
    %dma_start3A_509 = tpu.memref_slice %arg5[%dma_start3A_508] : memref<1024xi32, #tpu.memory_space<vmem>> -> memref<32xi32, #tpu.memory_space<vmem>>
    %dma_start3A_510 = arith.constant 0 : i32
    %dma_start3A_511 = arith.constant 0 : i32
    %dma_start3A_512 = tpu.memref_slice %arg2[%dma_start3A_510, %dma_start3A_511] : memref<8192x768xf32, #tpu.memory_space<hbm>> -> memref<8192x768xf32, #tpu.memory_space<hbm>>
    %dma_start3A_513 = tpu.memref_slice %arg7[%dma_start3A_503] : memref<2x!tpu.dma_semaphore, #tpu.memory_space<semaphore_mem>> -> memref<1x!tpu.dma_semaphore, #tpu.memory_space<semaphore_mem>>
    %dma_start3A_514 = tpu.memref_squeeze %dma_start3A_513 : memref<1x!tpu.dma_semaphore, #tpu.memory_space<semaphore_mem>> -> memref<!tpu.dma_semaphore, #tpu.memory_space<semaphore_mem>>
    tpu.enqueue_indirect_dma source(%dma_start3A_512 : memref<8192x768xf32, #tpu.memory_space<hbm>>) target(%dma_start3A_507 : memref<32x768xf32, #tpu.memory_space<vmem>>) offsets(%dma_start3A_509 : memref<32xi32, #tpu.memory_space<vmem>>) semaphore(%dma_start3A_514 : memref<!tpu.dma_semaphore, #tpu.memory_space<semaphore_mem>>)
    %dma_wait3A_515 = arith.constant 1 : i32
    %dma_wait3A_516 = arith.constant 1 : i32
    %dma_wait3A_517 = arith.constant 0 : i32
    %dma_wait3A_518 = arith.constant 0 : i32
    %dma_wait3A_519 = tpu.memref_slice %arg6[%dma_wait3A_515, %dma_wait3A_517, %dma_wait3A_518] : memref<2x64x768xf32, #tpu.memory_space<vmem>> -> memref<1x32x768xf32, #tpu.memory_space<vmem>>
    %dma_wait3A_520 = tpu.memref_squeeze %dma_wait3A_519 : memref<1x32x768xf32, #tpu.memory_space<vmem>> -> memref<32x768xf32, #tpu.memory_space<vmem>>
    %dma_wait3A_521 = arith.constant 320 : i32
    %dma_wait3A_522 = tpu.memref_slice %arg5[%dma_wait3A_521] : memref<1024xi32, #tpu.memory_space<vmem>> -> memref<32xi32, #tpu.memory_space<vmem>>
    %dma_wait3A_523 = arith.constant 0 : i32
    %dma_wait3A_524 = arith.constant 0 : i32
    %dma_wait3A_525 = tpu.memref_slice %arg2[%dma_wait3A_523, %dma_wait3A_524] : memref<8192x768xf32, #tpu.memory_space<hbm>> -> memref<8192x768xf32, #tpu.memory_space<hbm>>
    %dma_wait3A_526 = tpu.memref_slice %arg7[%dma_wait3A_516] : memref<2x!tpu.dma_semaphore, #tpu.memory_space<semaphore_mem>> -> memref<1x!tpu.dma_semaphore, #tpu.memory_space<semaphore_mem>>
    %dma_wait3A_527 = tpu.memref_squeeze %dma_wait3A_526 : memref<1x!tpu.dma_semaphore, #tpu.memory_space<semaphore_mem>> -> memref<!tpu.dma_semaphore, #tpu.memory_space<semaphore_mem>>
    tpu.wait_indirect_dma semaphore(%dma_wait3A_527 : memref<!tpu.dma_semaphore, #tpu.memory_space<semaphore_mem>>) src(%dma_wait3A_525 : memref<8192x768xf32, #tpu.memory_space<hbm>>) dst(%dma_wait3A_520 : memref<32x768xf32, #tpu.memory_space<vmem>>)
    %dma_wait3A_528 = arith.constant 1 : i32
    %dma_wait3A_529 = arith.constant 1 : i32
    %dma_wait3A_530 = arith.constant 32 : i32
    %dma_wait3A_531 = arith.constant 0 : i32
    %dma_wait3A_532 = tpu.memref_slice %arg6[%dma_wait3A_528, %dma_wait3A_530, %dma_wait3A_531] : memref<2x64x768xf32, #tpu.memory_space<vmem>> -> memref<1x32x768xf32, #tpu.memory_space<vmem>>
    %dma_wait3A_533 = tpu.memref_squeeze %dma_wait3A_532 : memref<1x32x768xf32, #tpu.memory_space<vmem>> -> memref<32x768xf32, #tpu.memory_space<vmem>>
    %dma_wait3A_534 = arith.constant 352 : i32
    %dma_wait3A_535 = tpu.memref_slice %arg5[%dma_wait3A_534] : memref<1024xi32, #tpu.memory_space<vmem>> -> memref<32xi32, #tpu.memory_space<vmem>>
    %dma_wait3A_536 = arith.constant 0 : i32
    %dma_wait3A_537 = arith.constant 0 : i32
    %dma_wait3A_538 = tpu.memref_slice %arg2[%dma_wait3A_536, %dma_wait3A_537] : memref<8192x768xf32, #tpu.memory_space<hbm>> -> memref<8192x768xf32, #tpu.memory_space<hbm>>
    %dma_wait3A_539 = tpu.memref_slice %arg7[%dma_wait3A_529] : memref<2x!tpu.dma_semaphore, #tpu.memory_space<semaphore_mem>> -> memref<1x!tpu.dma_semaphore, #tpu.memory_space<semaphore_mem>>
    %dma_wait3A_540 = tpu.memref_squeeze %dma_wait3A_539 : memref<1x!tpu.dma_semaphore, #tpu.memory_space<semaphore_mem>> -> memref<!tpu.dma_semaphore, #tpu.memory_space<semaphore_mem>>
    tpu.wait_indirect_dma semaphore(%dma_wait3A_540 : memref<!tpu.dma_semaphore, #tpu.memory_space<semaphore_mem>>) src(%dma_wait3A_538 : memref<8192x768xf32, #tpu.memory_space<hbm>>) dst(%dma_wait3A_533 : memref<32x768xf32, #tpu.memory_space<vmem>>)
    %add3A_541 = arith.constant 320 : i32
    %add3A_542 = arith.addi %mul3A_2, %add3A_541 : i32
    %dma_start3A_543 = arith.constant 1 : i32
    %dma_start3A_544 = arith.constant 1 : i32
    %dma_start3A_545 = arith.constant 0 : i32
    %dma_start3A_546 = arith.constant 0 : i32
    %dma_start3A_547 = tpu.memref_slice %arg6[%dma_start3A_543, %dma_start3A_545, %dma_start3A_546] : memref<2x64x768xf32, #tpu.memory_space<vmem>> -> memref<1x64x768xf32, #tpu.memory_space<vmem>>
    %dma_start3A_548 = tpu.memref_squeeze %dma_start3A_547 : memref<1x64x768xf32, #tpu.memory_space<vmem>> -> memref<64x768xf32, #tpu.memory_space<vmem>>
    %dma_start3A_549 = arith.constant 0 : i32
    %dma_start3A_550 = tpu.memref_slice %arg4[%add3A_542, %dma_start3A_549] : memref<32768x768xf32, #tpu.memory_space<hbm>> -> memref<64x768xf32, #tpu.memory_space<hbm>>
    %dma_start3A_551 = tpu.memref_slice %arg8[%dma_start3A_544] : memref<2x!tpu.dma_semaphore, #tpu.memory_space<semaphore_mem>> -> memref<1x!tpu.dma_semaphore, #tpu.memory_space<semaphore_mem>>
    %dma_start3A_552 = tpu.memref_squeeze %dma_start3A_551 : memref<1x!tpu.dma_semaphore, #tpu.memory_space<semaphore_mem>> -> memref<!tpu.dma_semaphore, #tpu.memory_space<semaphore_mem>>
    %dma_start3A_553 = arith.constant 0 : i32
    %dma_start3A_554 = tpu.memref_slice %arg4[%add3A_542, %dma_start3A_553] : memref<32768x768xf32, #tpu.memory_space<hbm>> -> memref<64x768xf32, #tpu.memory_space<hbm>>
    %dma_start3A_555 = arith.constant 0 : i32
    %dma_start3A_556 = arith.constant 0 : i32
    %dma_start3A_557 = tpu.memref_slice %arg6[%dma_start3A_543, %dma_start3A_555, %dma_start3A_556] : memref<2x64x768xf32, #tpu.memory_space<vmem>> -> memref<1x64x768xf32, #tpu.memory_space<vmem>>
    %dma_start3A_558 = tpu.memref_squeeze %dma_start3A_557 : memref<1x64x768xf32, #tpu.memory_space<vmem>> -> memref<64x768xf32, #tpu.memory_space<vmem>>
    tpu.enqueue_dma source(%dma_start3A_558 : memref<64x768xf32, #tpu.memory_space<vmem>>) target(%dma_start3A_554 : memref<64x768xf32, #tpu.memory_space<hbm>>) target_semaphore(%dma_start3A_552 : memref<!tpu.dma_semaphore, #tpu.memory_space<semaphore_mem>>)
    %dma_wait3A_559 = arith.constant 1 : i32
    %dma_wait3A_560 = arith.constant 1 : i32
    %dma_wait3A_561 = arith.constant 0 : i32
    %dma_wait3A_562 = arith.constant 0 : i32
    %dma_wait3A_563 = tpu.memref_slice %arg6[%dma_wait3A_559, %dma_wait3A_561, %dma_wait3A_562] : memref<2x64x768xf32, #tpu.memory_space<vmem>> -> memref<1x64x768xf32, #tpu.memory_space<vmem>>
    %dma_wait3A_564 = tpu.memref_squeeze %dma_wait3A_563 : memref<1x64x768xf32, #tpu.memory_space<vmem>> -> memref<64x768xf32, #tpu.memory_space<vmem>>
    %dma_wait3A_565 = arith.constant 0 : i32
    %dma_wait3A_566 = tpu.memref_slice %arg4[%add3A_542, %dma_wait3A_565] : memref<32768x768xf32, #tpu.memory_space<hbm>> -> memref<64x768xf32, #tpu.memory_space<hbm>>
    %dma_wait3A_567 = tpu.memref_slice %arg8[%dma_wait3A_560] : memref<2x!tpu.dma_semaphore, #tpu.memory_space<semaphore_mem>> -> memref<1x!tpu.dma_semaphore, #tpu.memory_space<semaphore_mem>>
    %dma_wait3A_568 = tpu.memref_squeeze %dma_wait3A_567 : memref<1x!tpu.dma_semaphore, #tpu.memory_space<semaphore_mem>> -> memref<!tpu.dma_semaphore, #tpu.memory_space<semaphore_mem>>
    %dma_wait3A_569 = arith.constant 0 : i32
    %dma_wait3A_570 = tpu.memref_slice %arg4[%add3A_542, %dma_wait3A_569] : memref<32768x768xf32, #tpu.memory_space<hbm>> -> memref<64x768xf32, #tpu.memory_space<hbm>>
    %dma_wait3A_571 = arith.constant 0 : i32
    %dma_wait3A_572 = arith.constant 0 : i32
    %dma_wait3A_573 = tpu.memref_slice %arg6[%dma_wait3A_559, %dma_wait3A_571, %dma_wait3A_572] : memref<2x64x768xf32, #tpu.memory_space<vmem>> -> memref<1x64x768xf32, #tpu.memory_space<vmem>>
    %dma_wait3A_574 = tpu.memref_squeeze %dma_wait3A_573 : memref<1x64x768xf32, #tpu.memory_space<vmem>> -> memref<64x768xf32, #tpu.memory_space<vmem>>
    tpu.wait_dma2 semaphore(%dma_wait3A_568 : memref<!tpu.dma_semaphore, #tpu.memory_space<semaphore_mem>>) src(%dma_wait3A_574 : memref<64x768xf32, #tpu.memory_space<vmem>>) dst(%dma_wait3A_570 : memref<64x768xf32, #tpu.memory_space<hbm>>)
    %dma_start3A_575 = arith.constant 1 : i32
    %dma_start3A_576 = arith.constant 1 : i32
    %dma_start3A_577 = arith.constant 0 : i32
    %dma_start3A_578 = arith.constant 0 : i32
    %dma_start3A_579 = tpu.memref_slice %arg6[%dma_start3A_575, %dma_start3A_577, %dma_start3A_578] : memref<2x64x768xf32, #tpu.memory_space<vmem>> -> memref<1x32x768xf32, #tpu.memory_space<vmem>>
    %dma_start3A_580 = tpu.memref_squeeze %dma_start3A_579 : memref<1x32x768xf32, #tpu.memory_space<vmem>> -> memref<32x768xf32, #tpu.memory_space<vmem>>
    %dma_start3A_581 = arith.constant 448 : i32
    %dma_start3A_582 = tpu.memref_slice %arg5[%dma_start3A_581] : memref<1024xi32, #tpu.memory_space<vmem>> -> memref<32xi32, #tpu.memory_space<vmem>>
    %dma_start3A_583 = arith.constant 0 : i32
    %dma_start3A_584 = arith.constant 0 : i32
    %dma_start3A_585 = tpu.memref_slice %arg2[%dma_start3A_583, %dma_start3A_584] : memref<8192x768xf32, #tpu.memory_space<hbm>> -> memref<8192x768xf32, #tpu.memory_space<hbm>>
    %dma_start3A_586 = tpu.memref_slice %arg7[%dma_start3A_576] : memref<2x!tpu.dma_semaphore, #tpu.memory_space<semaphore_mem>> -> memref<1x!tpu.dma_semaphore, #tpu.memory_space<semaphore_mem>>
    %dma_start3A_587 = tpu.memref_squeeze %dma_start3A_586 : memref<1x!tpu.dma_semaphore, #tpu.memory_space<semaphore_mem>> -> memref<!tpu.dma_semaphore, #tpu.memory_space<semaphore_mem>>
    tpu.enqueue_indirect_dma source(%dma_start3A_585 : memref<8192x768xf32, #tpu.memory_space<hbm>>) target(%dma_start3A_580 : memref<32x768xf32, #tpu.memory_space<vmem>>) offsets(%dma_start3A_582 : memref<32xi32, #tpu.memory_space<vmem>>) semaphore(%dma_start3A_587 : memref<!tpu.dma_semaphore, #tpu.memory_space<semaphore_mem>>)
    %dma_start3A_588 = arith.constant 1 : i32
    %dma_start3A_589 = arith.constant 1 : i32
    %dma_start3A_590 = arith.constant 32 : i32
    %dma_start3A_591 = arith.constant 0 : i32
    %dma_start3A_592 = tpu.memref_slice %arg6[%dma_start3A_588, %dma_start3A_590, %dma_start3A_591] : memref<2x64x768xf32, #tpu.memory_space<vmem>> -> memref<1x32x768xf32, #tpu.memory_space<vmem>>
    %dma_start3A_593 = tpu.memref_squeeze %dma_start3A_592 : memref<1x32x768xf32, #tpu.memory_space<vmem>> -> memref<32x768xf32, #tpu.memory_space<vmem>>
    %dma_start3A_594 = arith.constant 480 : i32
    %dma_start3A_595 = tpu.memref_slice %arg5[%dma_start3A_594] : memref<1024xi32, #tpu.memory_space<vmem>> -> memref<32xi32, #tpu.memory_space<vmem>>
    %dma_start3A_596 = arith.constant 0 : i32
    %dma_start3A_597 = arith.constant 0 : i32
    %dma_start3A_598 = tpu.memref_slice %arg2[%dma_start3A_596, %dma_start3A_597] : memref<8192x768xf32, #tpu.memory_space<hbm>> -> memref<8192x768xf32, #tpu.memory_space<hbm>>
    %dma_start3A_599 = tpu.memref_slice %arg7[%dma_start3A_589] : memref<2x!tpu.dma_semaphore, #tpu.memory_space<semaphore_mem>> -> memref<1x!tpu.dma_semaphore, #tpu.memory_space<semaphore_mem>>
    %dma_start3A_600 = tpu.memref_squeeze %dma_start3A_599 : memref<1x!tpu.dma_semaphore, #tpu.memory_space<semaphore_mem>> -> memref<!tpu.dma_semaphore, #tpu.memory_space<semaphore_mem>>
    tpu.enqueue_indirect_dma source(%dma_start3A_598 : memref<8192x768xf32, #tpu.memory_space<hbm>>) target(%dma_start3A_593 : memref<32x768xf32, #tpu.memory_space<vmem>>) offsets(%dma_start3A_595 : memref<32xi32, #tpu.memory_space<vmem>>) semaphore(%dma_start3A_600 : memref<!tpu.dma_semaphore, #tpu.memory_space<semaphore_mem>>)
    %dma_wait3A_601 = arith.constant 0 : i32
    %dma_wait3A_602 = arith.constant 0 : i32
    %dma_wait3A_603 = arith.constant 0 : i32
    %dma_wait3A_604 = arith.constant 0 : i32
    %dma_wait3A_605 = tpu.memref_slice %arg6[%dma_wait3A_601, %dma_wait3A_603, %dma_wait3A_604] : memref<2x64x768xf32, #tpu.memory_space<vmem>> -> memref<1x32x768xf32, #tpu.memory_space<vmem>>
    %dma_wait3A_606 = tpu.memref_squeeze %dma_wait3A_605 : memref<1x32x768xf32, #tpu.memory_space<vmem>> -> memref<32x768xf32, #tpu.memory_space<vmem>>
    %dma_wait3A_607 = arith.constant 384 : i32
    %dma_wait3A_608 = tpu.memref_slice %arg5[%dma_wait3A_607] : memref<1024xi32, #tpu.memory_space<vmem>> -> memref<32xi32, #tpu.memory_space<vmem>>
    %dma_wait3A_609 = arith.constant 0 : i32
    %dma_wait3A_610 = arith.constant 0 : i32
    %dma_wait3A_611 = tpu.memref_slice %arg2[%dma_wait3A_609, %dma_wait3A_610] : memref<8192x768xf32, #tpu.memory_space<hbm>> -> memref<8192x768xf32, #tpu.memory_space<hbm>>
    %dma_wait3A_612 = tpu.memref_slice %arg7[%dma_wait3A_602] : memref<2x!tpu.dma_semaphore, #tpu.memory_space<semaphore_mem>> -> memref<1x!tpu.dma_semaphore, #tpu.memory_space<semaphore_mem>>
    %dma_wait3A_613 = tpu.memref_squeeze %dma_wait3A_612 : memref<1x!tpu.dma_semaphore, #tpu.memory_space<semaphore_mem>> -> memref<!tpu.dma_semaphore, #tpu.memory_space<semaphore_mem>>
    tpu.wait_indirect_dma semaphore(%dma_wait3A_613 : memref<!tpu.dma_semaphore, #tpu.memory_space<semaphore_mem>>) src(%dma_wait3A_611 : memref<8192x768xf32, #tpu.memory_space<hbm>>) dst(%dma_wait3A_606 : memref<32x768xf32, #tpu.memory_space<vmem>>)
    %dma_wait3A_614 = arith.constant 0 : i32
    %dma_wait3A_615 = arith.constant 0 : i32
    %dma_wait3A_616 = arith.constant 32 : i32
    %dma_wait3A_617 = arith.constant 0 : i32
    %dma_wait3A_618 = tpu.memref_slice %arg6[%dma_wait3A_614, %dma_wait3A_616, %dma_wait3A_617] : memref<2x64x768xf32, #tpu.memory_space<vmem>> -> memref<1x32x768xf32, #tpu.memory_space<vmem>>
    %dma_wait3A_619 = tpu.memref_squeeze %dma_wait3A_618 : memref<1x32x768xf32, #tpu.memory_space<vmem>> -> memref<32x768xf32, #tpu.memory_space<vmem>>
    %dma_wait3A_620 = arith.constant 416 : i32
    %dma_wait3A_621 = tpu.memref_slice %arg5[%dma_wait3A_620] : memref<1024xi32, #tpu.memory_space<vmem>> -> memref<32xi32, #tpu.memory_space<vmem>>
    %dma_wait3A_622 = arith.constant 0 : i32
    %dma_wait3A_623 = arith.constant 0 : i32
    %dma_wait3A_624 = tpu.memref_slice %arg2[%dma_wait3A_622, %dma_wait3A_623] : memref<8192x768xf32, #tpu.memory_space<hbm>> -> memref<8192x768xf32, #tpu.memory_space<hbm>>
    %dma_wait3A_625 = tpu.memref_slice %arg7[%dma_wait3A_615] : memref<2x!tpu.dma_semaphore, #tpu.memory_space<semaphore_mem>> -> memref<1x!tpu.dma_semaphore, #tpu.memory_space<semaphore_mem>>
    %dma_wait3A_626 = tpu.memref_squeeze %dma_wait3A_625 : memref<1x!tpu.dma_semaphore, #tpu.memory_space<semaphore_mem>> -> memref<!tpu.dma_semaphore, #tpu.memory_space<semaphore_mem>>
    tpu.wait_indirect_dma semaphore(%dma_wait3A_626 : memref<!tpu.dma_semaphore, #tpu.memory_space<semaphore_mem>>) src(%dma_wait3A_624 : memref<8192x768xf32, #tpu.memory_space<hbm>>) dst(%dma_wait3A_619 : memref<32x768xf32, #tpu.memory_space<vmem>>)
    %add3A_627 = arith.constant 384 : i32
    %add3A_628 = arith.addi %mul3A_2, %add3A_627 : i32
    %dma_start3A_629 = arith.constant 0 : i32
    %dma_start3A_630 = arith.constant 0 : i32
    %dma_start3A_631 = arith.constant 0 : i32
    %dma_start3A_632 = arith.constant 0 : i32
    %dma_start3A_633 = tpu.memref_slice %arg6[%dma_start3A_629, %dma_start3A_631, %dma_start3A_632] : memref<2x64x768xf32, #tpu.memory_space<vmem>> -> memref<1x64x768xf32, #tpu.memory_space<vmem>>
    %dma_start3A_634 = tpu.memref_squeeze %dma_start3A_633 : memref<1x64x768xf32, #tpu.memory_space<vmem>> -> memref<64x768xf32, #tpu.memory_space<vmem>>
    %dma_start3A_635 = arith.constant 0 : i32
    %dma_start3A_636 = tpu.memref_slice %arg4[%add3A_628, %dma_start3A_635] : memref<32768x768xf32, #tpu.memory_space<hbm>> -> memref<64x768xf32, #tpu.memory_space<hbm>>
    %dma_start3A_637 = tpu.memref_slice %arg8[%dma_start3A_630] : memref<2x!tpu.dma_semaphore, #tpu.memory_space<semaphore_mem>> -> memref<1x!tpu.dma_semaphore, #tpu.memory_space<semaphore_mem>>
    %dma_start3A_638 = tpu.memref_squeeze %dma_start3A_637 : memref<1x!tpu.dma_semaphore, #tpu.memory_space<semaphore_mem>> -> memref<!tpu.dma_semaphore, #tpu.memory_space<semaphore_mem>>
    %dma_start3A_639 = arith.constant 0 : i32
    %dma_start3A_640 = tpu.memref_slice %arg4[%add3A_628, %dma_start3A_639] : memref<32768x768xf32, #tpu.memory_space<hbm>> -> memref<64x768xf32, #tpu.memory_space<hbm>>
    %dma_start3A_641 = arith.constant 0 : i32
    %dma_start3A_642 = arith.constant 0 : i32
    %dma_start3A_643 = tpu.memref_slice %arg6[%dma_start3A_629, %dma_start3A_641, %dma_start3A_642] : memref<2x64x768xf32, #tpu.memory_space<vmem>> -> memref<1x64x768xf32, #tpu.memory_space<vmem>>
    %dma_start3A_644 = tpu.memref_squeeze %dma_start3A_643 : memref<1x64x768xf32, #tpu.memory_space<vmem>> -> memref<64x768xf32, #tpu.memory_space<vmem>>
    tpu.enqueue_dma source(%dma_start3A_644 : memref<64x768xf32, #tpu.memory_space<vmem>>) target(%dma_start3A_640 : memref<64x768xf32, #tpu.memory_space<hbm>>) target_semaphore(%dma_start3A_638 : memref<!tpu.dma_semaphore, #tpu.memory_space<semaphore_mem>>)
    %dma_wait3A_645 = arith.constant 0 : i32
    %dma_wait3A_646 = arith.constant 0 : i32
    %dma_wait3A_647 = arith.constant 0 : i32
    %dma_wait3A_648 = arith.constant 0 : i32
    %dma_wait3A_649 = tpu.memref_slice %arg6[%dma_wait3A_645, %dma_wait3A_647, %dma_wait3A_648] : memref<2x64x768xf32, #tpu.memory_space<vmem>> -> memref<1x64x768xf32, #tpu.memory_space<vmem>>
    %dma_wait3A_650 = tpu.memref_squeeze %dma_wait3A_649 : memref<1x64x768xf32, #tpu.memory_space<vmem>> -> memref<64x768xf32, #tpu.memory_space<vmem>>
    %dma_wait3A_651 = arith.constant 0 : i32
    %dma_wait3A_652 = tpu.memref_slice %arg4[%add3A_628, %dma_wait3A_651] : memref<32768x768xf32, #tpu.memory_space<hbm>> -> memref<64x768xf32, #tpu.memory_space<hbm>>
    %dma_wait3A_653 = tpu.memref_slice %arg8[%dma_wait3A_646] : memref<2x!tpu.dma_semaphore, #tpu.memory_space<semaphore_mem>> -> memref<1x!tpu.dma_semaphore, #tpu.memory_space<semaphore_mem>>
    %dma_wait3A_654 = tpu.memref_squeeze %dma_wait3A_653 : memref<1x!tpu.dma_semaphore, #tpu.memory_space<semaphore_mem>> -> memref<!tpu.dma_semaphore, #tpu.memory_space<semaphore_mem>>
    %dma_wait3A_655 = arith.constant 0 : i32
    %dma_wait3A_656 = tpu.memref_slice %arg4[%add3A_628, %dma_wait3A_655] : memref<32768x768xf32, #tpu.memory_space<hbm>> -> memref<64x768xf32, #tpu.memory_space<hbm>>
    %dma_wait3A_657 = arith.constant 0 : i32
    %dma_wait3A_658 = arith.constant 0 : i32
    %dma_wait3A_659 = tpu.memref_slice %arg6[%dma_wait3A_645, %dma_wait3A_657, %dma_wait3A_658] : memref<2x64x768xf32, #tpu.memory_space<vmem>> -> memref<1x64x768xf32, #tpu.memory_space<vmem>>
    %dma_wait3A_660 = tpu.memref_squeeze %dma_wait3A_659 : memref<1x64x768xf32, #tpu.memory_space<vmem>> -> memref<64x768xf32, #tpu.memory_space<vmem>>
    tpu.wait_dma2 semaphore(%dma_wait3A_654 : memref<!tpu.dma_semaphore, #tpu.memory_space<semaphore_mem>>) src(%dma_wait3A_660 : memref<64x768xf32, #tpu.memory_space<vmem>>) dst(%dma_wait3A_656 : memref<64x768xf32, #tpu.memory_space<hbm>>)
    %dma_start3A_661 = arith.constant 0 : i32
    %dma_start3A_662 = arith.constant 0 : i32
    %dma_start3A_663 = arith.constant 0 : i32
    %dma_start3A_664 = arith.constant 0 : i32
    %dma_start3A_665 = tpu.memref_slice %arg6[%dma_start3A_661, %dma_start3A_663, %dma_start3A_664] : memref<2x64x768xf32, #tpu.memory_space<vmem>> -> memref<1x32x768xf32, #tpu.memory_space<vmem>>
    %dma_start3A_666 = tpu.memref_squeeze %dma_start3A_665 : memref<1x32x768xf32, #tpu.memory_space<vmem>> -> memref<32x768xf32, #tpu.memory_space<vmem>>
    %dma_start3A_667 = arith.constant 512 : i32
    %dma_start3A_668 = tpu.memref_slice %arg5[%dma_start3A_667] : memref<1024xi32, #tpu.memory_space<vmem>> -> memref<32xi32, #tpu.memory_space<vmem>>
    %dma_start3A_669 = arith.constant 0 : i32
    %dma_start3A_670 = arith.constant 0 : i32
    %dma_start3A_671 = tpu.memref_slice %arg2[%dma_start3A_669, %dma_start3A_670] : memref<8192x768xf32, #tpu.memory_space<hbm>> -> memref<8192x768xf32, #tpu.memory_space<hbm>>
    %dma_start3A_672 = tpu.memref_slice %arg7[%dma_start3A_662] : memref<2x!tpu.dma_semaphore, #tpu.memory_space<semaphore_mem>> -> memref<1x!tpu.dma_semaphore, #tpu.memory_space<semaphore_mem>>
    %dma_start3A_673 = tpu.memref_squeeze %dma_start3A_672 : memref<1x!tpu.dma_semaphore, #tpu.memory_space<semaphore_mem>> -> memref<!tpu.dma_semaphore, #tpu.memory_space<semaphore_mem>>
    tpu.enqueue_indirect_dma source(%dma_start3A_671 : memref<8192x768xf32, #tpu.memory_space<hbm>>) target(%dma_start3A_666 : memref<32x768xf32, #tpu.memory_space<vmem>>) offsets(%dma_start3A_668 : memref<32xi32, #tpu.memory_space<vmem>>) semaphore(%dma_start3A_673 : memref<!tpu.dma_semaphore, #tpu.memory_space<semaphore_mem>>)
    %dma_start3A_674 = arith.constant 0 : i32
    %dma_start3A_675 = arith.constant 0 : i32
    %dma_start3A_676 = arith.constant 32 : i32
    %dma_start3A_677 = arith.constant 0 : i32
    %dma_start3A_678 = tpu.memref_slice %arg6[%dma_start3A_674, %dma_start3A_676, %dma_start3A_677] : memref<2x64x768xf32, #tpu.memory_space<vmem>> -> memref<1x32x768xf32, #tpu.memory_space<vmem>>
    %dma_start3A_679 = tpu.memref_squeeze %dma_start3A_678 : memref<1x32x768xf32, #tpu.memory_space<vmem>> -> memref<32x768xf32, #tpu.memory_space<vmem>>
    %dma_start3A_680 = arith.constant 544 : i32
    %dma_start3A_681 = tpu.memref_slice %arg5[%dma_start3A_680] : memref<1024xi32, #tpu.memory_space<vmem>> -> memref<32xi32, #tpu.memory_space<vmem>>
    %dma_start3A_682 = arith.constant 0 : i32
    %dma_start3A_683 = arith.constant 0 : i32
    %dma_start3A_684 = tpu.memref_slice %arg2[%dma_start3A_682, %dma_start3A_683] : memref<8192x768xf32, #tpu.memory_space<hbm>> -> memref<8192x768xf32, #tpu.memory_space<hbm>>
    %dma_start3A_685 = tpu.memref_slice %arg7[%dma_start3A_675] : memref<2x!tpu.dma_semaphore, #tpu.memory_space<semaphore_mem>> -> memref<1x!tpu.dma_semaphore, #tpu.memory_space<semaphore_mem>>
    %dma_start3A_686 = tpu.memref_squeeze %dma_start3A_685 : memref<1x!tpu.dma_semaphore, #tpu.memory_space<semaphore_mem>> -> memref<!tpu.dma_semaphore, #tpu.memory_space<semaphore_mem>>
    tpu.enqueue_indirect_dma source(%dma_start3A_684 : memref<8192x768xf32, #tpu.memory_space<hbm>>) target(%dma_start3A_679 : memref<32x768xf32, #tpu.memory_space<vmem>>) offsets(%dma_start3A_681 : memref<32xi32, #tpu.memory_space<vmem>>) semaphore(%dma_start3A_686 : memref<!tpu.dma_semaphore, #tpu.memory_space<semaphore_mem>>)
    %dma_wait3A_687 = arith.constant 1 : i32
    %dma_wait3A_688 = arith.constant 1 : i32
    %dma_wait3A_689 = arith.constant 0 : i32
    %dma_wait3A_690 = arith.constant 0 : i32
    %dma_wait3A_691 = tpu.memref_slice %arg6[%dma_wait3A_687, %dma_wait3A_689, %dma_wait3A_690] : memref<2x64x768xf32, #tpu.memory_space<vmem>> -> memref<1x32x768xf32, #tpu.memory_space<vmem>>
    %dma_wait3A_692 = tpu.memref_squeeze %dma_wait3A_691 : memref<1x32x768xf32, #tpu.memory_space<vmem>> -> memref<32x768xf32, #tpu.memory_space<vmem>>
    %dma_wait3A_693 = arith.constant 448 : i32
    %dma_wait3A_694 = tpu.memref_slice %arg5[%dma_wait3A_693] : memref<1024xi32, #tpu.memory_space<vmem>> -> memref<32xi32, #tpu.memory_space<vmem>>
    %dma_wait3A_695 = arith.constant 0 : i32
    %dma_wait3A_696 = arith.constant 0 : i32
    %dma_wait3A_697 = tpu.memref_slice %arg2[%dma_wait3A_695, %dma_wait3A_696] : memref<8192x768xf32, #tpu.memory_space<hbm>> -> memref<8192x768xf32, #tpu.memory_space<hbm>>
    %dma_wait3A_698 = tpu.memref_slice %arg7[%dma_wait3A_688] : memref<2x!tpu.dma_semaphore, #tpu.memory_space<semaphore_mem>> -> memref<1x!tpu.dma_semaphore, #tpu.memory_space<semaphore_mem>>
    %dma_wait3A_699 = tpu.memref_squeeze %dma_wait3A_698 : memref<1x!tpu.dma_semaphore, #tpu.memory_space<semaphore_mem>> -> memref<!tpu.dma_semaphore, #tpu.memory_space<semaphore_mem>>
    tpu.wait_indirect_dma semaphore(%dma_wait3A_699 : memref<!tpu.dma_semaphore, #tpu.memory_space<semaphore_mem>>) src(%dma_wait3A_697 : memref<8192x768xf32, #tpu.memory_space<hbm>>) dst(%dma_wait3A_692 : memref<32x768xf32, #tpu.memory_space<vmem>>)
    %dma_wait3A_700 = arith.constant 1 : i32
    %dma_wait3A_701 = arith.constant 1 : i32
    %dma_wait3A_702 = arith.constant 32 : i32
    %dma_wait3A_703 = arith.constant 0 : i32
    %dma_wait3A_704 = tpu.memref_slice %arg6[%dma_wait3A_700, %dma_wait3A_702, %dma_wait3A_703] : memref<2x64x768xf32, #tpu.memory_space<vmem>> -> memref<1x32x768xf32, #tpu.memory_space<vmem>>
    %dma_wait3A_705 = tpu.memref_squeeze %dma_wait3A_704 : memref<1x32x768xf32, #tpu.memory_space<vmem>> -> memref<32x768xf32, #tpu.memory_space<vmem>>
    %dma_wait3A_706 = arith.constant 480 : i32
    %dma_wait3A_707 = tpu.memref_slice %arg5[%dma_wait3A_706] : memref<1024xi32, #tpu.memory_space<vmem>> -> memref<32xi32, #tpu.memory_space<vmem>>
    %dma_wait3A_708 = arith.constant 0 : i32
    %dma_wait3A_709 = arith.constant 0 : i32
    %dma_wait3A_710 = tpu.memref_slice %arg2[%dma_wait3A_708, %dma_wait3A_709] : memref<8192x768xf32, #tpu.memory_space<hbm>> -> memref<8192x768xf32, #tpu.memory_space<hbm>>
    %dma_wait3A_711 = tpu.memref_slice %arg7[%dma_wait3A_701] : memref<2x!tpu.dma_semaphore, #tpu.memory_space<semaphore_mem>> -> memref<1x!tpu.dma_semaphore, #tpu.memory_space<semaphore_mem>>
    %dma_wait3A_712 = tpu.memref_squeeze %dma_wait3A_711 : memref<1x!tpu.dma_semaphore, #tpu.memory_space<semaphore_mem>> -> memref<!tpu.dma_semaphore, #tpu.memory_space<semaphore_mem>>
    tpu.wait_indirect_dma semaphore(%dma_wait3A_712 : memref<!tpu.dma_semaphore, #tpu.memory_space<semaphore_mem>>) src(%dma_wait3A_710 : memref<8192x768xf32, #tpu.memory_space<hbm>>) dst(%dma_wait3A_705 : memref<32x768xf32, #tpu.memory_space<vmem>>)
    %add3A_713 = arith.constant 448 : i32
    %add3A_714 = arith.addi %mul3A_2, %add3A_713 : i32
    %dma_start3A_715 = arith.constant 1 : i32
    %dma_start3A_716 = arith.constant 1 : i32
    %dma_start3A_717 = arith.constant 0 : i32
    %dma_start3A_718 = arith.constant 0 : i32
    %dma_start3A_719 = tpu.memref_slice %arg6[%dma_start3A_715, %dma_start3A_717, %dma_start3A_718] : memref<2x64x768xf32, #tpu.memory_space<vmem>> -> memref<1x64x768xf32, #tpu.memory_space<vmem>>
    %dma_start3A_720 = tpu.memref_squeeze %dma_start3A_719 : memref<1x64x768xf32, #tpu.memory_space<vmem>> -> memref<64x768xf32, #tpu.memory_space<vmem>>
    %dma_start3A_721 = arith.constant 0 : i32
    %dma_start3A_722 = tpu.memref_slice %arg4[%add3A_714, %dma_start3A_721] : memref<32768x768xf32, #tpu.memory_space<hbm>> -> memref<64x768xf32, #tpu.memory_space<hbm>>
    %dma_start3A_723 = tpu.memref_slice %arg8[%dma_start3A_716] : memref<2x!tpu.dma_semaphore, #tpu.memory_space<semaphore_mem>> -> memref<1x!tpu.dma_semaphore, #tpu.memory_space<semaphore_mem>>
    %dma_start3A_724 = tpu.memref_squeeze %dma_start3A_723 : memref<1x!tpu.dma_semaphore, #tpu.memory_space<semaphore_mem>> -> memref<!tpu.dma_semaphore, #tpu.memory_space<semaphore_mem>>
    %dma_start3A_725 = arith.constant 0 : i32
    %dma_start3A_726 = tpu.memref_slice %arg4[%add3A_714, %dma_start3A_725] : memref<32768x768xf32, #tpu.memory_space<hbm>> -> memref<64x768xf32, #tpu.memory_space<hbm>>
    %dma_start3A_727 = arith.constant 0 : i32
    %dma_start3A_728 = arith.constant 0 : i32
    %dma_start3A_729 = tpu.memref_slice %arg6[%dma_start3A_715, %dma_start3A_727, %dma_start3A_728] : memref<2x64x768xf32, #tpu.memory_space<vmem>> -> memref<1x64x768xf32, #tpu.memory_space<vmem>>
    %dma_start3A_730 = tpu.memref_squeeze %dma_start3A_729 : memref<1x64x768xf32, #tpu.memory_space<vmem>> -> memref<64x768xf32, #tpu.memory_space<vmem>>
    tpu.enqueue_dma source(%dma_start3A_730 : memref<64x768xf32, #tpu.memory_space<vmem>>) target(%dma_start3A_726 : memref<64x768xf32, #tpu.memory_space<hbm>>) target_semaphore(%dma_start3A_724 : memref<!tpu.dma_semaphore, #tpu.memory_space<semaphore_mem>>)
    %dma_wait3A_731 = arith.constant 1 : i32
    %dma_wait3A_732 = arith.constant 1 : i32
    %dma_wait3A_733 = arith.constant 0 : i32
    %dma_wait3A_734 = arith.constant 0 : i32
    %dma_wait3A_735 = tpu.memref_slice %arg6[%dma_wait3A_731, %dma_wait3A_733, %dma_wait3A_734] : memref<2x64x768xf32, #tpu.memory_space<vmem>> -> memref<1x64x768xf32, #tpu.memory_space<vmem>>
    %dma_wait3A_736 = tpu.memref_squeeze %dma_wait3A_735 : memref<1x64x768xf32, #tpu.memory_space<vmem>> -> memref<64x768xf32, #tpu.memory_space<vmem>>
    %dma_wait3A_737 = arith.constant 0 : i32
    %dma_wait3A_738 = tpu.memref_slice %arg4[%add3A_714, %dma_wait3A_737] : memref<32768x768xf32, #tpu.memory_space<hbm>> -> memref<64x768xf32, #tpu.memory_space<hbm>>
    %dma_wait3A_739 = tpu.memref_slice %arg8[%dma_wait3A_732] : memref<2x!tpu.dma_semaphore, #tpu.memory_space<semaphore_mem>> -> memref<1x!tpu.dma_semaphore, #tpu.memory_space<semaphore_mem>>
    %dma_wait3A_740 = tpu.memref_squeeze %dma_wait3A_739 : memref<1x!tpu.dma_semaphore, #tpu.memory_space<semaphore_mem>> -> memref<!tpu.dma_semaphore, #tpu.memory_space<semaphore_mem>>
    %dma_wait3A_741 = arith.constant 0 : i32
    %dma_wait3A_742 = tpu.memref_slice %arg4[%add3A_714, %dma_wait3A_741] : memref<32768x768xf32, #tpu.memory_space<hbm>> -> memref<64x768xf32, #tpu.memory_space<hbm>>
    %dma_wait3A_743 = arith.constant 0 : i32
    %dma_wait3A_744 = arith.constant 0 : i32
    %dma_wait3A_745 = tpu.memref_slice %arg6[%dma_wait3A_731, %dma_wait3A_743, %dma_wait3A_744] : memref<2x64x768xf32, #tpu.memory_space<vmem>> -> memref<1x64x768xf32, #tpu.memory_space<vmem>>
    %dma_wait3A_746 = tpu.memref_squeeze %dma_wait3A_745 : memref<1x64x768xf32, #tpu.memory_space<vmem>> -> memref<64x768xf32, #tpu.memory_space<vmem>>
    tpu.wait_dma2 semaphore(%dma_wait3A_740 : memref<!tpu.dma_semaphore, #tpu.memory_space<semaphore_mem>>) src(%dma_wait3A_746 : memref<64x768xf32, #tpu.memory_space<vmem>>) dst(%dma_wait3A_742 : memref<64x768xf32, #tpu.memory_space<hbm>>)
    %dma_start3A_747 = arith.constant 1 : i32
    %dma_start3A_748 = arith.constant 1 : i32
    %dma_start3A_749 = arith.constant 0 : i32
    %dma_start3A_750 = arith.constant 0 : i32
    %dma_start3A_751 = tpu.memref_slice %arg6[%dma_start3A_747, %dma_start3A_749, %dma_start3A_750] : memref<2x64x768xf32, #tpu.memory_space<vmem>> -> memref<1x32x768xf32, #tpu.memory_space<vmem>>
    %dma_start3A_752 = tpu.memref_squeeze %dma_start3A_751 : memref<1x32x768xf32, #tpu.memory_space<vmem>> -> memref<32x768xf32, #tpu.memory_space<vmem>>
    %dma_start3A_753 = arith.constant 576 : i32
    %dma_start3A_754 = tpu.memref_slice %arg5[%dma_start3A_753] : memref<1024xi32, #tpu.memory_space<vmem>> -> memref<32xi32, #tpu.memory_space<vmem>>
    %dma_start3A_755 = arith.constant 0 : i32
    %dma_start3A_756 = arith.constant 0 : i32
    %dma_start3A_757 = tpu.memref_slice %arg2[%dma_start3A_755, %dma_start3A_756] : memref<8192x768xf32, #tpu.memory_space<hbm>> -> memref<8192x768xf32, #tpu.memory_space<hbm>>
    %dma_start3A_758 = tpu.memref_slice %arg7[%dma_start3A_748] : memref<2x!tpu.dma_semaphore, #tpu.memory_space<semaphore_mem>> -> memref<1x!tpu.dma_semaphore, #tpu.memory_space<semaphore_mem>>
    %dma_start3A_759 = tpu.memref_squeeze %dma_start3A_758 : memref<1x!tpu.dma_semaphore, #tpu.memory_space<semaphore_mem>> -> memref<!tpu.dma_semaphore, #tpu.memory_space<semaphore_mem>>
    tpu.enqueue_indirect_dma source(%dma_start3A_757 : memref<8192x768xf32, #tpu.memory_space<hbm>>) target(%dma_start3A_752 : memref<32x768xf32, #tpu.memory_space<vmem>>) offsets(%dma_start3A_754 : memref<32xi32, #tpu.memory_space<vmem>>) semaphore(%dma_start3A_759 : memref<!tpu.dma_semaphore, #tpu.memory_space<semaphore_mem>>)
    %dma_start3A_760 = arith.constant 1 : i32
    %dma_start3A_761 = arith.constant 1 : i32
    %dma_start3A_762 = arith.constant 32 : i32
    %dma_start3A_763 = arith.constant 0 : i32
    %dma_start3A_764 = tpu.memref_slice %arg6[%dma_start3A_760, %dma_start3A_762, %dma_start3A_763] : memref<2x64x768xf32, #tpu.memory_space<vmem>> -> memref<1x32x768xf32, #tpu.memory_space<vmem>>
    %dma_start3A_765 = tpu.memref_squeeze %dma_start3A_764 : memref<1x32x768xf32, #tpu.memory_space<vmem>> -> memref<32x768xf32, #tpu.memory_space<vmem>>
    %dma_start3A_766 = arith.constant 608 : i32
    %dma_start3A_767 = tpu.memref_slice %arg5[%dma_start3A_766] : memref<1024xi32, #tpu.memory_space<vmem>> -> memref<32xi32, #tpu.memory_space<vmem>>
    %dma_start3A_768 = arith.constant 0 : i32
    %dma_start3A_769 = arith.constant 0 : i32
    %dma_start3A_770 = tpu.memref_slice %arg2[%dma_start3A_768, %dma_start3A_769] : memref<8192x768xf32, #tpu.memory_space<hbm>> -> memref<8192x768xf32, #tpu.memory_space<hbm>>
    %dma_start3A_771 = tpu.memref_slice %arg7[%dma_start3A_761] : memref<2x!tpu.dma_semaphore, #tpu.memory_space<semaphore_mem>> -> memref<1x!tpu.dma_semaphore, #tpu.memory_space<semaphore_mem>>
    %dma_start3A_772 = tpu.memref_squeeze %dma_start3A_771 : memref<1x!tpu.dma_semaphore, #tpu.memory_space<semaphore_mem>> -> memref<!tpu.dma_semaphore, #tpu.memory_space<semaphore_mem>>
    tpu.enqueue_indirect_dma source(%dma_start3A_770 : memref<8192x768xf32, #tpu.memory_space<hbm>>) target(%dma_start3A_765 : memref<32x768xf32, #tpu.memory_space<vmem>>) offsets(%dma_start3A_767 : memref<32xi32, #tpu.memory_space<vmem>>) semaphore(%dma_start3A_772 : memref<!tpu.dma_semaphore, #tpu.memory_space<semaphore_mem>>)
    %dma_wait3A_773 = arith.constant 0 : i32
    %dma_wait3A_774 = arith.constant 0 : i32
    %dma_wait3A_775 = arith.constant 0 : i32
    %dma_wait3A_776 = arith.constant 0 : i32
    %dma_wait3A_777 = tpu.memref_slice %arg6[%dma_wait3A_773, %dma_wait3A_775, %dma_wait3A_776] : memref<2x64x768xf32, #tpu.memory_space<vmem>> -> memref<1x32x768xf32, #tpu.memory_space<vmem>>
    %dma_wait3A_778 = tpu.memref_squeeze %dma_wait3A_777 : memref<1x32x768xf32, #tpu.memory_space<vmem>> -> memref<32x768xf32, #tpu.memory_space<vmem>>
    %dma_wait3A_779 = arith.constant 512 : i32
    %dma_wait3A_780 = tpu.memref_slice %arg5[%dma_wait3A_779] : memref<1024xi32, #tpu.memory_space<vmem>> -> memref<32xi32, #tpu.memory_space<vmem>>
    %dma_wait3A_781 = arith.constant 0 : i32
    %dma_wait3A_782 = arith.constant 0 : i32
    %dma_wait3A_783 = tpu.memref_slice %arg2[%dma_wait3A_781, %dma_wait3A_782] : memref<8192x768xf32, #tpu.memory_space<hbm>> -> memref<8192x768xf32, #tpu.memory_space<hbm>>
    %dma_wait3A_784 = tpu.memref_slice %arg7[%dma_wait3A_774] : memref<2x!tpu.dma_semaphore, #tpu.memory_space<semaphore_mem>> -> memref<1x!tpu.dma_semaphore, #tpu.memory_space<semaphore_mem>>
    %dma_wait3A_785 = tpu.memref_squeeze %dma_wait3A_784 : memref<1x!tpu.dma_semaphore, #tpu.memory_space<semaphore_mem>> -> memref<!tpu.dma_semaphore, #tpu.memory_space<semaphore_mem>>
    tpu.wait_indirect_dma semaphore(%dma_wait3A_785 : memref<!tpu.dma_semaphore, #tpu.memory_space<semaphore_mem>>) src(%dma_wait3A_783 : memref<8192x768xf32, #tpu.memory_space<hbm>>) dst(%dma_wait3A_778 : memref<32x768xf32, #tpu.memory_space<vmem>>)
    %dma_wait3A_786 = arith.constant 0 : i32
    %dma_wait3A_787 = arith.constant 0 : i32
    %dma_wait3A_788 = arith.constant 32 : i32
    %dma_wait3A_789 = arith.constant 0 : i32
    %dma_wait3A_790 = tpu.memref_slice %arg6[%dma_wait3A_786, %dma_wait3A_788, %dma_wait3A_789] : memref<2x64x768xf32, #tpu.memory_space<vmem>> -> memref<1x32x768xf32, #tpu.memory_space<vmem>>
    %dma_wait3A_791 = tpu.memref_squeeze %dma_wait3A_790 : memref<1x32x768xf32, #tpu.memory_space<vmem>> -> memref<32x768xf32, #tpu.memory_space<vmem>>
    %dma_wait3A_792 = arith.constant 544 : i32
    %dma_wait3A_793 = tpu.memref_slice %arg5[%dma_wait3A_792] : memref<1024xi32, #tpu.memory_space<vmem>> -> memref<32xi32, #tpu.memory_space<vmem>>
    %dma_wait3A_794 = arith.constant 0 : i32
    %dma_wait3A_795 = arith.constant 0 : i32
    %dma_wait3A_796 = tpu.memref_slice %arg2[%dma_wait3A_794, %dma_wait3A_795] : memref<8192x768xf32, #tpu.memory_space<hbm>> -> memref<8192x768xf32, #tpu.memory_space<hbm>>
    %dma_wait3A_797 = tpu.memref_slice %arg7[%dma_wait3A_787] : memref<2x!tpu.dma_semaphore, #tpu.memory_space<semaphore_mem>> -> memref<1x!tpu.dma_semaphore, #tpu.memory_space<semaphore_mem>>
    %dma_wait3A_798 = tpu.memref_squeeze %dma_wait3A_797 : memref<1x!tpu.dma_semaphore, #tpu.memory_space<semaphore_mem>> -> memref<!tpu.dma_semaphore, #tpu.memory_space<semaphore_mem>>
    tpu.wait_indirect_dma semaphore(%dma_wait3A_798 : memref<!tpu.dma_semaphore, #tpu.memory_space<semaphore_mem>>) src(%dma_wait3A_796 : memref<8192x768xf32, #tpu.memory_space<hbm>>) dst(%dma_wait3A_791 : memref<32x768xf32, #tpu.memory_space<vmem>>)
    %add3A_799 = arith.constant 512 : i32
    %add3A_800 = arith.addi %mul3A_2, %add3A_799 : i32
    %dma_start3A_801 = arith.constant 0 : i32
    %dma_start3A_802 = arith.constant 0 : i32
    %dma_start3A_803 = arith.constant 0 : i32
    %dma_start3A_804 = arith.constant 0 : i32
    %dma_start3A_805 = tpu.memref_slice %arg6[%dma_start3A_801, %dma_start3A_803, %dma_start3A_804] : memref<2x64x768xf32, #tpu.memory_space<vmem>> -> memref<1x64x768xf32, #tpu.memory_space<vmem>>
    %dma_start3A_806 = tpu.memref_squeeze %dma_start3A_805 : memref<1x64x768xf32, #tpu.memory_space<vmem>> -> memref<64x768xf32, #tpu.memory_space<vmem>>
    %dma_start3A_807 = arith.constant 0 : i32
    %dma_start3A_808 = tpu.memref_slice %arg4[%add3A_800, %dma_start3A_807] : memref<32768x768xf32, #tpu.memory_space<hbm>> -> memref<64x768xf32, #tpu.memory_space<hbm>>
    %dma_start3A_809 = tpu.memref_slice %arg8[%dma_start3A_802] : memref<2x!tpu.dma_semaphore, #tpu.memory_space<semaphore_mem>> -> memref<1x!tpu.dma_semaphore, #tpu.memory_space<semaphore_mem>>
    %dma_start3A_810 = tpu.memref_squeeze %dma_start3A_809 : memref<1x!tpu.dma_semaphore, #tpu.memory_space<semaphore_mem>> -> memref<!tpu.dma_semaphore, #tpu.memory_space<semaphore_mem>>
    %dma_start3A_811 = arith.constant 0 : i32
    %dma_start3A_812 = tpu.memref_slice %arg4[%add3A_800, %dma_start3A_811] : memref<32768x768xf32, #tpu.memory_space<hbm>> -> memref<64x768xf32, #tpu.memory_space<hbm>>
    %dma_start3A_813 = arith.constant 0 : i32
    %dma_start3A_814 = arith.constant 0 : i32
    %dma_start3A_815 = tpu.memref_slice %arg6[%dma_start3A_801, %dma_start3A_813, %dma_start3A_814] : memref<2x64x768xf32, #tpu.memory_space<vmem>> -> memref<1x64x768xf32, #tpu.memory_space<vmem>>
    %dma_start3A_816 = tpu.memref_squeeze %dma_start3A_815 : memref<1x64x768xf32, #tpu.memory_space<vmem>> -> memref<64x768xf32, #tpu.memory_space<vmem>>
    tpu.enqueue_dma source(%dma_start3A_816 : memref<64x768xf32, #tpu.memory_space<vmem>>) target(%dma_start3A_812 : memref<64x768xf32, #tpu.memory_space<hbm>>) target_semaphore(%dma_start3A_810 : memref<!tpu.dma_semaphore, #tpu.memory_space<semaphore_mem>>)
    %dma_wait3A_817 = arith.constant 0 : i32
    %dma_wait3A_818 = arith.constant 0 : i32
    %dma_wait3A_819 = arith.constant 0 : i32
    %dma_wait3A_820 = arith.constant 0 : i32
    %dma_wait3A_821 = tpu.memref_slice %arg6[%dma_wait3A_817, %dma_wait3A_819, %dma_wait3A_820] : memref<2x64x768xf32, #tpu.memory_space<vmem>> -> memref<1x64x768xf32, #tpu.memory_space<vmem>>
    %dma_wait3A_822 = tpu.memref_squeeze %dma_wait3A_821 : memref<1x64x768xf32, #tpu.memory_space<vmem>> -> memref<64x768xf32, #tpu.memory_space<vmem>>
    %dma_wait3A_823 = arith.constant 0 : i32
    %dma_wait3A_824 = tpu.memref_slice %arg4[%add3A_800, %dma_wait3A_823] : memref<32768x768xf32, #tpu.memory_space<hbm>> -> memref<64x768xf32, #tpu.memory_space<hbm>>
    %dma_wait3A_825 = tpu.memref_slice %arg8[%dma_wait3A_818] : memref<2x!tpu.dma_semaphore, #tpu.memory_space<semaphore_mem>> -> memref<1x!tpu.dma_semaphore, #tpu.memory_space<semaphore_mem>>
    %dma_wait3A_826 = tpu.memref_squeeze %dma_wait3A_825 : memref<1x!tpu.dma_semaphore, #tpu.memory_space<semaphore_mem>> -> memref<!tpu.dma_semaphore, #tpu.memory_space<semaphore_mem>>
    %dma_wait3A_827 = arith.constant 0 : i32
    %dma_wait3A_828 = tpu.memref_slice %arg4[%add3A_800, %dma_wait3A_827] : memref<32768x768xf32, #tpu.memory_space<hbm>> -> memref<64x768xf32, #tpu.memory_space<hbm>>
    %dma_wait3A_829 = arith.constant 0 : i32
    %dma_wait3A_830 = arith.constant 0 : i32
    %dma_wait3A_831 = tpu.memref_slice %arg6[%dma_wait3A_817, %dma_wait3A_829, %dma_wait3A_830] : memref<2x64x768xf32, #tpu.memory_space<vmem>> -> memref<1x64x768xf32, #tpu.memory_space<vmem>>
    %dma_wait3A_832 = tpu.memref_squeeze %dma_wait3A_831 : memref<1x64x768xf32, #tpu.memory_space<vmem>> -> memref<64x768xf32, #tpu.memory_space<vmem>>
    tpu.wait_dma2 semaphore(%dma_wait3A_826 : memref<!tpu.dma_semaphore, #tpu.memory_space<semaphore_mem>>) src(%dma_wait3A_832 : memref<64x768xf32, #tpu.memory_space<vmem>>) dst(%dma_wait3A_828 : memref<64x768xf32, #tpu.memory_space<hbm>>)
    %dma_start3A_833 = arith.constant 0 : i32
    %dma_start3A_834 = arith.constant 0 : i32
    %dma_start3A_835 = arith.constant 0 : i32
    %dma_start3A_836 = arith.constant 0 : i32
    %dma_start3A_837 = tpu.memref_slice %arg6[%dma_start3A_833, %dma_start3A_835, %dma_start3A_836] : memref<2x64x768xf32, #tpu.memory_space<vmem>> -> memref<1x32x768xf32, #tpu.memory_space<vmem>>
    %dma_start3A_838 = tpu.memref_squeeze %dma_start3A_837 : memref<1x32x768xf32, #tpu.memory_space<vmem>> -> memref<32x768xf32, #tpu.memory_space<vmem>>
    %dma_start3A_839 = arith.constant 640 : i32
    %dma_start3A_840 = tpu.memref_slice %arg5[%dma_start3A_839] : memref<1024xi32, #tpu.memory_space<vmem>> -> memref<32xi32, #tpu.memory_space<vmem>>
    %dma_start3A_841 = arith.constant 0 : i32
    %dma_start3A_842 = arith.constant 0 : i32
    %dma_start3A_843 = tpu.memref_slice %arg2[%dma_start3A_841, %dma_start3A_842] : memref<8192x768xf32, #tpu.memory_space<hbm>> -> memref<8192x768xf32, #tpu.memory_space<hbm>>
    %dma_start3A_844 = tpu.memref_slice %arg7[%dma_start3A_834] : memref<2x!tpu.dma_semaphore, #tpu.memory_space<semaphore_mem>> -> memref<1x!tpu.dma_semaphore, #tpu.memory_space<semaphore_mem>>
    %dma_start3A_845 = tpu.memref_squeeze %dma_start3A_844 : memref<1x!tpu.dma_semaphore, #tpu.memory_space<semaphore_mem>> -> memref<!tpu.dma_semaphore, #tpu.memory_space<semaphore_mem>>
    tpu.enqueue_indirect_dma source(%dma_start3A_843 : memref<8192x768xf32, #tpu.memory_space<hbm>>) target(%dma_start3A_838 : memref<32x768xf32, #tpu.memory_space<vmem>>) offsets(%dma_start3A_840 : memref<32xi32, #tpu.memory_space<vmem>>) semaphore(%dma_start3A_845 : memref<!tpu.dma_semaphore, #tpu.memory_space<semaphore_mem>>)
    %dma_start3A_846 = arith.constant 0 : i32
    %dma_start3A_847 = arith.constant 0 : i32
    %dma_start3A_848 = arith.constant 32 : i32
    %dma_start3A_849 = arith.constant 0 : i32
    %dma_start3A_850 = tpu.memref_slice %arg6[%dma_start3A_846, %dma_start3A_848, %dma_start3A_849] : memref<2x64x768xf32, #tpu.memory_space<vmem>> -> memref<1x32x768xf32, #tpu.memory_space<vmem>>
    %dma_start3A_851 = tpu.memref_squeeze %dma_start3A_850 : memref<1x32x768xf32, #tpu.memory_space<vmem>> -> memref<32x768xf32, #tpu.memory_space<vmem>>
    %dma_start3A_852 = arith.constant 672 : i32
    %dma_start3A_853 = tpu.memref_slice %arg5[%dma_start3A_852] : memref<1024xi32, #tpu.memory_space<vmem>> -> memref<32xi32, #tpu.memory_space<vmem>>
    %dma_start3A_854 = arith.constant 0 : i32
    %dma_start3A_855 = arith.constant 0 : i32
    %dma_start3A_856 = tpu.memref_slice %arg2[%dma_start3A_854, %dma_start3A_855] : memref<8192x768xf32, #tpu.memory_space<hbm>> -> memref<8192x768xf32, #tpu.memory_space<hbm>>
    %dma_start3A_857 = tpu.memref_slice %arg7[%dma_start3A_847] : memref<2x!tpu.dma_semaphore, #tpu.memory_space<semaphore_mem>> -> memref<1x!tpu.dma_semaphore, #tpu.memory_space<semaphore_mem>>
    %dma_start3A_858 = tpu.memref_squeeze %dma_start3A_857 : memref<1x!tpu.dma_semaphore, #tpu.memory_space<semaphore_mem>> -> memref<!tpu.dma_semaphore, #tpu.memory_space<semaphore_mem>>
    tpu.enqueue_indirect_dma source(%dma_start3A_856 : memref<8192x768xf32, #tpu.memory_space<hbm>>) target(%dma_start3A_851 : memref<32x768xf32, #tpu.memory_space<vmem>>) offsets(%dma_start3A_853 : memref<32xi32, #tpu.memory_space<vmem>>) semaphore(%dma_start3A_858 : memref<!tpu.dma_semaphore, #tpu.memory_space<semaphore_mem>>)
    %dma_wait3A_859 = arith.constant 1 : i32
    %dma_wait3A_860 = arith.constant 1 : i32
    %dma_wait3A_861 = arith.constant 0 : i32
    %dma_wait3A_862 = arith.constant 0 : i32
    %dma_wait3A_863 = tpu.memref_slice %arg6[%dma_wait3A_859, %dma_wait3A_861, %dma_wait3A_862] : memref<2x64x768xf32, #tpu.memory_space<vmem>> -> memref<1x32x768xf32, #tpu.memory_space<vmem>>
    %dma_wait3A_864 = tpu.memref_squeeze %dma_wait3A_863 : memref<1x32x768xf32, #tpu.memory_space<vmem>> -> memref<32x768xf32, #tpu.memory_space<vmem>>
    %dma_wait3A_865 = arith.constant 576 : i32
    %dma_wait3A_866 = tpu.memref_slice %arg5[%dma_wait3A_865] : memref<1024xi32, #tpu.memory_space<vmem>> -> memref<32xi32, #tpu.memory_space<vmem>>
    %dma_wait3A_867 = arith.constant 0 : i32
    %dma_wait3A_868 = arith.constant 0 : i32
    %dma_wait3A_869 = tpu.memref_slice %arg2[%dma_wait3A_867, %dma_wait3A_868] : memref<8192x768xf32, #tpu.memory_space<hbm>> -> memref<8192x768xf32, #tpu.memory_space<hbm>>
    %dma_wait3A_870 = tpu.memref_slice %arg7[%dma_wait3A_860] : memref<2x!tpu.dma_semaphore, #tpu.memory_space<semaphore_mem>> -> memref<1x!tpu.dma_semaphore, #tpu.memory_space<semaphore_mem>>
    %dma_wait3A_871 = tpu.memref_squeeze %dma_wait3A_870 : memref<1x!tpu.dma_semaphore, #tpu.memory_space<semaphore_mem>> -> memref<!tpu.dma_semaphore, #tpu.memory_space<semaphore_mem>>
    tpu.wait_indirect_dma semaphore(%dma_wait3A_871 : memref<!tpu.dma_semaphore, #tpu.memory_space<semaphore_mem>>) src(%dma_wait3A_869 : memref<8192x768xf32, #tpu.memory_space<hbm>>) dst(%dma_wait3A_864 : memref<32x768xf32, #tpu.memory_space<vmem>>)
    %dma_wait3A_872 = arith.constant 1 : i32
    %dma_wait3A_873 = arith.constant 1 : i32
    %dma_wait3A_874 = arith.constant 32 : i32
    %dma_wait3A_875 = arith.constant 0 : i32
    %dma_wait3A_876 = tpu.memref_slice %arg6[%dma_wait3A_872, %dma_wait3A_874, %dma_wait3A_875] : memref<2x64x768xf32, #tpu.memory_space<vmem>> -> memref<1x32x768xf32, #tpu.memory_space<vmem>>
    %dma_wait3A_877 = tpu.memref_squeeze %dma_wait3A_876 : memref<1x32x768xf32, #tpu.memory_space<vmem>> -> memref<32x768xf32, #tpu.memory_space<vmem>>
    %dma_wait3A_878 = arith.constant 608 : i32
    %dma_wait3A_879 = tpu.memref_slice %arg5[%dma_wait3A_878] : memref<1024xi32, #tpu.memory_space<vmem>> -> memref<32xi32, #tpu.memory_space<vmem>>
    %dma_wait3A_880 = arith.constant 0 : i32
    %dma_wait3A_881 = arith.constant 0 : i32
    %dma_wait3A_882 = tpu.memref_slice %arg2[%dma_wait3A_880, %dma_wait3A_881] : memref<8192x768xf32, #tpu.memory_space<hbm>> -> memref<8192x768xf32, #tpu.memory_space<hbm>>
    %dma_wait3A_883 = tpu.memref_slice %arg7[%dma_wait3A_873] : memref<2x!tpu.dma_semaphore, #tpu.memory_space<semaphore_mem>> -> memref<1x!tpu.dma_semaphore, #tpu.memory_space<semaphore_mem>>
    %dma_wait3A_884 = tpu.memref_squeeze %dma_wait3A_883 : memref<1x!tpu.dma_semaphore, #tpu.memory_space<semaphore_mem>> -> memref<!tpu.dma_semaphore, #tpu.memory_space<semaphore_mem>>
    tpu.wait_indirect_dma semaphore(%dma_wait3A_884 : memref<!tpu.dma_semaphore, #tpu.memory_space<semaphore_mem>>) src(%dma_wait3A_882 : memref<8192x768xf32, #tpu.memory_space<hbm>>) dst(%dma_wait3A_877 : memref<32x768xf32, #tpu.memory_space<vmem>>)
    %add3A_885 = arith.constant 576 : i32
    %add3A_886 = arith.addi %mul3A_2, %add3A_885 : i32
    %dma_start3A_887 = arith.constant 1 : i32
    %dma_start3A_888 = arith.constant 1 : i32
    %dma_start3A_889 = arith.constant 0 : i32
    %dma_start3A_890 = arith.constant 0 : i32
    %dma_start3A_891 = tpu.memref_slice %arg6[%dma_start3A_887, %dma_start3A_889, %dma_start3A_890] : memref<2x64x768xf32, #tpu.memory_space<vmem>> -> memref<1x64x768xf32, #tpu.memory_space<vmem>>
    %dma_start3A_892 = tpu.memref_squeeze %dma_start3A_891 : memref<1x64x768xf32, #tpu.memory_space<vmem>> -> memref<64x768xf32, #tpu.memory_space<vmem>>
    %dma_start3A_893 = arith.constant 0 : i32
    %dma_start3A_894 = tpu.memref_slice %arg4[%add3A_886, %dma_start3A_893] : memref<32768x768xf32, #tpu.memory_space<hbm>> -> memref<64x768xf32, #tpu.memory_space<hbm>>
    %dma_start3A_895 = tpu.memref_slice %arg8[%dma_start3A_888] : memref<2x!tpu.dma_semaphore, #tpu.memory_space<semaphore_mem>> -> memref<1x!tpu.dma_semaphore, #tpu.memory_space<semaphore_mem>>
    %dma_start3A_896 = tpu.memref_squeeze %dma_start3A_895 : memref<1x!tpu.dma_semaphore, #tpu.memory_space<semaphore_mem>> -> memref<!tpu.dma_semaphore, #tpu.memory_space<semaphore_mem>>
    %dma_start3A_897 = arith.constant 0 : i32
    %dma_start3A_898 = tpu.memref_slice %arg4[%add3A_886, %dma_start3A_897] : memref<32768x768xf32, #tpu.memory_space<hbm>> -> memref<64x768xf32, #tpu.memory_space<hbm>>
    %dma_start3A_899 = arith.constant 0 : i32
    %dma_start3A_900 = arith.constant 0 : i32
    %dma_start3A_901 = tpu.memref_slice %arg6[%dma_start3A_887, %dma_start3A_899, %dma_start3A_900] : memref<2x64x768xf32, #tpu.memory_space<vmem>> -> memref<1x64x768xf32, #tpu.memory_space<vmem>>
    %dma_start3A_902 = tpu.memref_squeeze %dma_start3A_901 : memref<1x64x768xf32, #tpu.memory_space<vmem>> -> memref<64x768xf32, #tpu.memory_space<vmem>>
    tpu.enqueue_dma source(%dma_start3A_902 : memref<64x768xf32, #tpu.memory_space<vmem>>) target(%dma_start3A_898 : memref<64x768xf32, #tpu.memory_space<hbm>>) target_semaphore(%dma_start3A_896 : memref<!tpu.dma_semaphore, #tpu.memory_space<semaphore_mem>>)
    %dma_wait3A_903 = arith.constant 1 : i32
    %dma_wait3A_904 = arith.constant 1 : i32
    %dma_wait3A_905 = arith.constant 0 : i32
    %dma_wait3A_906 = arith.constant 0 : i32
    %dma_wait3A_907 = tpu.memref_slice %arg6[%dma_wait3A_903, %dma_wait3A_905, %dma_wait3A_906] : memref<2x64x768xf32, #tpu.memory_space<vmem>> -> memref<1x64x768xf32, #tpu.memory_space<vmem>>
    %dma_wait3A_908 = tpu.memref_squeeze %dma_wait3A_907 : memref<1x64x768xf32, #tpu.memory_space<vmem>> -> memref<64x768xf32, #tpu.memory_space<vmem>>
    %dma_wait3A_909 = arith.constant 0 : i32
    %dma_wait3A_910 = tpu.memref_slice %arg4[%add3A_886, %dma_wait3A_909] : memref<32768x768xf32, #tpu.memory_space<hbm>> -> memref<64x768xf32, #tpu.memory_space<hbm>>
    %dma_wait3A_911 = tpu.memref_slice %arg8[%dma_wait3A_904] : memref<2x!tpu.dma_semaphore, #tpu.memory_space<semaphore_mem>> -> memref<1x!tpu.dma_semaphore, #tpu.memory_space<semaphore_mem>>
    %dma_wait3A_912 = tpu.memref_squeeze %dma_wait3A_911 : memref<1x!tpu.dma_semaphore, #tpu.memory_space<semaphore_mem>> -> memref<!tpu.dma_semaphore, #tpu.memory_space<semaphore_mem>>
    %dma_wait3A_913 = arith.constant 0 : i32
    %dma_wait3A_914 = tpu.memref_slice %arg4[%add3A_886, %dma_wait3A_913] : memref<32768x768xf32, #tpu.memory_space<hbm>> -> memref<64x768xf32, #tpu.memory_space<hbm>>
    %dma_wait3A_915 = arith.constant 0 : i32
    %dma_wait3A_916 = arith.constant 0 : i32
    %dma_wait3A_917 = tpu.memref_slice %arg6[%dma_wait3A_903, %dma_wait3A_915, %dma_wait3A_916] : memref<2x64x768xf32, #tpu.memory_space<vmem>> -> memref<1x64x768xf32, #tpu.memory_space<vmem>>
    %dma_wait3A_918 = tpu.memref_squeeze %dma_wait3A_917 : memref<1x64x768xf32, #tpu.memory_space<vmem>> -> memref<64x768xf32, #tpu.memory_space<vmem>>
    tpu.wait_dma2 semaphore(%dma_wait3A_912 : memref<!tpu.dma_semaphore, #tpu.memory_space<semaphore_mem>>) src(%dma_wait3A_918 : memref<64x768xf32, #tpu.memory_space<vmem>>) dst(%dma_wait3A_914 : memref<64x768xf32, #tpu.memory_space<hbm>>)
    %dma_start3A_919 = arith.constant 1 : i32
    %dma_start3A_920 = arith.constant 1 : i32
    %dma_start3A_921 = arith.constant 0 : i32
    %dma_start3A_922 = arith.constant 0 : i32
    %dma_start3A_923 = tpu.memref_slice %arg6[%dma_start3A_919, %dma_start3A_921, %dma_start3A_922] : memref<2x64x768xf32, #tpu.memory_space<vmem>> -> memref<1x32x768xf32, #tpu.memory_space<vmem>>
    %dma_start3A_924 = tpu.memref_squeeze %dma_start3A_923 : memref<1x32x768xf32, #tpu.memory_space<vmem>> -> memref<32x768xf32, #tpu.memory_space<vmem>>
    %dma_start3A_925 = arith.constant 704 : i32
    %dma_start3A_926 = tpu.memref_slice %arg5[%dma_start3A_925] : memref<1024xi32, #tpu.memory_space<vmem>> -> memref<32xi32, #tpu.memory_space<vmem>>
    %dma_start3A_927 = arith.constant 0 : i32
    %dma_start3A_928 = arith.constant 0 : i32
    %dma_start3A_929 = tpu.memref_slice %arg2[%dma_start3A_927, %dma_start3A_928] : memref<8192x768xf32, #tpu.memory_space<hbm>> -> memref<8192x768xf32, #tpu.memory_space<hbm>>
    %dma_start3A_930 = tpu.memref_slice %arg7[%dma_start3A_920] : memref<2x!tpu.dma_semaphore, #tpu.memory_space<semaphore_mem>> -> memref<1x!tpu.dma_semaphore, #tpu.memory_space<semaphore_mem>>
    %dma_start3A_931 = tpu.memref_squeeze %dma_start3A_930 : memref<1x!tpu.dma_semaphore, #tpu.memory_space<semaphore_mem>> -> memref<!tpu.dma_semaphore, #tpu.memory_space<semaphore_mem>>
    tpu.enqueue_indirect_dma source(%dma_start3A_929 : memref<8192x768xf32, #tpu.memory_space<hbm>>) target(%dma_start3A_924 : memref<32x768xf32, #tpu.memory_space<vmem>>) offsets(%dma_start3A_926 : memref<32xi32, #tpu.memory_space<vmem>>) semaphore(%dma_start3A_931 : memref<!tpu.dma_semaphore, #tpu.memory_space<semaphore_mem>>)
    %dma_start3A_932 = arith.constant 1 : i32
    %dma_start3A_933 = arith.constant 1 : i32
    %dma_start3A_934 = arith.constant 32 : i32
    %dma_start3A_935 = arith.constant 0 : i32
    %dma_start3A_936 = tpu.memref_slice %arg6[%dma_start3A_932, %dma_start3A_934, %dma_start3A_935] : memref<2x64x768xf32, #tpu.memory_space<vmem>> -> memref<1x32x768xf32, #tpu.memory_space<vmem>>
    %dma_start3A_937 = tpu.memref_squeeze %dma_start3A_936 : memref<1x32x768xf32, #tpu.memory_space<vmem>> -> memref<32x768xf32, #tpu.memory_space<vmem>>
    %dma_start3A_938 = arith.constant 736 : i32
    %dma_start3A_939 = tpu.memref_slice %arg5[%dma_start3A_938] : memref<1024xi32, #tpu.memory_space<vmem>> -> memref<32xi32, #tpu.memory_space<vmem>>
    %dma_start3A_940 = arith.constant 0 : i32
    %dma_start3A_941 = arith.constant 0 : i32
    %dma_start3A_942 = tpu.memref_slice %arg2[%dma_start3A_940, %dma_start3A_941] : memref<8192x768xf32, #tpu.memory_space<hbm>> -> memref<8192x768xf32, #tpu.memory_space<hbm>>
    %dma_start3A_943 = tpu.memref_slice %arg7[%dma_start3A_933] : memref<2x!tpu.dma_semaphore, #tpu.memory_space<semaphore_mem>> -> memref<1x!tpu.dma_semaphore, #tpu.memory_space<semaphore_mem>>
    %dma_start3A_944 = tpu.memref_squeeze %dma_start3A_943 : memref<1x!tpu.dma_semaphore, #tpu.memory_space<semaphore_mem>> -> memref<!tpu.dma_semaphore, #tpu.memory_space<semaphore_mem>>
    tpu.enqueue_indirect_dma source(%dma_start3A_942 : memref<8192x768xf32, #tpu.memory_space<hbm>>) target(%dma_start3A_937 : memref<32x768xf32, #tpu.memory_space<vmem>>) offsets(%dma_start3A_939 : memref<32xi32, #tpu.memory_space<vmem>>) semaphore(%dma_start3A_944 : memref<!tpu.dma_semaphore, #tpu.memory_space<semaphore_mem>>)
    %dma_wait3A_945 = arith.constant 0 : i32
    %dma_wait3A_946 = arith.constant 0 : i32
    %dma_wait3A_947 = arith.constant 0 : i32
    %dma_wait3A_948 = arith.constant 0 : i32
    %dma_wait3A_949 = tpu.memref_slice %arg6[%dma_wait3A_945, %dma_wait3A_947, %dma_wait3A_948] : memref<2x64x768xf32, #tpu.memory_space<vmem>> -> memref<1x32x768xf32, #tpu.memory_space<vmem>>
    %dma_wait3A_950 = tpu.memref_squeeze %dma_wait3A_949 : memref<1x32x768xf32, #tpu.memory_space<vmem>> -> memref<32x768xf32, #tpu.memory_space<vmem>>
    %dma_wait3A_951 = arith.constant 640 : i32
    %dma_wait3A_952 = tpu.memref_slice %arg5[%dma_wait3A_951] : memref<1024xi32, #tpu.memory_space<vmem>> -> memref<32xi32, #tpu.memory_space<vmem>>
    %dma_wait3A_953 = arith.constant 0 : i32
    %dma_wait3A_954 = arith.constant 0 : i32
    %dma_wait3A_955 = tpu.memref_slice %arg2[%dma_wait3A_953, %dma_wait3A_954] : memref<8192x768xf32, #tpu.memory_space<hbm>> -> memref<8192x768xf32, #tpu.memory_space<hbm>>
    %dma_wait3A_956 = tpu.memref_slice %arg7[%dma_wait3A_946] : memref<2x!tpu.dma_semaphore, #tpu.memory_space<semaphore_mem>> -> memref<1x!tpu.dma_semaphore, #tpu.memory_space<semaphore_mem>>
    %dma_wait3A_957 = tpu.memref_squeeze %dma_wait3A_956 : memref<1x!tpu.dma_semaphore, #tpu.memory_space<semaphore_mem>> -> memref<!tpu.dma_semaphore, #tpu.memory_space<semaphore_mem>>
    tpu.wait_indirect_dma semaphore(%dma_wait3A_957 : memref<!tpu.dma_semaphore, #tpu.memory_space<semaphore_mem>>) src(%dma_wait3A_955 : memref<8192x768xf32, #tpu.memory_space<hbm>>) dst(%dma_wait3A_950 : memref<32x768xf32, #tpu.memory_space<vmem>>)
    %dma_wait3A_958 = arith.constant 0 : i32
    %dma_wait3A_959 = arith.constant 0 : i32
    %dma_wait3A_960 = arith.constant 32 : i32
    %dma_wait3A_961 = arith.constant 0 : i32
    %dma_wait3A_962 = tpu.memref_slice %arg6[%dma_wait3A_958, %dma_wait3A_960, %dma_wait3A_961] : memref<2x64x768xf32, #tpu.memory_space<vmem>> -> memref<1x32x768xf32, #tpu.memory_space<vmem>>
    %dma_wait3A_963 = tpu.memref_squeeze %dma_wait3A_962 : memref<1x32x768xf32, #tpu.memory_space<vmem>> -> memref<32x768xf32, #tpu.memory_space<vmem>>
    %dma_wait3A_964 = arith.constant 672 : i32
    %dma_wait3A_965 = tpu.memref_slice %arg5[%dma_wait3A_964] : memref<1024xi32, #tpu.memory_space<vmem>> -> memref<32xi32, #tpu.memory_space<vmem>>
    %dma_wait3A_966 = arith.constant 0 : i32
    %dma_wait3A_967 = arith.constant 0 : i32
    %dma_wait3A_968 = tpu.memref_slice %arg2[%dma_wait3A_966, %dma_wait3A_967] : memref<8192x768xf32, #tpu.memory_space<hbm>> -> memref<8192x768xf32, #tpu.memory_space<hbm>>
    %dma_wait3A_969 = tpu.memref_slice %arg7[%dma_wait3A_959] : memref<2x!tpu.dma_semaphore, #tpu.memory_space<semaphore_mem>> -> memref<1x!tpu.dma_semaphore, #tpu.memory_space<semaphore_mem>>
    %dma_wait3A_970 = tpu.memref_squeeze %dma_wait3A_969 : memref<1x!tpu.dma_semaphore, #tpu.memory_space<semaphore_mem>> -> memref<!tpu.dma_semaphore, #tpu.memory_space<semaphore_mem>>
    tpu.wait_indirect_dma semaphore(%dma_wait3A_970 : memref<!tpu.dma_semaphore, #tpu.memory_space<semaphore_mem>>) src(%dma_wait3A_968 : memref<8192x768xf32, #tpu.memory_space<hbm>>) dst(%dma_wait3A_963 : memref<32x768xf32, #tpu.memory_space<vmem>>)
    %add3A_971 = arith.constant 640 : i32
    %add3A_972 = arith.addi %mul3A_2, %add3A_971 : i32
    %dma_start3A_973 = arith.constant 0 : i32
    %dma_start3A_974 = arith.constant 0 : i32
    %dma_start3A_975 = arith.constant 0 : i32
    %dma_start3A_976 = arith.constant 0 : i32
    %dma_start3A_977 = tpu.memref_slice %arg6[%dma_start3A_973, %dma_start3A_975, %dma_start3A_976] : memref<2x64x768xf32, #tpu.memory_space<vmem>> -> memref<1x64x768xf32, #tpu.memory_space<vmem>>
    %dma_start3A_978 = tpu.memref_squeeze %dma_start3A_977 : memref<1x64x768xf32, #tpu.memory_space<vmem>> -> memref<64x768xf32, #tpu.memory_space<vmem>>
    %dma_start3A_979 = arith.constant 0 : i32
    %dma_start3A_980 = tpu.memref_slice %arg4[%add3A_972, %dma_start3A_979] : memref<32768x768xf32, #tpu.memory_space<hbm>> -> memref<64x768xf32, #tpu.memory_space<hbm>>
    %dma_start3A_981 = tpu.memref_slice %arg8[%dma_start3A_974] : memref<2x!tpu.dma_semaphore, #tpu.memory_space<semaphore_mem>> -> memref<1x!tpu.dma_semaphore, #tpu.memory_space<semaphore_mem>>
    %dma_start3A_982 = tpu.memref_squeeze %dma_start3A_981 : memref<1x!tpu.dma_semaphore, #tpu.memory_space<semaphore_mem>> -> memref<!tpu.dma_semaphore, #tpu.memory_space<semaphore_mem>>
    %dma_start3A_983 = arith.constant 0 : i32
    %dma_start3A_984 = tpu.memref_slice %arg4[%add3A_972, %dma_start3A_983] : memref<32768x768xf32, #tpu.memory_space<hbm>> -> memref<64x768xf32, #tpu.memory_space<hbm>>
    %dma_start3A_985 = arith.constant 0 : i32
    %dma_start3A_986 = arith.constant 0 : i32
    %dma_start3A_987 = tpu.memref_slice %arg6[%dma_start3A_973, %dma_start3A_985, %dma_start3A_986] : memref<2x64x768xf32, #tpu.memory_space<vmem>> -> memref<1x64x768xf32, #tpu.memory_space<vmem>>
    %dma_start3A_988 = tpu.memref_squeeze %dma_start3A_987 : memref<1x64x768xf32, #tpu.memory_space<vmem>> -> memref<64x768xf32, #tpu.memory_space<vmem>>
    tpu.enqueue_dma source(%dma_start3A_988 : memref<64x768xf32, #tpu.memory_space<vmem>>) target(%dma_start3A_984 : memref<64x768xf32, #tpu.memory_space<hbm>>) target_semaphore(%dma_start3A_982 : memref<!tpu.dma_semaphore, #tpu.memory_space<semaphore_mem>>)
    %dma_wait3A_989 = arith.constant 0 : i32
    %dma_wait3A_990 = arith.constant 0 : i32
    %dma_wait3A_991 = arith.constant 0 : i32
    %dma_wait3A_992 = arith.constant 0 : i32
    %dma_wait3A_993 = tpu.memref_slice %arg6[%dma_wait3A_989, %dma_wait3A_991, %dma_wait3A_992] : memref<2x64x768xf32, #tpu.memory_space<vmem>> -> memref<1x64x768xf32, #tpu.memory_space<vmem>>
    %dma_wait3A_994 = tpu.memref_squeeze %dma_wait3A_993 : memref<1x64x768xf32, #tpu.memory_space<vmem>> -> memref<64x768xf32, #tpu.memory_space<vmem>>
    %dma_wait3A_995 = arith.constant 0 : i32
    %dma_wait3A_996 = tpu.memref_slice %arg4[%add3A_972, %dma_wait3A_995] : memref<32768x768xf32, #tpu.memory_space<hbm>> -> memref<64x768xf32, #tpu.memory_space<hbm>>
    %dma_wait3A_997 = tpu.memref_slice %arg8[%dma_wait3A_990] : memref<2x!tpu.dma_semaphore, #tpu.memory_space<semaphore_mem>> -> memref<1x!tpu.dma_semaphore, #tpu.memory_space<semaphore_mem>>
    %dma_wait3A_998 = tpu.memref_squeeze %dma_wait3A_997 : memref<1x!tpu.dma_semaphore, #tpu.memory_space<semaphore_mem>> -> memref<!tpu.dma_semaphore, #tpu.memory_space<semaphore_mem>>
    %dma_wait3A_999 = arith.constant 0 : i32
    %dma_wait3A_1000 = tpu.memref_slice %arg4[%add3A_972, %dma_wait3A_999] : memref<32768x768xf32, #tpu.memory_space<hbm>> -> memref<64x768xf32, #tpu.memory_space<hbm>>
    %dma_wait3A_1001 = arith.constant 0 : i32
    %dma_wait3A_1002 = arith.constant 0 : i32
    %dma_wait3A_1003 = tpu.memref_slice %arg6[%dma_wait3A_989, %dma_wait3A_1001, %dma_wait3A_1002] : memref<2x64x768xf32, #tpu.memory_space<vmem>> -> memref<1x64x768xf32, #tpu.memory_space<vmem>>
    %dma_wait3A_1004 = tpu.memref_squeeze %dma_wait3A_1003 : memref<1x64x768xf32, #tpu.memory_space<vmem>> -> memref<64x768xf32, #tpu.memory_space<vmem>>
    tpu.wait_dma2 semaphore(%dma_wait3A_998 : memref<!tpu.dma_semaphore, #tpu.memory_space<semaphore_mem>>) src(%dma_wait3A_1004 : memref<64x768xf32, #tpu.memory_space<vmem>>) dst(%dma_wait3A_1000 : memref<64x768xf32, #tpu.memory_space<hbm>>)
    %dma_start3A_1005 = arith.constant 0 : i32
    %dma_start3A_1006 = arith.constant 0 : i32
    %dma_start3A_1007 = arith.constant 0 : i32
    %dma_start3A_1008 = arith.constant 0 : i32
    %dma_start3A_1009 = tpu.memref_slice %arg6[%dma_start3A_1005, %dma_start3A_1007, %dma_start3A_1008] : memref<2x64x768xf32, #tpu.memory_space<vmem>> -> memref<1x32x768xf32, #tpu.memory_space<vmem>>
    %dma_start3A_1010 = tpu.memref_squeeze %dma_start3A_1009 : memref<1x32x768xf32, #tpu.memory_space<vmem>> -> memref<32x768xf32, #tpu.memory_space<vmem>>
    %dma_start3A_1011 = arith.constant 768 : i32
    %dma_start3A_1012 = tpu.memref_slice %arg5[%dma_start3A_1011] : memref<1024xi32, #tpu.memory_space<vmem>> -> memref<32xi32, #tpu.memory_space<vmem>>
    %dma_start3A_1013 = arith.constant 0 : i32
    %dma_start3A_1014 = arith.constant 0 : i32
    %dma_start3A_1015 = tpu.memref_slice %arg2[%dma_start3A_1013, %dma_start3A_1014] : memref<8192x768xf32, #tpu.memory_space<hbm>> -> memref<8192x768xf32, #tpu.memory_space<hbm>>
    %dma_start3A_1016 = tpu.memref_slice %arg7[%dma_start3A_1006] : memref<2x!tpu.dma_semaphore, #tpu.memory_space<semaphore_mem>> -> memref<1x!tpu.dma_semaphore, #tpu.memory_space<semaphore_mem>>
    %dma_start3A_1017 = tpu.memref_squeeze %dma_start3A_1016 : memref<1x!tpu.dma_semaphore, #tpu.memory_space<semaphore_mem>> -> memref<!tpu.dma_semaphore, #tpu.memory_space<semaphore_mem>>
    tpu.enqueue_indirect_dma source(%dma_start3A_1015 : memref<8192x768xf32, #tpu.memory_space<hbm>>) target(%dma_start3A_1010 : memref<32x768xf32, #tpu.memory_space<vmem>>) offsets(%dma_start3A_1012 : memref<32xi32, #tpu.memory_space<vmem>>) semaphore(%dma_start3A_1017 : memref<!tpu.dma_semaphore, #tpu.memory_space<semaphore_mem>>)
    %dma_start3A_1018 = arith.constant 0 : i32
    %dma_start3A_1019 = arith.constant 0 : i32
    %dma_start3A_1020 = arith.constant 32 : i32
    %dma_start3A_1021 = arith.constant 0 : i32
    %dma_start3A_1022 = tpu.memref_slice %arg6[%dma_start3A_1018, %dma_start3A_1020, %dma_start3A_1021] : memref<2x64x768xf32, #tpu.memory_space<vmem>> -> memref<1x32x768xf32, #tpu.memory_space<vmem>>
    %dma_start3A_1023 = tpu.memref_squeeze %dma_start3A_1022 : memref<1x32x768xf32, #tpu.memory_space<vmem>> -> memref<32x768xf32, #tpu.memory_space<vmem>>
    %dma_start3A_1024 = arith.constant 800 : i32
    %dma_start3A_1025 = tpu.memref_slice %arg5[%dma_start3A_1024] : memref<1024xi32, #tpu.memory_space<vmem>> -> memref<32xi32, #tpu.memory_space<vmem>>
    %dma_start3A_1026 = arith.constant 0 : i32
    %dma_start3A_1027 = arith.constant 0 : i32
    %dma_start3A_1028 = tpu.memref_slice %arg2[%dma_start3A_1026, %dma_start3A_1027] : memref<8192x768xf32, #tpu.memory_space<hbm>> -> memref<8192x768xf32, #tpu.memory_space<hbm>>
    %dma_start3A_1029 = tpu.memref_slice %arg7[%dma_start3A_1019] : memref<2x!tpu.dma_semaphore, #tpu.memory_space<semaphore_mem>> -> memref<1x!tpu.dma_semaphore, #tpu.memory_space<semaphore_mem>>
    %dma_start3A_1030 = tpu.memref_squeeze %dma_start3A_1029 : memref<1x!tpu.dma_semaphore, #tpu.memory_space<semaphore_mem>> -> memref<!tpu.dma_semaphore, #tpu.memory_space<semaphore_mem>>
    tpu.enqueue_indirect_dma source(%dma_start3A_1028 : memref<8192x768xf32, #tpu.memory_space<hbm>>) target(%dma_start3A_1023 : memref<32x768xf32, #tpu.memory_space<vmem>>) offsets(%dma_start3A_1025 : memref<32xi32, #tpu.memory_space<vmem>>) semaphore(%dma_start3A_1030 : memref<!tpu.dma_semaphore, #tpu.memory_space<semaphore_mem>>)
    %dma_wait3A_1031 = arith.constant 1 : i32
    %dma_wait3A_1032 = arith.constant 1 : i32
    %dma_wait3A_1033 = arith.constant 0 : i32
    %dma_wait3A_1034 = arith.constant 0 : i32
    %dma_wait3A_1035 = tpu.memref_slice %arg6[%dma_wait3A_1031, %dma_wait3A_1033, %dma_wait3A_1034] : memref<2x64x768xf32, #tpu.memory_space<vmem>> -> memref<1x32x768xf32, #tpu.memory_space<vmem>>
    %dma_wait3A_1036 = tpu.memref_squeeze %dma_wait3A_1035 : memref<1x32x768xf32, #tpu.memory_space<vmem>> -> memref<32x768xf32, #tpu.memory_space<vmem>>
    %dma_wait3A_1037 = arith.constant 704 : i32
    %dma_wait3A_1038 = tpu.memref_slice %arg5[%dma_wait3A_1037] : memref<1024xi32, #tpu.memory_space<vmem>> -> memref<32xi32, #tpu.memory_space<vmem>>
    %dma_wait3A_1039 = arith.constant 0 : i32
    %dma_wait3A_1040 = arith.constant 0 : i32
    %dma_wait3A_1041 = tpu.memref_slice %arg2[%dma_wait3A_1039, %dma_wait3A_1040] : memref<8192x768xf32, #tpu.memory_space<hbm>> -> memref<8192x768xf32, #tpu.memory_space<hbm>>
    %dma_wait3A_1042 = tpu.memref_slice %arg7[%dma_wait3A_1032] : memref<2x!tpu.dma_semaphore, #tpu.memory_space<semaphore_mem>> -> memref<1x!tpu.dma_semaphore, #tpu.memory_space<semaphore_mem>>
    %dma_wait3A_1043 = tpu.memref_squeeze %dma_wait3A_1042 : memref<1x!tpu.dma_semaphore, #tpu.memory_space<semaphore_mem>> -> memref<!tpu.dma_semaphore, #tpu.memory_space<semaphore_mem>>
    tpu.wait_indirect_dma semaphore(%dma_wait3A_1043 : memref<!tpu.dma_semaphore, #tpu.memory_space<semaphore_mem>>) src(%dma_wait3A_1041 : memref<8192x768xf32, #tpu.memory_space<hbm>>) dst(%dma_wait3A_1036 : memref<32x768xf32, #tpu.memory_space<vmem>>)
    %dma_wait3A_1044 = arith.constant 1 : i32
    %dma_wait3A_1045 = arith.constant 1 : i32
    %dma_wait3A_1046 = arith.constant 32 : i32
    %dma_wait3A_1047 = arith.constant 0 : i32
    %dma_wait3A_1048 = tpu.memref_slice %arg6[%dma_wait3A_1044, %dma_wait3A_1046, %dma_wait3A_1047] : memref<2x64x768xf32, #tpu.memory_space<vmem>> -> memref<1x32x768xf32, #tpu.memory_space<vmem>>
    %dma_wait3A_1049 = tpu.memref_squeeze %dma_wait3A_1048 : memref<1x32x768xf32, #tpu.memory_space<vmem>> -> memref<32x768xf32, #tpu.memory_space<vmem>>
    %dma_wait3A_1050 = arith.constant 736 : i32
    %dma_wait3A_1051 = tpu.memref_slice %arg5[%dma_wait3A_1050] : memref<1024xi32, #tpu.memory_space<vmem>> -> memref<32xi32, #tpu.memory_space<vmem>>
    %dma_wait3A_1052 = arith.constant 0 : i32
    %dma_wait3A_1053 = arith.constant 0 : i32
    %dma_wait3A_1054 = tpu.memref_slice %arg2[%dma_wait3A_1052, %dma_wait3A_1053] : memref<8192x768xf32, #tpu.memory_space<hbm>> -> memref<8192x768xf32, #tpu.memory_space<hbm>>
    %dma_wait3A_1055 = tpu.memref_slice %arg7[%dma_wait3A_1045] : memref<2x!tpu.dma_semaphore, #tpu.memory_space<semaphore_mem>> -> memref<1x!tpu.dma_semaphore, #tpu.memory_space<semaphore_mem>>
    %dma_wait3A_1056 = tpu.memref_squeeze %dma_wait3A_1055 : memref<1x!tpu.dma_semaphore, #tpu.memory_space<semaphore_mem>> -> memref<!tpu.dma_semaphore, #tpu.memory_space<semaphore_mem>>
    tpu.wait_indirect_dma semaphore(%dma_wait3A_1056 : memref<!tpu.dma_semaphore, #tpu.memory_space<semaphore_mem>>) src(%dma_wait3A_1054 : memref<8192x768xf32, #tpu.memory_space<hbm>>) dst(%dma_wait3A_1049 : memref<32x768xf32, #tpu.memory_space<vmem>>)
    %add3A_1057 = arith.constant 704 : i32
    %add3A_1058 = arith.addi %mul3A_2, %add3A_1057 : i32
    %dma_start3A_1059 = arith.constant 1 : i32
    %dma_start3A_1060 = arith.constant 1 : i32
    %dma_start3A_1061 = arith.constant 0 : i32
    %dma_start3A_1062 = arith.constant 0 : i32
    %dma_start3A_1063 = tpu.memref_slice %arg6[%dma_start3A_1059, %dma_start3A_1061, %dma_start3A_1062] : memref<2x64x768xf32, #tpu.memory_space<vmem>> -> memref<1x64x768xf32, #tpu.memory_space<vmem>>
    %dma_start3A_1064 = tpu.memref_squeeze %dma_start3A_1063 : memref<1x64x768xf32, #tpu.memory_space<vmem>> -> memref<64x768xf32, #tpu.memory_space<vmem>>
    %dma_start3A_1065 = arith.constant 0 : i32
    %dma_start3A_1066 = tpu.memref_slice %arg4[%add3A_1058, %dma_start3A_1065] : memref<32768x768xf32, #tpu.memory_space<hbm>> -> memref<64x768xf32, #tpu.memory_space<hbm>>
    %dma_start3A_1067 = tpu.memref_slice %arg8[%dma_start3A_1060] : memref<2x!tpu.dma_semaphore, #tpu.memory_space<semaphore_mem>> -> memref<1x!tpu.dma_semaphore, #tpu.memory_space<semaphore_mem>>
    %dma_start3A_1068 = tpu.memref_squeeze %dma_start3A_1067 : memref<1x!tpu.dma_semaphore, #tpu.memory_space<semaphore_mem>> -> memref<!tpu.dma_semaphore, #tpu.memory_space<semaphore_mem>>
    %dma_start3A_1069 = arith.constant 0 : i32
    %dma_start3A_1070 = tpu.memref_slice %arg4[%add3A_1058, %dma_start3A_1069] : memref<32768x768xf32, #tpu.memory_space<hbm>> -> memref<64x768xf32, #tpu.memory_space<hbm>>
    %dma_start3A_1071 = arith.constant 0 : i32
    %dma_start3A_1072 = arith.constant 0 : i32
    %dma_start3A_1073 = tpu.memref_slice %arg6[%dma_start3A_1059, %dma_start3A_1071, %dma_start3A_1072] : memref<2x64x768xf32, #tpu.memory_space<vmem>> -> memref<1x64x768xf32, #tpu.memory_space<vmem>>
    %dma_start3A_1074 = tpu.memref_squeeze %dma_start3A_1073 : memref<1x64x768xf32, #tpu.memory_space<vmem>> -> memref<64x768xf32, #tpu.memory_space<vmem>>
    tpu.enqueue_dma source(%dma_start3A_1074 : memref<64x768xf32, #tpu.memory_space<vmem>>) target(%dma_start3A_1070 : memref<64x768xf32, #tpu.memory_space<hbm>>) target_semaphore(%dma_start3A_1068 : memref<!tpu.dma_semaphore, #tpu.memory_space<semaphore_mem>>)
    %dma_wait3A_1075 = arith.constant 1 : i32
    %dma_wait3A_1076 = arith.constant 1 : i32
    %dma_wait3A_1077 = arith.constant 0 : i32
    %dma_wait3A_1078 = arith.constant 0 : i32
    %dma_wait3A_1079 = tpu.memref_slice %arg6[%dma_wait3A_1075, %dma_wait3A_1077, %dma_wait3A_1078] : memref<2x64x768xf32, #tpu.memory_space<vmem>> -> memref<1x64x768xf32, #tpu.memory_space<vmem>>
    %dma_wait3A_1080 = tpu.memref_squeeze %dma_wait3A_1079 : memref<1x64x768xf32, #tpu.memory_space<vmem>> -> memref<64x768xf32, #tpu.memory_space<vmem>>
    %dma_wait3A_1081 = arith.constant 0 : i32
    %dma_wait3A_1082 = tpu.memref_slice %arg4[%add3A_1058, %dma_wait3A_1081] : memref<32768x768xf32, #tpu.memory_space<hbm>> -> memref<64x768xf32, #tpu.memory_space<hbm>>
    %dma_wait3A_1083 = tpu.memref_slice %arg8[%dma_wait3A_1076] : memref<2x!tpu.dma_semaphore, #tpu.memory_space<semaphore_mem>> -> memref<1x!tpu.dma_semaphore, #tpu.memory_space<semaphore_mem>>
    %dma_wait3A_1084 = tpu.memref_squeeze %dma_wait3A_1083 : memref<1x!tpu.dma_semaphore, #tpu.memory_space<semaphore_mem>> -> memref<!tpu.dma_semaphore, #tpu.memory_space<semaphore_mem>>
    %dma_wait3A_1085 = arith.constant 0 : i32
    %dma_wait3A_1086 = tpu.memref_slice %arg4[%add3A_1058, %dma_wait3A_1085] : memref<32768x768xf32, #tpu.memory_space<hbm>> -> memref<64x768xf32, #tpu.memory_space<hbm>>
    %dma_wait3A_1087 = arith.constant 0 : i32
    %dma_wait3A_1088 = arith.constant 0 : i32
    %dma_wait3A_1089 = tpu.memref_slice %arg6[%dma_wait3A_1075, %dma_wait3A_1087, %dma_wait3A_1088] : memref<2x64x768xf32, #tpu.memory_space<vmem>> -> memref<1x64x768xf32, #tpu.memory_space<vmem>>
    %dma_wait3A_1090 = tpu.memref_squeeze %dma_wait3A_1089 : memref<1x64x768xf32, #tpu.memory_space<vmem>> -> memref<64x768xf32, #tpu.memory_space<vmem>>
    tpu.wait_dma2 semaphore(%dma_wait3A_1084 : memref<!tpu.dma_semaphore, #tpu.memory_space<semaphore_mem>>) src(%dma_wait3A_1090 : memref<64x768xf32, #tpu.memory_space<vmem>>) dst(%dma_wait3A_1086 : memref<64x768xf32, #tpu.memory_space<hbm>>)
    %dma_start3A_1091 = arith.constant 1 : i32
    %dma_start3A_1092 = arith.constant 1 : i32
    %dma_start3A_1093 = arith.constant 0 : i32
    %dma_start3A_1094 = arith.constant 0 : i32
    %dma_start3A_1095 = tpu.memref_slice %arg6[%dma_start3A_1091, %dma_start3A_1093, %dma_start3A_1094] : memref<2x64x768xf32, #tpu.memory_space<vmem>> -> memref<1x32x768xf32, #tpu.memory_space<vmem>>
    %dma_start3A_1096 = tpu.memref_squeeze %dma_start3A_1095 : memref<1x32x768xf32, #tpu.memory_space<vmem>> -> memref<32x768xf32, #tpu.memory_space<vmem>>
    %dma_start3A_1097 = arith.constant 832 : i32
    %dma_start3A_1098 = tpu.memref_slice %arg5[%dma_start3A_1097] : memref<1024xi32, #tpu.memory_space<vmem>> -> memref<32xi32, #tpu.memory_space<vmem>>
    %dma_start3A_1099 = arith.constant 0 : i32
    %dma_start3A_1100 = arith.constant 0 : i32
    %dma_start3A_1101 = tpu.memref_slice %arg2[%dma_start3A_1099, %dma_start3A_1100] : memref<8192x768xf32, #tpu.memory_space<hbm>> -> memref<8192x768xf32, #tpu.memory_space<hbm>>
    %dma_start3A_1102 = tpu.memref_slice %arg7[%dma_start3A_1092] : memref<2x!tpu.dma_semaphore, #tpu.memory_space<semaphore_mem>> -> memref<1x!tpu.dma_semaphore, #tpu.memory_space<semaphore_mem>>
    %dma_start3A_1103 = tpu.memref_squeeze %dma_start3A_1102 : memref<1x!tpu.dma_semaphore, #tpu.memory_space<semaphore_mem>> -> memref<!tpu.dma_semaphore, #tpu.memory_space<semaphore_mem>>
    tpu.enqueue_indirect_dma source(%dma_start3A_1101 : memref<8192x768xf32, #tpu.memory_space<hbm>>) target(%dma_start3A_1096 : memref<32x768xf32, #tpu.memory_space<vmem>>) offsets(%dma_start3A_1098 : memref<32xi32, #tpu.memory_space<vmem>>) semaphore(%dma_start3A_1103 : memref<!tpu.dma_semaphore, #tpu.memory_space<semaphore_mem>>)
    %dma_start3A_1104 = arith.constant 1 : i32
    %dma_start3A_1105 = arith.constant 1 : i32
    %dma_start3A_1106 = arith.constant 32 : i32
    %dma_start3A_1107 = arith.constant 0 : i32
    %dma_start3A_1108 = tpu.memref_slice %arg6[%dma_start3A_1104, %dma_start3A_1106, %dma_start3A_1107] : memref<2x64x768xf32, #tpu.memory_space<vmem>> -> memref<1x32x768xf32, #tpu.memory_space<vmem>>
    %dma_start3A_1109 = tpu.memref_squeeze %dma_start3A_1108 : memref<1x32x768xf32, #tpu.memory_space<vmem>> -> memref<32x768xf32, #tpu.memory_space<vmem>>
    %dma_start3A_1110 = arith.constant 864 : i32
    %dma_start3A_1111 = tpu.memref_slice %arg5[%dma_start3A_1110] : memref<1024xi32, #tpu.memory_space<vmem>> -> memref<32xi32, #tpu.memory_space<vmem>>
    %dma_start3A_1112 = arith.constant 0 : i32
    %dma_start3A_1113 = arith.constant 0 : i32
    %dma_start3A_1114 = tpu.memref_slice %arg2[%dma_start3A_1112, %dma_start3A_1113] : memref<8192x768xf32, #tpu.memory_space<hbm>> -> memref<8192x768xf32, #tpu.memory_space<hbm>>
    %dma_start3A_1115 = tpu.memref_slice %arg7[%dma_start3A_1105] : memref<2x!tpu.dma_semaphore, #tpu.memory_space<semaphore_mem>> -> memref<1x!tpu.dma_semaphore, #tpu.memory_space<semaphore_mem>>
    %dma_start3A_1116 = tpu.memref_squeeze %dma_start3A_1115 : memref<1x!tpu.dma_semaphore, #tpu.memory_space<semaphore_mem>> -> memref<!tpu.dma_semaphore, #tpu.memory_space<semaphore_mem>>
    tpu.enqueue_indirect_dma source(%dma_start3A_1114 : memref<8192x768xf32, #tpu.memory_space<hbm>>) target(%dma_start3A_1109 : memref<32x768xf32, #tpu.memory_space<vmem>>) offsets(%dma_start3A_1111 : memref<32xi32, #tpu.memory_space<vmem>>) semaphore(%dma_start3A_1116 : memref<!tpu.dma_semaphore, #tpu.memory_space<semaphore_mem>>)
    %dma_wait3A_1117 = arith.constant 0 : i32
    %dma_wait3A_1118 = arith.constant 0 : i32
    %dma_wait3A_1119 = arith.constant 0 : i32
    %dma_wait3A_1120 = arith.constant 0 : i32
    %dma_wait3A_1121 = tpu.memref_slice %arg6[%dma_wait3A_1117, %dma_wait3A_1119, %dma_wait3A_1120] : memref<2x64x768xf32, #tpu.memory_space<vmem>> -> memref<1x32x768xf32, #tpu.memory_space<vmem>>
    %dma_wait3A_1122 = tpu.memref_squeeze %dma_wait3A_1121 : memref<1x32x768xf32, #tpu.memory_space<vmem>> -> memref<32x768xf32, #tpu.memory_space<vmem>>
    %dma_wait3A_1123 = arith.constant 768 : i32
    %dma_wait3A_1124 = tpu.memref_slice %arg5[%dma_wait3A_1123] : memref<1024xi32, #tpu.memory_space<vmem>> -> memref<32xi32, #tpu.memory_space<vmem>>
    %dma_wait3A_1125 = arith.constant 0 : i32
    %dma_wait3A_1126 = arith.constant 0 : i32
    %dma_wait3A_1127 = tpu.memref_slice %arg2[%dma_wait3A_1125, %dma_wait3A_1126] : memref<8192x768xf32, #tpu.memory_space<hbm>> -> memref<8192x768xf32, #tpu.memory_space<hbm>>
    %dma_wait3A_1128 = tpu.memref_slice %arg7[%dma_wait3A_1118] : memref<2x!tpu.dma_semaphore, #tpu.memory_space<semaphore_mem>> -> memref<1x!tpu.dma_semaphore, #tpu.memory_space<semaphore_mem>>
    %dma_wait3A_1129 = tpu.memref_squeeze %dma_wait3A_1128 : memref<1x!tpu.dma_semaphore, #tpu.memory_space<semaphore_mem>> -> memref<!tpu.dma_semaphore, #tpu.memory_space<semaphore_mem>>
    tpu.wait_indirect_dma semaphore(%dma_wait3A_1129 : memref<!tpu.dma_semaphore, #tpu.memory_space<semaphore_mem>>) src(%dma_wait3A_1127 : memref<8192x768xf32, #tpu.memory_space<hbm>>) dst(%dma_wait3A_1122 : memref<32x768xf32, #tpu.memory_space<vmem>>)
    %dma_wait3A_1130 = arith.constant 0 : i32
    %dma_wait3A_1131 = arith.constant 0 : i32
    %dma_wait3A_1132 = arith.constant 32 : i32
    %dma_wait3A_1133 = arith.constant 0 : i32
    %dma_wait3A_1134 = tpu.memref_slice %arg6[%dma_wait3A_1130, %dma_wait3A_1132, %dma_wait3A_1133] : memref<2x64x768xf32, #tpu.memory_space<vmem>> -> memref<1x32x768xf32, #tpu.memory_space<vmem>>
    %dma_wait3A_1135 = tpu.memref_squeeze %dma_wait3A_1134 : memref<1x32x768xf32, #tpu.memory_space<vmem>> -> memref<32x768xf32, #tpu.memory_space<vmem>>
    %dma_wait3A_1136 = arith.constant 800 : i32
    %dma_wait3A_1137 = tpu.memref_slice %arg5[%dma_wait3A_1136] : memref<1024xi32, #tpu.memory_space<vmem>> -> memref<32xi32, #tpu.memory_space<vmem>>
    %dma_wait3A_1138 = arith.constant 0 : i32
    %dma_wait3A_1139 = arith.constant 0 : i32
    %dma_wait3A_1140 = tpu.memref_slice %arg2[%dma_wait3A_1138, %dma_wait3A_1139] : memref<8192x768xf32, #tpu.memory_space<hbm>> -> memref<8192x768xf32, #tpu.memory_space<hbm>>
    %dma_wait3A_1141 = tpu.memref_slice %arg7[%dma_wait3A_1131] : memref<2x!tpu.dma_semaphore, #tpu.memory_space<semaphore_mem>> -> memref<1x!tpu.dma_semaphore, #tpu.memory_space<semaphore_mem>>
    %dma_wait3A_1142 = tpu.memref_squeeze %dma_wait3A_1141 : memref<1x!tpu.dma_semaphore, #tpu.memory_space<semaphore_mem>> -> memref<!tpu.dma_semaphore, #tpu.memory_space<semaphore_mem>>
    tpu.wait_indirect_dma semaphore(%dma_wait3A_1142 : memref<!tpu.dma_semaphore, #tpu.memory_space<semaphore_mem>>) src(%dma_wait3A_1140 : memref<8192x768xf32, #tpu.memory_space<hbm>>) dst(%dma_wait3A_1135 : memref<32x768xf32, #tpu.memory_space<vmem>>)
    %add3A_1143 = arith.constant 768 : i32
    %add3A_1144 = arith.addi %mul3A_2, %add3A_1143 : i32
    %dma_start3A_1145 = arith.constant 0 : i32
    %dma_start3A_1146 = arith.constant 0 : i32
    %dma_start3A_1147 = arith.constant 0 : i32
    %dma_start3A_1148 = arith.constant 0 : i32
    %dma_start3A_1149 = tpu.memref_slice %arg6[%dma_start3A_1145, %dma_start3A_1147, %dma_start3A_1148] : memref<2x64x768xf32, #tpu.memory_space<vmem>> -> memref<1x64x768xf32, #tpu.memory_space<vmem>>
    %dma_start3A_1150 = tpu.memref_squeeze %dma_start3A_1149 : memref<1x64x768xf32, #tpu.memory_space<vmem>> -> memref<64x768xf32, #tpu.memory_space<vmem>>
    %dma_start3A_1151 = arith.constant 0 : i32
    %dma_start3A_1152 = tpu.memref_slice %arg4[%add3A_1144, %dma_start3A_1151] : memref<32768x768xf32, #tpu.memory_space<hbm>> -> memref<64x768xf32, #tpu.memory_space<hbm>>
    %dma_start3A_1153 = tpu.memref_slice %arg8[%dma_start3A_1146] : memref<2x!tpu.dma_semaphore, #tpu.memory_space<semaphore_mem>> -> memref<1x!tpu.dma_semaphore, #tpu.memory_space<semaphore_mem>>
    %dma_start3A_1154 = tpu.memref_squeeze %dma_start3A_1153 : memref<1x!tpu.dma_semaphore, #tpu.memory_space<semaphore_mem>> -> memref<!tpu.dma_semaphore, #tpu.memory_space<semaphore_mem>>
    %dma_start3A_1155 = arith.constant 0 : i32
    %dma_start3A_1156 = tpu.memref_slice %arg4[%add3A_1144, %dma_start3A_1155] : memref<32768x768xf32, #tpu.memory_space<hbm>> -> memref<64x768xf32, #tpu.memory_space<hbm>>
    %dma_start3A_1157 = arith.constant 0 : i32
    %dma_start3A_1158 = arith.constant 0 : i32
    %dma_start3A_1159 = tpu.memref_slice %arg6[%dma_start3A_1145, %dma_start3A_1157, %dma_start3A_1158] : memref<2x64x768xf32, #tpu.memory_space<vmem>> -> memref<1x64x768xf32, #tpu.memory_space<vmem>>
    %dma_start3A_1160 = tpu.memref_squeeze %dma_start3A_1159 : memref<1x64x768xf32, #tpu.memory_space<vmem>> -> memref<64x768xf32, #tpu.memory_space<vmem>>
    tpu.enqueue_dma source(%dma_start3A_1160 : memref<64x768xf32, #tpu.memory_space<vmem>>) target(%dma_start3A_1156 : memref<64x768xf32, #tpu.memory_space<hbm>>) target_semaphore(%dma_start3A_1154 : memref<!tpu.dma_semaphore, #tpu.memory_space<semaphore_mem>>)
    %dma_wait3A_1161 = arith.constant 0 : i32
    %dma_wait3A_1162 = arith.constant 0 : i32
    %dma_wait3A_1163 = arith.constant 0 : i32
    %dma_wait3A_1164 = arith.constant 0 : i32
    %dma_wait3A_1165 = tpu.memref_slice %arg6[%dma_wait3A_1161, %dma_wait3A_1163, %dma_wait3A_1164] : memref<2x64x768xf32, #tpu.memory_space<vmem>> -> memref<1x64x768xf32, #tpu.memory_space<vmem>>
    %dma_wait3A_1166 = tpu.memref_squeeze %dma_wait3A_1165 : memref<1x64x768xf32, #tpu.memory_space<vmem>> -> memref<64x768xf32, #tpu.memory_space<vmem>>
    %dma_wait3A_1167 = arith.constant 0 : i32
    %dma_wait3A_1168 = tpu.memref_slice %arg4[%add3A_1144, %dma_wait3A_1167] : memref<32768x768xf32, #tpu.memory_space<hbm>> -> memref<64x768xf32, #tpu.memory_space<hbm>>
    %dma_wait3A_1169 = tpu.memref_slice %arg8[%dma_wait3A_1162] : memref<2x!tpu.dma_semaphore, #tpu.memory_space<semaphore_mem>> -> memref<1x!tpu.dma_semaphore, #tpu.memory_space<semaphore_mem>>
    %dma_wait3A_1170 = tpu.memref_squeeze %dma_wait3A_1169 : memref<1x!tpu.dma_semaphore, #tpu.memory_space<semaphore_mem>> -> memref<!tpu.dma_semaphore, #tpu.memory_space<semaphore_mem>>
    %dma_wait3A_1171 = arith.constant 0 : i32
    %dma_wait3A_1172 = tpu.memref_slice %arg4[%add3A_1144, %dma_wait3A_1171] : memref<32768x768xf32, #tpu.memory_space<hbm>> -> memref<64x768xf32, #tpu.memory_space<hbm>>
    %dma_wait3A_1173 = arith.constant 0 : i32
    %dma_wait3A_1174 = arith.constant 0 : i32
    %dma_wait3A_1175 = tpu.memref_slice %arg6[%dma_wait3A_1161, %dma_wait3A_1173, %dma_wait3A_1174] : memref<2x64x768xf32, #tpu.memory_space<vmem>> -> memref<1x64x768xf32, #tpu.memory_space<vmem>>
    %dma_wait3A_1176 = tpu.memref_squeeze %dma_wait3A_1175 : memref<1x64x768xf32, #tpu.memory_space<vmem>> -> memref<64x768xf32, #tpu.memory_space<vmem>>
    tpu.wait_dma2 semaphore(%dma_wait3A_1170 : memref<!tpu.dma_semaphore, #tpu.memory_space<semaphore_mem>>) src(%dma_wait3A_1176 : memref<64x768xf32, #tpu.memory_space<vmem>>) dst(%dma_wait3A_1172 : memref<64x768xf32, #tpu.memory_space<hbm>>)
    %dma_start3A_1177 = arith.constant 0 : i32
    %dma_start3A_1178 = arith.constant 0 : i32
    %dma_start3A_1179 = arith.constant 0 : i32
    %dma_start3A_1180 = arith.constant 0 : i32
    %dma_start3A_1181 = tpu.memref_slice %arg6[%dma_start3A_1177, %dma_start3A_1179, %dma_start3A_1180] : memref<2x64x768xf32, #tpu.memory_space<vmem>> -> memref<1x32x768xf32, #tpu.memory_space<vmem>>
    %dma_start3A_1182 = tpu.memref_squeeze %dma_start3A_1181 : memref<1x32x768xf32, #tpu.memory_space<vmem>> -> memref<32x768xf32, #tpu.memory_space<vmem>>
    %dma_start3A_1183 = arith.constant 896 : i32
    %dma_start3A_1184 = tpu.memref_slice %arg5[%dma_start3A_1183] : memref<1024xi32, #tpu.memory_space<vmem>> -> memref<32xi32, #tpu.memory_space<vmem>>
    %dma_start3A_1185 = arith.constant 0 : i32
    %dma_start3A_1186 = arith.constant 0 : i32
    %dma_start3A_1187 = tpu.memref_slice %arg2[%dma_start3A_1185, %dma_start3A_1186] : memref<8192x768xf32, #tpu.memory_space<hbm>> -> memref<8192x768xf32, #tpu.memory_space<hbm>>
    %dma_start3A_1188 = tpu.memref_slice %arg7[%dma_start3A_1178] : memref<2x!tpu.dma_semaphore, #tpu.memory_space<semaphore_mem>> -> memref<1x!tpu.dma_semaphore, #tpu.memory_space<semaphore_mem>>
    %dma_start3A_1189 = tpu.memref_squeeze %dma_start3A_1188 : memref<1x!tpu.dma_semaphore, #tpu.memory_space<semaphore_mem>> -> memref<!tpu.dma_semaphore, #tpu.memory_space<semaphore_mem>>
    tpu.enqueue_indirect_dma source(%dma_start3A_1187 : memref<8192x768xf32, #tpu.memory_space<hbm>>) target(%dma_start3A_1182 : memref<32x768xf32, #tpu.memory_space<vmem>>) offsets(%dma_start3A_1184 : memref<32xi32, #tpu.memory_space<vmem>>) semaphore(%dma_start3A_1189 : memref<!tpu.dma_semaphore, #tpu.memory_space<semaphore_mem>>)
    %dma_start3A_1190 = arith.constant 0 : i32
    %dma_start3A_1191 = arith.constant 0 : i32
    %dma_start3A_1192 = arith.constant 32 : i32
    %dma_start3A_1193 = arith.constant 0 : i32
    %dma_start3A_1194 = tpu.memref_slice %arg6[%dma_start3A_1190, %dma_start3A_1192, %dma_start3A_1193] : memref<2x64x768xf32, #tpu.memory_space<vmem>> -> memref<1x32x768xf32, #tpu.memory_space<vmem>>
    %dma_start3A_1195 = tpu.memref_squeeze %dma_start3A_1194 : memref<1x32x768xf32, #tpu.memory_space<vmem>> -> memref<32x768xf32, #tpu.memory_space<vmem>>
    %dma_start3A_1196 = arith.constant 928 : i32
    %dma_start3A_1197 = tpu.memref_slice %arg5[%dma_start3A_1196] : memref<1024xi32, #tpu.memory_space<vmem>> -> memref<32xi32, #tpu.memory_space<vmem>>
    %dma_start3A_1198 = arith.constant 0 : i32
    %dma_start3A_1199 = arith.constant 0 : i32
    %dma_start3A_1200 = tpu.memref_slice %arg2[%dma_start3A_1198, %dma_start3A_1199] : memref<8192x768xf32, #tpu.memory_space<hbm>> -> memref<8192x768xf32, #tpu.memory_space<hbm>>
    %dma_start3A_1201 = tpu.memref_slice %arg7[%dma_start3A_1191] : memref<2x!tpu.dma_semaphore, #tpu.memory_space<semaphore_mem>> -> memref<1x!tpu.dma_semaphore, #tpu.memory_space<semaphore_mem>>
    %dma_start3A_1202 = tpu.memref_squeeze %dma_start3A_1201 : memref<1x!tpu.dma_semaphore, #tpu.memory_space<semaphore_mem>> -> memref<!tpu.dma_semaphore, #tpu.memory_space<semaphore_mem>>
    tpu.enqueue_indirect_dma source(%dma_start3A_1200 : memref<8192x768xf32, #tpu.memory_space<hbm>>) target(%dma_start3A_1195 : memref<32x768xf32, #tpu.memory_space<vmem>>) offsets(%dma_start3A_1197 : memref<32xi32, #tpu.memory_space<vmem>>) semaphore(%dma_start3A_1202 : memref<!tpu.dma_semaphore, #tpu.memory_space<semaphore_mem>>)
    %dma_wait3A_1203 = arith.constant 1 : i32
    %dma_wait3A_1204 = arith.constant 1 : i32
    %dma_wait3A_1205 = arith.constant 0 : i32
    %dma_wait3A_1206 = arith.constant 0 : i32
    %dma_wait3A_1207 = tpu.memref_slice %arg6[%dma_wait3A_1203, %dma_wait3A_1205, %dma_wait3A_1206] : memref<2x64x768xf32, #tpu.memory_space<vmem>> -> memref<1x32x768xf32, #tpu.memory_space<vmem>>
    %dma_wait3A_1208 = tpu.memref_squeeze %dma_wait3A_1207 : memref<1x32x768xf32, #tpu.memory_space<vmem>> -> memref<32x768xf32, #tpu.memory_space<vmem>>
    %dma_wait3A_1209 = arith.constant 832 : i32
    %dma_wait3A_1210 = tpu.memref_slice %arg5[%dma_wait3A_1209] : memref<1024xi32, #tpu.memory_space<vmem>> -> memref<32xi32, #tpu.memory_space<vmem>>
    %dma_wait3A_1211 = arith.constant 0 : i32
    %dma_wait3A_1212 = arith.constant 0 : i32
    %dma_wait3A_1213 = tpu.memref_slice %arg2[%dma_wait3A_1211, %dma_wait3A_1212] : memref<8192x768xf32, #tpu.memory_space<hbm>> -> memref<8192x768xf32, #tpu.memory_space<hbm>>
    %dma_wait3A_1214 = tpu.memref_slice %arg7[%dma_wait3A_1204] : memref<2x!tpu.dma_semaphore, #tpu.memory_space<semaphore_mem>> -> memref<1x!tpu.dma_semaphore, #tpu.memory_space<semaphore_mem>>
    %dma_wait3A_1215 = tpu.memref_squeeze %dma_wait3A_1214 : memref<1x!tpu.dma_semaphore, #tpu.memory_space<semaphore_mem>> -> memref<!tpu.dma_semaphore, #tpu.memory_space<semaphore_mem>>
    tpu.wait_indirect_dma semaphore(%dma_wait3A_1215 : memref<!tpu.dma_semaphore, #tpu.memory_space<semaphore_mem>>) src(%dma_wait3A_1213 : memref<8192x768xf32, #tpu.memory_space<hbm>>) dst(%dma_wait3A_1208 : memref<32x768xf32, #tpu.memory_space<vmem>>)
    %dma_wait3A_1216 = arith.constant 1 : i32
    %dma_wait3A_1217 = arith.constant 1 : i32
    %dma_wait3A_1218 = arith.constant 32 : i32
    %dma_wait3A_1219 = arith.constant 0 : i32
    %dma_wait3A_1220 = tpu.memref_slice %arg6[%dma_wait3A_1216, %dma_wait3A_1218, %dma_wait3A_1219] : memref<2x64x768xf32, #tpu.memory_space<vmem>> -> memref<1x32x768xf32, #tpu.memory_space<vmem>>
    %dma_wait3A_1221 = tpu.memref_squeeze %dma_wait3A_1220 : memref<1x32x768xf32, #tpu.memory_space<vmem>> -> memref<32x768xf32, #tpu.memory_space<vmem>>
    %dma_wait3A_1222 = arith.constant 864 : i32
    %dma_wait3A_1223 = tpu.memref_slice %arg5[%dma_wait3A_1222] : memref<1024xi32, #tpu.memory_space<vmem>> -> memref<32xi32, #tpu.memory_space<vmem>>
    %dma_wait3A_1224 = arith.constant 0 : i32
    %dma_wait3A_1225 = arith.constant 0 : i32
    %dma_wait3A_1226 = tpu.memref_slice %arg2[%dma_wait3A_1224, %dma_wait3A_1225] : memref<8192x768xf32, #tpu.memory_space<hbm>> -> memref<8192x768xf32, #tpu.memory_space<hbm>>
    %dma_wait3A_1227 = tpu.memref_slice %arg7[%dma_wait3A_1217] : memref<2x!tpu.dma_semaphore, #tpu.memory_space<semaphore_mem>> -> memref<1x!tpu.dma_semaphore, #tpu.memory_space<semaphore_mem>>
    %dma_wait3A_1228 = tpu.memref_squeeze %dma_wait3A_1227 : memref<1x!tpu.dma_semaphore, #tpu.memory_space<semaphore_mem>> -> memref<!tpu.dma_semaphore, #tpu.memory_space<semaphore_mem>>
    tpu.wait_indirect_dma semaphore(%dma_wait3A_1228 : memref<!tpu.dma_semaphore, #tpu.memory_space<semaphore_mem>>) src(%dma_wait3A_1226 : memref<8192x768xf32, #tpu.memory_space<hbm>>) dst(%dma_wait3A_1221 : memref<32x768xf32, #tpu.memory_space<vmem>>)
    %add3A_1229 = arith.constant 832 : i32
    %add3A_1230 = arith.addi %mul3A_2, %add3A_1229 : i32
    %dma_start3A_1231 = arith.constant 1 : i32
    %dma_start3A_1232 = arith.constant 1 : i32
    %dma_start3A_1233 = arith.constant 0 : i32
    %dma_start3A_1234 = arith.constant 0 : i32
    %dma_start3A_1235 = tpu.memref_slice %arg6[%dma_start3A_1231, %dma_start3A_1233, %dma_start3A_1234] : memref<2x64x768xf32, #tpu.memory_space<vmem>> -> memref<1x64x768xf32, #tpu.memory_space<vmem>>
    %dma_start3A_1236 = tpu.memref_squeeze %dma_start3A_1235 : memref<1x64x768xf32, #tpu.memory_space<vmem>> -> memref<64x768xf32, #tpu.memory_space<vmem>>
    %dma_start3A_1237 = arith.constant 0 : i32
    %dma_start3A_1238 = tpu.memref_slice %arg4[%add3A_1230, %dma_start3A_1237] : memref<32768x768xf32, #tpu.memory_space<hbm>> -> memref<64x768xf32, #tpu.memory_space<hbm>>
    %dma_start3A_1239 = tpu.memref_slice %arg8[%dma_start3A_1232] : memref<2x!tpu.dma_semaphore, #tpu.memory_space<semaphore_mem>> -> memref<1x!tpu.dma_semaphore, #tpu.memory_space<semaphore_mem>>
    %dma_start3A_1240 = tpu.memref_squeeze %dma_start3A_1239 : memref<1x!tpu.dma_semaphore, #tpu.memory_space<semaphore_mem>> -> memref<!tpu.dma_semaphore, #tpu.memory_space<semaphore_mem>>
    %dma_start3A_1241 = arith.constant 0 : i32
    %dma_start3A_1242 = tpu.memref_slice %arg4[%add3A_1230, %dma_start3A_1241] : memref<32768x768xf32, #tpu.memory_space<hbm>> -> memref<64x768xf32, #tpu.memory_space<hbm>>
    %dma_start3A_1243 = arith.constant 0 : i32
    %dma_start3A_1244 = arith.constant 0 : i32
    %dma_start3A_1245 = tpu.memref_slice %arg6[%dma_start3A_1231, %dma_start3A_1243, %dma_start3A_1244] : memref<2x64x768xf32, #tpu.memory_space<vmem>> -> memref<1x64x768xf32, #tpu.memory_space<vmem>>
    %dma_start3A_1246 = tpu.memref_squeeze %dma_start3A_1245 : memref<1x64x768xf32, #tpu.memory_space<vmem>> -> memref<64x768xf32, #tpu.memory_space<vmem>>
    tpu.enqueue_dma source(%dma_start3A_1246 : memref<64x768xf32, #tpu.memory_space<vmem>>) target(%dma_start3A_1242 : memref<64x768xf32, #tpu.memory_space<hbm>>) target_semaphore(%dma_start3A_1240 : memref<!tpu.dma_semaphore, #tpu.memory_space<semaphore_mem>>)
    %dma_wait3A_1247 = arith.constant 1 : i32
    %dma_wait3A_1248 = arith.constant 1 : i32
    %dma_wait3A_1249 = arith.constant 0 : i32
    %dma_wait3A_1250 = arith.constant 0 : i32
    %dma_wait3A_1251 = tpu.memref_slice %arg6[%dma_wait3A_1247, %dma_wait3A_1249, %dma_wait3A_1250] : memref<2x64x768xf32, #tpu.memory_space<vmem>> -> memref<1x64x768xf32, #tpu.memory_space<vmem>>
    %dma_wait3A_1252 = tpu.memref_squeeze %dma_wait3A_1251 : memref<1x64x768xf32, #tpu.memory_space<vmem>> -> memref<64x768xf32, #tpu.memory_space<vmem>>
    %dma_wait3A_1253 = arith.constant 0 : i32
    %dma_wait3A_1254 = tpu.memref_slice %arg4[%add3A_1230, %dma_wait3A_1253] : memref<32768x768xf32, #tpu.memory_space<hbm>> -> memref<64x768xf32, #tpu.memory_space<hbm>>
    %dma_wait3A_1255 = tpu.memref_slice %arg8[%dma_wait3A_1248] : memref<2x!tpu.dma_semaphore, #tpu.memory_space<semaphore_mem>> -> memref<1x!tpu.dma_semaphore, #tpu.memory_space<semaphore_mem>>
    %dma_wait3A_1256 = tpu.memref_squeeze %dma_wait3A_1255 : memref<1x!tpu.dma_semaphore, #tpu.memory_space<semaphore_mem>> -> memref<!tpu.dma_semaphore, #tpu.memory_space<semaphore_mem>>
    %dma_wait3A_1257 = arith.constant 0 : i32
    %dma_wait3A_1258 = tpu.memref_slice %arg4[%add3A_1230, %dma_wait3A_1257] : memref<32768x768xf32, #tpu.memory_space<hbm>> -> memref<64x768xf32, #tpu.memory_space<hbm>>
    %dma_wait3A_1259 = arith.constant 0 : i32
    %dma_wait3A_1260 = arith.constant 0 : i32
    %dma_wait3A_1261 = tpu.memref_slice %arg6[%dma_wait3A_1247, %dma_wait3A_1259, %dma_wait3A_1260] : memref<2x64x768xf32, #tpu.memory_space<vmem>> -> memref<1x64x768xf32, #tpu.memory_space<vmem>>
    %dma_wait3A_1262 = tpu.memref_squeeze %dma_wait3A_1261 : memref<1x64x768xf32, #tpu.memory_space<vmem>> -> memref<64x768xf32, #tpu.memory_space<vmem>>
    tpu.wait_dma2 semaphore(%dma_wait3A_1256 : memref<!tpu.dma_semaphore, #tpu.memory_space<semaphore_mem>>) src(%dma_wait3A_1262 : memref<64x768xf32, #tpu.memory_space<vmem>>) dst(%dma_wait3A_1258 : memref<64x768xf32, #tpu.memory_space<hbm>>)
    %dma_start3A_1263 = arith.constant 1 : i32
    %dma_start3A_1264 = arith.constant 1 : i32
    %dma_start3A_1265 = arith.constant 0 : i32
    %dma_start3A_1266 = arith.constant 0 : i32
    %dma_start3A_1267 = tpu.memref_slice %arg6[%dma_start3A_1263, %dma_start3A_1265, %dma_start3A_1266] : memref<2x64x768xf32, #tpu.memory_space<vmem>> -> memref<1x32x768xf32, #tpu.memory_space<vmem>>
    %dma_start3A_1268 = tpu.memref_squeeze %dma_start3A_1267 : memref<1x32x768xf32, #tpu.memory_space<vmem>> -> memref<32x768xf32, #tpu.memory_space<vmem>>
    %dma_start3A_1269 = arith.constant 960 : i32
    %dma_start3A_1270 = tpu.memref_slice %arg5[%dma_start3A_1269] : memref<1024xi32, #tpu.memory_space<vmem>> -> memref<32xi32, #tpu.memory_space<vmem>>
    %dma_start3A_1271 = arith.constant 0 : i32
    %dma_start3A_1272 = arith.constant 0 : i32
    %dma_start3A_1273 = tpu.memref_slice %arg2[%dma_start3A_1271, %dma_start3A_1272] : memref<8192x768xf32, #tpu.memory_space<hbm>> -> memref<8192x768xf32, #tpu.memory_space<hbm>>
    %dma_start3A_1274 = tpu.memref_slice %arg7[%dma_start3A_1264] : memref<2x!tpu.dma_semaphore, #tpu.memory_space<semaphore_mem>> -> memref<1x!tpu.dma_semaphore, #tpu.memory_space<semaphore_mem>>
    %dma_start3A_1275 = tpu.memref_squeeze %dma_start3A_1274 : memref<1x!tpu.dma_semaphore, #tpu.memory_space<semaphore_mem>> -> memref<!tpu.dma_semaphore, #tpu.memory_space<semaphore_mem>>
    tpu.enqueue_indirect_dma source(%dma_start3A_1273 : memref<8192x768xf32, #tpu.memory_space<hbm>>) target(%dma_start3A_1268 : memref<32x768xf32, #tpu.memory_space<vmem>>) offsets(%dma_start3A_1270 : memref<32xi32, #tpu.memory_space<vmem>>) semaphore(%dma_start3A_1275 : memref<!tpu.dma_semaphore, #tpu.memory_space<semaphore_mem>>)
    %dma_start3A_1276 = arith.constant 1 : i32
    %dma_start3A_1277 = arith.constant 1 : i32
    %dma_start3A_1278 = arith.constant 32 : i32
    %dma_start3A_1279 = arith.constant 0 : i32
    %dma_start3A_1280 = tpu.memref_slice %arg6[%dma_start3A_1276, %dma_start3A_1278, %dma_start3A_1279] : memref<2x64x768xf32, #tpu.memory_space<vmem>> -> memref<1x32x768xf32, #tpu.memory_space<vmem>>
    %dma_start3A_1281 = tpu.memref_squeeze %dma_start3A_1280 : memref<1x32x768xf32, #tpu.memory_space<vmem>> -> memref<32x768xf32, #tpu.memory_space<vmem>>
    %dma_start3A_1282 = arith.constant 992 : i32
    %dma_start3A_1283 = tpu.memref_slice %arg5[%dma_start3A_1282] : memref<1024xi32, #tpu.memory_space<vmem>> -> memref<32xi32, #tpu.memory_space<vmem>>
    %dma_start3A_1284 = arith.constant 0 : i32
    %dma_start3A_1285 = arith.constant 0 : i32
    %dma_start3A_1286 = tpu.memref_slice %arg2[%dma_start3A_1284, %dma_start3A_1285] : memref<8192x768xf32, #tpu.memory_space<hbm>> -> memref<8192x768xf32, #tpu.memory_space<hbm>>
    %dma_start3A_1287 = tpu.memref_slice %arg7[%dma_start3A_1277] : memref<2x!tpu.dma_semaphore, #tpu.memory_space<semaphore_mem>> -> memref<1x!tpu.dma_semaphore, #tpu.memory_space<semaphore_mem>>
    %dma_start3A_1288 = tpu.memref_squeeze %dma_start3A_1287 : memref<1x!tpu.dma_semaphore, #tpu.memory_space<semaphore_mem>> -> memref<!tpu.dma_semaphore, #tpu.memory_space<semaphore_mem>>
    tpu.enqueue_indirect_dma source(%dma_start3A_1286 : memref<8192x768xf32, #tpu.memory_space<hbm>>) target(%dma_start3A_1281 : memref<32x768xf32, #tpu.memory_space<vmem>>) offsets(%dma_start3A_1283 : memref<32xi32, #tpu.memory_space<vmem>>) semaphore(%dma_start3A_1288 : memref<!tpu.dma_semaphore, #tpu.memory_space<semaphore_mem>>)
    %dma_wait3A_1289 = arith.constant 0 : i32
    %dma_wait3A_1290 = arith.constant 0 : i32
    %dma_wait3A_1291 = arith.constant 0 : i32
    %dma_wait3A_1292 = arith.constant 0 : i32
    %dma_wait3A_1293 = tpu.memref_slice %arg6[%dma_wait3A_1289, %dma_wait3A_1291, %dma_wait3A_1292] : memref<2x64x768xf32, #tpu.memory_space<vmem>> -> memref<1x32x768xf32, #tpu.memory_space<vmem>>
    %dma_wait3A_1294 = tpu.memref_squeeze %dma_wait3A_1293 : memref<1x32x768xf32, #tpu.memory_space<vmem>> -> memref<32x768xf32, #tpu.memory_space<vmem>>
    %dma_wait3A_1295 = arith.constant 896 : i32
    %dma_wait3A_1296 = tpu.memref_slice %arg5[%dma_wait3A_1295] : memref<1024xi32, #tpu.memory_space<vmem>> -> memref<32xi32, #tpu.memory_space<vmem>>
    %dma_wait3A_1297 = arith.constant 0 : i32
    %dma_wait3A_1298 = arith.constant 0 : i32
    %dma_wait3A_1299 = tpu.memref_slice %arg2[%dma_wait3A_1297, %dma_wait3A_1298] : memref<8192x768xf32, #tpu.memory_space<hbm>> -> memref<8192x768xf32, #tpu.memory_space<hbm>>
    %dma_wait3A_1300 = tpu.memref_slice %arg7[%dma_wait3A_1290] : memref<2x!tpu.dma_semaphore, #tpu.memory_space<semaphore_mem>> -> memref<1x!tpu.dma_semaphore, #tpu.memory_space<semaphore_mem>>
    %dma_wait3A_1301 = tpu.memref_squeeze %dma_wait3A_1300 : memref<1x!tpu.dma_semaphore, #tpu.memory_space<semaphore_mem>> -> memref<!tpu.dma_semaphore, #tpu.memory_space<semaphore_mem>>
    tpu.wait_indirect_dma semaphore(%dma_wait3A_1301 : memref<!tpu.dma_semaphore, #tpu.memory_space<semaphore_mem>>) src(%dma_wait3A_1299 : memref<8192x768xf32, #tpu.memory_space<hbm>>) dst(%dma_wait3A_1294 : memref<32x768xf32, #tpu.memory_space<vmem>>)
    %dma_wait3A_1302 = arith.constant 0 : i32
    %dma_wait3A_1303 = arith.constant 0 : i32
    %dma_wait3A_1304 = arith.constant 32 : i32
    %dma_wait3A_1305 = arith.constant 0 : i32
    %dma_wait3A_1306 = tpu.memref_slice %arg6[%dma_wait3A_1302, %dma_wait3A_1304, %dma_wait3A_1305] : memref<2x64x768xf32, #tpu.memory_space<vmem>> -> memref<1x32x768xf32, #tpu.memory_space<vmem>>
    %dma_wait3A_1307 = tpu.memref_squeeze %dma_wait3A_1306 : memref<1x32x768xf32, #tpu.memory_space<vmem>> -> memref<32x768xf32, #tpu.memory_space<vmem>>
    %dma_wait3A_1308 = arith.constant 928 : i32
    %dma_wait3A_1309 = tpu.memref_slice %arg5[%dma_wait3A_1308] : memref<1024xi32, #tpu.memory_space<vmem>> -> memref<32xi32, #tpu.memory_space<vmem>>
    %dma_wait3A_1310 = arith.constant 0 : i32
    %dma_wait3A_1311 = arith.constant 0 : i32
    %dma_wait3A_1312 = tpu.memref_slice %arg2[%dma_wait3A_1310, %dma_wait3A_1311] : memref<8192x768xf32, #tpu.memory_space<hbm>> -> memref<8192x768xf32, #tpu.memory_space<hbm>>
    %dma_wait3A_1313 = tpu.memref_slice %arg7[%dma_wait3A_1303] : memref<2x!tpu.dma_semaphore, #tpu.memory_space<semaphore_mem>> -> memref<1x!tpu.dma_semaphore, #tpu.memory_space<semaphore_mem>>
    %dma_wait3A_1314 = tpu.memref_squeeze %dma_wait3A_1313 : memref<1x!tpu.dma_semaphore, #tpu.memory_space<semaphore_mem>> -> memref<!tpu.dma_semaphore, #tpu.memory_space<semaphore_mem>>
    tpu.wait_indirect_dma semaphore(%dma_wait3A_1314 : memref<!tpu.dma_semaphore, #tpu.memory_space<semaphore_mem>>) src(%dma_wait3A_1312 : memref<8192x768xf32, #tpu.memory_space<hbm>>) dst(%dma_wait3A_1307 : memref<32x768xf32, #tpu.memory_space<vmem>>)
    %add3A_1315 = arith.constant 896 : i32
    %add3A_1316 = arith.addi %mul3A_2, %add3A_1315 : i32
    %dma_start3A_1317 = arith.constant 0 : i32
    %dma_start3A_1318 = arith.constant 0 : i32
    %dma_start3A_1319 = arith.constant 0 : i32
    %dma_start3A_1320 = arith.constant 0 : i32
    %dma_start3A_1321 = tpu.memref_slice %arg6[%dma_start3A_1317, %dma_start3A_1319, %dma_start3A_1320] : memref<2x64x768xf32, #tpu.memory_space<vmem>> -> memref<1x64x768xf32, #tpu.memory_space<vmem>>
    %dma_start3A_1322 = tpu.memref_squeeze %dma_start3A_1321 : memref<1x64x768xf32, #tpu.memory_space<vmem>> -> memref<64x768xf32, #tpu.memory_space<vmem>>
    %dma_start3A_1323 = arith.constant 0 : i32
    %dma_start3A_1324 = tpu.memref_slice %arg4[%add3A_1316, %dma_start3A_1323] : memref<32768x768xf32, #tpu.memory_space<hbm>> -> memref<64x768xf32, #tpu.memory_space<hbm>>
    %dma_start3A_1325 = tpu.memref_slice %arg8[%dma_start3A_1318] : memref<2x!tpu.dma_semaphore, #tpu.memory_space<semaphore_mem>> -> memref<1x!tpu.dma_semaphore, #tpu.memory_space<semaphore_mem>>
    %dma_start3A_1326 = tpu.memref_squeeze %dma_start3A_1325 : memref<1x!tpu.dma_semaphore, #tpu.memory_space<semaphore_mem>> -> memref<!tpu.dma_semaphore, #tpu.memory_space<semaphore_mem>>
    %dma_start3A_1327 = arith.constant 0 : i32
    %dma_start3A_1328 = tpu.memref_slice %arg4[%add3A_1316, %dma_start3A_1327] : memref<32768x768xf32, #tpu.memory_space<hbm>> -> memref<64x768xf32, #tpu.memory_space<hbm>>
    %dma_start3A_1329 = arith.constant 0 : i32
    %dma_start3A_1330 = arith.constant 0 : i32
    %dma_start3A_1331 = tpu.memref_slice %arg6[%dma_start3A_1317, %dma_start3A_1329, %dma_start3A_1330] : memref<2x64x768xf32, #tpu.memory_space<vmem>> -> memref<1x64x768xf32, #tpu.memory_space<vmem>>
    %dma_start3A_1332 = tpu.memref_squeeze %dma_start3A_1331 : memref<1x64x768xf32, #tpu.memory_space<vmem>> -> memref<64x768xf32, #tpu.memory_space<vmem>>
    tpu.enqueue_dma source(%dma_start3A_1332 : memref<64x768xf32, #tpu.memory_space<vmem>>) target(%dma_start3A_1328 : memref<64x768xf32, #tpu.memory_space<hbm>>) target_semaphore(%dma_start3A_1326 : memref<!tpu.dma_semaphore, #tpu.memory_space<semaphore_mem>>)
    %dma_wait3A_1333 = arith.constant 1 : i32
    %dma_wait3A_1334 = arith.constant 1 : i32
    %dma_wait3A_1335 = arith.constant 0 : i32
    %dma_wait3A_1336 = arith.constant 0 : i32
    %dma_wait3A_1337 = tpu.memref_slice %arg6[%dma_wait3A_1333, %dma_wait3A_1335, %dma_wait3A_1336] : memref<2x64x768xf32, #tpu.memory_space<vmem>> -> memref<1x32x768xf32, #tpu.memory_space<vmem>>
    %dma_wait3A_1338 = tpu.memref_squeeze %dma_wait3A_1337 : memref<1x32x768xf32, #tpu.memory_space<vmem>> -> memref<32x768xf32, #tpu.memory_space<vmem>>
    %dma_wait3A_1339 = arith.constant 960 : i32
    %dma_wait3A_1340 = tpu.memref_slice %arg5[%dma_wait3A_1339] : memref<1024xi32, #tpu.memory_space<vmem>> -> memref<32xi32, #tpu.memory_space<vmem>>
    %dma_wait3A_1341 = arith.constant 0 : i32
    %dma_wait3A_1342 = arith.constant 0 : i32
    %dma_wait3A_1343 = tpu.memref_slice %arg2[%dma_wait3A_1341, %dma_wait3A_1342] : memref<8192x768xf32, #tpu.memory_space<hbm>> -> memref<8192x768xf32, #tpu.memory_space<hbm>>
    %dma_wait3A_1344 = tpu.memref_slice %arg7[%dma_wait3A_1334] : memref<2x!tpu.dma_semaphore, #tpu.memory_space<semaphore_mem>> -> memref<1x!tpu.dma_semaphore, #tpu.memory_space<semaphore_mem>>
    %dma_wait3A_1345 = tpu.memref_squeeze %dma_wait3A_1344 : memref<1x!tpu.dma_semaphore, #tpu.memory_space<semaphore_mem>> -> memref<!tpu.dma_semaphore, #tpu.memory_space<semaphore_mem>>
    tpu.wait_indirect_dma semaphore(%dma_wait3A_1345 : memref<!tpu.dma_semaphore, #tpu.memory_space<semaphore_mem>>) src(%dma_wait3A_1343 : memref<8192x768xf32, #tpu.memory_space<hbm>>) dst(%dma_wait3A_1338 : memref<32x768xf32, #tpu.memory_space<vmem>>)
    %dma_wait3A_1346 = arith.constant 1 : i32
    %dma_wait3A_1347 = arith.constant 1 : i32
    %dma_wait3A_1348 = arith.constant 32 : i32
    %dma_wait3A_1349 = arith.constant 0 : i32
    %dma_wait3A_1350 = tpu.memref_slice %arg6[%dma_wait3A_1346, %dma_wait3A_1348, %dma_wait3A_1349] : memref<2x64x768xf32, #tpu.memory_space<vmem>> -> memref<1x32x768xf32, #tpu.memory_space<vmem>>
    %dma_wait3A_1351 = tpu.memref_squeeze %dma_wait3A_1350 : memref<1x32x768xf32, #tpu.memory_space<vmem>> -> memref<32x768xf32, #tpu.memory_space<vmem>>
    %dma_wait3A_1352 = arith.constant 992 : i32
    %dma_wait3A_1353 = tpu.memref_slice %arg5[%dma_wait3A_1352] : memref<1024xi32, #tpu.memory_space<vmem>> -> memref<32xi32, #tpu.memory_space<vmem>>
    %dma_wait3A_1354 = arith.constant 0 : i32
    %dma_wait3A_1355 = arith.constant 0 : i32
    %dma_wait3A_1356 = tpu.memref_slice %arg2[%dma_wait3A_1354, %dma_wait3A_1355] : memref<8192x768xf32, #tpu.memory_space<hbm>> -> memref<8192x768xf32, #tpu.memory_space<hbm>>
    %dma_wait3A_1357 = tpu.memref_slice %arg7[%dma_wait3A_1347] : memref<2x!tpu.dma_semaphore, #tpu.memory_space<semaphore_mem>> -> memref<1x!tpu.dma_semaphore, #tpu.memory_space<semaphore_mem>>
    %dma_wait3A_1358 = tpu.memref_squeeze %dma_wait3A_1357 : memref<1x!tpu.dma_semaphore, #tpu.memory_space<semaphore_mem>> -> memref<!tpu.dma_semaphore, #tpu.memory_space<semaphore_mem>>
    tpu.wait_indirect_dma semaphore(%dma_wait3A_1358 : memref<!tpu.dma_semaphore, #tpu.memory_space<semaphore_mem>>) src(%dma_wait3A_1356 : memref<8192x768xf32, #tpu.memory_space<hbm>>) dst(%dma_wait3A_1351 : memref<32x768xf32, #tpu.memory_space<vmem>>)
    %add3A_1359 = arith.constant 960 : i32
    %add3A_1360 = arith.addi %mul3A_2, %add3A_1359 : i32
    %dma_start3A_1361 = arith.constant 1 : i32
    %dma_start3A_1362 = arith.constant 1 : i32
    %dma_start3A_1363 = arith.constant 0 : i32
    %dma_start3A_1364 = arith.constant 0 : i32
    %dma_start3A_1365 = tpu.memref_slice %arg6[%dma_start3A_1361, %dma_start3A_1363, %dma_start3A_1364] : memref<2x64x768xf32, #tpu.memory_space<vmem>> -> memref<1x64x768xf32, #tpu.memory_space<vmem>>
    %dma_start3A_1366 = tpu.memref_squeeze %dma_start3A_1365 : memref<1x64x768xf32, #tpu.memory_space<vmem>> -> memref<64x768xf32, #tpu.memory_space<vmem>>
    %dma_start3A_1367 = arith.constant 0 : i32
    %dma_start3A_1368 = tpu.memref_slice %arg4[%add3A_1360, %dma_start3A_1367] : memref<32768x768xf32, #tpu.memory_space<hbm>> -> memref<64x768xf32, #tpu.memory_space<hbm>>
    %dma_start3A_1369 = tpu.memref_slice %arg8[%dma_start3A_1362] : memref<2x!tpu.dma_semaphore, #tpu.memory_space<semaphore_mem>> -> memref<1x!tpu.dma_semaphore, #tpu.memory_space<semaphore_mem>>
    %dma_start3A_1370 = tpu.memref_squeeze %dma_start3A_1369 : memref<1x!tpu.dma_semaphore, #tpu.memory_space<semaphore_mem>> -> memref<!tpu.dma_semaphore, #tpu.memory_space<semaphore_mem>>
    %dma_start3A_1371 = arith.constant 0 : i32
    %dma_start3A_1372 = tpu.memref_slice %arg4[%add3A_1360, %dma_start3A_1371] : memref<32768x768xf32, #tpu.memory_space<hbm>> -> memref<64x768xf32, #tpu.memory_space<hbm>>
    %dma_start3A_1373 = arith.constant 0 : i32
    %dma_start3A_1374 = arith.constant 0 : i32
    %dma_start3A_1375 = tpu.memref_slice %arg6[%dma_start3A_1361, %dma_start3A_1373, %dma_start3A_1374] : memref<2x64x768xf32, #tpu.memory_space<vmem>> -> memref<1x64x768xf32, #tpu.memory_space<vmem>>
    %dma_start3A_1376 = tpu.memref_squeeze %dma_start3A_1375 : memref<1x64x768xf32, #tpu.memory_space<vmem>> -> memref<64x768xf32, #tpu.memory_space<vmem>>
    tpu.enqueue_dma source(%dma_start3A_1376 : memref<64x768xf32, #tpu.memory_space<vmem>>) target(%dma_start3A_1372 : memref<64x768xf32, #tpu.memory_space<hbm>>) target_semaphore(%dma_start3A_1370 : memref<!tpu.dma_semaphore, #tpu.memory_space<semaphore_mem>>)
    %dma_wait3A_1377 = arith.constant 0 : i32
    %dma_wait3A_1378 = arith.constant 0 : i32
    %dma_wait3A_1379 = arith.constant 0 : i32
    %dma_wait3A_1380 = arith.constant 0 : i32
    %dma_wait3A_1381 = tpu.memref_slice %arg6[%dma_wait3A_1377, %dma_wait3A_1379, %dma_wait3A_1380] : memref<2x64x768xf32, #tpu.memory_space<vmem>> -> memref<1x64x768xf32, #tpu.memory_space<vmem>>
    %dma_wait3A_1382 = tpu.memref_squeeze %dma_wait3A_1381 : memref<1x64x768xf32, #tpu.memory_space<vmem>> -> memref<64x768xf32, #tpu.memory_space<vmem>>
    %dma_wait3A_1383 = arith.constant 0 : i32
    %dma_wait3A_1384 = tpu.memref_slice %arg4[%add3A_1316, %dma_wait3A_1383] : memref<32768x768xf32, #tpu.memory_space<hbm>> -> memref<64x768xf32, #tpu.memory_space<hbm>>
    %dma_wait3A_1385 = tpu.memref_slice %arg8[%dma_wait3A_1378] : memref<2x!tpu.dma_semaphore, #tpu.memory_space<semaphore_mem>> -> memref<1x!tpu.dma_semaphore, #tpu.memory_space<semaphore_mem>>
    %dma_wait3A_1386 = tpu.memref_squeeze %dma_wait3A_1385 : memref<1x!tpu.dma_semaphore, #tpu.memory_space<semaphore_mem>> -> memref<!tpu.dma_semaphore, #tpu.memory_space<semaphore_mem>>
    %dma_wait3A_1387 = arith.constant 0 : i32
    %dma_wait3A_1388 = tpu.memref_slice %arg4[%add3A_1316, %dma_wait3A_1387] : memref<32768x768xf32, #tpu.memory_space<hbm>> -> memref<64x768xf32, #tpu.memory_space<hbm>>
    %dma_wait3A_1389 = arith.constant 0 : i32
    %dma_wait3A_1390 = arith.constant 0 : i32
    %dma_wait3A_1391 = tpu.memref_slice %arg6[%dma_wait3A_1377, %dma_wait3A_1389, %dma_wait3A_1390] : memref<2x64x768xf32, #tpu.memory_space<vmem>> -> memref<1x64x768xf32, #tpu.memory_space<vmem>>
    %dma_wait3A_1392 = tpu.memref_squeeze %dma_wait3A_1391 : memref<1x64x768xf32, #tpu.memory_space<vmem>> -> memref<64x768xf32, #tpu.memory_space<vmem>>
    tpu.wait_dma2 semaphore(%dma_wait3A_1386 : memref<!tpu.dma_semaphore, #tpu.memory_space<semaphore_mem>>) src(%dma_wait3A_1392 : memref<64x768xf32, #tpu.memory_space<vmem>>) dst(%dma_wait3A_1388 : memref<64x768xf32, #tpu.memory_space<hbm>>)
    %dma_wait3A_1393 = arith.constant 1 : i32
    %dma_wait3A_1394 = arith.constant 1 : i32
    %dma_wait3A_1395 = arith.constant 0 : i32
    %dma_wait3A_1396 = arith.constant 0 : i32
    %dma_wait3A_1397 = tpu.memref_slice %arg6[%dma_wait3A_1393, %dma_wait3A_1395, %dma_wait3A_1396] : memref<2x64x768xf32, #tpu.memory_space<vmem>> -> memref<1x64x768xf32, #tpu.memory_space<vmem>>
    %dma_wait3A_1398 = tpu.memref_squeeze %dma_wait3A_1397 : memref<1x64x768xf32, #tpu.memory_space<vmem>> -> memref<64x768xf32, #tpu.memory_space<vmem>>
    %dma_wait3A_1399 = arith.constant 0 : i32
    %dma_wait3A_1400 = tpu.memref_slice %arg4[%add3A_1360, %dma_wait3A_1399] : memref<32768x768xf32, #tpu.memory_space<hbm>> -> memref<64x768xf32, #tpu.memory_space<hbm>>
    %dma_wait3A_1401 = tpu.memref_slice %arg8[%dma_wait3A_1394] : memref<2x!tpu.dma_semaphore, #tpu.memory_space<semaphore_mem>> -> memref<1x!tpu.dma_semaphore, #tpu.memory_space<semaphore_mem>>
    %dma_wait3A_1402 = tpu.memref_squeeze %dma_wait3A_1401 : memref<1x!tpu.dma_semaphore, #tpu.memory_space<semaphore_mem>> -> memref<!tpu.dma_semaphore, #tpu.memory_space<semaphore_mem>>
    %dma_wait3A_1403 = arith.constant 0 : i32
    %dma_wait3A_1404 = tpu.memref_slice %arg4[%add3A_1360, %dma_wait3A_1403] : memref<32768x768xf32, #tpu.memory_space<hbm>> -> memref<64x768xf32, #tpu.memory_space<hbm>>
    %dma_wait3A_1405 = arith.constant 0 : i32
    %dma_wait3A_1406 = arith.constant 0 : i32
    %dma_wait3A_1407 = tpu.memref_slice %arg6[%dma_wait3A_1393, %dma_wait3A_1405, %dma_wait3A_1406] : memref<2x64x768xf32, #tpu.memory_space<vmem>> -> memref<1x64x768xf32, #tpu.memory_space<vmem>>
    %dma_wait3A_1408 = tpu.memref_squeeze %dma_wait3A_1407 : memref<1x64x768xf32, #tpu.memory_space<vmem>> -> memref<64x768xf32, #tpu.memory_space<vmem>>
    tpu.wait_dma2 semaphore(%dma_wait3A_1402 : memref<!tpu.dma_semaphore, #tpu.memory_space<semaphore_mem>>) src(%dma_wait3A_1408 : memref<64x768xf32, #tpu.memory_space<vmem>>) dst(%dma_wait3A_1404 : memref<64x768xf32, #tpu.memory_space<hbm>>)
    return
  }
}

</mosaic_0001>

<sc_bundles>
// kernel: _sc_gather.3.cloned.1.call-start
scs
__scs_entry_jumppad:
0x0: {  	(pc) =	sbr.rel $0x88, $3  }
0x1: {  	(tag) =	ssettag $0x0;
	lr =	simm.s32 $0x1  }
0x2: {  	[smem:$0x3F9F] =	sst lr;
	_ =	strace $0xD0000000  }
0x3: {  	_ = 	snop  }
0x4: {  	_ = 	snop  }
0x5: {  	_ = 	snop  }
0x6: {  	_ = 	snop  }
0x7: {  	_ = 	snop  }
__scs_overlays_trampoline_lowered:
0x8: {  	[smem:$0x3FAE] =	sst s0  }
0x9: {  	[smem:$0x3FAF] =	sst s1  }
0xa: {  	[smem:$0x3FB0] =	sst s2  }
0xb: {  	[smem:$0x3FB1] =	sst s3  }
0xc: {  	[smem:$0x3FB2] =	sst s4  }
0xd: {  	[smem:$0x3FB3] =	sst s5  }
0xe: {  	[smem:$0x3FB4] =	sst s6  }
0xf: {  	[smem:$0x3FB5] =	sst s7  }
0x10: {  	[smem:$0x3FB6] =	sst s8  }
0x11: {  	[smem:$0x3FB7] =	sst s9;
	s0 =	simm.s32 @!p0 $0x0  }
0x12: {  	s1 =	sld [smem:$0x3F9D];
	s0 =	simm.s32 @p0 $0x1  }
0x13: {  	[smem:$0x3FB8] =	sst s0;
	s0 =	simm.s32 @!p1 $0x0  }
0x14: {  	s2 =	sld [smem:$0x3F9C];
	s0 =	simm.s32 @p1 $0x1  }
0x15: {  	[smem:$0x3FB9] =	sst s0;
	s0 =	simm.s32 @!p2 $0x0  }
0x16: {  	s3 =	sld [smem:$0x3FDB];
	s0 =	simm.s32 @p2 $0x1  }
0x17: {  	s4 =	simm.s32 $0x1BF5;
	[smem:$0x3FBB] =	sst s0  }
0x18: {  	s0 =	sld [smem:$0x3F9E];
	_ =	swait.ge [sflag:s4], $0x0  }
0x19: {  	s7 =	sld [smem:$0x3F9F]  }
0x1a: {  	s8 =	sadd.s32 $0xFFFFE003, lr  }
0x1b: {  	s9 =	sadd.s32 $0xFFFFFEF7, lr;
	s5 =	simm.s32 $0xFFFFFFFF;
	p2 =	slt.u32 s8, $0xFFFFF086  }
0x1c: {  	p1 =	slt.u32 s9, $0xF7A;
	s5 =	simm.s32 @!p2 $0x0  }
0x1d: {  	s5 =	simm.s32 @p1 $0x1;
	p0 =	seq.s32 s7, s2  }
0x1e: {  	s7 =	smul.u32 @!p0 $0xF7A, s2;
	p2 =	seq.s32 @!p0 s5, $0x0  }
0x1f: {  	s9 =	smul.u32 $0xF7A, s1;
	s8 =	simm.s32 @!p0 $0x1BF5;
	p2 =	por !p2, p0  }
0x20: {  	[sflag:s8] =	ssyncset.s32 @!p0 $0xFFFFF086;
	s6 =	sadd.s32 @!p0 s3, s7;
	s7 =	simm.s32 @!p0 $0x108  }
0x21: {  	s3 =	sadd.s32 s3, s9;
	s6 =	sadd.s32 @!p0 $0x88, s6;
	s7 =	simm.s32 @p2 $0x1082  }
0x22: {  	[simem:s7], [sflag:s8] =	dma.local @!p0 [hbm:s6], $0xF7A  }
0x23: {  	s9 =	sor.u32 $0xD0000000, s2;
	s6 =	simm.s32 $0x108;
	_ =	swait.ge @!p0 [sflag:s8], $0x0  }
0x24: {  	s3 =	sadd.s32 $0x88, s3;
	s6 =	simm.s32 @!p1 $0x1082;
	[sflag:s4] =	ssyncset.s32 $0xFFFFF086  }
0x25: {  	[simem:s6], [sflag:s4] =	dma.local [hbm:s3], $0xF7A  }
0x26: {  	[smem:$0x3F9F] =	sst s1;
	(tag) =	ssettag s2;
	_ =	strace s9  }
0x27: {  	s1 =	sld [smem:$0x3FAF]  }
0x28: {  	s2 =	sld [smem:$0x3FB0]  }
0x29: {  	s4 =	sld [smem:$0x3FB2]  }
0x2a: {  	p0 =	seq.s32 s5, $0x0;
	s5 =	sld [smem:$0x3FB3]  }
0x2b: {  	s6 =	sld [smem:$0x3FB4]  }
0x2c: {  	s7 =	sld [smem:$0x3FB5]  }
0x2d: {  	s3 =	simm.s32 $0x108;
	s8 =	sld [smem:$0x3FB6]  }
0x2e: {  	s3 =	simm.s32 @!p0 $0x1082;
	s9 =	sld [smem:$0x3FB7]  }
0x2f: {  	lr =	sadd.s32 s0, s3;
	s0 =	sld [smem:$0x3FAE]  }
0x30: {  	s3 =	sld [smem:$0x3FB1]  }
0x31: {  	[smem:$0x3FBA] =	sst s10  }
0x32: {  	s10 =	sld [smem:$0x3FB8];
	_ =	sdelay $0x3  }
0x33: {  	p0 =	seq.s32 s10, $0x1;
	s10 =	sld [smem:$0x3FBA];
	_ =	sdelay $0x3  }
0x34: {  	[smem:$0x3FBA] =	sst s10  }
0x35: {  	s10 =	sld [smem:$0x3FB9];
	_ =	sdelay $0x3  }
0x36: {  	p1 =	seq.s32 s10, $0x1;
	s10 =	sld [smem:$0x3FBA];
	_ =	sdelay $0x3  }
0x37: {  	[smem:$0x3FBA] =	sst s10  }
0x38: {  	s10 =	sld [smem:$0x3FBB]  }
0x39: {  	_ = 	snop;
	(pc) =	sbr.ind lr, $3  }
0x3a: {  	_ = 	snop  }
0x3b: {  	_ = 	snop  }
0x3c: {  	p2 =	seq.s32 s10, $0x1;
	s10 =	sld [smem:$0x3FBA]  }
0x3d: {  	_ =	shalt  }
0x3e: {  	_ =	shalt  }
0x3f: {  	_ =	shalt  }
0x40: {  	_ =	shalt  }
0x41: {  	_ =	shalt  }
0x42: {  	_ =	shalt  }
0x43: {  	_ =	shalt  }
0x44: {  	_ =	shalt  }
0x45: {  	_ =	shalt  }
0x46: {  	_ =	shalt  }
0x47: {  	_ =	shalt  }
0x48: {  	_ =	shalt  }
0x49: {  	_ =	shalt  }
0x4a: {  	_ =	shalt  }
0x4b: {  	_ =	shalt  }
0x4c: {  	_ =	shalt  }
0x4d: {  	_ =	shalt  }
0x4e: {  	_ =	shalt  }
0x4f: {  	_ =	shalt  }
0x50: {  	_ =	shalt  }
0x51: {  	_ =	shalt  }
0x52: {  	_ =	shalt  }
0x53: {  	_ =	shalt  }
0x54: {  	_ =	shalt  }
0x55: {  	_ =	shalt  }
0x56: {  	_ =	shalt  }
0x57: {  	_ =	shalt  }
0x58: {  	_ =	shalt  }
0x59: {  	_ =	shalt  }
0x5a: {  	_ =	shalt  }
0x5b: {  	_ =	shalt  }
0x5c: {  	_ =	shalt  }
0x5d: {  	_ =	shalt  }
0x5e: {  	_ =	shalt  }
0x5f: {  	_ =	shalt  }
0x60: {  	_ =	shalt  }
0x61: {  	_ =	shalt  }
0x62: {  	_ =	shalt  }
0x63: {  	_ =	shalt  }
0x64: {  	_ =	shalt  }
0x65: {  	_ =	shalt  }
0x66: {  	_ =	shalt  }
0x67: {  	_ =	shalt  }
0x68: {  	_ =	shalt  }
0x69: {  	_ =	shalt  }
0x6a: {  	_ =	shalt  }
0x6b: {  	_ =	shalt  }
0x6c: {  	_ =	shalt  }
0x6d: {  	_ =	shalt  }
0x6e: {  	_ =	shalt  }
0x6f: {  	_ =	shalt  }
0x70: {  	_ =	shalt  }
0x71: {  	_ =	shalt  }
0x72: {  	_ =	shalt  }
0x73: {  	_ =	shalt  }
0x74: {  	_ =	shalt  }
0x75: {  	_ =	shalt  }
0x76: {  	_ =	shalt  }
0x77: {  	_ =	shalt  }
0x78: {  	_ =	shalt  }
0x79: {  	_ =	shalt  }
0x7a: {  	_ =	shalt  }
0x7b: {  	_ =	shalt  }
0x7c: {  	_ =	shalt  }
0x7d: {  	_ =	shalt  }
0x7e: {  	_ =	shalt  }
0x7f: {  	_ =	shalt  }
0x80: {  	_ =	shalt  }
0x81: {  	_ =	shalt  }
0x82: {  	_ =	shalt  }
0x83: {  	_ =	shalt  }
0x84: {  	_ =	shalt  }
0x85: {  	_ =	shalt  }
0x86: {  	_ =	shalt  }
0x87: {  	_ =	shalt  }
.Lfunc_end0:
.L_simem_size_0:
called_computation_lowered:
.L_overlay_start_0:
0x88: {  	s2 =	sld [smem:$0x3FD9]  }
0x89: {  	s3 =	sld [smem:$0x3FFE];
	_ =	sdelay $0x1  }
0x8a: {  	s1 =	srdreg.scid  }
0x8b: {  	s0 =	sand.u32 $0x1, s1  }
0x8c: {  	s18 =	sshll.u32 s0, $0xA;
	s2 =	sadd.s32 s3, s2  }
0x8d: {  	s2 =	sadd.s32 s2, s18  }
0x8e: {  	[smem:$0x3FC6] =	sst s2  }
0x8f: {  	_ = 	snop  }
0x90: {  	s2 =	sld [smem:$0x3FC9]  }
0x91: {  	s19 =	sld [smem:$0x3FC8]  }
0x92: {  	s4 =	sld [smem:$0x3FD0];
	(tm) =	ssettm $0x1  }
0x93: {  	s5 =	sld [smem:$0x3FFB];
	_ =	sdelay $0x3  }
0x94: {  	_ =	strace s5  }
0x95: {  	s5 =	sld [smem:$0x3FFC];
	_ =	sdelay $0x3  }
0x96: {  	_ =	strace s5  }
0x97: {  	s5 =	sld [smem:$0x3FFD];
	_ =	sdelay $0x3  }
0x98: {  	_ =	strace s5  }
0x99: {  	_ =	strace $0x8FFFFFFF  }
0x9a: {  	s20 =	sld [smem:$0x3FDB];
	_ =	sdelay $0x1  }
0x9b: {  	s6 =	simm.s32 $_scs_section_size  }
0x9c: {  	s7 =	simm.s32 $_size__tile_overlayer_lowered;
	s8 =	simm.s32 $_tile_overlayer_lowered  }
0x9d: {  	s23 =	simm.s32 $0x1BFF;
	s22 =	sshll.u32 s8, $0x1;
	s5 =	sadd.s32 s6, s20  }
0x9e: {  	s9 =	simm.s32 $0x0;
	s21 =	sshll.u32 s7, $0x1;
	s7 =	sadd.s32 s22, s5  }
0x9f: {  	[timem:s9], [sflag:s23] =	dma.local [hbm:s7], s21  }
0xa0: {  	_ =	swait.ge [sflag:s23], s21  }
0xa1: {  	s6 =	ssub.s32 $0x0, s21;
	[sflag:s23] =	ssyncset.done $0x0  }
0xa2: {  	[sflag:s23] =	ssyncadd.s32 s6;
	_ =	sdelay $0x1  }
0xa3: {  	s24 =	simm.s32 $0x1B8B  }
0xa4: {  	_ =	swait.ge [sflag:s24], $0x1  }
0xa5: {  	[sflag:s24] =	ssyncset.done $0x0  }
0xa6: {  	s25 =	simm.s32 $0x1B8E;
	[sflag:s24] =	ssyncadd.s32 $0xFFFFFFFF  }
0xa7: {  	s26 =	simm.s32 $execute0_lowered;
	[smem:$0x3FD2] =	sst s25  }
0xa8: {  	s6 =	sshll.u32 s26, $0x1;
	_ =	strace $0x80000046;
	[dreg:$0x1] =	wrdreg $0xFFFFFFFF  }
0xa9: {  	s28 =	simm.s32 $_size_execute0_lowered;
	s5 =	sadd.s32 s5, s6;
	[dreg:$0x0] =	wrdreg $0x0  }
0xaa: {  	s6 =	sshll.u32 s28, $0x1;
	[dreg:$0x2] =	wrdreg s5  }
0xab: {  	[dreg:$0x3] =	wrdreg s6  }
0xac: {  	[dreg:$0x4] =	wrdreg $0xC0  }
0xad: {  	_ =	task [dreg:s9], $0x5FFFF  }
0xae: {  	[dreg:$0x1] =	wrdreg $0xFFFFFFFF  }
0xaf: {  	[dreg:$0x0] =	wrdreg $0x60  }
0xb0: {  	[dreg:$0x2] =	wrdreg s2  }
0xb1: {  	[dreg:$0x3] =	wrdreg s19  }
0xb2: {  	[dreg:$0x4] =	wrdreg s4  }
0xb3: {  	[dreg:$0x5] =	wrdreg $0x9  }
0xb4: {  	_ =	task.clear_ibuf [dreg:s9], $0x6FFFF;
	_ =	strace $0x90000046  }
0xb5: {  	s29 =	simm.s32 $0x9;
	_ =	strace $0x80000048  }
0xb6: {  	_ =	swait.ge [sflag:s29], $0x1  }
0xb7: {  	[sflag:s29] =	ssyncadd.s32 $0xFFFFFFFF  }
0xb8: {  	_ =	strace $0x90000048  }
0xb9: {  	_ =	sfence  }
0xba: {  	s30 =	sld [smem:$0x0];
	_ =	sdelay $0x2  }
0xbb: {  	s31 =	sshll.u32 s1, $0xD;
	s1 =	sshrl.u32 s1, $0x2  }
0xbc: {  	s3 =	sand.u32 $0x4000, s31;
	s1 =	sadd.s32 s1, s30  }
0xbd: {  	s0 =	sor.u32 s3, s0;
	s1 =	sshll.u32 s1, $0x11  }
0xbe: {  	s0 =	sor.u32 s1, s0  }
0xbf: {  	s0 =	sadd.s32 $0x8F2B, s0  }
0xc0: {  	[sflag:s0] =	ssyncadd.remote.s32 $0x1  }
0xc1: {  	_ =	sfence.sel $0xFFFF  }
0xc2: {  	[dreg:$0x0] =	wrdreg $0xFFFFFFFF;
	(pc) =	sbr.abs _section_cstart, $3  }
0xc3: {  	[dreg:$0x1] =	wrdreg $0xFFFFFFFF  }
0xc4: {  	_ =	task.clear_ibuf [dreg:s9], $0x2FFFF;
	_ =	strace $0x9FFFFFFF  }
0xc5: {  	(tm) =	ssettm $0x7FFFFFFF  }
tec
execute0_lowered:
.L_overlay_start_1:
0x0: {  	(tag) =	ssettag $0x1  }
0x1: {  	s2 =	rddreg [dreg:$0x0]  }
0x2: {  	s0 =	rddreg [dreg:$0x1]  }
0x3: {  	s1 =	rddreg [dreg:$0x2]  }
0x4: {  	s3 =	srdreg.scid;
	s6 =	stileid.u32  }
0x5: {  	s29 =	simm.s32 $0x80;
	s31 =	simm.s32 $0x200;
	s4 =	sand.u32 $0x1, s3  }
0x6: {  	s5 =	sshll.u32 s6, $0x1;
	s3 =	simm.s32 $0x0;
	s6 =	sshll.u32 s6, $0x2  }
0x7: {  	s5 =	sor.u32 s4, s5;
	s6 =	sand.u32 $0x30, s6;
	[smem:$0x7FF] =	sst s3  }
0x8: {  	s7 =	sshll.u32 s5, $0x9;
	s8 =	smul.u32 $0x18000, s5;
	s0 =	sadd.s32 s0, s6  }
0x9: {  	_ =	strace $0x80000047;
	[dreg:$0x14] =	wrdreg s29;
	s7 =	sand.u32 $0xE00, s7  }
0xa: {  	[dreg:$0x15] =	wrdreg s31;
	s0 =	sadd.s32 s7, s0  }
0xb: {  	s11 =	sadd.s32 s1, s8;
	[dreg:$0x4] =	wrdreg s0  }
0xc: {  	s12 =	sadd.s32 $0x1800, s11;
	[dreg:$0x16] =	wrdreg s11  }
0xd: {  	s5 =	smul.u32 $0xC0000, s5;
	s13 =	sadd.s32 $0x3000, s11;
	[dreg:$0x5] =	wrdreg s12  }
0xe: {  	s14 =	sadd.s32 $0x4800, s11;
	[dreg:$0x6] =	wrdreg s13  }
0xf: {  	s5 =	sshrl.u32 s5, $0x3;
	s15 =	sadd.s32 $0x6000, s11;
	[dreg:$0x7] =	wrdreg s14  }
0x10: {  	s16 =	sadd.s32 $0x7800, s11;
	s1 =	sadd.s32 s1, s5;
	[dreg:$0x8] =	wrdreg s15  }
0x11: {  	s30 =	simm.s32 $0x400;
	[dreg:$0x9] =	wrdreg s16;
	s17 =	sadd.s32 $0x9000, s1  }
0x12: {  	s10 =	simm.s32 $0x2;
	s18 =	sadd.s32 $0xA800, s1;
	[dreg:$0xa] =	wrdreg s17  }
0x13: {  	s4 =	ssub.s32 $0x2, s4;
	s19 =	sadd.s32 $0xC000, s1;
	[dreg:$0xb] =	wrdreg s18  }
0x14: {  	s24 =	sshrl.u32 s4, $0x1;
	s20 =	sadd.s32 $0xD800, s1;
	[dreg:$0xc] =	wrdreg s19  }
0x15: {  	s6 =	sadd.s32 $0x200, s2;
	s21 =	sadd.s32 $0xF000, s1;
	[dreg:$0xd] =	wrdreg s20  }
0x16: {  	s4 =	ssub.s32 s4, s24;
	s22 =	sadd.s32 $0x10800, s1;
	[dreg:$0xe] =	wrdreg s21  }
0x17: {  	s7 =	smax.u32 s4, $0x1;
	s23 =	sadd.s32 $0x12000, s1;
	[dreg:$0xf] =	wrdreg s22  }
0x18: {  	s4 =	simm.s32 $0xC400;
	s25 =	sadd.s32 $0x13800, s1;
	[dreg:$0x10] =	wrdreg s23  }
0x19: {  	v2 =	vlaneseq.u32;
	s8 =	simm.s32 $0x3;
	s26 =	sadd.s32 $0x15000, s1;
	[dreg:$0x11] =	wrdreg s25  }
0x1a: {  	vm0 =	vmmov $0xffff;
	v1 =	vshrl.u32 v2, $0x3;
	s5 =	sadd.s32 $0x100, s2;
	s28 =	sadd.s32 $0x16800, s1;
	[dreg:$0x12] =	wrdreg s26  }
0x1b: {  	v0 =	vand.u32 $0x7, v2;
	v2 =	vor.u32 $0x8, v2;
	v1 =	vmul.u32 $0x8, v1;
	s11 =	simm.s32 $0x4;
	s1 =	simm.s32 $0x1;
	[dreg:$0x13] =	wrdreg s28  }
.LBB2_1:
0x1c: {  	[dreg:$0x17] =	wrdreg s7  }
0x1d: {  	s12 =	rddreg [dreg:$0x4]  }
0x1e: {  	s13 =	rddreg [dreg:$0x14]  }
0x1f: {  	s14 =	rddreg [dreg:$0x15];
	s26 =	simm.s32 $0x5  }
0x20: {  	[tilespmem:s3], [sflag:$0x5] =	stream.strided.gather [hbm4b:s12+s13], $0x400, s14, s13, $0x38;
	[tilespmem:$0x18400] =	vst v63  }
0x21: {  	_ =	swait.ge [sflag:s26], $0x400  }
0x22: {  	[sflag:s26] =	ssyncset.done $0x0  }
0x23: {  	[sflag:s26] =	ssyncadd.s32 $0xFFFFFC00  }
0x24: {  	v3 =	vld [tilespmem:$0x0];
	_ =	sdelay $0x4  }
0x25: {  	v4 =	vshrl.u32 v3, $0x3  }
0x26: {  	v4 =	vmul.u32 $0x30, v4  }
0x27: {  	v3 =	vand.u32 $0x7, v3  }
0x28: {  	v3 =	vor.u32 v3, v4  }
0x29: {  	v4 =	vperm.xlane v3, v0;
	_ =	sdelay $0x1  }
0x2a: {  	v4 =	vadd.s32 v1, v4;
	_ =	sdelay $0x3  }
0x2b: {  	v3 =	vperm.xlane v3, v2  }
0x2c: {  	[tilespmem:s30], [sflag:$0x1] =	stream.indirect_vreg.gather [hbm4b:s2+s3], $0x80, v4, vm0, $0xb8;
	[tilespmem:$0x18400] =	vst v63  }
0x2d: {  	s0 =	simm.s32 $0xC00;
	v3 =	vadd.s32 v1, v3  }
0x2e: {  	[tilespmem:s0], [sflag:$0x1] =	stream.indirect_vreg.gather [hbm4b:s5+s3], $0x80, v4, vm0, $0xb8;
	[tilespmem:$0x18400] =	vst v63  }
0x2f: {  	s28 =	simm.s32 $0x1400  }
0x30: {  	[tilespmem:s28], [sflag:$0x1] =	stream.indirect_vreg.gather [hbm4b:s6+s3], $0x80, v4, vm0, $0xb8;
	[tilespmem:$0x18400] =	vst v63  }
0x31: {  	s29 =	simm.s32 $0x1C00  }
0x32: {  	[tilespmem:s29], [sflag:$0x1] =	stream.indirect_vreg.gather [hbm4b:s2+s3], $0x80, v3, vm0, $0xb8;
	[tilespmem:$0x18400] =	vst v63  }
0x33: {  	s31 =	simm.s32 $0x2400  }
0x34: {  	[tilespmem:s31], [sflag:$0x1] =	stream.indirect_vreg.gather [hbm4b:s5+s3], $0x80, v3, vm0, $0xb8;
	[tilespmem:$0x18400] =	vst v63  }
0x35: {  	s7 =	simm.s32 $0x2C00  }
0x36: {  	[tilespmem:s7], [sflag:$0x1] =	stream.indirect_vreg.gather [hbm4b:s6+s3], $0x80, v3, vm0, $0xb8;
	[tilespmem:$0x18400] =	vst v63  }
0x37: {  	v3 =	vld [tilespmem:$0x10];
	_ =	sdelay $0x4  }
0x38: {  	v57 =	vshrl.u32 v3, $0x3  }
0x39: {  	v4 =	vmul.u32 $0x30, v57  }
0x3a: {  	v3 =	vand.u32 $0x7, v3  }
0x3b: {  	v3 =	vor.u32 v3, v4  }
0x3c: {  	v4 =	vperm.xlane v3, v0;
	_ =	sdelay $0x1  }
0x3d: {  	v4 =	vadd.s32 v1, v4;
	_ =	sdelay $0x3  }
0x3e: {  	s9 =	simm.s32 $0x3400;
	v3 =	vperm.xlane v3, v2  }
0x3f: {  	[tilespmem:s9], [sflag:$0x1] =	stream.indirect_vreg.gather [hbm4b:s2+s3], $0x80, v4, vm0, $0xb8;
	[tilespmem:$0x18400] =	vst v63  }
0x40: {  	s12 =	simm.s32 $0x3C00;
	v3 =	vadd.s32 v1, v3  }
0x41: {  	[tilespmem:s12], [sflag:$0x1] =	stream.indirect_vreg.gather [hbm4b:s5+s3], $0x80, v4, vm0, $0xb8;
	[tilespmem:$0x18400] =	vst v63  }
0x42: {  	s13 =	simm.s32 $0x4400  }
0x43: {  	[tilespmem:s13], [sflag:$0x1] =	stream.indirect_vreg.gather [hbm4b:s6+s3], $0x80, v4, vm0, $0xb8;
	[tilespmem:$0x18400] =	vst v63  }
0x44: {  	s14 =	simm.s32 $0x4C00  }
0x45: {  	[tilespmem:s14], [sflag:$0x1] =	stream.indirect_vreg.gather [hbm4b:s2+s3], $0x80, v3, vm0, $0xb8;
	[tilespmem:$0x18400] =	vst v63  }
0x46: {  	s15 =	simm.s32 $0x5400  }
0x47: {  	[tilespmem:s15], [sflag:$0x1] =	stream.indirect_vreg.gather [hbm4b:s5+s3], $0x80, v3, vm0, $0xb8;
	[tilespmem:$0x18400] =	vst v63  }
0x48: {  	s16 =	simm.s32 $0x5C00  }
0x49: {  	[tilespmem:s16], [sflag:$0x1] =	stream.indirect_vreg.gather [hbm4b:s6+s3], $0x80, v3, vm0, $0xb8;
	[tilespmem:$0x18400] =	vst v63  }
0x4a: {  	v3 =	vld [tilespmem:$0x20];
	_ =	sdelay $0x4  }
0x4b: {  	v58 =	vshrl.u32 v3, $0x3  }
0x4c: {  	v4 =	vmul.u32 $0x30, v58  }
0x4d: {  	v3 =	vand.u32 $0x7, v3  }
0x4e: {  	v3 =	vor.u32 v3, v4  }
0x4f: {  	v4 =	vperm.xlane v3, v0;
	_ =	sdelay $0x1  }
0x50: {  	v4 =	vadd.s32 v1, v4;
	_ =	sdelay $0x3  }
0x51: {  	s19 =	simm.s32 $0x6400;
	v3 =	vperm.xlane v3, v2  }
0x52: {  	[tilespmem:s19], [sflag:$0x1] =	stream.indirect_vreg.gather [hbm4b:s2+s3], $0x80, v4, vm0, $0xb8;
	[tilespmem:$0x18400] =	vst v63  }
0x53: {  	s20 =	simm.s32 $0x6C00;
	v3 =	vadd.s32 v1, v3  }
0x54: {  	[tilespmem:s20], [sflag:$0x1] =	stream.indirect_vreg.gather [hbm4b:s5+s3], $0x80, v4, vm0, $0xb8;
	[tilespmem:$0x18400] =	vst v63  }
0x55: {  	s23 =	simm.s32 $0x7400  }
0x56: {  	[tilespmem:s23], [sflag:$0x1] =	stream.indirect_vreg.gather [hbm4b:s6+s3], $0x80, v4, vm0, $0xb8;
	[tilespmem:$0x18400] =	vst v63  }
0x57: {  	s24 =	simm.s32 $0x7C00  }
0x58: {  	[tilespmem:s24], [sflag:$0x1] =	stream.indirect_vreg.gather [hbm4b:s2+s3], $0x80, v3, vm0, $0xb8;
	[tilespmem:$0x18400] =	vst v63  }
0x59: {  	s25 =	simm.s32 $0x8400  }
0x5a: {  	[tilespmem:s25], [sflag:$0x1] =	stream.indirect_vreg.gather [hbm4b:s5+s3], $0x80, v3, vm0, $0xb8;
	[tilespmem:$0x18400] =	vst v63  }
0x5b: {  	s26 =	simm.s32 $0x8C00  }
0x5c: {  	[tilespmem:s26], [sflag:$0x1] =	stream.indirect_vreg.gather [hbm4b:s6+s3], $0x80, v3, vm0, $0xb8;
	[tilespmem:$0x18400] =	vst v63  }
0x5d: {  	v3 =	vld [tilespmem:$0x30];
	_ =	sdelay $0x4  }
0x5e: {  	v59 =	vshrl.u32 v3, $0x3  }
0x5f: {  	v4 =	vmul.u32 $0x30, v59  }
0x60: {  	v3 =	vand.u32 $0x7, v3  }
0x61: {  	v3 =	vor.u32 v3, v4  }
0x62: {  	v4 =	vperm.xlane v3, v0;
	_ =	sdelay $0x1  }
0x63: {  	v4 =	vadd.s32 v1, v4;
	_ =	sdelay $0x3  }
0x64: {  	s28 =	simm.s32 $0x9400;
	v3 =	vperm.xlane v3, v2  }
0x65: {  	[tilespmem:s28], [sflag:$0x1] =	stream.indirect_vreg.gather [hbm4b:s2+s3], $0x80, v4, vm0, $0xb8;
	[tilespmem:$0x18400] =	vst v63  }
0x66: {  	s29 =	simm.s32 $0x9C00;
	v3 =	vadd.s32 v1, v3  }
0x67: {  	[tilespmem:s29], [sflag:$0x1] =	stream.indirect_vreg.gather [hbm4b:s5+s3], $0x80, v4, vm0, $0xb8;
	[tilespmem:$0x18400] =	vst v63  }
0x68: {  	s31 =	simm.s32 $0xA400  }
0x69: {  	[tilespmem:s31], [sflag:$0x1] =	stream.indirect_vreg.gather [hbm4b:s6+s3], $0x80, v4, vm0, $0xb8;
	[tilespmem:$0x18400] =	vst v63  }
0x6a: {  	s7 =	simm.s32 $0xAC00  }
0x6b: {  	[tilespmem:s7], [sflag:$0x1] =	stream.indirect_vreg.gather [hbm4b:s2+s3], $0x80, v3, vm0, $0xb8;
	[tilespmem:$0x18400] =	vst v63  }
0x6c: {  	s9 =	simm.s32 $0xB400  }
0x6d: {  	[tilespmem:s9], [sflag:$0x1] =	stream.indirect_vreg.gather [hbm4b:s5+s3], $0x80, v3, vm0, $0xb8;
	[tilespmem:$0x18400] =	vst v63  }
0x6e: {  	s12 =	simm.s32 $0xBC00  }
0x6f: {  	[tilespmem:s12], [sflag:$0x1] =	stream.indirect_vreg.gather [hbm4b:s6+s3], $0x80, v3, vm0, $0xb8;
	[tilespmem:$0x18400] =	vst v63  }
0x70: {  	v3 =	vld [tilespmem:$0x40];
	_ =	sdelay $0x4  }
0x71: {  	v60 =	vshrl.u32 v3, $0x3  }
0x72: {  	v4 =	vmul.u32 $0x30, v60  }
0x73: {  	v3 =	vand.u32 $0x7, v3  }
0x74: {  	v3 =	vor.u32 v3, v4  }
0x75: {  	v4 =	vperm.xlane v3, v0;
	_ =	sdelay $0x1  }
0x76: {  	v4 =	vadd.s32 v1, v4;
	_ =	sdelay $0x3  }
0x77: {  	v3 =	vperm.xlane v3, v2  }
0x78: {  	[tilespmem:s4], [sflag:$0x2] =	stream.indirect_vreg.gather [hbm4b:s2+s3], $0x80, v4, vm0, $0xb8;
	[tilespmem:$0x18400] =	vst v63  }
0x79: {  	s13 =	simm.s32 $0xCC00;
	v3 =	vadd.s32 v1, v3  }
0x7a: {  	[tilespmem:s13], [sflag:$0x2] =	stream.indirect_vreg.gather [hbm4b:s5+s3], $0x80, v4, vm0, $0xb8;
	[tilespmem:$0x18400] =	vst v63  }
0x7b: {  	s14 =	simm.s32 $0xD400  }
0x7c: {  	[tilespmem:s14], [sflag:$0x2] =	stream.indirect_vreg.gather [hbm4b:s6+s3], $0x80, v4, vm0, $0xb8;
	[tilespmem:$0x18400] =	vst v63  }
0x7d: {  	s15 =	simm.s32 $0xDC00  }
0x7e: {  	[tilespmem:s15], [sflag:$0x2] =	stream.indirect_vreg.gather [hbm4b:s2+s3], $0x80, v3, vm0, $0xb8;
	[tilespmem:$0x18400] =	vst v63  }
0x7f: {  	s16 =	simm.s32 $0xE400  }
0x80: {  	[tilespmem:s16], [sflag:$0x2] =	stream.indirect_vreg.gather [hbm4b:s5+s3], $0x80, v3, vm0, $0xb8;
	[tilespmem:$0x18400] =	vst v63  }
0x81: {  	s19 =	simm.s32 $0xEC00  }
0x82: {  	[tilespmem:s19], [sflag:$0x2] =	stream.indirect_vreg.gather [hbm4b:s6+s3], $0x80, v3, vm0, $0xb8;
	[tilespmem:$0x18400] =	vst v63  }
0x83: {  	v3 =	vld [tilespmem:$0x50];
	_ =	sdelay $0x4  }
0x84: {  	v61 =	vshrl.u32 v3, $0x3  }
0x85: {  	v4 =	vmul.u32 $0x30, v61  }
0x86: {  	v3 =	vand.u32 $0x7, v3  }
0x87: {  	v3 =	vor.u32 v3, v4  }
0x88: {  	v4 =	vperm.xlane v3, v0;
	_ =	sdelay $0x1  }
0x89: {  	v4 =	vadd.s32 v1, v4;
	_ =	sdelay $0x3  }
0x8a: {  	s20 =	simm.s32 $0xF400;
	v3 =	vperm.xlane v3, v2  }
0x8b: {  	[tilespmem:s20], [sflag:$0x2] =	stream.indirect_vreg.gather [hbm4b:s2+s3], $0x80, v4, vm0, $0xb8;
	[tilespmem:$0x18400] =	vst v63  }
0x8c: {  	s23 =	simm.s32 $0xFC00;
	v3 =	vadd.s32 v1, v3  }
0x8d: {  	[tilespmem:s23], [sflag:$0x2] =	stream.indirect_vreg.gather [hbm4b:s5+s3], $0x80, v4, vm0, $0xb8;
	[tilespmem:$0x18400] =	vst v63  }
0x8e: {  	s24 =	simm.s32 $0x10400  }
0x8f: {  	[tilespmem:s24], [sflag:$0x2] =	stream.indirect_vreg.gather [hbm4b:s6+s3], $0x80, v4, vm0, $0xb8;
	[tilespmem:$0x18400] =	vst v63  }
0x90: {  	s28 =	simm.s32 $0x10C00  }
0x91: {  	[tilespmem:s28], [sflag:$0x2] =	stream.indirect_vreg.gather [hbm4b:s2+s3], $0x80, v3, vm0, $0xb8;
	[tilespmem:$0x18400] =	vst v63  }
0x92: {  	s29 =	simm.s32 $0x11400  }
0x93: {  	[tilespmem:s29], [sflag:$0x2] =	stream.indirect_vreg.gather [hbm4b:s5+s3], $0x80, v3, vm0, $0xb8;
	[tilespmem:$0x18400] =	vst v63  }
0x94: {  	s31 =	simm.s32 $0x11C00  }
0x95: {  	[tilespmem:s31], [sflag:$0x2] =	stream.indirect_vreg.gather [hbm4b:s6+s3], $0x80, v3, vm0, $0xb8;
	[tilespmem:$0x18400] =	vst v63  }
0x96: {  	v3 =	vld [tilespmem:$0x60];
	_ =	sdelay $0x4  }
0x97: {  	v62 =	vshrl.u32 v3, $0x3  }
0x98: {  	v4 =	vmul.u32 $0x30, v62  }
0x99: {  	v3 =	vand.u32 $0x7, v3  }
0x9a: {  	v3 =	vor.u32 v3, v4  }
0x9b: {  	v4 =	vperm.xlane v3, v0;
	_ =	sdelay $0x1  }
0x9c: {  	v4 =	vadd.s32 v1, v4;
	_ =	sdelay $0x3  }
0x9d: {  	s0 =	simm.s32 $0x12400;
	v3 =	vperm.xlane v3, v2  }
0x9e: {  	[tilespmem:s0], [sflag:$0x2] =	stream.indirect_vreg.gather [hbm4b:s2+s3], $0x80, v4, vm0, $0xb8;
	[tilespmem:$0x18400] =	vst v63  }
0x9f: {  	s9 =	simm.s32 $0x12C00;
	v3 =	vadd.s32 v1, v3  }
0xa0: {  	[tilespmem:s9], [sflag:$0x2] =	stream.indirect_vreg.gather [hbm4b:s5+s3], $0x80, v4, vm0, $0xb8;
	[tilespmem:$0x18400] =	vst v63  }
0xa1: {  	s13 =	simm.s32 $0x13400  }
0xa2: {  	[tilespmem:s13], [sflag:$0x2] =	stream.indirect_vreg.gather [hbm4b:s6+s3], $0x80, v4, vm0, $0xb8;
	[tilespmem:$0x18400] =	vst v63  }
0xa3: {  	s14 =	simm.s32 $0x13C00  }
0xa4: {  	[tilespmem:s14], [sflag:$0x2] =	stream.indirect_vreg.gather [hbm4b:s2+s3], $0x80, v3, vm0, $0xb8;
	[tilespmem:$0x18400] =	vst v63  }
0xa5: {  	s15 =	simm.s32 $0x14400  }
0xa6: {  	[tilespmem:s15], [sflag:$0x2] =	stream.indirect_vreg.gather [hbm4b:s5+s3], $0x80, v3, vm0, $0xb8;
	[tilespmem:$0x18400] =	vst v63  }
0xa7: {  	s16 =	simm.s32 $0x14C00  }
0xa8: {  	[tilespmem:s16], [sflag:$0x2] =	stream.indirect_vreg.gather [hbm4b:s6+s3], $0x80, v3, vm0, $0xb8;
	[tilespmem:$0x18400] =	vst v63  }
0xa9: {  	v3 =	vld [tilespmem:$0x70];
	_ =	sdelay $0x4  }
0xaa: {  	v63 =	vshrl.u32 v3, $0x3  }
0xab: {  	v4 =	vmul.u32 $0x30, v63  }
0xac: {  	v3 =	vand.u32 $0x7, v3  }
0xad: {  	v3 =	vor.u32 v3, v4  }
0xae: {  	v4 =	vperm.xlane v3, v0;
	_ =	sdelay $0x1  }
0xaf: {  	v4 =	vadd.s32 v1, v4;
	_ =	sdelay $0x3  }
0xb0: {  	s19 =	simm.s32 $0x15400;
	v3 =	vperm.xlane v3, v2  }
0xb1: {  	[tilespmem:s19], [sflag:$0x2] =	stream.indirect_vreg.gather [hbm4b:s2+s3], $0x80, v4, vm0, $0xb8;
	[tilespmem:$0x18400] =	vst v63  }
0xb2: {  	s20 =	simm.s32 $0x15C00;
	v3 =	vadd.s32 v1, v3  }
0xb3: {  	[tilespmem:s20], [sflag:$0x2] =	stream.indirect_vreg.gather [hbm4b:s5+s3], $0x80, v4, vm0, $0xb8;
	[tilespmem:$0x18400] =	vst v63  }
0xb4: {  	s23 =	simm.s32 $0x16400  }
0xb5: {  	[tilespmem:s23], [sflag:$0x2] =	stream.indirect_vreg.gather [hbm4b:s6+s3], $0x80, v4, vm0, $0xb8;
	[tilespmem:$0x18400] =	vst v63  }
0xb6: {  	s24 =	simm.s32 $0x16C00  }
0xb7: {  	[tilespmem:s24], [sflag:$0x2] =	stream.indirect_vreg.gather [hbm4b:s2+s3], $0x80, v3, vm0, $0xb8;
	[tilespmem:$0x18400] =	vst v63  }
0xb8: {  	s28 =	simm.s32 $0x17400  }
0xb9: {  	[tilespmem:s28], [sflag:$0x2] =	stream.indirect_vreg.gather [hbm4b:s5+s3], $0x80, v3, vm0, $0xb8;
	[tilespmem:$0x18400] =	vst v63  }
0xba: {  	s29 =	simm.s32 $0x17C00  }
0xbb: {  	[tilespmem:s29], [sflag:$0x2] =	stream.indirect_vreg.gather [hbm4b:s6+s3], $0x80, v3, vm0, $0xb8;
	[tilespmem:$0x18400] =	vst v63  }
0xbc: {  	_ =	swait.ge [sflag:s1], $0x6000  }
0xbd: {  	[sflag:s1] =	ssyncset.done $0x0  }
0xbe: {  	[sflag:s1] =	ssyncadd.s32 $0xFFFFA000  }
0xbf: {  	_ =	swait.ge [sflag:s1], $0x6000  }
0xc0: {  	[sflag:s1] =	ssyncset.done $0x0  }
0xc1: {  	s0 =	rddreg [dreg:$0x16];
	[sflag:s1] =	ssyncadd.s32 $0xFFFFA000  }
0xc2: {  	[hbm4b:s0+s3] =	stream.linear.scatter [tilespmem:s30], [sflag:$0x3], $0xC000, $0x38;
	[tilespmem:$0x18400] =	vst v63  }
0xc3: {  	_ =	swait.ge [sflag:s8], $0xC000  }
0xc4: {  	[sflag:s8] =	ssyncset.done $0x0  }
0xc5: {  	[sflag:s8] =	ssyncadd.s32 $0xFFFF4000  }
0xc6: {  	v3 =	vld [tilespmem:$0x80];
	_ =	sdelay $0x4  }
0xc7: {  	v8 =	vshrl.u32 v3, $0x3  }
0xc8: {  	v4 =	vmul.u32 $0x30, v8  }
0xc9: {  	v3 =	vand.u32 $0x7, v3  }
0xca: {  	v3 =	vor.u32 v3, v4  }
0xcb: {  	v4 =	vperm.xlane v3, v0;
	_ =	sdelay $0x1  }
0xcc: {  	v4 =	vadd.s32 v1, v4;
	_ =	sdelay $0x3  }
0xcd: {  	v3 =	vperm.xlane v3, v2  }
0xce: {  	[tilespmem:s30], [sflag:$0x1] =	stream.indirect_vreg.gather [hbm4b:s2+s3], $0x80, v4, vm0, $0xb8;
	[tilespmem:$0x18400] =	vst v63  }
0xcf: {  	s0 =	simm.s32 $0xC00;
	v3 =	vadd.s32 v1, v3  }
0xd0: {  	[tilespmem:s0], [sflag:$0x1] =	stream.indirect_vreg.gather [hbm4b:s5+s3], $0x80, v4, vm0, $0xb8;
	[tilespmem:$0x18400] =	vst v63  }
0xd1: {  	s9 =	simm.s32 $0x1400  }
0xd2: {  	[tilespmem:s9], [sflag:$0x1] =	stream.indirect_vreg.gather [hbm4b:s6+s3], $0x80, v4, vm0, $0xb8;
	[tilespmem:$0x18400] =	vst v63  }
0xd3: {  	s15 =	simm.s32 $0x1C00  }
0xd4: {  	[tilespmem:s15], [sflag:$0x1] =	stream.indirect_vreg.gather [hbm4b:s2+s3], $0x80, v3, vm0, $0xb8;
	[tilespmem:$0x18400] =	vst v63  }
0xd5: {  	s16 =	simm.s32 $0x2400  }
0xd6: {  	[tilespmem:s16], [sflag:$0x1] =	stream.indirect_vreg.gather [hbm4b:s5+s3], $0x80, v3, vm0, $0xb8;
	[tilespmem:$0x18400] =	vst v63  }
0xd7: {  	s17 =	simm.s32 $0x2C00  }
0xd8: {  	[tilespmem:s17], [sflag:$0x1] =	stream.indirect_vreg.gather [hbm4b:s6+s3], $0x80, v3, vm0, $0xb8;
	[tilespmem:$0x18400] =	vst v63  }
0xd9: {  	v3 =	vld [tilespmem:$0x90];
	_ =	sdelay $0x4  }
0xda: {  	v9 =	vshrl.u32 v3, $0x3  }
0xdb: {  	v4 =	vmul.u32 $0x30, v9  }
0xdc: {  	v3 =	vand.u32 $0x7, v3  }
0xdd: {  	v3 =	vor.u32 v3, v4  }
0xde: {  	v4 =	vperm.xlane v3, v0;
	_ =	sdelay $0x1  }
0xdf: {  	v4 =	vadd.s32 v1, v4;
	_ =	sdelay $0x3  }
0xe0: {  	s18 =	simm.s32 $0x3400;
	v3 =	vperm.xlane v3, v2  }
0xe1: {  	[tilespmem:s18], [sflag:$0x1] =	stream.indirect_vreg.gather [hbm4b:s2+s3], $0x80, v4, vm0, $0xb8;
	[tilespmem:$0x18400] =	vst v63  }
0xe2: {  	s17 =	simm.s32 $0x3C00;
	v3 =	vadd.s32 v1, v3  }
0xe3: {  	[tilespmem:s17], [sflag:$0x1] =	stream.indirect_vreg.gather [hbm4b:s5+s3], $0x80, v4, vm0, $0xb8;
	[tilespmem:$0x18400] =	vst v63  }
0xe4: {  	s18 =	simm.s32 $0x4400  }
0xe5: {  	[tilespmem:s18], [sflag:$0x1] =	stream.indirect_vreg.gather [hbm4b:s6+s3], $0x80, v4, vm0, $0xb8;
	[tilespmem:$0x18400] =	vst v63  }
0xe6: {  	s19 =	simm.s32 $0x4C00  }
0xe7: {  	[tilespmem:s19], [sflag:$0x1] =	stream.indirect_vreg.gather [hbm4b:s2+s3], $0x80, v3, vm0, $0xb8;
	[tilespmem:$0x18400] =	vst v63  }
0xe8: {  	s20 =	simm.s32 $0x5400  }
0xe9: {  	[tilespmem:s20], [sflag:$0x1] =	stream.indirect_vreg.gather [hbm4b:s5+s3], $0x80, v3, vm0, $0xb8;
	[tilespmem:$0x18400] =	vst v63  }
0xea: {  	s21 =	simm.s32 $0x5C00  }
0xeb: {  	[tilespmem:s21], [sflag:$0x1] =	stream.indirect_vreg.gather [hbm4b:s6+s3], $0x80, v3, vm0, $0xb8;
	[tilespmem:$0x18400] =	vst v63  }
0xec: {  	v3 =	vld [tilespmem:$0xA0];
	_ =	sdelay $0x4  }
0xed: {  	v10 =	vshrl.u32 v3, $0x3  }
0xee: {  	v4 =	vmul.u32 $0x30, v10  }
0xef: {  	v3 =	vand.u32 $0x7, v3  }
0xf0: {  	v3 =	vor.u32 v3, v4  }
0xf1: {  	v4 =	vperm.xlane v3, v0;
	_ =	sdelay $0x1  }
0xf2: {  	v4 =	vadd.s32 v1, v4;
	_ =	sdelay $0x3  }
0xf3: {  	s22 =	simm.s32 $0x6400;
	v3 =	vperm.xlane v3, v2  }
0xf4: {  	[tilespmem:s22], [sflag:$0x1] =	stream.indirect_vreg.gather [hbm4b:s2+s3], $0x80, v4, vm0, $0xb8;
	[tilespmem:$0x18400] =	vst v63  }
0xf5: {  	s21 =	simm.s32 $0x6C00;
	v3 =	vadd.s32 v1, v3  }
0xf6: {  	[tilespmem:s21], [sflag:$0x1] =	stream.indirect_vreg.gather [hbm4b:s5+s3], $0x80, v4, vm0, $0xb8;
	[tilespmem:$0x18400] =	vst v63  }
0xf7: {  	s22 =	simm.s32 $0x7400  }
0xf8: {  	[tilespmem:s22], [sflag:$0x1] =	stream.indirect_vreg.gather [hbm4b:s6+s3], $0x80, v4, vm0, $0xb8;
	[tilespmem:$0x18400] =	vst v63  }
0xf9: {  	s23 =	simm.s32 $0x7C00  }
0xfa: {  	[tilespmem:s23], [sflag:$0x1] =	stream.indirect_vreg.gather [hbm4b:s2+s3], $0x80, v3, vm0, $0xb8;
	[tilespmem:$0x18400] =	vst v63  }
0xfb: {  	s24 =	simm.s32 $0x8400  }
0xfc: {  	[tilespmem:s24], [sflag:$0x1] =	stream.indirect_vreg.gather [hbm4b:s5+s3], $0x80, v3, vm0, $0xb8;
	[tilespmem:$0x18400] =	vst v63  }
0xfd: {  	s25 =	simm.s32 $0x8C00  }
0xfe: {  	[tilespmem:s25], [sflag:$0x1] =	stream.indirect_vreg.gather [hbm4b:s6+s3], $0x80, v3, vm0, $0xb8;
	[tilespmem:$0x18400] =	vst v63  }
0xff: {  	v3 =	vld [tilespmem:$0xB0];
	_ =	sdelay $0x4  }
0x100: {  	v11 =	vshrl.u32 v3, $0x3  }
0x101: {  	v4 =	vmul.u32 $0x30, v11  }
0x102: {  	v3 =	vand.u32 $0x7, v3  }
0x103: {  	v3 =	vor.u32 v3, v4  }
0x104: {  	v4 =	vperm.xlane v3, v0;
	_ =	sdelay $0x1  }
0x105: {  	v4 =	vadd.s32 v1, v4;
	_ =	sdelay $0x3  }
0x106: {  	s26 =	simm.s32 $0x9400;
	v3 =	vperm.xlane v3, v2  }
0x107: {  	[tilespmem:s26], [sflag:$0x1] =	stream.indirect_vreg.gather [hbm4b:s2+s3], $0x80, v4, vm0, $0xb8;
	[tilespmem:$0x18400] =	vst v63  }
0x108: {  	s25 =	simm.s32 $0x9C00;
	v3 =	vadd.s32 v1, v3  }
0x109: {  	[tilespmem:s25], [sflag:$0x1] =	stream.indirect_vreg.gather [hbm4b:s5+s3], $0x80, v4, vm0, $0xb8;
	[tilespmem:$0x18400] =	vst v63  }
0x10a: {  	s26 =	simm.s32 $0xA400  }
0x10b: {  	[tilespmem:s26], [sflag:$0x1] =	stream.indirect_vreg.gather [hbm4b:s6+s3], $0x80, v4, vm0, $0xb8;
	[tilespmem:$0x18400] =	vst v63  }
0x10c: {  	s28 =	simm.s32 $0xAC00  }
0x10d: {  	[tilespmem:s28], [sflag:$0x1] =	stream.indirect_vreg.gather [hbm4b:s2+s3], $0x80, v3, vm0, $0xb8;
	[tilespmem:$0x18400] =	vst v63  }
0x10e: {  	s29 =	simm.s32 $0xB400  }
0x10f: {  	[tilespmem:s29], [sflag:$0x1] =	stream.indirect_vreg.gather [hbm4b:s5+s3], $0x80, v3, vm0, $0xb8;
	[tilespmem:$0x18400] =	vst v63  }
0x110: {  	s7 =	simm.s32 $0xBC00  }
0x111: {  	[tilespmem:s7], [sflag:$0x1] =	stream.indirect_vreg.gather [hbm4b:s6+s3], $0x80, v3, vm0, $0xb8;
	[tilespmem:$0x18400] =	vst v63  }
0x112: {  	_ =	swait.ge [sflag:s10], $0x6000  }
0x113: {  	[sflag:s10] =	ssyncset.done $0x0  }
0x114: {  	[sflag:s10] =	ssyncadd.s32 $0xFFFFA000  }
0x115: {  	_ =	swait.ge [sflag:s10], $0x6000  }
0x116: {  	[sflag:s10] =	ssyncset.done $0x0  }
0x117: {  	s7 =	rddreg [dreg:$0x5];
	[sflag:s10] =	ssyncadd.s32 $0xFFFFA000  }
0x118: {  	[hbm4b:s7+s3] =	stream.linear.scatter [tilespmem:s4], [sflag:$0x4], $0xC000, $0x38;
	[tilespmem:$0x18400] =	vst v63  }
0x119: {  	_ =	swait.ge [sflag:s11], $0xC000  }
0x11a: {  	[sflag:s11] =	ssyncset.done $0x0  }
0x11b: {  	[sflag:s11] =	ssyncadd.s32 $0xFFFF4000  }
0x11c: {  	v3 =	vld [tilespmem:$0xC0];
	_ =	sdelay $0x4  }
0x11d: {  	v12 =	vshrl.u32 v3, $0x3  }
0x11e: {  	v4 =	vmul.u32 $0x30, v12  }
0x11f: {  	v3 =	vand.u32 $0x7, v3  }
0x120: {  	v3 =	vor.u32 v3, v4  }
0x121: {  	v4 =	vperm.xlane v3, v0;
	_ =	sdelay $0x1  }
0x122: {  	v4 =	vadd.s32 v1, v4;
	_ =	sdelay $0x3  }
0x123: {  	v3 =	vperm.xlane v3, v2  }
0x124: {  	[tilespmem:s4], [sflag:$0x2] =	stream.indirect_vreg.gather [hbm4b:s2+s3], $0x80, v4, vm0, $0xb8;
	[tilespmem:$0x18400] =	vst v63  }
0x125: {  	s12 =	simm.s32 $0xCC00;
	v3 =	vadd.s32 v1, v3  }
0x126: {  	[tilespmem:s12], [sflag:$0x2] =	stream.indirect_vreg.gather [hbm4b:s5+s3], $0x80, v4, vm0, $0xb8;
	[tilespmem:$0x18400] =	vst v63  }
0x127: {  	s12 =	simm.s32 $0xD400  }
0x128: {  	[tilespmem:s12], [sflag:$0x2] =	stream.indirect_vreg.gather [hbm4b:s6+s3], $0x80, v4, vm0, $0xb8;
	[tilespmem:$0x18400] =	vst v63  }
0x129: {  	s12 =	simm.s32 $0xDC00  }
0x12a: {  	[tilespmem:s12], [sflag:$0x2] =	stream.indirect_vreg.gather [hbm4b:s2+s3], $0x80, v3, vm0, $0xb8;
	[tilespmem:$0x18400] =	vst v63  }
0x12b: {  	s12 =	simm.s32 $0xE400  }
0x12c: {  	[tilespmem:s12], [sflag:$0x2] =	stream.indirect_vreg.gather [hbm4b:s5+s3], $0x80, v3, vm0, $0xb8;
	[tilespmem:$0x18400] =	vst v63  }
0x12d: {  	s12 =	simm.s32 $0xEC00  }
0x12e: {  	[tilespmem:s12], [sflag:$0x2] =	stream.indirect_vreg.gather [hbm4b:s6+s3], $0x80, v3, vm0, $0xb8;
	[tilespmem:$0x18400] =	vst v63  }
0x12f: {  	v3 =	vld [tilespmem:$0xD0];
	_ =	sdelay $0x4  }
0x130: {  	v13 =	vshrl.u32 v3, $0x3  }
0x131: {  	v4 =	vmul.u32 $0x30, v13  }
0x132: {  	v3 =	vand.u32 $0x7, v3  }
0x133: {  	v3 =	vor.u32 v3, v4  }
0x134: {  	v4 =	vperm.xlane v3, v0;
	_ =	sdelay $0x1  }
0x135: {  	v4 =	vadd.s32 v1, v4;
	_ =	sdelay $0x3  }
0x136: {  	s12 =	simm.s32 $0xF400;
	v3 =	vperm.xlane v3, v2  }
0x137: {  	[tilespmem:s12], [sflag:$0x2] =	stream.indirect_vreg.gather [hbm4b:s2+s3], $0x80, v4, vm0, $0xb8;
	[tilespmem:$0x18400] =	vst v63  }
0x138: {  	v3 =	vadd.s32 v1, v3;
	s12 =	simm.s32 $0xFC00  }
0x139: {  	[tilespmem:s12], [sflag:$0x2] =	stream.indirect_vreg.gather [hbm4b:s5+s3], $0x80, v4, vm0, $0xb8;
	[tilespmem:$0x18400] =	vst v63  }
0x13a: {  	s12 =	simm.s32 $0x10400  }
0x13b: {  	[tilespmem:s12], [sflag:$0x2] =	stream.indirect_vreg.gather [hbm4b:s6+s3], $0x80, v4, vm0, $0xb8;
	[tilespmem:$0x18400] =	vst v63  }
0x13c: {  	s12 =	simm.s32 $0x10C00  }
0x13d: {  	[tilespmem:s12], [sflag:$0x2] =	stream.indirect_vreg.gather [hbm4b:s2+s3], $0x80, v3, vm0, $0xb8;
	[tilespmem:$0x18400] =	vst v63  }
0x13e: {  	s12 =	simm.s32 $0x11400  }
0x13f: {  	[tilespmem:s12], [sflag:$0x2] =	stream.indirect_vreg.gather [hbm4b:s5+s3], $0x80, v3, vm0, $0xb8;
	[tilespmem:$0x18400] =	vst v63  }
0x140: {  	s12 =	simm.s32 $0x11C00  }
0x141: {  	[tilespmem:s12], [sflag:$0x2] =	stream.indirect_vreg.gather [hbm4b:s6+s3], $0x80, v3, vm0, $0xb8;
	[tilespmem:$0x18400] =	vst v63  }
0x142: {  	v3 =	vld [tilespmem:$0xE0];
	_ =	sdelay $0x4  }
0x143: {  	v14 =	vshrl.u32 v3, $0x3  }
0x144: {  	v4 =	vmul.u32 $0x30, v14  }
0x145: {  	v3 =	vand.u32 $0x7, v3  }
0x146: {  	v3 =	vor.u32 v3, v4  }
0x147: {  	v4 =	vperm.xlane v3, v0;
	_ =	sdelay $0x1  }
0x148: {  	v4 =	vadd.s32 v1, v4;
	_ =	sdelay $0x3  }
0x149: {  	s31 =	simm.s32 $0x12400;
	v3 =	vperm.xlane v3, v2  }
0x14a: {  	[tilespmem:s31], [sflag:$0x2] =	stream.indirect_vreg.gather [hbm4b:s2+s3], $0x80, v4, vm0, $0xb8;
	[tilespmem:$0x18400] =	vst v63  }
0x14b: {  	v3 =	vadd.s32 v1, v3;
	s31 =	simm.s32 $0x12C00  }
0x14c: {  	[tilespmem:s31], [sflag:$0x2] =	stream.indirect_vreg.gather [hbm4b:s5+s3], $0x80, v4, vm0, $0xb8;
	[tilespmem:$0x18400] =	vst v63  }
0x14d: {  	s12 =	simm.s32 $0x13400  }
0x14e: {  	[tilespmem:s12], [sflag:$0x2] =	stream.indirect_vreg.gather [hbm4b:s6+s3], $0x80, v4, vm0, $0xb8;
	[tilespmem:$0x18400] =	vst v63  }
0x14f: {  	s12 =	simm.s32 $0x13C00  }
0x150: {  	[tilespmem:s12], [sflag:$0x2] =	stream.indirect_vreg.gather [hbm4b:s2+s3], $0x80, v3, vm0, $0xb8;
	[tilespmem:$0x18400] =	vst v63  }
0x151: {  	s12 =	simm.s32 $0x14400  }
0x152: {  	[tilespmem:s12], [sflag:$0x2] =	stream.indirect_vreg.gather [hbm4b:s5+s3], $0x80, v3, vm0, $0xb8;
	[tilespmem:$0x18400] =	vst v63  }
0x153: {  	s14 =	simm.s32 $0x14C00  }
0x154: {  	[tilespmem:s14], [sflag:$0x2] =	stream.indirect_vreg.gather [hbm4b:s6+s3], $0x80, v3, vm0, $0xb8;
	[tilespmem:$0x18400] =	vst v63  }
0x155: {  	v3 =	vld [tilespmem:$0xF0];
	_ =	sdelay $0x4  }
0x156: {  	v15 =	vshrl.u32 v3, $0x3  }
0x157: {  	v4 =	vmul.u32 $0x30, v15  }
0x158: {  	v3 =	vand.u32 $0x7, v3  }
0x159: {  	v3 =	vor.u32 v3, v4  }
0x15a: {  	v4 =	vperm.xlane v3, v0;
	_ =	sdelay $0x1  }
0x15b: {  	v4 =	vadd.s32 v1, v4;
	_ =	sdelay $0x3  }
0x15c: {  	s14 =	simm.s32 $0x15400;
	v3 =	vperm.xlane v3, v2  }
0x15d: {  	[tilespmem:s14], [sflag:$0x2] =	stream.indirect_vreg.gather [hbm4b:s2+s3], $0x80, v4, vm0, $0xb8;
	[tilespmem:$0x18400] =	vst v63  }
0x15e: {  	v3 =	vadd.s32 v1, v3;
	s14 =	simm.s32 $0x15C00  }
0x15f: {  	[tilespmem:s14], [sflag:$0x2] =	stream.indirect_vreg.gather [hbm4b:s5+s3], $0x80, v4, vm0, $0xb8;
	[tilespmem:$0x18400] =	vst v63  }
0x160: {  	s12 =	simm.s32 $0x16400  }
0x161: {  	[tilespmem:s12], [sflag:$0x2] =	stream.indirect_vreg.gather [hbm4b:s6+s3], $0x80, v4, vm0, $0xb8;
	[tilespmem:$0x18400] =	vst v63  }
0x162: {  	s12 =	simm.s32 $0x16C00  }
0x163: {  	[tilespmem:s12], [sflag:$0x2] =	stream.indirect_vreg.gather [hbm4b:s2+s3], $0x80, v3, vm0, $0xb8;
	[tilespmem:$0x18400] =	vst v63  }
0x164: {  	s12 =	simm.s32 $0x17400  }
0x165: {  	[tilespmem:s12], [sflag:$0x2] =	stream.indirect_vreg.gather [hbm4b:s5+s3], $0x80, v3, vm0, $0xb8;
	[tilespmem:$0x18400] =	vst v63  }
0x166: {  	s13 =	simm.s32 $0x17C00  }
0x167: {  	[tilespmem:s13], [sflag:$0x2] =	stream.indirect_vreg.gather [hbm4b:s6+s3], $0x80, v3, vm0, $0xb8;
	[tilespmem:$0x18400] =	vst v63  }
0x168: {  	_ =	swait.ge [sflag:s1], $0x6000  }
0x169: {  	[sflag:s1] =	ssyncset.done $0x0  }
0x16a: {  	[sflag:s1] =	ssyncadd.s32 $0xFFFFA000  }
0x16b: {  	_ =	swait.ge [sflag:s1], $0x6000  }
0x16c: {  	[sflag:s1] =	ssyncset.done $0x0  }
0x16d: {  	s12 =	rddreg [dreg:$0x6];
	[sflag:s1] =	ssyncadd.s32 $0xFFFFA000  }
0x16e: {  	[hbm4b:s12+s3] =	stream.linear.scatter [tilespmem:s30], [sflag:$0x3], $0xC000, $0x38;
	[tilespmem:$0x18400] =	vst v63  }
0x16f: {  	_ =	swait.ge [sflag:s8], $0xC000  }
0x170: {  	[sflag:s8] =	ssyncset.done $0x0  }
0x171: {  	[sflag:s8] =	ssyncadd.s32 $0xFFFF4000  }
0x172: {  	v3 =	vld [tilespmem:$0x100];
	_ =	sdelay $0x4  }
0x173: {  	v16 =	vshrl.u32 v3, $0x3  }
0x174: {  	v4 =	vmul.u32 $0x30, v16  }
0x175: {  	v3 =	vand.u32 $0x7, v3  }
0x176: {  	v3 =	vor.u32 v3, v4  }
0x177: {  	v4 =	vperm.xlane v3, v0;
	_ =	sdelay $0x1  }
0x178: {  	v4 =	vadd.s32 v1, v4;
	_ =	sdelay $0x3  }
0x179: {  	v3 =	vperm.xlane v3, v2  }
0x17a: {  	[tilespmem:s30], [sflag:$0x1] =	stream.indirect_vreg.gather [hbm4b:s2+s3], $0x80, v4, vm0, $0xb8;
	[tilespmem:$0x18400] =	vst v63  }
0x17b: {  	v3 =	vadd.s32 v1, v3  }
0x17c: {  	[tilespmem:s0], [sflag:$0x1] =	stream.indirect_vreg.gather [hbm4b:s5+s3], $0x80, v4, vm0, $0xb8;
	[tilespmem:$0x18400] =	vst v63  }
0x17d: {  	_ = 	snop  }
0x17e: {  	[tilespmem:s9], [sflag:$0x1] =	stream.indirect_vreg.gather [hbm4b:s6+s3], $0x80, v4, vm0, $0xb8;
	[tilespmem:$0x18400] =	vst v63  }
0x17f: {  	_ = 	snop  }
0x180: {  	[tilespmem:s15], [sflag:$0x1] =	stream.indirect_vreg.gather [hbm4b:s2+s3], $0x80, v3, vm0, $0xb8;
	[tilespmem:$0x18400] =	vst v63  }
0x181: {  	_ = 	snop  }
0x182: {  	[tilespmem:s16], [sflag:$0x1] =	stream.indirect_vreg.gather [hbm4b:s5+s3], $0x80, v3, vm0, $0xb8;
	[tilespmem:$0x18400] =	vst v63  }
0x183: {  	s12 =	simm.s32 $0x2C00  }
0x184: {  	[tilespmem:s12], [sflag:$0x1] =	stream.indirect_vreg.gather [hbm4b:s6+s3], $0x80, v3, vm0, $0xb8;
	[tilespmem:$0x18400] =	vst v63  }
0x185: {  	v3 =	vld [tilespmem:$0x110];
	_ =	sdelay $0x4  }
0x186: {  	v17 =	vshrl.u32 v3, $0x3  }
0x187: {  	v4 =	vmul.u32 $0x30, v17  }
0x188: {  	v3 =	vand.u32 $0x7, v3  }
0x189: {  	v3 =	vor.u32 v3, v4  }
0x18a: {  	v4 =	vperm.xlane v3, v0;
	_ =	sdelay $0x1  }
0x18b: {  	v4 =	vadd.s32 v1, v4;
	_ =	sdelay $0x3  }
0x18c: {  	s12 =	simm.s32 $0x3400;
	v3 =	vperm.xlane v3, v2  }
0x18d: {  	[tilespmem:s12], [sflag:$0x1] =	stream.indirect_vreg.gather [hbm4b:s2+s3], $0x80, v4, vm0, $0xb8;
	[tilespmem:$0x18400] =	vst v63  }
0x18e: {  	v3 =	vadd.s32 v1, v3  }
0x18f: {  	[tilespmem:s17], [sflag:$0x1] =	stream.indirect_vreg.gather [hbm4b:s5+s3], $0x80, v4, vm0, $0xb8;
	[tilespmem:$0x18400] =	vst v63  }
0x190: {  	_ = 	snop  }
0x191: {  	[tilespmem:s18], [sflag:$0x1] =	stream.indirect_vreg.gather [hbm4b:s6+s3], $0x80, v4, vm0, $0xb8;
	[tilespmem:$0x18400] =	vst v63  }
0x192: {  	_ = 	snop  }
0x193: {  	[tilespmem:s19], [sflag:$0x1] =	stream.indirect_vreg.gather [hbm4b:s2+s3], $0x80, v3, vm0, $0xb8;
	[tilespmem:$0x18400] =	vst v63  }
0x194: {  	_ = 	snop  }
0x195: {  	[tilespmem:s20], [sflag:$0x1] =	stream.indirect_vreg.gather [hbm4b:s5+s3], $0x80, v3, vm0, $0xb8;
	[tilespmem:$0x18400] =	vst v63  }
0x196: {  	s12 =	simm.s32 $0x5C00  }
0x197: {  	[tilespmem:s12], [sflag:$0x1] =	stream.indirect_vreg.gather [hbm4b:s6+s3], $0x80, v3, vm0, $0xb8;
	[tilespmem:$0x18400] =	vst v63  }
0x198: {  	v3 =	vld [tilespmem:$0x120];
	_ =	sdelay $0x4  }
0x199: {  	v18 =	vshrl.u32 v3, $0x3  }
0x19a: {  	v4 =	vmul.u32 $0x30, v18  }
0x19b: {  	v3 =	vand.u32 $0x7, v3  }
0x19c: {  	v3 =	vor.u32 v3, v4  }
0x19d: {  	v4 =	vperm.xlane v3, v0;
	_ =	sdelay $0x1  }
0x19e: {  	v4 =	vadd.s32 v1, v4;
	_ =	sdelay $0x3  }
0x19f: {  	s12 =	simm.s32 $0x6400;
	v3 =	vperm.xlane v3, v2  }
0x1a0: {  	[tilespmem:s12], [sflag:$0x1] =	stream.indirect_vreg.gather [hbm4b:s2+s3], $0x80, v4, vm0, $0xb8;
	[tilespmem:$0x18400] =	vst v63  }
0x1a1: {  	v3 =	vadd.s32 v1, v3  }
0x1a2: {  	[tilespmem:s21], [sflag:$0x1] =	stream.indirect_vreg.gather [hbm4b:s5+s3], $0x80, v4, vm0, $0xb8;
	[tilespmem:$0x18400] =	vst v63  }
0x1a3: {  	_ = 	snop  }
0x1a4: {  	[tilespmem:s22], [sflag:$0x1] =	stream.indirect_vreg.gather [hbm4b:s6+s3], $0x80, v4, vm0, $0xb8;
	[tilespmem:$0x18400] =	vst v63  }
0x1a5: {  	_ = 	snop  }
0x1a6: {  	[tilespmem:s23], [sflag:$0x1] =	stream.indirect_vreg.gather [hbm4b:s2+s3], $0x80, v3, vm0, $0xb8;
	[tilespmem:$0x18400] =	vst v63  }
0x1a7: {  	_ = 	snop  }
0x1a8: {  	[tilespmem:s24], [sflag:$0x1] =	stream.indirect_vreg.gather [hbm4b:s5+s3], $0x80, v3, vm0, $0xb8;
	[tilespmem:$0x18400] =	vst v63  }
0x1a9: {  	s12 =	simm.s32 $0x8C00  }
0x1aa: {  	[tilespmem:s12], [sflag:$0x1] =	stream.indirect_vreg.gather [hbm4b:s6+s3], $0x80, v3, vm0, $0xb8;
	[tilespmem:$0x18400] =	vst v63  }
0x1ab: {  	v3 =	vld [tilespmem:$0x130];
	_ =	sdelay $0x4  }
0x1ac: {  	v19 =	vshrl.u32 v3, $0x3  }
0x1ad: {  	v4 =	vmul.u32 $0x30, v19  }
0x1ae: {  	v3 =	vand.u32 $0x7, v3  }
0x1af: {  	v3 =	vor.u32 v3, v4  }
0x1b0: {  	v4 =	vperm.xlane v3, v0;
	_ =	sdelay $0x1  }
0x1b1: {  	v4 =	vadd.s32 v1, v4;
	_ =	sdelay $0x3  }
0x1b2: {  	s12 =	simm.s32 $0x9400;
	v3 =	vperm.xlane v3, v2  }
0x1b3: {  	[tilespmem:s12], [sflag:$0x1] =	stream.indirect_vreg.gather [hbm4b:s2+s3], $0x80, v4, vm0, $0xb8;
	[tilespmem:$0x18400] =	vst v63  }
0x1b4: {  	v3 =	vadd.s32 v1, v3  }
0x1b5: {  	[tilespmem:s25], [sflag:$0x1] =	stream.indirect_vreg.gather [hbm4b:s5+s3], $0x80, v4, vm0, $0xb8;
	[tilespmem:$0x18400] =	vst v63  }
0x1b6: {  	_ = 	snop  }
0x1b7: {  	[tilespmem:s26], [sflag:$0x1] =	stream.indirect_vreg.gather [hbm4b:s6+s3], $0x80, v4, vm0, $0xb8;
	[tilespmem:$0x18400] =	vst v63  }
0x1b8: {  	_ = 	snop  }
0x1b9: {  	[tilespmem:s28], [sflag:$0x1] =	stream.indirect_vreg.gather [hbm4b:s2+s3], $0x80, v3, vm0, $0xb8;
	[tilespmem:$0x18400] =	vst v63  }
0x1ba: {  	_ = 	snop  }
0x1bb: {  	[tilespmem:s29], [sflag:$0x1] =	stream.indirect_vreg.gather [hbm4b:s5+s3], $0x80, v3, vm0, $0xb8;
	[tilespmem:$0x18400] =	vst v63  }
0x1bc: {  	s12 =	simm.s32 $0xBC00  }
0x1bd: {  	[tilespmem:s12], [sflag:$0x1] =	stream.indirect_vreg.gather [hbm4b:s6+s3], $0x80, v3, vm0, $0xb8;
	[tilespmem:$0x18400] =	vst v63  }
0x1be: {  	_ =	swait.ge [sflag:s10], $0x6000  }
0x1bf: {  	[sflag:s10] =	ssyncset.done $0x0  }
0x1c0: {  	[sflag:s10] =	ssyncadd.s32 $0xFFFFA000  }
0x1c1: {  	_ =	swait.ge [sflag:s10], $0x6000  }
0x1c2: {  	[sflag:s10] =	ssyncset.done $0x0  }
0x1c3: {  	s12 =	rddreg [dreg:$0x7];
	[sflag:s10] =	ssyncadd.s32 $0xFFFFA000  }
0x1c4: {  	[hbm4b:s12+s3] =	stream.linear.scatter [tilespmem:s4], [sflag:$0x4], $0xC000, $0x38;
	[tilespmem:$0x18400] =	vst v63  }
0x1c5: {  	_ =	swait.ge [sflag:s11], $0xC000  }
0x1c6: {  	[sflag:s11] =	ssyncset.done $0x0  }
0x1c7: {  	[sflag:s11] =	ssyncadd.s32 $0xFFFF4000  }
0x1c8: {  	v3 =	vld [tilespmem:$0x140];
	_ =	sdelay $0x4  }
0x1c9: {  	v20 =	vshrl.u32 v3, $0x3  }
0x1ca: {  	v4 =	vmul.u32 $0x30, v20  }
0x1cb: {  	v3 =	vand.u32 $0x7, v3  }
0x1cc: {  	v3 =	vor.u32 v3, v4  }
0x1cd: {  	v4 =	vperm.xlane v3, v0;
	_ =	sdelay $0x1  }
0x1ce: {  	v4 =	vadd.s32 v1, v4;
	_ =	sdelay $0x3  }
0x1cf: {  	v3 =	vperm.xlane v3, v2  }
0x1d0: {  	[tilespmem:s4], [sflag:$0x2] =	stream.indirect_vreg.gather [hbm4b:s2+s3], $0x80, v4, vm0, $0xb8;
	[tilespmem:$0x18400] =	vst v63  }
0x1d1: {  	s7 =	simm.s32 $0xCC00;
	v3 =	vadd.s32 v1, v3  }
0x1d2: {  	[tilespmem:s7], [sflag:$0x2] =	stream.indirect_vreg.gather [hbm4b:s5+s3], $0x80, v4, vm0, $0xb8;
	[tilespmem:$0x18400] =	vst v63  }
0x1d3: {  	s12 =	simm.s32 $0xD400  }
0x1d4: {  	[tilespmem:s12], [sflag:$0x2] =	stream.indirect_vreg.gather [hbm4b:s6+s3], $0x80, v4, vm0, $0xb8;
	[tilespmem:$0x18400] =	vst v63  }
0x1d5: {  	s12 =	simm.s32 $0xDC00  }
0x1d6: {  	[tilespmem:s12], [sflag:$0x2] =	stream.indirect_vreg.gather [hbm4b:s2+s3], $0x80, v3, vm0, $0xb8;
	[tilespmem:$0x18400] =	vst v63  }
0x1d7: {  	s12 =	simm.s32 $0xE400  }
0x1d8: {  	[tilespmem:s12], [sflag:$0x2] =	stream.indirect_vreg.gather [hbm4b:s5+s3], $0x80, v3, vm0, $0xb8;
	[tilespmem:$0x18400] =	vst v63  }
0x1d9: {  	s12 =	simm.s32 $0xEC00  }
0x1da: {  	[tilespmem:s12], [sflag:$0x2] =	stream.indirect_vreg.gather [hbm4b:s6+s3], $0x80, v3, vm0, $0xb8;
	[tilespmem:$0x18400] =	vst v63  }
0x1db: {  	v3 =	vld [tilespmem:$0x150];
	_ =	sdelay $0x4  }
0x1dc: {  	v21 =	vshrl.u32 v3, $0x3  }
0x1dd: {  	v4 =	vmul.u32 $0x30, v21  }
0x1de: {  	v3 =	vand.u32 $0x7, v3  }
0x1df: {  	v3 =	vor.u32 v3, v4  }
0x1e0: {  	v4 =	vperm.xlane v3, v0;
	_ =	sdelay $0x1  }
0x1e1: {  	v4 =	vadd.s32 v1, v4;
	_ =	sdelay $0x3  }
0x1e2: {  	s12 =	simm.s32 $0xF400;
	v3 =	vperm.xlane v3, v2  }
0x1e3: {  	[tilespmem:s12], [sflag:$0x2] =	stream.indirect_vreg.gather [hbm4b:s2+s3], $0x80, v4, vm0, $0xb8;
	[tilespmem:$0x18400] =	vst v63  }
0x1e4: {  	v3 =	vadd.s32 v1, v3;
	s12 =	simm.s32 $0xFC00  }
0x1e5: {  	[tilespmem:s12], [sflag:$0x2] =	stream.indirect_vreg.gather [hbm4b:s5+s3], $0x80, v4, vm0, $0xb8;
	[tilespmem:$0x18400] =	vst v63  }
0x1e6: {  	s12 =	simm.s32 $0x10400  }
0x1e7: {  	[tilespmem:s12], [sflag:$0x2] =	stream.indirect_vreg.gather [hbm4b:s6+s3], $0x80, v4, vm0, $0xb8;
	[tilespmem:$0x18400] =	vst v63  }
0x1e8: {  	s12 =	simm.s32 $0x10C00  }
0x1e9: {  	[tilespmem:s12], [sflag:$0x2] =	stream.indirect_vreg.gather [hbm4b:s2+s3], $0x80, v3, vm0, $0xb8;
	[tilespmem:$0x18400] =	vst v63  }
0x1ea: {  	s12 =	simm.s32 $0x11400  }
0x1eb: {  	[tilespmem:s12], [sflag:$0x2] =	stream.indirect_vreg.gather [hbm4b:s5+s3], $0x80, v3, vm0, $0xb8;
	[tilespmem:$0x18400] =	vst v63  }
0x1ec: {  	s12 =	simm.s32 $0x11C00  }
0x1ed: {  	[tilespmem:s12], [sflag:$0x2] =	stream.indirect_vreg.gather [hbm4b:s6+s3], $0x80, v3, vm0, $0xb8;
	[tilespmem:$0x18400] =	vst v63  }
0x1ee: {  	v3 =	vld [tilespmem:$0x160];
	_ =	sdelay $0x4  }
0x1ef: {  	v22 =	vshrl.u32 v3, $0x3  }
0x1f0: {  	v4 =	vmul.u32 $0x30, v22  }
0x1f1: {  	v3 =	vand.u32 $0x7, v3  }
0x1f2: {  	v3 =	vor.u32 v3, v4  }
0x1f3: {  	v4 =	vperm.xlane v3, v0;
	_ =	sdelay $0x1  }
0x1f4: {  	v4 =	vadd.s32 v1, v4;
	_ =	sdelay $0x3  }
0x1f5: {  	s12 =	simm.s32 $0x12400;
	v3 =	vperm.xlane v3, v2  }
0x1f6: {  	[tilespmem:s12], [sflag:$0x2] =	stream.indirect_vreg.gather [hbm4b:s2+s3], $0x80, v4, vm0, $0xb8;
	[tilespmem:$0x18400] =	vst v63  }
0x1f7: {  	s31 =	simm.s32 $0x12C00;
	v3 =	vadd.s32 v1, v3  }
0x1f8: {  	[tilespmem:s31], [sflag:$0x2] =	stream.indirect_vreg.gather [hbm4b:s5+s3], $0x80, v4, vm0, $0xb8;
	[tilespmem:$0x18400] =	vst v63  }
0x1f9: {  	s12 =	simm.s32 $0x13400  }
0x1fa: {  	[tilespmem:s12], [sflag:$0x2] =	stream.indirect_vreg.gather [hbm4b:s6+s3], $0x80, v4, vm0, $0xb8;
	[tilespmem:$0x18400] =	vst v63  }
0x1fb: {  	s12 =	simm.s32 $0x13C00  }
0x1fc: {  	[tilespmem:s12], [sflag:$0x2] =	stream.indirect_vreg.gather [hbm4b:s2+s3], $0x80, v3, vm0, $0xb8;
	[tilespmem:$0x18400] =	vst v63  }
0x1fd: {  	s12 =	simm.s32 $0x14400  }
0x1fe: {  	[tilespmem:s12], [sflag:$0x2] =	stream.indirect_vreg.gather [hbm4b:s5+s3], $0x80, v3, vm0, $0xb8;
	[tilespmem:$0x18400] =	vst v63  }
0x1ff: {  	s12 =	simm.s32 $0x14C00  }
0x200: {  	[tilespmem:s12], [sflag:$0x2] =	stream.indirect_vreg.gather [hbm4b:s6+s3], $0x80, v3, vm0, $0xb8;
	[tilespmem:$0x18400] =	vst v63  }
0x201: {  	v3 =	vld [tilespmem:$0x170];
	_ =	sdelay $0x4  }
0x202: {  	v23 =	vshrl.u32 v3, $0x3  }
0x203: {  	v4 =	vmul.u32 $0x30, v23  }
0x204: {  	v3 =	vand.u32 $0x7, v3  }
0x205: {  	v3 =	vor.u32 v3, v4  }
0x206: {  	v4 =	vperm.xlane v3, v0;
	_ =	sdelay $0x1  }
0x207: {  	v4 =	vadd.s32 v1, v4;
	_ =	sdelay $0x3  }
0x208: {  	s12 =	simm.s32 $0x15400;
	v3 =	vperm.xlane v3, v2  }
0x209: {  	[tilespmem:s12], [sflag:$0x2] =	stream.indirect_vreg.gather [hbm4b:s2+s3], $0x80, v4, vm0, $0xb8;
	[tilespmem:$0x18400] =	vst v63  }
0x20a: {  	s14 =	simm.s32 $0x15C00;
	v3 =	vadd.s32 v1, v3  }
0x20b: {  	[tilespmem:s14], [sflag:$0x2] =	stream.indirect_vreg.gather [hbm4b:s5+s3], $0x80, v4, vm0, $0xb8;
	[tilespmem:$0x18400] =	vst v63  }
0x20c: {  	s12 =	simm.s32 $0x16400  }
0x20d: {  	[tilespmem:s12], [sflag:$0x2] =	stream.indirect_vreg.gather [hbm4b:s6+s3], $0x80, v4, vm0, $0xb8;
	[tilespmem:$0x18400] =	vst v63  }
0x20e: {  	s12 =	simm.s32 $0x16C00  }
0x20f: {  	[tilespmem:s12], [sflag:$0x2] =	stream.indirect_vreg.gather [hbm4b:s2+s3], $0x80, v3, vm0, $0xb8;
	[tilespmem:$0x18400] =	vst v63  }
0x210: {  	s12 =	simm.s32 $0x17400  }
0x211: {  	[tilespmem:s12], [sflag:$0x2] =	stream.indirect_vreg.gather [hbm4b:s5+s3], $0x80, v3, vm0, $0xb8;
	[tilespmem:$0x18400] =	vst v63  }
0x212: {  	s13 =	simm.s32 $0x17C00  }
0x213: {  	[tilespmem:s13], [sflag:$0x2] =	stream.indirect_vreg.gather [hbm4b:s6+s3], $0x80, v3, vm0, $0xb8;
	[tilespmem:$0x18400] =	vst v63  }
0x214: {  	_ =	swait.ge [sflag:s1], $0x6000  }
0x215: {  	[sflag:s1] =	ssyncset.done $0x0  }
0x216: {  	[sflag:s1] =	ssyncadd.s32 $0xFFFFA000  }
0x217: {  	_ =	swait.ge [sflag:s1], $0x6000  }
0x218: {  	[sflag:s1] =	ssyncset.done $0x0  }
0x219: {  	s12 =	rddreg [dreg:$0x8];
	[sflag:s1] =	ssyncadd.s32 $0xFFFFA000  }
0x21a: {  	[hbm4b:s12+s3] =	stream.linear.scatter [tilespmem:s30], [sflag:$0x3], $0xC000, $0x38;
	[tilespmem:$0x18400] =	vst v63  }
0x21b: {  	_ =	swait.ge [sflag:s8], $0xC000  }
0x21c: {  	[sflag:s8] =	ssyncset.done $0x0  }
0x21d: {  	[sflag:s8] =	ssyncadd.s32 $0xFFFF4000  }
0x21e: {  	v3 =	vld [tilespmem:$0x180];
	_ =	sdelay $0x4  }
0x21f: {  	v24 =	vshrl.u32 v3, $0x3  }
0x220: {  	v4 =	vmul.u32 $0x30, v24  }
0x221: {  	v3 =	vand.u32 $0x7, v3  }
0x222: {  	v3 =	vor.u32 v3, v4  }
0x223: {  	v4 =	vperm.xlane v3, v0;
	_ =	sdelay $0x1  }
0x224: {  	v4 =	vadd.s32 v1, v4;
	_ =	sdelay $0x3  }
0x225: {  	v3 =	vperm.xlane v3, v2  }
0x226: {  	[tilespmem:s30], [sflag:$0x1] =	stream.indirect_vreg.gather [hbm4b:s2+s3], $0x80, v4, vm0, $0xb8;
	[tilespmem:$0x18400] =	vst v63  }
0x227: {  	s0 =	simm.s32 $0xC00;
	v3 =	vadd.s32 v1, v3  }
0x228: {  	[tilespmem:s0], [sflag:$0x1] =	stream.indirect_vreg.gather [hbm4b:s5+s3], $0x80, v4, vm0, $0xb8;
	[tilespmem:$0x18400] =	vst v63  }
0x229: {  	s9 =	simm.s32 $0x1400  }
0x22a: {  	[tilespmem:s9], [sflag:$0x1] =	stream.indirect_vreg.gather [hbm4b:s6+s3], $0x80, v4, vm0, $0xb8;
	[tilespmem:$0x18400] =	vst v63  }
0x22b: {  	s15 =	simm.s32 $0x1C00  }
0x22c: {  	[tilespmem:s15], [sflag:$0x1] =	stream.indirect_vreg.gather [hbm4b:s2+s3], $0x80, v3, vm0, $0xb8;
	[tilespmem:$0x18400] =	vst v63  }
0x22d: {  	s16 =	simm.s32 $0x2400  }
0x22e: {  	[tilespmem:s16], [sflag:$0x1] =	stream.indirect_vreg.gather [hbm4b:s5+s3], $0x80, v3, vm0, $0xb8;
	[tilespmem:$0x18400] =	vst v63  }
0x22f: {  	s12 =	simm.s32 $0x2C00  }
0x230: {  	[tilespmem:s12], [sflag:$0x1] =	stream.indirect_vreg.gather [hbm4b:s6+s3], $0x80, v3, vm0, $0xb8;
	[tilespmem:$0x18400] =	vst v63  }
0x231: {  	v3 =	vld [tilespmem:$0x190];
	_ =	sdelay $0x4  }
0x232: {  	v25 =	vshrl.u32 v3, $0x3  }
0x233: {  	v4 =	vmul.u32 $0x30, v25  }
0x234: {  	v3 =	vand.u32 $0x7, v3  }
0x235: {  	v3 =	vor.u32 v3, v4  }
0x236: {  	v4 =	vperm.xlane v3, v0;
	_ =	sdelay $0x1  }
0x237: {  	v4 =	vadd.s32 v1, v4;
	_ =	sdelay $0x3  }
0x238: {  	s12 =	simm.s32 $0x3400;
	v3 =	vperm.xlane v3, v2  }
0x239: {  	[tilespmem:s12], [sflag:$0x1] =	stream.indirect_vreg.gather [hbm4b:s2+s3], $0x80, v4, vm0, $0xb8;
	[tilespmem:$0x18400] =	vst v63  }
0x23a: {  	s17 =	simm.s32 $0x3C00;
	v3 =	vadd.s32 v1, v3  }
0x23b: {  	[tilespmem:s17], [sflag:$0x1] =	stream.indirect_vreg.gather [hbm4b:s5+s3], $0x80, v4, vm0, $0xb8;
	[tilespmem:$0x18400] =	vst v63  }
0x23c: {  	s18 =	simm.s32 $0x4400  }
0x23d: {  	[tilespmem:s18], [sflag:$0x1] =	stream.indirect_vreg.gather [hbm4b:s6+s3], $0x80, v4, vm0, $0xb8;
	[tilespmem:$0x18400] =	vst v63  }
0x23e: {  	s19 =	simm.s32 $0x4C00  }
0x23f: {  	[tilespmem:s19], [sflag:$0x1] =	stream.indirect_vreg.gather [hbm4b:s2+s3], $0x80, v3, vm0, $0xb8;
	[tilespmem:$0x18400] =	vst v63  }
0x240: {  	s20 =	simm.s32 $0x5400  }
0x241: {  	[tilespmem:s20], [sflag:$0x1] =	stream.indirect_vreg.gather [hbm4b:s5+s3], $0x80, v3, vm0, $0xb8;
	[tilespmem:$0x18400] =	vst v63  }
0x242: {  	s12 =	simm.s32 $0x5C00  }
0x243: {  	[tilespmem:s12], [sflag:$0x1] =	stream.indirect_vreg.gather [hbm4b:s6+s3], $0x80, v3, vm0, $0xb8;
	[tilespmem:$0x18400] =	vst v63  }
0x244: {  	v3 =	vld [tilespmem:$0x1A0];
	_ =	sdelay $0x4  }
0x245: {  	v26 =	vshrl.u32 v3, $0x3  }
0x246: {  	v4 =	vmul.u32 $0x30, v26  }
0x247: {  	v3 =	vand.u32 $0x7, v3  }
0x248: {  	v3 =	vor.u32 v3, v4  }
0x249: {  	v4 =	vperm.xlane v3, v0;
	_ =	sdelay $0x1  }
0x24a: {  	v4 =	vadd.s32 v1, v4;
	_ =	sdelay $0x3  }
0x24b: {  	s12 =	simm.s32 $0x6400;
	v3 =	vperm.xlane v3, v2  }
0x24c: {  	[tilespmem:s12], [sflag:$0x1] =	stream.indirect_vreg.gather [hbm4b:s2+s3], $0x80, v4, vm0, $0xb8;
	[tilespmem:$0x18400] =	vst v63  }
0x24d: {  	s21 =	simm.s32 $0x6C00;
	v3 =	vadd.s32 v1, v3  }
0x24e: {  	[tilespmem:s21], [sflag:$0x1] =	stream.indirect_vreg.gather [hbm4b:s5+s3], $0x80, v4, vm0, $0xb8;
	[tilespmem:$0x18400] =	vst v63  }
0x24f: {  	s22 =	simm.s32 $0x7400  }
0x250: {  	[tilespmem:s22], [sflag:$0x1] =	stream.indirect_vreg.gather [hbm4b:s6+s3], $0x80, v4, vm0, $0xb8;
	[tilespmem:$0x18400] =	vst v63  }
0x251: {  	s23 =	simm.s32 $0x7C00  }
0x252: {  	[tilespmem:s23], [sflag:$0x1] =	stream.indirect_vreg.gather [hbm4b:s2+s3], $0x80, v3, vm0, $0xb8;
	[tilespmem:$0x18400] =	vst v63  }
0x253: {  	s24 =	simm.s32 $0x8400  }
0x254: {  	[tilespmem:s24], [sflag:$0x1] =	stream.indirect_vreg.gather [hbm4b:s5+s3], $0x80, v3, vm0, $0xb8;
	[tilespmem:$0x18400] =	vst v63  }
0x255: {  	s12 =	simm.s32 $0x8C00  }
0x256: {  	[tilespmem:s12], [sflag:$0x1] =	stream.indirect_vreg.gather [hbm4b:s6+s3], $0x80, v3, vm0, $0xb8;
	[tilespmem:$0x18400] =	vst v63  }
0x257: {  	v3 =	vld [tilespmem:$0x1B0];
	_ =	sdelay $0x4  }
0x258: {  	v27 =	vshrl.u32 v3, $0x3  }
0x259: {  	v4 =	vmul.u32 $0x30, v27  }
0x25a: {  	v3 =	vand.u32 $0x7, v3  }
0x25b: {  	v3 =	vor.u32 v3, v4  }
0x25c: {  	v4 =	vperm.xlane v3, v0;
	_ =	sdelay $0x1  }
0x25d: {  	v4 =	vadd.s32 v1, v4;
	_ =	sdelay $0x3  }
0x25e: {  	s12 =	simm.s32 $0x9400;
	v3 =	vperm.xlane v3, v2  }
0x25f: {  	[tilespmem:s12], [sflag:$0x1] =	stream.indirect_vreg.gather [hbm4b:s2+s3], $0x80, v4, vm0, $0xb8;
	[tilespmem:$0x18400] =	vst v63  }
0x260: {  	s25 =	simm.s32 $0x9C00;
	v3 =	vadd.s32 v1, v3  }
0x261: {  	[tilespmem:s25], [sflag:$0x1] =	stream.indirect_vreg.gather [hbm4b:s5+s3], $0x80, v4, vm0, $0xb8;
	[tilespmem:$0x18400] =	vst v63  }
0x262: {  	s26 =	simm.s32 $0xA400  }
0x263: {  	[tilespmem:s26], [sflag:$0x1] =	stream.indirect_vreg.gather [hbm4b:s6+s3], $0x80, v4, vm0, $0xb8;
	[tilespmem:$0x18400] =	vst v63  }
0x264: {  	s28 =	simm.s32 $0xAC00  }
0x265: {  	[tilespmem:s28], [sflag:$0x1] =	stream.indirect_vreg.gather [hbm4b:s2+s3], $0x80, v3, vm0, $0xb8;
	[tilespmem:$0x18400] =	vst v63  }
0x266: {  	s29 =	simm.s32 $0xB400  }
0x267: {  	[tilespmem:s29], [sflag:$0x1] =	stream.indirect_vreg.gather [hbm4b:s5+s3], $0x80, v3, vm0, $0xb8;
	[tilespmem:$0x18400] =	vst v63  }
0x268: {  	s12 =	simm.s32 $0xBC00  }
0x269: {  	[tilespmem:s12], [sflag:$0x1] =	stream.indirect_vreg.gather [hbm4b:s6+s3], $0x80, v3, vm0, $0xb8;
	[tilespmem:$0x18400] =	vst v63  }
0x26a: {  	_ =	swait.ge [sflag:s10], $0x6000  }
0x26b: {  	[sflag:s10] =	ssyncset.done $0x0  }
0x26c: {  	[sflag:s10] =	ssyncadd.s32 $0xFFFFA000  }
0x26d: {  	_ =	swait.ge [sflag:s10], $0x6000  }
0x26e: {  	[sflag:s10] =	ssyncset.done $0x0  }
0x26f: {  	s12 =	rddreg [dreg:$0x9];
	[sflag:s10] =	ssyncadd.s32 $0xFFFFA000  }
0x270: {  	[hbm4b:s12+s3] =	stream.linear.scatter [tilespmem:s4], [sflag:$0x4], $0xC000, $0x38;
	[tilespmem:$0x18400] =	vst v63  }
0x271: {  	_ =	swait.ge [sflag:s11], $0xC000  }
0x272: {  	[sflag:s11] =	ssyncset.done $0x0  }
0x273: {  	[sflag:s11] =	ssyncadd.s32 $0xFFFF4000  }
0x274: {  	v3 =	vld [tilespmem:$0x1C0];
	_ =	sdelay $0x4  }
0x275: {  	v28 =	vshrl.u32 v3, $0x3  }
0x276: {  	v4 =	vmul.u32 $0x30, v28  }
0x277: {  	v3 =	vand.u32 $0x7, v3  }
0x278: {  	v3 =	vor.u32 v3, v4  }
0x279: {  	v4 =	vperm.xlane v3, v0;
	_ =	sdelay $0x1  }
0x27a: {  	v4 =	vadd.s32 v1, v4;
	_ =	sdelay $0x3  }
0x27b: {  	v3 =	vperm.xlane v3, v2  }
0x27c: {  	[tilespmem:s4], [sflag:$0x2] =	stream.indirect_vreg.gather [hbm4b:s2+s3], $0x80, v4, vm0, $0xb8;
	[tilespmem:$0x18400] =	vst v63  }
0x27d: {  	s7 =	simm.s32 $0xCC00;
	v3 =	vadd.s32 v1, v3  }
0x27e: {  	[tilespmem:s7], [sflag:$0x2] =	stream.indirect_vreg.gather [hbm4b:s5+s3], $0x80, v4, vm0, $0xb8;
	[tilespmem:$0x18400] =	vst v63  }
0x27f: {  	s12 =	simm.s32 $0xD400  }
0x280: {  	[tilespmem:s12], [sflag:$0x2] =	stream.indirect_vreg.gather [hbm4b:s6+s3], $0x80, v4, vm0, $0xb8;
	[tilespmem:$0x18400] =	vst v63  }
0x281: {  	s12 =	simm.s32 $0xDC00  }
0x282: {  	[tilespmem:s12], [sflag:$0x2] =	stream.indirect_vreg.gather [hbm4b:s2+s3], $0x80, v3, vm0, $0xb8;
	[tilespmem:$0x18400] =	vst v63  }
0x283: {  	s12 =	simm.s32 $0xE400  }
0x284: {  	[tilespmem:s12], [sflag:$0x2] =	stream.indirect_vreg.gather [hbm4b:s5+s3], $0x80, v3, vm0, $0xb8;
	[tilespmem:$0x18400] =	vst v63  }
0x285: {  	s12 =	simm.s32 $0xEC00  }
0x286: {  	[tilespmem:s12], [sflag:$0x2] =	stream.indirect_vreg.gather [hbm4b:s6+s3], $0x80, v3, vm0, $0xb8;
	[tilespmem:$0x18400] =	vst v63  }
0x287: {  	v3 =	vld [tilespmem:$0x1D0];
	_ =	sdelay $0x4  }
0x288: {  	v29 =	vshrl.u32 v3, $0x3  }
0x289: {  	v4 =	vmul.u32 $0x30, v29  }
0x28a: {  	v3 =	vand.u32 $0x7, v3  }
0x28b: {  	v3 =	vor.u32 v3, v4  }
0x28c: {  	v4 =	vperm.xlane v3, v0;
	_ =	sdelay $0x1  }
0x28d: {  	v4 =	vadd.s32 v1, v4;
	_ =	sdelay $0x3  }
0x28e: {  	s12 =	simm.s32 $0xF400;
	v3 =	vperm.xlane v3, v2  }
0x28f: {  	[tilespmem:s12], [sflag:$0x2] =	stream.indirect_vreg.gather [hbm4b:s2+s3], $0x80, v4, vm0, $0xb8;
	[tilespmem:$0x18400] =	vst v63  }
0x290: {  	v3 =	vadd.s32 v1, v3;
	s12 =	simm.s32 $0xFC00  }
0x291: {  	[tilespmem:s12], [sflag:$0x2] =	stream.indirect_vreg.gather [hbm4b:s5+s3], $0x80, v4, vm0, $0xb8;
	[tilespmem:$0x18400] =	vst v63  }
0x292: {  	s12 =	simm.s32 $0x10400  }
0x293: {  	[tilespmem:s12], [sflag:$0x2] =	stream.indirect_vreg.gather [hbm4b:s6+s3], $0x80, v4, vm0, $0xb8;
	[tilespmem:$0x18400] =	vst v63  }
0x294: {  	s12 =	simm.s32 $0x10C00  }
0x295: {  	[tilespmem:s12], [sflag:$0x2] =	stream.indirect_vreg.gather [hbm4b:s2+s3], $0x80, v3, vm0, $0xb8;
	[tilespmem:$0x18400] =	vst v63  }
0x296: {  	s12 =	simm.s32 $0x11400  }
0x297: {  	[tilespmem:s12], [sflag:$0x2] =	stream.indirect_vreg.gather [hbm4b:s5+s3], $0x80, v3, vm0, $0xb8;
	[tilespmem:$0x18400] =	vst v63  }
0x298: {  	s12 =	simm.s32 $0x11C00  }
0x299: {  	[tilespmem:s12], [sflag:$0x2] =	stream.indirect_vreg.gather [hbm4b:s6+s3], $0x80, v3, vm0, $0xb8;
	[tilespmem:$0x18400] =	vst v63  }
0x29a: {  	v3 =	vld [tilespmem:$0x1E0];
	_ =	sdelay $0x4  }
0x29b: {  	v30 =	vshrl.u32 v3, $0x3  }
0x29c: {  	v4 =	vmul.u32 $0x30, v30  }
0x29d: {  	v3 =	vand.u32 $0x7, v3  }
0x29e: {  	v3 =	vor.u32 v3, v4  }
0x29f: {  	v4 =	vperm.xlane v3, v0;
	_ =	sdelay $0x1  }
0x2a0: {  	v4 =	vadd.s32 v1, v4;
	_ =	sdelay $0x3  }
0x2a1: {  	s12 =	simm.s32 $0x12400;
	v3 =	vperm.xlane v3, v2  }
0x2a2: {  	[tilespmem:s12], [sflag:$0x2] =	stream.indirect_vreg.gather [hbm4b:s2+s3], $0x80, v4, vm0, $0xb8;
	[tilespmem:$0x18400] =	vst v63  }
0x2a3: {  	s31 =	simm.s32 $0x12C00;
	v3 =	vadd.s32 v1, v3  }
0x2a4: {  	[tilespmem:s31], [sflag:$0x2] =	stream.indirect_vreg.gather [hbm4b:s5+s3], $0x80, v4, vm0, $0xb8;
	[tilespmem:$0x18400] =	vst v63  }
0x2a5: {  	s12 =	simm.s32 $0x13400  }
0x2a6: {  	[tilespmem:s12], [sflag:$0x2] =	stream.indirect_vreg.gather [hbm4b:s6+s3], $0x80, v4, vm0, $0xb8;
	[tilespmem:$0x18400] =	vst v63  }
0x2a7: {  	s12 =	simm.s32 $0x13C00  }
0x2a8: {  	[tilespmem:s12], [sflag:$0x2] =	stream.indirect_vreg.gather [hbm4b:s2+s3], $0x80, v3, vm0, $0xb8;
	[tilespmem:$0x18400] =	vst v63  }
0x2a9: {  	s12 =	simm.s32 $0x14400  }
0x2aa: {  	[tilespmem:s12], [sflag:$0x2] =	stream.indirect_vreg.gather [hbm4b:s5+s3], $0x80, v3, vm0, $0xb8;
	[tilespmem:$0x18400] =	vst v63  }
0x2ab: {  	s12 =	simm.s32 $0x14C00  }
0x2ac: {  	[tilespmem:s12], [sflag:$0x2] =	stream.indirect_vreg.gather [hbm4b:s6+s3], $0x80, v3, vm0, $0xb8;
	[tilespmem:$0x18400] =	vst v63  }
0x2ad: {  	v3 =	vld [tilespmem:$0x1F0];
	_ =	sdelay $0x4  }
0x2ae: {  	v31 =	vshrl.u32 v3, $0x3  }
0x2af: {  	v4 =	vmul.u32 $0x30, v31  }
0x2b0: {  	v3 =	vand.u32 $0x7, v3  }
0x2b1: {  	v3 =	vor.u32 v3, v4  }
0x2b2: {  	v4 =	vperm.xlane v3, v0;
	_ =	sdelay $0x1  }
0x2b3: {  	v4 =	vadd.s32 v1, v4;
	_ =	sdelay $0x3  }
0x2b4: {  	s12 =	simm.s32 $0x15400;
	v3 =	vperm.xlane v3, v2  }
0x2b5: {  	[tilespmem:s12], [sflag:$0x2] =	stream.indirect_vreg.gather [hbm4b:s2+s3], $0x80, v4, vm0, $0xb8;
	[tilespmem:$0x18400] =	vst v63  }
0x2b6: {  	s14 =	simm.s32 $0x15C00;
	v3 =	vadd.s32 v1, v3  }
0x2b7: {  	[tilespmem:s14], [sflag:$0x2] =	stream.indirect_vreg.gather [hbm4b:s5+s3], $0x80, v4, vm0, $0xb8;
	[tilespmem:$0x18400] =	vst v63  }
0x2b8: {  	s12 =	simm.s32 $0x16400  }
0x2b9: {  	[tilespmem:s12], [sflag:$0x2] =	stream.indirect_vreg.gather [hbm4b:s6+s3], $0x80, v4, vm0, $0xb8;
	[tilespmem:$0x18400] =	vst v63  }
0x2ba: {  	s12 =	simm.s32 $0x16C00  }
0x2bb: {  	[tilespmem:s12], [sflag:$0x2] =	stream.indirect_vreg.gather [hbm4b:s2+s3], $0x80, v3, vm0, $0xb8;
	[tilespmem:$0x18400] =	vst v63  }
0x2bc: {  	s12 =	simm.s32 $0x17400  }
0x2bd: {  	[tilespmem:s12], [sflag:$0x2] =	stream.indirect_vreg.gather [hbm4b:s5+s3], $0x80, v3, vm0, $0xb8;
	[tilespmem:$0x18400] =	vst v63  }
0x2be: {  	s13 =	simm.s32 $0x17C00  }
0x2bf: {  	[tilespmem:s13], [sflag:$0x2] =	stream.indirect_vreg.gather [hbm4b:s6+s3], $0x80, v3, vm0, $0xb8;
	[tilespmem:$0x18400] =	vst v63  }
0x2c0: {  	_ =	swait.ge [sflag:s1], $0x6000  }
0x2c1: {  	[sflag:s1] =	ssyncset.done $0x0  }
0x2c2: {  	[sflag:s1] =	ssyncadd.s32 $0xFFFFA000  }
0x2c3: {  	_ =	swait.ge [sflag:s1], $0x6000  }
0x2c4: {  	[sflag:s1] =	ssyncset.done $0x0  }
0x2c5: {  	s12 =	rddreg [dreg:$0xa];
	[sflag:s1] =	ssyncadd.s32 $0xFFFFA000  }
0x2c6: {  	[hbm4b:s12+s3] =	stream.linear.scatter [tilespmem:s30], [sflag:$0x3], $0xC000, $0x38;
	[tilespmem:$0x18400] =	vst v63  }
0x2c7: {  	_ =	swait.ge [sflag:s8], $0xC000  }
0x2c8: {  	[sflag:s8] =	ssyncset.done $0x0  }
0x2c9: {  	[sflag:s8] =	ssyncadd.s32 $0xFFFF4000  }
0x2ca: {  	v3 =	vld [tilespmem:$0x200];
	_ =	sdelay $0x4  }
0x2cb: {  	v32 =	vshrl.u32 v3, $0x3  }
0x2cc: {  	v4 =	vmul.u32 $0x30, v32  }
0x2cd: {  	v3 =	vand.u32 $0x7, v3  }
0x2ce: {  	v3 =	vor.u32 v3, v4  }
0x2cf: {  	v4 =	vperm.xlane v3, v0;
	_ =	sdelay $0x1  }
0x2d0: {  	v4 =	vadd.s32 v1, v4;
	_ =	sdelay $0x3  }
0x2d1: {  	v3 =	vperm.xlane v3, v2  }
0x2d2: {  	[tilespmem:s30], [sflag:$0x1] =	stream.indirect_vreg.gather [hbm4b:s2+s3], $0x80, v4, vm0, $0xb8;
	[tilespmem:$0x18400] =	vst v63  }
0x2d3: {  	s0 =	simm.s32 $0xC00;
	v3 =	vadd.s32 v1, v3  }
0x2d4: {  	[tilespmem:s0], [sflag:$0x1] =	stream.indirect_vreg.gather [hbm4b:s5+s3], $0x80, v4, vm0, $0xb8;
	[tilespmem:$0x18400] =	vst v63  }
0x2d5: {  	s9 =	simm.s32 $0x1400  }
0x2d6: {  	[tilespmem:s9], [sflag:$0x1] =	stream.indirect_vreg.gather [hbm4b:s6+s3], $0x80, v4, vm0, $0xb8;
	[tilespmem:$0x18400] =	vst v63  }
0x2d7: {  	s15 =	simm.s32 $0x1C00  }
0x2d8: {  	[tilespmem:s15], [sflag:$0x1] =	stream.indirect_vreg.gather [hbm4b:s2+s3], $0x80, v3, vm0, $0xb8;
	[tilespmem:$0x18400] =	vst v63  }
0x2d9: {  	s16 =	simm.s32 $0x2400  }
0x2da: {  	[tilespmem:s16], [sflag:$0x1] =	stream.indirect_vreg.gather [hbm4b:s5+s3], $0x80, v3, vm0, $0xb8;
	[tilespmem:$0x18400] =	vst v63  }
0x2db: {  	s12 =	simm.s32 $0x2C00  }
0x2dc: {  	[tilespmem:s12], [sflag:$0x1] =	stream.indirect_vreg.gather [hbm4b:s6+s3], $0x80, v3, vm0, $0xb8;
	[tilespmem:$0x18400] =	vst v63  }
0x2dd: {  	v3 =	vld [tilespmem:$0x210];
	_ =	sdelay $0x4  }
0x2de: {  	v33 =	vshrl.u32 v3, $0x3  }
0x2df: {  	v4 =	vmul.u32 $0x30, v33  }
0x2e0: {  	v3 =	vand.u32 $0x7, v3  }
0x2e1: {  	v3 =	vor.u32 v3, v4  }
0x2e2: {  	v4 =	vperm.xlane v3, v0;
	_ =	sdelay $0x1  }
0x2e3: {  	v4 =	vadd.s32 v1, v4;
	_ =	sdelay $0x3  }
0x2e4: {  	s12 =	simm.s32 $0x3400;
	v3 =	vperm.xlane v3, v2  }
0x2e5: {  	[tilespmem:s12], [sflag:$0x1] =	stream.indirect_vreg.gather [hbm4b:s2+s3], $0x80, v4, vm0, $0xb8;
	[tilespmem:$0x18400] =	vst v63  }
0x2e6: {  	s17 =	simm.s32 $0x3C00;
	v3 =	vadd.s32 v1, v3  }
0x2e7: {  	[tilespmem:s17], [sflag:$0x1] =	stream.indirect_vreg.gather [hbm4b:s5+s3], $0x80, v4, vm0, $0xb8;
	[tilespmem:$0x18400] =	vst v63  }
0x2e8: {  	s18 =	simm.s32 $0x4400  }
0x2e9: {  	[tilespmem:s18], [sflag:$0x1] =	stream.indirect_vreg.gather [hbm4b:s6+s3], $0x80, v4, vm0, $0xb8;
	[tilespmem:$0x18400] =	vst v63  }
0x2ea: {  	s19 =	simm.s32 $0x4C00  }
0x2eb: {  	[tilespmem:s19], [sflag:$0x1] =	stream.indirect_vreg.gather [hbm4b:s2+s3], $0x80, v3, vm0, $0xb8;
	[tilespmem:$0x18400] =	vst v63  }
0x2ec: {  	s20 =	simm.s32 $0x5400  }
0x2ed: {  	[tilespmem:s20], [sflag:$0x1] =	stream.indirect_vreg.gather [hbm4b:s5+s3], $0x80, v3, vm0, $0xb8;
	[tilespmem:$0x18400] =	vst v63  }
0x2ee: {  	s12 =	simm.s32 $0x5C00  }
0x2ef: {  	[tilespmem:s12], [sflag:$0x1] =	stream.indirect_vreg.gather [hbm4b:s6+s3], $0x80, v3, vm0, $0xb8;
	[tilespmem:$0x18400] =	vst v63  }
0x2f0: {  	v3 =	vld [tilespmem:$0x220];
	_ =	sdelay $0x4  }
0x2f1: {  	v34 =	vshrl.u32 v3, $0x3  }
0x2f2: {  	v4 =	vmul.u32 $0x30, v34  }
0x2f3: {  	v3 =	vand.u32 $0x7, v3  }
0x2f4: {  	v3 =	vor.u32 v3, v4  }
0x2f5: {  	v4 =	vperm.xlane v3, v0;
	_ =	sdelay $0x1  }
0x2f6: {  	v4 =	vadd.s32 v1, v4;
	_ =	sdelay $0x3  }
0x2f7: {  	s12 =	simm.s32 $0x6400;
	v3 =	vperm.xlane v3, v2  }
0x2f8: {  	[tilespmem:s12], [sflag:$0x1] =	stream.indirect_vreg.gather [hbm4b:s2+s3], $0x80, v4, vm0, $0xb8;
	[tilespmem:$0x18400] =	vst v63  }
0x2f9: {  	s21 =	simm.s32 $0x6C00;
	v3 =	vadd.s32 v1, v3  }
0x2fa: {  	[tilespmem:s21], [sflag:$0x1] =	stream.indirect_vreg.gather [hbm4b:s5+s3], $0x80, v4, vm0, $0xb8;
	[tilespmem:$0x18400] =	vst v63  }
0x2fb: {  	s22 =	simm.s32 $0x7400  }
0x2fc: {  	[tilespmem:s22], [sflag:$0x1] =	stream.indirect_vreg.gather [hbm4b:s6+s3], $0x80, v4, vm0, $0xb8;
	[tilespmem:$0x18400] =	vst v63  }
0x2fd: {  	s23 =	simm.s32 $0x7C00  }
0x2fe: {  	[tilespmem:s23], [sflag:$0x1] =	stream.indirect_vreg.gather [hbm4b:s2+s3], $0x80, v3, vm0, $0xb8;
	[tilespmem:$0x18400] =	vst v63  }
0x2ff: {  	s24 =	simm.s32 $0x8400  }
0x300: {  	[tilespmem:s24], [sflag:$0x1] =	stream.indirect_vreg.gather [hbm4b:s5+s3], $0x80, v3, vm0, $0xb8;
	[tilespmem:$0x18400] =	vst v63  }
0x301: {  	s12 =	simm.s32 $0x8C00  }
0x302: {  	[tilespmem:s12], [sflag:$0x1] =	stream.indirect_vreg.gather [hbm4b:s6+s3], $0x80, v3, vm0, $0xb8;
	[tilespmem:$0x18400] =	vst v63  }
0x303: {  	v3 =	vld [tilespmem:$0x230];
	_ =	sdelay $0x4  }
0x304: {  	v35 =	vshrl.u32 v3, $0x3  }
0x305: {  	v4 =	vmul.u32 $0x30, v35  }
0x306: {  	v3 =	vand.u32 $0x7, v3  }
0x307: {  	v3 =	vor.u32 v3, v4  }
0x308: {  	v4 =	vperm.xlane v3, v0;
	_ =	sdelay $0x1  }
0x309: {  	v4 =	vadd.s32 v1, v4;
	_ =	sdelay $0x3  }
0x30a: {  	s12 =	simm.s32 $0x9400;
	v3 =	vperm.xlane v3, v2  }
0x30b: {  	[tilespmem:s12], [sflag:$0x1] =	stream.indirect_vreg.gather [hbm4b:s2+s3], $0x80, v4, vm0, $0xb8;
	[tilespmem:$0x18400] =	vst v63  }
0x30c: {  	s25 =	simm.s32 $0x9C00;
	v3 =	vadd.s32 v1, v3  }
0x30d: {  	[tilespmem:s25], [sflag:$0x1] =	stream.indirect_vreg.gather [hbm4b:s5+s3], $0x80, v4, vm0, $0xb8;
	[tilespmem:$0x18400] =	vst v63  }
0x30e: {  	s26 =	simm.s32 $0xA400  }
0x30f: {  	[tilespmem:s26], [sflag:$0x1] =	stream.indirect_vreg.gather [hbm4b:s6+s3], $0x80, v4, vm0, $0xb8;
	[tilespmem:$0x18400] =	vst v63  }
0x310: {  	s28 =	simm.s32 $0xAC00  }
0x311: {  	[tilespmem:s28], [sflag:$0x1] =	stream.indirect_vreg.gather [hbm4b:s2+s3], $0x80, v3, vm0, $0xb8;
	[tilespmem:$0x18400] =	vst v63  }
0x312: {  	s29 =	simm.s32 $0xB400  }
0x313: {  	[tilespmem:s29], [sflag:$0x1] =	stream.indirect_vreg.gather [hbm4b:s5+s3], $0x80, v3, vm0, $0xb8;
	[tilespmem:$0x18400] =	vst v63  }
0x314: {  	s12 =	simm.s32 $0xBC00  }
0x315: {  	[tilespmem:s12], [sflag:$0x1] =	stream.indirect_vreg.gather [hbm4b:s6+s3], $0x80, v3, vm0, $0xb8;
	[tilespmem:$0x18400] =	vst v63  }
0x316: {  	_ =	swait.ge [sflag:s10], $0x6000  }
0x317: {  	[sflag:s10] =	ssyncset.done $0x0  }
0x318: {  	[sflag:s10] =	ssyncadd.s32 $0xFFFFA000  }
0x319: {  	_ =	swait.ge [sflag:s10], $0x6000  }
0x31a: {  	[sflag:s10] =	ssyncset.done $0x0  }
0x31b: {  	s12 =	rddreg [dreg:$0xb];
	[sflag:s10] =	ssyncadd.s32 $0xFFFFA000  }
0x31c: {  	[hbm4b:s12+s3] =	stream.linear.scatter [tilespmem:s4], [sflag:$0x4], $0xC000, $0x38;
	[tilespmem:$0x18400] =	vst v63  }
0x31d: {  	_ =	swait.ge [sflag:s11], $0xC000  }
0x31e: {  	[sflag:s11] =	ssyncset.done $0x0  }
0x31f: {  	[sflag:s11] =	ssyncadd.s32 $0xFFFF4000  }
0x320: {  	v3 =	vld [tilespmem:$0x240];
	_ =	sdelay $0x4  }
0x321: {  	v36 =	vshrl.u32 v3, $0x3  }
0x322: {  	v4 =	vmul.u32 $0x30, v36  }
0x323: {  	v3 =	vand.u32 $0x7, v3  }
0x324: {  	v3 =	vor.u32 v3, v4  }
0x325: {  	v4 =	vperm.xlane v3, v0;
	_ =	sdelay $0x1  }
0x326: {  	v4 =	vadd.s32 v1, v4;
	_ =	sdelay $0x3  }
0x327: {  	v3 =	vperm.xlane v3, v2  }
0x328: {  	[tilespmem:s4], [sflag:$0x2] =	stream.indirect_vreg.gather [hbm4b:s2+s3], $0x80, v4, vm0, $0xb8;
	[tilespmem:$0x18400] =	vst v63  }
0x329: {  	s7 =	simm.s32 $0xCC00;
	v3 =	vadd.s32 v1, v3  }
0x32a: {  	[tilespmem:s7], [sflag:$0x2] =	stream.indirect_vreg.gather [hbm4b:s5+s3], $0x80, v4, vm0, $0xb8;
	[tilespmem:$0x18400] =	vst v63  }
0x32b: {  	s12 =	simm.s32 $0xD400  }
0x32c: {  	[tilespmem:s12], [sflag:$0x2] =	stream.indirect_vreg.gather [hbm4b:s6+s3], $0x80, v4, vm0, $0xb8;
	[tilespmem:$0x18400] =	vst v63  }
0x32d: {  	s12 =	simm.s32 $0xDC00  }
0x32e: {  	[tilespmem:s12], [sflag:$0x2] =	stream.indirect_vreg.gather [hbm4b:s2+s3], $0x80, v3, vm0, $0xb8;
	[tilespmem:$0x18400] =	vst v63  }
0x32f: {  	s12 =	simm.s32 $0xE400  }
0x330: {  	[tilespmem:s12], [sflag:$0x2] =	stream.indirect_vreg.gather [hbm4b:s5+s3], $0x80, v3, vm0, $0xb8;
	[tilespmem:$0x18400] =	vst v63  }
0x331: {  	s12 =	simm.s32 $0xEC00  }
0x332: {  	[tilespmem:s12], [sflag:$0x2] =	stream.indirect_vreg.gather [hbm4b:s6+s3], $0x80, v3, vm0, $0xb8;
	[tilespmem:$0x18400] =	vst v63  }
0x333: {  	v3 =	vld [tilespmem:$0x250];
	_ =	sdelay $0x4  }
0x334: {  	v37 =	vshrl.u32 v3, $0x3  }
0x335: {  	v4 =	vmul.u32 $0x30, v37  }
0x336: {  	v3 =	vand.u32 $0x7, v3  }
0x337: {  	v3 =	vor.u32 v3, v4  }
0x338: {  	v4 =	vperm.xlane v3, v0;
	_ =	sdelay $0x1  }
0x339: {  	v4 =	vadd.s32 v1, v4;
	_ =	sdelay $0x3  }
0x33a: {  	s12 =	simm.s32 $0xF400;
	v3 =	vperm.xlane v3, v2  }
0x33b: {  	[tilespmem:s12], [sflag:$0x2] =	stream.indirect_vreg.gather [hbm4b:s2+s3], $0x80, v4, vm0, $0xb8;
	[tilespmem:$0x18400] =	vst v63  }
0x33c: {  	v3 =	vadd.s32 v1, v3;
	s12 =	simm.s32 $0xFC00  }
0x33d: {  	[tilespmem:s12], [sflag:$0x2] =	stream.indirect_vreg.gather [hbm4b:s5+s3], $0x80, v4, vm0, $0xb8;
	[tilespmem:$0x18400] =	vst v63  }
0x33e: {  	s12 =	simm.s32 $0x10400  }
0x33f: {  	[tilespmem:s12], [sflag:$0x2] =	stream.indirect_vreg.gather [hbm4b:s6+s3], $0x80, v4, vm0, $0xb8;
	[tilespmem:$0x18400] =	vst v63  }
0x340: {  	s12 =	simm.s32 $0x10C00  }
0x341: {  	[tilespmem:s12], [sflag:$0x2] =	stream.indirect_vreg.gather [hbm4b:s2+s3], $0x80, v3, vm0, $0xb8;
	[tilespmem:$0x18400] =	vst v63  }
0x342: {  	s12 =	simm.s32 $0x11400  }
0x343: {  	[tilespmem:s12], [sflag:$0x2] =	stream.indirect_vreg.gather [hbm4b:s5+s3], $0x80, v3, vm0, $0xb8;
	[tilespmem:$0x18400] =	vst v63  }
0x344: {  	s12 =	simm.s32 $0x11C00  }
0x345: {  	[tilespmem:s12], [sflag:$0x2] =	stream.indirect_vreg.gather [hbm4b:s6+s3], $0x80, v3, vm0, $0xb8;
	[tilespmem:$0x18400] =	vst v63  }
0x346: {  	v3 =	vld [tilespmem:$0x260];
	_ =	sdelay $0x4  }
0x347: {  	v38 =	vshrl.u32 v3, $0x3  }
0x348: {  	v4 =	vmul.u32 $0x30, v38  }
0x349: {  	v3 =	vand.u32 $0x7, v3  }
0x34a: {  	v3 =	vor.u32 v3, v4  }
0x34b: {  	v4 =	vperm.xlane v3, v0;
	_ =	sdelay $0x1  }
0x34c: {  	v4 =	vadd.s32 v1, v4;
	_ =	sdelay $0x3  }
0x34d: {  	s12 =	simm.s32 $0x12400;
	v3 =	vperm.xlane v3, v2  }
0x34e: {  	[tilespmem:s12], [sflag:$0x2] =	stream.indirect_vreg.gather [hbm4b:s2+s3], $0x80, v4, vm0, $0xb8;
	[tilespmem:$0x18400] =	vst v63  }
0x34f: {  	s31 =	simm.s32 $0x12C00;
	v3 =	vadd.s32 v1, v3  }
0x350: {  	[tilespmem:s31], [sflag:$0x2] =	stream.indirect_vreg.gather [hbm4b:s5+s3], $0x80, v4, vm0, $0xb8;
	[tilespmem:$0x18400] =	vst v63  }
0x351: {  	s12 =	simm.s32 $0x13400  }
0x352: {  	[tilespmem:s12], [sflag:$0x2] =	stream.indirect_vreg.gather [hbm4b:s6+s3], $0x80, v4, vm0, $0xb8;
	[tilespmem:$0x18400] =	vst v63  }
0x353: {  	s12 =	simm.s32 $0x13C00  }
0x354: {  	[tilespmem:s12], [sflag:$0x2] =	stream.indirect_vreg.gather [hbm4b:s2+s3], $0x80, v3, vm0, $0xb8;
	[tilespmem:$0x18400] =	vst v63  }
0x355: {  	s12 =	simm.s32 $0x14400  }
0x356: {  	[tilespmem:s12], [sflag:$0x2] =	stream.indirect_vreg.gather [hbm4b:s5+s3], $0x80, v3, vm0, $0xb8;
	[tilespmem:$0x18400] =	vst v63  }
0x357: {  	s12 =	simm.s32 $0x14C00  }
0x358: {  	[tilespmem:s12], [sflag:$0x2] =	stream.indirect_vreg.gather [hbm4b:s6+s3], $0x80, v3, vm0, $0xb8;
	[tilespmem:$0x18400] =	vst v63  }
0x359: {  	v3 =	vld [tilespmem:$0x270];
	_ =	sdelay $0x4  }
0x35a: {  	v39 =	vshrl.u32 v3, $0x3  }
0x35b: {  	v4 =	vmul.u32 $0x30, v39  }
0x35c: {  	v3 =	vand.u32 $0x7, v3  }
0x35d: {  	v3 =	vor.u32 v3, v4  }
0x35e: {  	v4 =	vperm.xlane v3, v0;
	_ =	sdelay $0x1  }
0x35f: {  	v4 =	vadd.s32 v1, v4;
	_ =	sdelay $0x3  }
0x360: {  	s12 =	simm.s32 $0x15400;
	v3 =	vperm.xlane v3, v2  }
0x361: {  	[tilespmem:s12], [sflag:$0x2] =	stream.indirect_vreg.gather [hbm4b:s2+s3], $0x80, v4, vm0, $0xb8;
	[tilespmem:$0x18400] =	vst v63  }
0x362: {  	s14 =	simm.s32 $0x15C00;
	v3 =	vadd.s32 v1, v3  }
0x363: {  	[tilespmem:s14], [sflag:$0x2] =	stream.indirect_vreg.gather [hbm4b:s5+s3], $0x80, v4, vm0, $0xb8;
	[tilespmem:$0x18400] =	vst v63  }
0x364: {  	s12 =	simm.s32 $0x16400  }
0x365: {  	[tilespmem:s12], [sflag:$0x2] =	stream.indirect_vreg.gather [hbm4b:s6+s3], $0x80, v4, vm0, $0xb8;
	[tilespmem:$0x18400] =	vst v63  }
0x366: {  	s12 =	simm.s32 $0x16C00  }
0x367: {  	[tilespmem:s12], [sflag:$0x2] =	stream.indirect_vreg.gather [hbm4b:s2+s3], $0x80, v3, vm0, $0xb8;
	[tilespmem:$0x18400] =	vst v63  }
0x368: {  	s12 =	simm.s32 $0x17400  }
0x369: {  	[tilespmem:s12], [sflag:$0x2] =	stream.indirect_vreg.gather [hbm4b:s5+s3], $0x80, v3, vm0, $0xb8;
	[tilespmem:$0x18400] =	vst v63  }
0x36a: {  	s13 =	simm.s32 $0x17C00  }
0x36b: {  	[tilespmem:s13], [sflag:$0x2] =	stream.indirect_vreg.gather [hbm4b:s6+s3], $0x80, v3, vm0, $0xb8;
	[tilespmem:$0x18400] =	vst v63  }
0x36c: {  	_ =	swait.ge [sflag:s1], $0x6000  }
0x36d: {  	[sflag:s1] =	ssyncset.done $0x0  }
0x36e: {  	[sflag:s1] =	ssyncadd.s32 $0xFFFFA000  }
0x36f: {  	_ =	swait.ge [sflag:s1], $0x6000  }
0x370: {  	[sflag:s1] =	ssyncset.done $0x0  }
0x371: {  	s12 =	rddreg [dreg:$0xc];
	[sflag:s1] =	ssyncadd.s32 $0xFFFFA000  }
0x372: {  	[hbm4b:s12+s3] =	stream.linear.scatter [tilespmem:s30], [sflag:$0x3], $0xC000, $0x38;
	[tilespmem:$0x18400] =	vst v63  }
0x373: {  	_ =	swait.ge [sflag:s8], $0xC000  }
0x374: {  	[sflag:s8] =	ssyncset.done $0x0  }
0x375: {  	[sflag:s8] =	ssyncadd.s32 $0xFFFF4000  }
0x376: {  	v3 =	vld [tilespmem:$0x280];
	_ =	sdelay $0x4  }
0x377: {  	v40 =	vshrl.u32 v3, $0x3  }
0x378: {  	v4 =	vmul.u32 $0x30, v40  }
0x379: {  	v3 =	vand.u32 $0x7, v3  }
0x37a: {  	v3 =	vor.u32 v3, v4  }
0x37b: {  	v4 =	vperm.xlane v3, v0;
	_ =	sdelay $0x1  }
0x37c: {  	v4 =	vadd.s32 v1, v4;
	_ =	sdelay $0x3  }
0x37d: {  	v3 =	vperm.xlane v3, v2  }
0x37e: {  	[tilespmem:s30], [sflag:$0x1] =	stream.indirect_vreg.gather [hbm4b:s2+s3], $0x80, v4, vm0, $0xb8;
	[tilespmem:$0x18400] =	vst v63  }
0x37f: {  	s0 =	simm.s32 $0xC00;
	v3 =	vadd.s32 v1, v3  }
0x380: {  	[tilespmem:s0], [sflag:$0x1] =	stream.indirect_vreg.gather [hbm4b:s5+s3], $0x80, v4, vm0, $0xb8;
	[tilespmem:$0x18400] =	vst v63  }
0x381: {  	s9 =	simm.s32 $0x1400  }
0x382: {  	[tilespmem:s9], [sflag:$0x1] =	stream.indirect_vreg.gather [hbm4b:s6+s3], $0x80, v4, vm0, $0xb8;
	[tilespmem:$0x18400] =	vst v63  }
0x383: {  	s15 =	simm.s32 $0x1C00  }
0x384: {  	[tilespmem:s15], [sflag:$0x1] =	stream.indirect_vreg.gather [hbm4b:s2+s3], $0x80, v3, vm0, $0xb8;
	[tilespmem:$0x18400] =	vst v63  }
0x385: {  	s16 =	simm.s32 $0x2400  }
0x386: {  	[tilespmem:s16], [sflag:$0x1] =	stream.indirect_vreg.gather [hbm4b:s5+s3], $0x80, v3, vm0, $0xb8;
	[tilespmem:$0x18400] =	vst v63  }
0x387: {  	s12 =	simm.s32 $0x2C00  }
0x388: {  	[tilespmem:s12], [sflag:$0x1] =	stream.indirect_vreg.gather [hbm4b:s6+s3], $0x80, v3, vm0, $0xb8;
	[tilespmem:$0x18400] =	vst v63  }
0x389: {  	v3 =	vld [tilespmem:$0x290];
	_ =	sdelay $0x4  }
0x38a: {  	v41 =	vshrl.u32 v3, $0x3  }
0x38b: {  	v4 =	vmul.u32 $0x30, v41  }
0x38c: {  	v3 =	vand.u32 $0x7, v3  }
0x38d: {  	v3 =	vor.u32 v3, v4  }
0x38e: {  	v4 =	vperm.xlane v3, v0;
	_ =	sdelay $0x1  }
0x38f: {  	v4 =	vadd.s32 v1, v4;
	_ =	sdelay $0x3  }
0x390: {  	s12 =	simm.s32 $0x3400;
	v3 =	vperm.xlane v3, v2  }
0x391: {  	[tilespmem:s12], [sflag:$0x1] =	stream.indirect_vreg.gather [hbm4b:s2+s3], $0x80, v4, vm0, $0xb8;
	[tilespmem:$0x18400] =	vst v63  }
0x392: {  	s17 =	simm.s32 $0x3C00;
	v3 =	vadd.s32 v1, v3  }
0x393: {  	[tilespmem:s17], [sflag:$0x1] =	stream.indirect_vreg.gather [hbm4b:s5+s3], $0x80, v4, vm0, $0xb8;
	[tilespmem:$0x18400] =	vst v63  }
0x394: {  	s18 =	simm.s32 $0x4400  }
0x395: {  	[tilespmem:s18], [sflag:$0x1] =	stream.indirect_vreg.gather [hbm4b:s6+s3], $0x80, v4, vm0, $0xb8;
	[tilespmem:$0x18400] =	vst v63  }
0x396: {  	s19 =	simm.s32 $0x4C00  }
0x397: {  	[tilespmem:s19], [sflag:$0x1] =	stream.indirect_vreg.gather [hbm4b:s2+s3], $0x80, v3, vm0, $0xb8;
	[tilespmem:$0x18400] =	vst v63  }
0x398: {  	s20 =	simm.s32 $0x5400  }
0x399: {  	[tilespmem:s20], [sflag:$0x1] =	stream.indirect_vreg.gather [hbm4b:s5+s3], $0x80, v3, vm0, $0xb8;
	[tilespmem:$0x18400] =	vst v63  }
0x39a: {  	s12 =	simm.s32 $0x5C00  }
0x39b: {  	[tilespmem:s12], [sflag:$0x1] =	stream.indirect_vreg.gather [hbm4b:s6+s3], $0x80, v3, vm0, $0xb8;
	[tilespmem:$0x18400] =	vst v63  }
0x39c: {  	v3 =	vld [tilespmem:$0x2A0];
	_ =	sdelay $0x4  }
0x39d: {  	v42 =	vshrl.u32 v3, $0x3  }
0x39e: {  	v4 =	vmul.u32 $0x30, v42  }
0x39f: {  	v3 =	vand.u32 $0x7, v3  }
0x3a0: {  	v3 =	vor.u32 v3, v4  }
0x3a1: {  	v4 =	vperm.xlane v3, v0;
	_ =	sdelay $0x1  }
0x3a2: {  	v4 =	vadd.s32 v1, v4;
	_ =	sdelay $0x3  }
0x3a3: {  	s12 =	simm.s32 $0x6400;
	v3 =	vperm.xlane v3, v2  }
0x3a4: {  	[tilespmem:s12], [sflag:$0x1] =	stream.indirect_vreg.gather [hbm4b:s2+s3], $0x80, v4, vm0, $0xb8;
	[tilespmem:$0x18400] =	vst v63  }
0x3a5: {  	s21 =	simm.s32 $0x6C00;
	v3 =	vadd.s32 v1, v3  }
0x3a6: {  	[tilespmem:s21], [sflag:$0x1] =	stream.indirect_vreg.gather [hbm4b:s5+s3], $0x80, v4, vm0, $0xb8;
	[tilespmem:$0x18400] =	vst v63  }
0x3a7: {  	s22 =	simm.s32 $0x7400  }
0x3a8: {  	[tilespmem:s22], [sflag:$0x1] =	stream.indirect_vreg.gather [hbm4b:s6+s3], $0x80, v4, vm0, $0xb8;
	[tilespmem:$0x18400] =	vst v63  }
0x3a9: {  	s23 =	simm.s32 $0x7C00  }
0x3aa: {  	[tilespmem:s23], [sflag:$0x1] =	stream.indirect_vreg.gather [hbm4b:s2+s3], $0x80, v3, vm0, $0xb8;
	[tilespmem:$0x18400] =	vst v63  }
0x3ab: {  	s24 =	simm.s32 $0x8400  }
0x3ac: {  	[tilespmem:s24], [sflag:$0x1] =	stream.indirect_vreg.gather [hbm4b:s5+s3], $0x80, v3, vm0, $0xb8;
	[tilespmem:$0x18400] =	vst v63  }
0x3ad: {  	s12 =	simm.s32 $0x8C00  }
0x3ae: {  	[tilespmem:s12], [sflag:$0x1] =	stream.indirect_vreg.gather [hbm4b:s6+s3], $0x80, v3, vm0, $0xb8;
	[tilespmem:$0x18400] =	vst v63  }
0x3af: {  	v3 =	vld [tilespmem:$0x2B0];
	_ =	sdelay $0x4  }
0x3b0: {  	v43 =	vshrl.u32 v3, $0x3  }
0x3b1: {  	v4 =	vmul.u32 $0x30, v43  }
0x3b2: {  	v3 =	vand.u32 $0x7, v3  }
0x3b3: {  	v3 =	vor.u32 v3, v4  }
0x3b4: {  	v4 =	vperm.xlane v3, v0;
	_ =	sdelay $0x1  }
0x3b5: {  	v4 =	vadd.s32 v1, v4;
	_ =	sdelay $0x3  }
0x3b6: {  	s12 =	simm.s32 $0x9400;
	v3 =	vperm.xlane v3, v2  }
0x3b7: {  	[tilespmem:s12], [sflag:$0x1] =	stream.indirect_vreg.gather [hbm4b:s2+s3], $0x80, v4, vm0, $0xb8;
	[tilespmem:$0x18400] =	vst v63  }
0x3b8: {  	s25 =	simm.s32 $0x9C00;
	v3 =	vadd.s32 v1, v3  }
0x3b9: {  	[tilespmem:s25], [sflag:$0x1] =	stream.indirect_vreg.gather [hbm4b:s5+s3], $0x80, v4, vm0, $0xb8;
	[tilespmem:$0x18400] =	vst v63  }
0x3ba: {  	s26 =	simm.s32 $0xA400  }
0x3bb: {  	[tilespmem:s26], [sflag:$0x1] =	stream.indirect_vreg.gather [hbm4b:s6+s3], $0x80, v4, vm0, $0xb8;
	[tilespmem:$0x18400] =	vst v63  }
0x3bc: {  	s28 =	simm.s32 $0xAC00  }
0x3bd: {  	[tilespmem:s28], [sflag:$0x1] =	stream.indirect_vreg.gather [hbm4b:s2+s3], $0x80, v3, vm0, $0xb8;
	[tilespmem:$0x18400] =	vst v63  }
0x3be: {  	s29 =	simm.s32 $0xB400  }
0x3bf: {  	[tilespmem:s29], [sflag:$0x1] =	stream.indirect_vreg.gather [hbm4b:s5+s3], $0x80, v3, vm0, $0xb8;
	[tilespmem:$0x18400] =	vst v63  }
0x3c0: {  	s12 =	simm.s32 $0xBC00  }
0x3c1: {  	[tilespmem:s12], [sflag:$0x1] =	stream.indirect_vreg.gather [hbm4b:s6+s3], $0x80, v3, vm0, $0xb8;
	[tilespmem:$0x18400] =	vst v63  }
0x3c2: {  	_ =	swait.ge [sflag:s10], $0x6000  }
0x3c3: {  	[sflag:s10] =	ssyncset.done $0x0  }
0x3c4: {  	[sflag:s10] =	ssyncadd.s32 $0xFFFFA000  }
0x3c5: {  	_ =	swait.ge [sflag:s10], $0x6000  }
0x3c6: {  	[sflag:s10] =	ssyncset.done $0x0  }
0x3c7: {  	s12 =	rddreg [dreg:$0xd];
	[sflag:s10] =	ssyncadd.s32 $0xFFFFA000  }
0x3c8: {  	[hbm4b:s12+s3] =	stream.linear.scatter [tilespmem:s4], [sflag:$0x4], $0xC000, $0x38;
	[tilespmem:$0x18400] =	vst v63  }
0x3c9: {  	_ =	swait.ge [sflag:s11], $0xC000  }
0x3ca: {  	[sflag:s11] =	ssyncset.done $0x0  }
0x3cb: {  	[sflag:s11] =	ssyncadd.s32 $0xFFFF4000  }
0x3cc: {  	v3 =	vld [tilespmem:$0x2C0];
	_ =	sdelay $0x4  }
0x3cd: {  	v44 =	vshrl.u32 v3, $0x3  }
0x3ce: {  	v4 =	vmul.u32 $0x30, v44  }
0x3cf: {  	v3 =	vand.u32 $0x7, v3  }
0x3d0: {  	v3 =	vor.u32 v3, v4  }
0x3d1: {  	v4 =	vperm.xlane v3, v0;
	_ =	sdelay $0x1  }
0x3d2: {  	v4 =	vadd.s32 v1, v4;
	_ =	sdelay $0x3  }
0x3d3: {  	v3 =	vperm.xlane v3, v2  }
0x3d4: {  	[tilespmem:s4], [sflag:$0x2] =	stream.indirect_vreg.gather [hbm4b:s2+s3], $0x80, v4, vm0, $0xb8;
	[tilespmem:$0x18400] =	vst v63  }
0x3d5: {  	s7 =	simm.s32 $0xCC00;
	v3 =	vadd.s32 v1, v3  }
0x3d6: {  	[tilespmem:s7], [sflag:$0x2] =	stream.indirect_vreg.gather [hbm4b:s5+s3], $0x80, v4, vm0, $0xb8;
	[tilespmem:$0x18400] =	vst v63  }
0x3d7: {  	s12 =	simm.s32 $0xD400  }
0x3d8: {  	[tilespmem:s12], [sflag:$0x2] =	stream.indirect_vreg.gather [hbm4b:s6+s3], $0x80, v4, vm0, $0xb8;
	[tilespmem:$0x18400] =	vst v63  }
0x3d9: {  	s12 =	simm.s32 $0xDC00  }
0x3da: {  	[tilespmem:s12], [sflag:$0x2] =	stream.indirect_vreg.gather [hbm4b:s2+s3], $0x80, v3, vm0, $0xb8;
	[tilespmem:$0x18400] =	vst v63  }
0x3db: {  	s12 =	simm.s32 $0xE400  }
0x3dc: {  	[tilespmem:s12], [sflag:$0x2] =	stream.indirect_vreg.gather [hbm4b:s5+s3], $0x80, v3, vm0, $0xb8;
	[tilespmem:$0x18400] =	vst v63  }
0x3dd: {  	s12 =	simm.s32 $0xEC00  }
0x3de: {  	[tilespmem:s12], [sflag:$0x2] =	stream.indirect_vreg.gather [hbm4b:s6+s3], $0x80, v3, vm0, $0xb8;
	[tilespmem:$0x18400] =	vst v63  }
0x3df: {  	v3 =	vld [tilespmem:$0x2D0];
	_ =	sdelay $0x4  }
0x3e0: {  	v45 =	vshrl.u32 v3, $0x3  }
0x3e1: {  	v4 =	vmul.u32 $0x30, v45  }
0x3e2: {  	v3 =	vand.u32 $0x7, v3  }
0x3e3: {  	v3 =	vor.u32 v3, v4  }
0x3e4: {  	v4 =	vperm.xlane v3, v0;
	_ =	sdelay $0x1  }
0x3e5: {  	v4 =	vadd.s32 v1, v4;
	_ =	sdelay $0x3  }
0x3e6: {  	s12 =	simm.s32 $0xF400;
	v3 =	vperm.xlane v3, v2  }
0x3e7: {  	[tilespmem:s12], [sflag:$0x2] =	stream.indirect_vreg.gather [hbm4b:s2+s3], $0x80, v4, vm0, $0xb8;
	[tilespmem:$0x18400] =	vst v63  }
0x3e8: {  	v3 =	vadd.s32 v1, v3;
	s12 =	simm.s32 $0xFC00  }
0x3e9: {  	[tilespmem:s12], [sflag:$0x2] =	stream.indirect_vreg.gather [hbm4b:s5+s3], $0x80, v4, vm0, $0xb8;
	[tilespmem:$0x18400] =	vst v63  }
0x3ea: {  	s12 =	simm.s32 $0x10400  }
0x3eb: {  	[tilespmem:s12], [sflag:$0x2] =	stream.indirect_vreg.gather [hbm4b:s6+s3], $0x80, v4, vm0, $0xb8;
	[tilespmem:$0x18400] =	vst v63  }
0x3ec: {  	s12 =	simm.s32 $0x10C00  }
0x3ed: {  	[tilespmem:s12], [sflag:$0x2] =	stream.indirect_vreg.gather [hbm4b:s2+s3], $0x80, v3, vm0, $0xb8;
	[tilespmem:$0x18400] =	vst v63  }
0x3ee: {  	s12 =	simm.s32 $0x11400  }
0x3ef: {  	[tilespmem:s12], [sflag:$0x2] =	stream.indirect_vreg.gather [hbm4b:s5+s3], $0x80, v3, vm0, $0xb8;
	[tilespmem:$0x18400] =	vst v63  }
0x3f0: {  	s12 =	simm.s32 $0x11C00  }
0x3f1: {  	[tilespmem:s12], [sflag:$0x2] =	stream.indirect_vreg.gather [hbm4b:s6+s3], $0x80, v3, vm0, $0xb8;
	[tilespmem:$0x18400] =	vst v63  }
0x3f2: {  	v3 =	vld [tilespmem:$0x2E0];
	_ =	sdelay $0x4  }
0x3f3: {  	v46 =	vshrl.u32 v3, $0x3  }
0x3f4: {  	v4 =	vmul.u32 $0x30, v46  }
0x3f5: {  	v3 =	vand.u32 $0x7, v3  }
0x3f6: {  	v3 =	vor.u32 v3, v4  }
0x3f7: {  	v4 =	vperm.xlane v3, v0;
	_ =	sdelay $0x1  }
0x3f8: {  	v4 =	vadd.s32 v1, v4;
	_ =	sdelay $0x3  }
0x3f9: {  	s12 =	simm.s32 $0x12400;
	v3 =	vperm.xlane v3, v2  }
0x3fa: {  	[tilespmem:s12], [sflag:$0x2] =	stream.indirect_vreg.gather [hbm4b:s2+s3], $0x80, v4, vm0, $0xb8;
	[tilespmem:$0x18400] =	vst v63  }
0x3fb: {  	s31 =	simm.s32 $0x12C00;
	v3 =	vadd.s32 v1, v3  }
0x3fc: {  	[tilespmem:s31], [sflag:$0x2] =	stream.indirect_vreg.gather [hbm4b:s5+s3], $0x80, v4, vm0, $0xb8;
	[tilespmem:$0x18400] =	vst v63  }
0x3fd: {  	s31 =	simm.s32 $0x13400  }
0x3fe: {  	[tilespmem:s31], [sflag:$0x2] =	stream.indirect_vreg.gather [hbm4b:s6+s3], $0x80, v4, vm0, $0xb8;
	[tilespmem:$0x18400] =	vst v63  }
0x3ff: {  	s31 =	simm.s32 $0x13C00  }
0x400: {  	[tilespmem:s31], [sflag:$0x2] =	stream.indirect_vreg.gather [hbm4b:s2+s3], $0x80, v3, vm0, $0xb8;
	[tilespmem:$0x18400] =	vst v63  }
0x401: {  	s31 =	simm.s32 $0x14400  }
0x402: {  	[tilespmem:s31], [sflag:$0x2] =	stream.indirect_vreg.gather [hbm4b:s5+s3], $0x80, v3, vm0, $0xb8;
	[tilespmem:$0x18400] =	vst v63  }
0x403: {  	s31 =	simm.s32 $0x14C00  }
0x404: {  	[tilespmem:s31], [sflag:$0x2] =	stream.indirect_vreg.gather [hbm4b:s6+s3], $0x80, v3, vm0, $0xb8;
	[tilespmem:$0x18400] =	vst v63  }
0x405: {  	v3 =	vld [tilespmem:$0x2F0];
	_ =	sdelay $0x4  }
0x406: {  	v47 =	vshrl.u32 v3, $0x3  }
0x407: {  	v4 =	vmul.u32 $0x30, v47  }
0x408: {  	v3 =	vand.u32 $0x7, v3  }
0x409: {  	v3 =	vor.u32 v3, v4  }
0x40a: {  	v4 =	vperm.xlane v3, v0;
	_ =	sdelay $0x1  }
0x40b: {  	v4 =	vadd.s32 v1, v4;
	_ =	sdelay $0x3  }
0x40c: {  	s31 =	simm.s32 $0x15400;
	v3 =	vperm.xlane v3, v2  }
0x40d: {  	[tilespmem:s31], [sflag:$0x2] =	stream.indirect_vreg.gather [hbm4b:s2+s3], $0x80, v4, vm0, $0xb8;
	[tilespmem:$0x18400] =	vst v63  }
0x40e: {  	s14 =	simm.s32 $0x15C00;
	v3 =	vadd.s32 v1, v3  }
0x40f: {  	[tilespmem:s14], [sflag:$0x2] =	stream.indirect_vreg.gather [hbm4b:s5+s3], $0x80, v4, vm0, $0xb8;
	[tilespmem:$0x18400] =	vst v63  }
0x410: {  	s31 =	simm.s32 $0x16400  }
0x411: {  	[tilespmem:s31], [sflag:$0x2] =	stream.indirect_vreg.gather [hbm4b:s6+s3], $0x80, v4, vm0, $0xb8;
	[tilespmem:$0x18400] =	vst v63  }
0x412: {  	s14 =	simm.s32 $0x16C00  }
0x413: {  	[tilespmem:s14], [sflag:$0x2] =	stream.indirect_vreg.gather [hbm4b:s2+s3], $0x80, v3, vm0, $0xb8;
	[tilespmem:$0x18400] =	vst v63  }
0x414: {  	s31 =	simm.s32 $0x17400  }
0x415: {  	[tilespmem:s31], [sflag:$0x2] =	stream.indirect_vreg.gather [hbm4b:s5+s3], $0x80, v3, vm0, $0xb8;
	[tilespmem:$0x18400] =	vst v63  }
0x416: {  	s13 =	simm.s32 $0x17C00  }
0x417: {  	[tilespmem:s13], [sflag:$0x2] =	stream.indirect_vreg.gather [hbm4b:s6+s3], $0x80, v3, vm0, $0xb8;
	[tilespmem:$0x18400] =	vst v63  }
0x418: {  	_ =	swait.ge [sflag:s1], $0x6000  }
0x419: {  	[sflag:s1] =	ssyncset.done $0x0  }
0x41a: {  	[sflag:s1] =	ssyncadd.s32 $0xFFFFA000  }
0x41b: {  	_ =	swait.ge [sflag:s1], $0x6000  }
0x41c: {  	[sflag:s1] =	ssyncset.done $0x0  }
0x41d: {  	s13 =	rddreg [dreg:$0xe];
	[sflag:s1] =	ssyncadd.s32 $0xFFFFA000  }
0x41e: {  	[hbm4b:s13+s3] =	stream.linear.scatter [tilespmem:s30], [sflag:$0x3], $0xC000, $0x38;
	[tilespmem:$0x18400] =	vst v63  }
0x41f: {  	_ =	swait.ge [sflag:s8], $0xC000  }
0x420: {  	[sflag:s8] =	ssyncset.done $0x0  }
0x421: {  	[sflag:s8] =	ssyncadd.s32 $0xFFFF4000  }
0x422: {  	v3 =	vld [tilespmem:$0x300];
	_ =	sdelay $0x4  }
0x423: {  	v48 =	vshrl.u32 v3, $0x3  }
0x424: {  	v4 =	vmul.u32 $0x30, v48  }
0x425: {  	v3 =	vand.u32 $0x7, v3  }
0x426: {  	v3 =	vor.u32 v3, v4  }
0x427: {  	v4 =	vperm.xlane v3, v0;
	_ =	sdelay $0x1  }
0x428: {  	v4 =	vadd.s32 v1, v4;
	_ =	sdelay $0x3  }
0x429: {  	v3 =	vperm.xlane v3, v2  }
0x42a: {  	[tilespmem:s30], [sflag:$0x1] =	stream.indirect_vreg.gather [hbm4b:s2+s3], $0x80, v4, vm0, $0xb8;
	[tilespmem:$0x18400] =	vst v63  }
0x42b: {  	s0 =	simm.s32 $0xC00;
	v3 =	vadd.s32 v1, v3  }
0x42c: {  	[tilespmem:s0], [sflag:$0x1] =	stream.indirect_vreg.gather [hbm4b:s5+s3], $0x80, v4, vm0, $0xb8;
	[tilespmem:$0x18400] =	vst v63  }
0x42d: {  	s9 =	simm.s32 $0x1400  }
0x42e: {  	[tilespmem:s9], [sflag:$0x1] =	stream.indirect_vreg.gather [hbm4b:s6+s3], $0x80, v4, vm0, $0xb8;
	[tilespmem:$0x18400] =	vst v63  }
0x42f: {  	s15 =	simm.s32 $0x1C00  }
0x430: {  	[tilespmem:s15], [sflag:$0x1] =	stream.indirect_vreg.gather [hbm4b:s2+s3], $0x80, v3, vm0, $0xb8;
	[tilespmem:$0x18400] =	vst v63  }
0x431: {  	s16 =	simm.s32 $0x2400  }
0x432: {  	[tilespmem:s16], [sflag:$0x1] =	stream.indirect_vreg.gather [hbm4b:s5+s3], $0x80, v3, vm0, $0xb8;
	[tilespmem:$0x18400] =	vst v63  }
0x433: {  	s14 =	simm.s32 $0x2C00  }
0x434: {  	[tilespmem:s14], [sflag:$0x1] =	stream.indirect_vreg.gather [hbm4b:s6+s3], $0x80, v3, vm0, $0xb8;
	[tilespmem:$0x18400] =	vst v63  }
0x435: {  	v3 =	vld [tilespmem:$0x310];
	_ =	sdelay $0x4  }
0x436: {  	v49 =	vshrl.u32 v3, $0x3  }
0x437: {  	v4 =	vmul.u32 $0x30, v49  }
0x438: {  	v3 =	vand.u32 $0x7, v3  }
0x439: {  	v3 =	vor.u32 v3, v4  }
0x43a: {  	v4 =	vperm.xlane v3, v0;
	_ =	sdelay $0x1  }
0x43b: {  	v4 =	vadd.s32 v1, v4;
	_ =	sdelay $0x3  }
0x43c: {  	s16 =	simm.s32 $0x3400;
	v3 =	vperm.xlane v3, v2  }
0x43d: {  	[tilespmem:s16], [sflag:$0x1] =	stream.indirect_vreg.gather [hbm4b:s2+s3], $0x80, v4, vm0, $0xb8;
	[tilespmem:$0x18400] =	vst v63  }
0x43e: {  	s17 =	simm.s32 $0x3C00;
	v3 =	vadd.s32 v1, v3  }
0x43f: {  	[tilespmem:s17], [sflag:$0x1] =	stream.indirect_vreg.gather [hbm4b:s5+s3], $0x80, v4, vm0, $0xb8;
	[tilespmem:$0x18400] =	vst v63  }
0x440: {  	s18 =	simm.s32 $0x4400  }
0x441: {  	[tilespmem:s18], [sflag:$0x1] =	stream.indirect_vreg.gather [hbm4b:s6+s3], $0x80, v4, vm0, $0xb8;
	[tilespmem:$0x18400] =	vst v63  }
0x442: {  	s19 =	simm.s32 $0x4C00  }
0x443: {  	[tilespmem:s19], [sflag:$0x1] =	stream.indirect_vreg.gather [hbm4b:s2+s3], $0x80, v3, vm0, $0xb8;
	[tilespmem:$0x18400] =	vst v63  }
0x444: {  	s20 =	simm.s32 $0x5400  }
0x445: {  	[tilespmem:s20], [sflag:$0x1] =	stream.indirect_vreg.gather [hbm4b:s5+s3], $0x80, v3, vm0, $0xb8;
	[tilespmem:$0x18400] =	vst v63  }
0x446: {  	s20 =	simm.s32 $0x5C00  }
0x447: {  	[tilespmem:s20], [sflag:$0x1] =	stream.indirect_vreg.gather [hbm4b:s6+s3], $0x80, v3, vm0, $0xb8;
	[tilespmem:$0x18400] =	vst v63  }
0x448: {  	v3 =	vld [tilespmem:$0x320];
	_ =	sdelay $0x4  }
0x449: {  	v50 =	vshrl.u32 v3, $0x3  }
0x44a: {  	v4 =	vmul.u32 $0x30, v50  }
0x44b: {  	v3 =	vand.u32 $0x7, v3  }
0x44c: {  	v3 =	vor.u32 v3, v4  }
0x44d: {  	v4 =	vperm.xlane v3, v0;
	_ =	sdelay $0x1  }
0x44e: {  	v4 =	vadd.s32 v1, v4;
	_ =	sdelay $0x3  }
0x44f: {  	s31 =	simm.s32 $0x6400;
	v3 =	vperm.xlane v3, v2  }
0x450: {  	[tilespmem:s31], [sflag:$0x1] =	stream.indirect_vreg.gather [hbm4b:s2+s3], $0x80, v4, vm0, $0xb8;
	[tilespmem:$0x18400] =	vst v63  }
0x451: {  	s21 =	simm.s32 $0x6C00;
	v3 =	vadd.s32 v1, v3  }
0x452: {  	[tilespmem:s21], [sflag:$0x1] =	stream.indirect_vreg.gather [hbm4b:s5+s3], $0x80, v4, vm0, $0xb8;
	[tilespmem:$0x18400] =	vst v63  }
0x453: {  	s22 =	simm.s32 $0x7400  }
0x454: {  	[tilespmem:s22], [sflag:$0x1] =	stream.indirect_vreg.gather [hbm4b:s6+s3], $0x80, v4, vm0, $0xb8;
	[tilespmem:$0x18400] =	vst v63  }
0x455: {  	s23 =	simm.s32 $0x7C00  }
0x456: {  	[tilespmem:s23], [sflag:$0x1] =	stream.indirect_vreg.gather [hbm4b:s2+s3], $0x80, v3, vm0, $0xb8;
	[tilespmem:$0x18400] =	vst v63  }
0x457: {  	s24 =	simm.s32 $0x8400  }
0x458: {  	[tilespmem:s24], [sflag:$0x1] =	stream.indirect_vreg.gather [hbm4b:s5+s3], $0x80, v3, vm0, $0xb8;
	[tilespmem:$0x18400] =	vst v63  }
0x459: {  	s14 =	simm.s32 $0x8C00  }
0x45a: {  	[tilespmem:s14], [sflag:$0x1] =	stream.indirect_vreg.gather [hbm4b:s6+s3], $0x80, v3, vm0, $0xb8;
	[tilespmem:$0x18400] =	vst v63  }
0x45b: {  	v3 =	vld [tilespmem:$0x330];
	_ =	sdelay $0x4  }
0x45c: {  	v51 =	vshrl.u32 v3, $0x3  }
0x45d: {  	v4 =	vmul.u32 $0x30, v51  }
0x45e: {  	v3 =	vand.u32 $0x7, v3  }
0x45f: {  	v3 =	vor.u32 v3, v4  }
0x460: {  	v4 =	vperm.xlane v3, v0;
	_ =	sdelay $0x1  }
0x461: {  	v4 =	vadd.s32 v1, v4;
	_ =	sdelay $0x3  }
0x462: {  	s24 =	simm.s32 $0x9400;
	v3 =	vperm.xlane v3, v2  }
0x463: {  	[tilespmem:s24], [sflag:$0x1] =	stream.indirect_vreg.gather [hbm4b:s2+s3], $0x80, v4, vm0, $0xb8;
	[tilespmem:$0x18400] =	vst v63  }
0x464: {  	s25 =	simm.s32 $0x9C00;
	v3 =	vadd.s32 v1, v3  }
0x465: {  	[tilespmem:s25], [sflag:$0x1] =	stream.indirect_vreg.gather [hbm4b:s5+s3], $0x80, v4, vm0, $0xb8;
	[tilespmem:$0x18400] =	vst v63  }
0x466: {  	s26 =	simm.s32 $0xA400  }
0x467: {  	[tilespmem:s26], [sflag:$0x1] =	stream.indirect_vreg.gather [hbm4b:s6+s3], $0x80, v4, vm0, $0xb8;
	[tilespmem:$0x18400] =	vst v63  }
0x468: {  	s28 =	simm.s32 $0xAC00  }
0x469: {  	[tilespmem:s28], [sflag:$0x1] =	stream.indirect_vreg.gather [hbm4b:s2+s3], $0x80, v3, vm0, $0xb8;
	[tilespmem:$0x18400] =	vst v63  }
0x46a: {  	s29 =	simm.s32 $0xB400  }
0x46b: {  	[tilespmem:s29], [sflag:$0x1] =	stream.indirect_vreg.gather [hbm4b:s5+s3], $0x80, v3, vm0, $0xb8;
	[tilespmem:$0x18400] =	vst v63  }
0x46c: {  	s29 =	simm.s32 $0xBC00  }
0x46d: {  	[tilespmem:s29], [sflag:$0x1] =	stream.indirect_vreg.gather [hbm4b:s6+s3], $0x80, v3, vm0, $0xb8;
	[tilespmem:$0x18400] =	vst v63  }
0x46e: {  	_ =	swait.ge [sflag:s10], $0x6000  }
0x46f: {  	[sflag:s10] =	ssyncset.done $0x0  }
0x470: {  	[sflag:s10] =	ssyncadd.s32 $0xFFFFA000  }
0x471: {  	_ =	swait.ge [sflag:s10], $0x6000  }
0x472: {  	[sflag:s10] =	ssyncset.done $0x0  }
0x473: {  	s31 =	rddreg [dreg:$0xf];
	[sflag:s10] =	ssyncadd.s32 $0xFFFFA000  }
0x474: {  	[hbm4b:s31+s3] =	stream.linear.scatter [tilespmem:s4], [sflag:$0x4], $0xC000, $0x38;
	[tilespmem:$0x18400] =	vst v63  }
0x475: {  	_ =	swait.ge [sflag:s11], $0xC000  }
0x476: {  	[sflag:s11] =	ssyncset.done $0x0  }
0x477: {  	[sflag:s11] =	ssyncadd.s32 $0xFFFF4000  }
0x478: {  	v3 =	vld [tilespmem:$0x340];
	_ =	sdelay $0x4  }
0x479: {  	v52 =	vshrl.u32 v3, $0x3  }
0x47a: {  	v4 =	vmul.u32 $0x30, v52  }
0x47b: {  	v3 =	vand.u32 $0x7, v3  }
0x47c: {  	v3 =	vor.u32 v3, v4  }
0x47d: {  	v4 =	vperm.xlane v3, v0;
	_ =	sdelay $0x1  }
0x47e: {  	v4 =	vadd.s32 v1, v4;
	_ =	sdelay $0x3  }
0x47f: {  	v3 =	vperm.xlane v3, v2  }
0x480: {  	[tilespmem:s4], [sflag:$0x2] =	stream.indirect_vreg.gather [hbm4b:s2+s3], $0x80, v4, vm0, $0xb8;
	[tilespmem:$0x18400] =	vst v63  }
0x481: {  	s7 =	simm.s32 $0xCC00;
	v3 =	vadd.s32 v1, v3  }
0x482: {  	[tilespmem:s7], [sflag:$0x2] =	stream.indirect_vreg.gather [hbm4b:s5+s3], $0x80, v4, vm0, $0xb8;
	[tilespmem:$0x18400] =	vst v63  }
0x483: {  	s12 =	simm.s32 $0xD400  }
0x484: {  	[tilespmem:s12], [sflag:$0x2] =	stream.indirect_vreg.gather [hbm4b:s6+s3], $0x80, v4, vm0, $0xb8;
	[tilespmem:$0x18400] =	vst v63  }
0x485: {  	s14 =	simm.s32 $0xDC00  }
0x486: {  	[tilespmem:s14], [sflag:$0x2] =	stream.indirect_vreg.gather [hbm4b:s2+s3], $0x80, v3, vm0, $0xb8;
	[tilespmem:$0x18400] =	vst v63  }
0x487: {  	s31 =	simm.s32 $0xE400  }
0x488: {  	[tilespmem:s31], [sflag:$0x2] =	stream.indirect_vreg.gather [hbm4b:s5+s3], $0x80, v3, vm0, $0xb8;
	[tilespmem:$0x18400] =	vst v63  }
0x489: {  	s12 =	simm.s32 $0xEC00  }
0x48a: {  	[tilespmem:s12], [sflag:$0x2] =	stream.indirect_vreg.gather [hbm4b:s6+s3], $0x80, v3, vm0, $0xb8;
	[tilespmem:$0x18400] =	vst v63  }
0x48b: {  	v3 =	vld [tilespmem:$0x350];
	_ =	sdelay $0x4  }
0x48c: {  	v53 =	vshrl.u32 v3, $0x3  }
0x48d: {  	v4 =	vmul.u32 $0x30, v53  }
0x48e: {  	v3 =	vand.u32 $0x7, v3  }
0x48f: {  	v3 =	vor.u32 v3, v4  }
0x490: {  	v4 =	vperm.xlane v3, v0;
	_ =	sdelay $0x1  }
0x491: {  	v4 =	vadd.s32 v1, v4;
	_ =	sdelay $0x3  }
0x492: {  	s12 =	simm.s32 $0xF400;
	v3 =	vperm.xlane v3, v2  }
0x493: {  	[tilespmem:s12], [sflag:$0x2] =	stream.indirect_vreg.gather [hbm4b:s2+s3], $0x80, v4, vm0, $0xb8;
	[tilespmem:$0x18400] =	vst v63  }
0x494: {  	v3 =	vadd.s32 v1, v3;
	s12 =	simm.s32 $0xFC00  }
0x495: {  	[tilespmem:s12], [sflag:$0x2] =	stream.indirect_vreg.gather [hbm4b:s5+s3], $0x80, v4, vm0, $0xb8;
	[tilespmem:$0x18400] =	vst v63  }
0x496: {  	s12 =	simm.s32 $0x10400  }
0x497: {  	[tilespmem:s12], [sflag:$0x2] =	stream.indirect_vreg.gather [hbm4b:s6+s3], $0x80, v4, vm0, $0xb8;
	[tilespmem:$0x18400] =	vst v63  }
0x498: {  	s12 =	simm.s32 $0x10C00  }
0x499: {  	[tilespmem:s12], [sflag:$0x2] =	stream.indirect_vreg.gather [hbm4b:s2+s3], $0x80, v3, vm0, $0xb8;
	[tilespmem:$0x18400] =	vst v63  }
0x49a: {  	s12 =	simm.s32 $0x11400  }
0x49b: {  	[tilespmem:s12], [sflag:$0x2] =	stream.indirect_vreg.gather [hbm4b:s5+s3], $0x80, v3, vm0, $0xb8;
	[tilespmem:$0x18400] =	vst v63  }
0x49c: {  	s12 =	simm.s32 $0x11C00  }
0x49d: {  	[tilespmem:s12], [sflag:$0x2] =	stream.indirect_vreg.gather [hbm4b:s6+s3], $0x80, v3, vm0, $0xb8;
	[tilespmem:$0x18400] =	vst v63  }
0x49e: {  	v3 =	vld [tilespmem:$0x360];
	_ =	sdelay $0x4  }
0x49f: {  	v54 =	vshrl.u32 v3, $0x3  }
0x4a0: {  	v4 =	vmul.u32 $0x30, v54  }
0x4a1: {  	v3 =	vand.u32 $0x7, v3  }
0x4a2: {  	v3 =	vor.u32 v3, v4  }
0x4a3: {  	v4 =	vperm.xlane v3, v0;
	_ =	sdelay $0x1  }
0x4a4: {  	v4 =	vadd.s32 v1, v4;
	_ =	sdelay $0x3  }
0x4a5: {  	s12 =	simm.s32 $0x12400;
	v3 =	vperm.xlane v3, v2  }
0x4a6: {  	[tilespmem:s12], [sflag:$0x2] =	stream.indirect_vreg.gather [hbm4b:s2+s3], $0x80, v4, vm0, $0xb8;
	[tilespmem:$0x18400] =	vst v63  }
0x4a7: {  	v3 =	vadd.s32 v1, v3;
	s12 =	simm.s32 $0x12C00  }
0x4a8: {  	[tilespmem:s12], [sflag:$0x2] =	stream.indirect_vreg.gather [hbm4b:s5+s3], $0x80, v4, vm0, $0xb8;
	[tilespmem:$0x18400] =	vst v63  }
0x4a9: {  	s12 =	simm.s32 $0x13400  }
0x4aa: {  	[tilespmem:s12], [sflag:$0x2] =	stream.indirect_vreg.gather [hbm4b:s6+s3], $0x80, v4, vm0, $0xb8;
	[tilespmem:$0x18400] =	vst v63  }
0x4ab: {  	s12 =	simm.s32 $0x13C00  }
0x4ac: {  	[tilespmem:s12], [sflag:$0x2] =	stream.indirect_vreg.gather [hbm4b:s2+s3], $0x80, v3, vm0, $0xb8;
	[tilespmem:$0x18400] =	vst v63  }
0x4ad: {  	s12 =	simm.s32 $0x14400  }
0x4ae: {  	[tilespmem:s12], [sflag:$0x2] =	stream.indirect_vreg.gather [hbm4b:s5+s3], $0x80, v3, vm0, $0xb8;
	[tilespmem:$0x18400] =	vst v63  }
0x4af: {  	s12 =	simm.s32 $0x14C00  }
0x4b0: {  	[tilespmem:s12], [sflag:$0x2] =	stream.indirect_vreg.gather [hbm4b:s6+s3], $0x80, v3, vm0, $0xb8;
	[tilespmem:$0x18400] =	vst v63  }
0x4b1: {  	v3 =	vld [tilespmem:$0x370];
	_ =	sdelay $0x4  }
0x4b2: {  	v55 =	vshrl.u32 v3, $0x3  }
0x4b3: {  	v4 =	vmul.u32 $0x30, v55  }
0x4b4: {  	v3 =	vand.u32 $0x7, v3  }
0x4b5: {  	v3 =	vor.u32 v3, v4  }
0x4b6: {  	v4 =	vperm.xlane v3, v0;
	_ =	sdelay $0x1  }
0x4b7: {  	v4 =	vadd.s32 v1, v4;
	_ =	sdelay $0x3  }
0x4b8: {  	s12 =	simm.s32 $0x15400;
	v3 =	vperm.xlane v3, v2  }
0x4b9: {  	[tilespmem:s12], [sflag:$0x2] =	stream.indirect_vreg.gather [hbm4b:s2+s3], $0x80, v4, vm0, $0xb8;
	[tilespmem:$0x18400] =	vst v63  }
0x4ba: {  	v3 =	vadd.s32 v1, v3;
	s12 =	simm.s32 $0x15C00  }
0x4bb: {  	[tilespmem:s12], [sflag:$0x2] =	stream.indirect_vreg.gather [hbm4b:s5+s3], $0x80, v4, vm0, $0xb8;
	[tilespmem:$0x18400] =	vst v63  }
0x4bc: {  	s12 =	simm.s32 $0x16400  }
0x4bd: {  	[tilespmem:s12], [sflag:$0x2] =	stream.indirect_vreg.gather [hbm4b:s6+s3], $0x80, v4, vm0, $0xb8;
	[tilespmem:$0x18400] =	vst v63  }
0x4be: {  	s12 =	simm.s32 $0x16C00  }
0x4bf: {  	[tilespmem:s12], [sflag:$0x2] =	stream.indirect_vreg.gather [hbm4b:s2+s3], $0x80, v3, vm0, $0xb8;
	[tilespmem:$0x18400] =	vst v63  }
0x4c0: {  	s12 =	simm.s32 $0x17400  }
0x4c1: {  	[tilespmem:s12], [sflag:$0x2] =	stream.indirect_vreg.gather [hbm4b:s5+s3], $0x80, v3, vm0, $0xb8;
	[tilespmem:$0x18400] =	vst v63  }
0x4c2: {  	s12 =	simm.s32 $0x17C00  }
0x4c3: {  	[tilespmem:s12], [sflag:$0x2] =	stream.indirect_vreg.gather [hbm4b:s6+s3], $0x80, v3, vm0, $0xb8;
	[tilespmem:$0x18400] =	vst v63  }
0x4c4: {  	_ =	swait.ge [sflag:s1], $0x6000  }
0x4c5: {  	[sflag:s1] =	ssyncset.done $0x0  }
0x4c6: {  	[sflag:s1] =	ssyncadd.s32 $0xFFFFA000  }
0x4c7: {  	_ =	swait.ge [sflag:s1], $0x6000  }
0x4c8: {  	[sflag:s1] =	ssyncset.done $0x0  }
0x4c9: {  	s12 =	rddreg [dreg:$0x10];
	[sflag:s1] =	ssyncadd.s32 $0xFFFFA000  }
0x4ca: {  	[hbm4b:s12+s3] =	stream.linear.scatter [tilespmem:s30], [sflag:$0x3], $0xC000, $0x38;
	[tilespmem:$0x18400] =	vst v63  }
0x4cb: {  	_ =	swait.ge [sflag:s8], $0xC000  }
0x4cc: {  	[sflag:s8] =	ssyncset.done $0x0  }
0x4cd: {  	[sflag:s8] =	ssyncadd.s32 $0xFFFF4000  }
0x4ce: {  	v3 =	vld [tilespmem:$0x380];
	_ =	sdelay $0x4  }
0x4cf: {  	v56 =	vshrl.u32 v3, $0x3  }
0x4d0: {  	v4 =	vmul.u32 $0x30, v56  }
0x4d1: {  	v3 =	vand.u32 $0x7, v3  }
0x4d2: {  	v3 =	vor.u32 v3, v4  }
0x4d3: {  	v4 =	vperm.xlane v3, v0;
	_ =	sdelay $0x1  }
0x4d4: {  	v4 =	vadd.s32 v1, v4;
	_ =	sdelay $0x3  }
0x4d5: {  	v3 =	vperm.xlane v3, v2  }
0x4d6: {  	[tilespmem:s30], [sflag:$0x1] =	stream.indirect_vreg.gather [hbm4b:s2+s3], $0x80, v4, vm0, $0xb8;
	[tilespmem:$0x18400] =	vst v63  }
0x4d7: {  	s13 =	simm.s32 $0xC00;
	v3 =	vadd.s32 v1, v3  }
0x4d8: {  	[tilespmem:s13], [sflag:$0x1] =	stream.indirect_vreg.gather [hbm4b:s5+s3], $0x80, v4, vm0, $0xb8;
	[tilespmem:$0x18400] =	vst v63  }
0x4d9: {  	s0 =	simm.s32 $0x1400  }
0x4da: {  	[tilespmem:s0], [sflag:$0x1] =	stream.indirect_vreg.gather [hbm4b:s6+s3], $0x80, v4, vm0, $0xb8;
	[tilespmem:$0x18400] =	vst v63  }
0x4db: {  	s9 =	simm.s32 $0x1C00  }
0x4dc: {  	[tilespmem:s9], [sflag:$0x1] =	stream.indirect_vreg.gather [hbm4b:s2+s3], $0x80, v3, vm0, $0xb8;
	[tilespmem:$0x18400] =	vst v63  }
0x4dd: {  	s15 =	simm.s32 $0x2400  }
0x4de: {  	[tilespmem:s15], [sflag:$0x1] =	stream.indirect_vreg.gather [hbm4b:s5+s3], $0x80, v3, vm0, $0xb8;
	[tilespmem:$0x18400] =	vst v63  }
0x4df: {  	s13 =	simm.s32 $0x2C00  }
0x4e0: {  	[tilespmem:s13], [sflag:$0x1] =	stream.indirect_vreg.gather [hbm4b:s6+s3], $0x80, v3, vm0, $0xb8;
	[tilespmem:$0x18400] =	vst v63  }
0x4e1: {  	v3 =	vld [tilespmem:$0x390];
	_ =	sdelay $0x4  }
0x4e2: {  	v57 =	vshrl.u32 v3, $0x3  }
0x4e3: {  	v4 =	vmul.u32 $0x30, v57  }
0x4e4: {  	v3 =	vand.u32 $0x7, v3  }
0x4e5: {  	v3 =	vor.u32 v3, v4  }
0x4e6: {  	v4 =	vperm.xlane v3, v0;
	_ =	sdelay $0x1  }
0x4e7: {  	v4 =	vadd.s32 v1, v4;
	_ =	sdelay $0x3  }
0x4e8: {  	s15 =	simm.s32 $0x3400;
	v3 =	vperm.xlane v3, v2  }
0x4e9: {  	[tilespmem:s15], [sflag:$0x1] =	stream.indirect_vreg.gather [hbm4b:s2+s3], $0x80, v4, vm0, $0xb8;
	[tilespmem:$0x18400] =	vst v63  }
0x4ea: {  	s16 =	simm.s32 $0x3C00;
	v3 =	vadd.s32 v1, v3  }
0x4eb: {  	[tilespmem:s16], [sflag:$0x1] =	stream.indirect_vreg.gather [hbm4b:s5+s3], $0x80, v4, vm0, $0xb8;
	[tilespmem:$0x18400] =	vst v63  }
0x4ec: {  	s17 =	simm.s32 $0x4400  }
0x4ed: {  	[tilespmem:s17], [sflag:$0x1] =	stream.indirect_vreg.gather [hbm4b:s6+s3], $0x80, v4, vm0, $0xb8;
	[tilespmem:$0x18400] =	vst v63  }
0x4ee: {  	s18 =	simm.s32 $0x4C00  }
0x4ef: {  	[tilespmem:s18], [sflag:$0x1] =	stream.indirect_vreg.gather [hbm4b:s2+s3], $0x80, v3, vm0, $0xb8;
	[tilespmem:$0x18400] =	vst v63  }
0x4f0: {  	s19 =	simm.s32 $0x5400  }
0x4f1: {  	[tilespmem:s19], [sflag:$0x1] =	stream.indirect_vreg.gather [hbm4b:s5+s3], $0x80, v3, vm0, $0xb8;
	[tilespmem:$0x18400] =	vst v63  }
0x4f2: {  	s18 =	simm.s32 $0x5C00  }
0x4f3: {  	[tilespmem:s18], [sflag:$0x1] =	stream.indirect_vreg.gather [hbm4b:s6+s3], $0x80, v3, vm0, $0xb8;
	[tilespmem:$0x18400] =	vst v63  }
0x4f4: {  	v3 =	vld [tilespmem:$0x3A0];
	_ =	sdelay $0x4  }
0x4f5: {  	v58 =	vshrl.u32 v3, $0x3  }
0x4f6: {  	v4 =	vmul.u32 $0x30, v58  }
0x4f7: {  	v3 =	vand.u32 $0x7, v3  }
0x4f8: {  	v3 =	vor.u32 v3, v4  }
0x4f9: {  	v4 =	vperm.xlane v3, v0;
	_ =	sdelay $0x1  }
0x4fa: {  	v4 =	vadd.s32 v1, v4;
	_ =	sdelay $0x3  }
0x4fb: {  	s19 =	simm.s32 $0x6400;
	v3 =	vperm.xlane v3, v2  }
0x4fc: {  	[tilespmem:s19], [sflag:$0x1] =	stream.indirect_vreg.gather [hbm4b:s2+s3], $0x80, v4, vm0, $0xb8;
	[tilespmem:$0x18400] =	vst v63  }
0x4fd: {  	s20 =	simm.s32 $0x6C00;
	v3 =	vadd.s32 v1, v3  }
0x4fe: {  	[tilespmem:s20], [sflag:$0x1] =	stream.indirect_vreg.gather [hbm4b:s5+s3], $0x80, v4, vm0, $0xb8;
	[tilespmem:$0x18400] =	vst v63  }
0x4ff: {  	s21 =	simm.s32 $0x7400  }
0x500: {  	[tilespmem:s21], [sflag:$0x1] =	stream.indirect_vreg.gather [hbm4b:s6+s3], $0x80, v4, vm0, $0xb8;
	[tilespmem:$0x18400] =	vst v63  }
0x501: {  	s22 =	simm.s32 $0x7C00  }
0x502: {  	[tilespmem:s22], [sflag:$0x1] =	stream.indirect_vreg.gather [hbm4b:s2+s3], $0x80, v3, vm0, $0xb8;
	[tilespmem:$0x18400] =	vst v63  }
0x503: {  	s23 =	simm.s32 $0x8400  }
0x504: {  	[tilespmem:s23], [sflag:$0x1] =	stream.indirect_vreg.gather [hbm4b:s5+s3], $0x80, v3, vm0, $0xb8;
	[tilespmem:$0x18400] =	vst v63  }
0x505: {  	s22 =	simm.s32 $0x8C00  }
0x506: {  	[tilespmem:s22], [sflag:$0x1] =	stream.indirect_vreg.gather [hbm4b:s6+s3], $0x80, v3, vm0, $0xb8;
	[tilespmem:$0x18400] =	vst v63  }
0x507: {  	v3 =	vld [tilespmem:$0x3B0];
	_ =	sdelay $0x4  }
0x508: {  	v59 =	vshrl.u32 v3, $0x3  }
0x509: {  	v4 =	vmul.u32 $0x30, v59  }
0x50a: {  	v3 =	vand.u32 $0x7, v3  }
0x50b: {  	v3 =	vor.u32 v3, v4  }
0x50c: {  	v4 =	vperm.xlane v3, v0;
	_ =	sdelay $0x1  }
0x50d: {  	v4 =	vadd.s32 v1, v4;
	_ =	sdelay $0x3  }
0x50e: {  	s23 =	simm.s32 $0x9400;
	v3 =	vperm.xlane v3, v2  }
0x50f: {  	[tilespmem:s23], [sflag:$0x1] =	stream.indirect_vreg.gather [hbm4b:s2+s3], $0x80, v4, vm0, $0xb8;
	[tilespmem:$0x18400] =	vst v63  }
0x510: {  	s24 =	simm.s32 $0x9C00;
	v3 =	vadd.s32 v1, v3  }
0x511: {  	[tilespmem:s24], [sflag:$0x1] =	stream.indirect_vreg.gather [hbm4b:s5+s3], $0x80, v4, vm0, $0xb8;
	[tilespmem:$0x18400] =	vst v63  }
0x512: {  	s25 =	simm.s32 $0xA400  }
0x513: {  	[tilespmem:s25], [sflag:$0x1] =	stream.indirect_vreg.gather [hbm4b:s6+s3], $0x80, v4, vm0, $0xb8;
	[tilespmem:$0x18400] =	vst v63  }
0x514: {  	s26 =	simm.s32 $0xAC00  }
0x515: {  	[tilespmem:s26], [sflag:$0x1] =	stream.indirect_vreg.gather [hbm4b:s2+s3], $0x80, v3, vm0, $0xb8;
	[tilespmem:$0x18400] =	vst v63  }
0x516: {  	s28 =	simm.s32 $0xB400  }
0x517: {  	[tilespmem:s28], [sflag:$0x1] =	stream.indirect_vreg.gather [hbm4b:s5+s3], $0x80, v3, vm0, $0xb8;
	[tilespmem:$0x18400] =	vst v63  }
0x518: {  	s26 =	simm.s32 $0xBC00  }
0x519: {  	[tilespmem:s26], [sflag:$0x1] =	stream.indirect_vreg.gather [hbm4b:s6+s3], $0x80, v3, vm0, $0xb8;
	[tilespmem:$0x18400] =	vst v63  }
0x51a: {  	_ =	swait.ge [sflag:s10], $0x6000  }
0x51b: {  	[sflag:s10] =	ssyncset.done $0x0  }
0x51c: {  	[sflag:s10] =	ssyncadd.s32 $0xFFFFA000  }
0x51d: {  	_ =	swait.ge [sflag:s10], $0x6000  }
0x51e: {  	[sflag:s10] =	ssyncset.done $0x0  }
0x51f: {  	s28 =	rddreg [dreg:$0x11];
	[sflag:s10] =	ssyncadd.s32 $0xFFFFA000  }
0x520: {  	[hbm4b:s28+s3] =	stream.linear.scatter [tilespmem:s4], [sflag:$0x4], $0xC000, $0x38;
	[tilespmem:$0x18400] =	vst v63  }
0x521: {  	_ =	swait.ge [sflag:s11], $0xC000  }
0x522: {  	[sflag:s11] =	ssyncset.done $0x0  }
0x523: {  	[sflag:s11] =	ssyncadd.s32 $0xFFFF4000  }
0x524: {  	v3 =	vld [tilespmem:$0x3C0];
	_ =	sdelay $0x4  }
0x525: {  	v60 =	vshrl.u32 v3, $0x3  }
0x526: {  	v4 =	vmul.u32 $0x30, v60  }
0x527: {  	v3 =	vand.u32 $0x7, v3  }
0x528: {  	v3 =	vor.u32 v3, v4  }
0x529: {  	v4 =	vperm.xlane v3, v0;
	_ =	sdelay $0x1  }
0x52a: {  	v4 =	vadd.s32 v1, v4;
	_ =	sdelay $0x3  }
0x52b: {  	v3 =	vperm.xlane v3, v2  }
0x52c: {  	[tilespmem:s4], [sflag:$0x2] =	stream.indirect_vreg.gather [hbm4b:s2+s3], $0x80, v4, vm0, $0xb8;
	[tilespmem:$0x18400] =	vst v63  }
0x52d: {  	s29 =	simm.s32 $0xCC00;
	v3 =	vadd.s32 v1, v3  }
0x52e: {  	[tilespmem:s29], [sflag:$0x2] =	stream.indirect_vreg.gather [hbm4b:s5+s3], $0x80, v4, vm0, $0xb8;
	[tilespmem:$0x18400] =	vst v63  }
0x52f: {  	s7 =	simm.s32 $0xD400  }
0x530: {  	[tilespmem:s7], [sflag:$0x2] =	stream.indirect_vreg.gather [hbm4b:s6+s3], $0x80, v4, vm0, $0xb8;
	[tilespmem:$0x18400] =	vst v63  }
0x531: {  	s14 =	simm.s32 $0xDC00  }
0x532: {  	[tilespmem:s14], [sflag:$0x2] =	stream.indirect_vreg.gather [hbm4b:s2+s3], $0x80, v3, vm0, $0xb8;
	[tilespmem:$0x18400] =	vst v63  }
0x533: {  	s31 =	simm.s32 $0xE400  }
0x534: {  	[tilespmem:s31], [sflag:$0x2] =	stream.indirect_vreg.gather [hbm4b:s5+s3], $0x80, v3, vm0, $0xb8;
	[tilespmem:$0x18400] =	vst v63  }
0x535: {  	s29 =	simm.s32 $0xEC00  }
0x536: {  	[tilespmem:s29], [sflag:$0x2] =	stream.indirect_vreg.gather [hbm4b:s6+s3], $0x80, v3, vm0, $0xb8;
	[tilespmem:$0x18400] =	vst v63  }
0x537: {  	v3 =	vld [tilespmem:$0x3D0];
	_ =	sdelay $0x4  }
0x538: {  	v61 =	vshrl.u32 v3, $0x3  }
0x539: {  	v4 =	vmul.u32 $0x30, v61  }
0x53a: {  	v3 =	vand.u32 $0x7, v3  }
0x53b: {  	v3 =	vor.u32 v3, v4  }
0x53c: {  	v4 =	vperm.xlane v3, v0;
	_ =	sdelay $0x1  }
0x53d: {  	v4 =	vadd.s32 v1, v4;
	_ =	sdelay $0x3  }
0x53e: {  	s31 =	simm.s32 $0xF400;
	v3 =	vperm.xlane v3, v2  }
0x53f: {  	[tilespmem:s31], [sflag:$0x2] =	stream.indirect_vreg.gather [hbm4b:s2+s3], $0x80, v4, vm0, $0xb8;
	[tilespmem:$0x18400] =	vst v63  }
0x540: {  	s9 =	simm.s32 $0xFC00;
	v3 =	vadd.s32 v1, v3  }
0x541: {  	[tilespmem:s9], [sflag:$0x2] =	stream.indirect_vreg.gather [hbm4b:s5+s3], $0x80, v4, vm0, $0xb8;
	[tilespmem:$0x18400] =	vst v63  }
0x542: {  	s12 =	simm.s32 $0x10400  }
0x543: {  	[tilespmem:s12], [sflag:$0x2] =	stream.indirect_vreg.gather [hbm4b:s6+s3], $0x80, v4, vm0, $0xb8;
	[tilespmem:$0x18400] =	vst v63  }
0x544: {  	s13 =	simm.s32 $0x10C00  }
0x545: {  	[tilespmem:s13], [sflag:$0x2] =	stream.indirect_vreg.gather [hbm4b:s2+s3], $0x80, v3, vm0, $0xb8;
	[tilespmem:$0x18400] =	vst v63  }
0x546: {  	s14 =	simm.s32 $0x11400  }
0x547: {  	[tilespmem:s14], [sflag:$0x2] =	stream.indirect_vreg.gather [hbm4b:s5+s3], $0x80, v3, vm0, $0xb8;
	[tilespmem:$0x18400] =	vst v63  }
0x548: {  	s15 =	simm.s32 $0x11C00  }
0x549: {  	[tilespmem:s15], [sflag:$0x2] =	stream.indirect_vreg.gather [hbm4b:s6+s3], $0x80, v3, vm0, $0xb8;
	[tilespmem:$0x18400] =	vst v63  }
0x54a: {  	v3 =	vld [tilespmem:$0x3E0];
	_ =	sdelay $0x4  }
0x54b: {  	v62 =	vshrl.u32 v3, $0x3  }
0x54c: {  	v4 =	vmul.u32 $0x30, v62  }
0x54d: {  	v3 =	vand.u32 $0x7, v3  }
0x54e: {  	v3 =	vor.u32 v3, v4  }
0x54f: {  	v4 =	vperm.xlane v3, v0;
	_ =	sdelay $0x1  }
0x550: {  	v4 =	vadd.s32 v1, v4;
	_ =	sdelay $0x3  }
0x551: {  	s16 =	simm.s32 $0x12400;
	v3 =	vperm.xlane v3, v2  }
0x552: {  	[tilespmem:s16], [sflag:$0x2] =	stream.indirect_vreg.gather [hbm4b:s2+s3], $0x80, v4, vm0, $0xb8;
	[tilespmem:$0x18400] =	vst v63  }
0x553: {  	s17 =	simm.s32 $0x12C00;
	v3 =	vadd.s32 v1, v3  }
0x554: {  	[tilespmem:s17], [sflag:$0x2] =	stream.indirect_vreg.gather [hbm4b:s5+s3], $0x80, v4, vm0, $0xb8;
	[tilespmem:$0x18400] =	vst v63  }
0x555: {  	s18 =	simm.s32 $0x13400  }
0x556: {  	[tilespmem:s18], [sflag:$0x2] =	stream.indirect_vreg.gather [hbm4b:s6+s3], $0x80, v4, vm0, $0xb8;
	[tilespmem:$0x18400] =	vst v63  }
0x557: {  	s19 =	simm.s32 $0x13C00  }
0x558: {  	[tilespmem:s19], [sflag:$0x2] =	stream.indirect_vreg.gather [hbm4b:s2+s3], $0x80, v3, vm0, $0xb8;
	[tilespmem:$0x18400] =	vst v63  }
0x559: {  	s20 =	simm.s32 $0x14400  }
0x55a: {  	[tilespmem:s20], [sflag:$0x2] =	stream.indirect_vreg.gather [hbm4b:s5+s3], $0x80, v3, vm0, $0xb8;
	[tilespmem:$0x18400] =	vst v63  }
0x55b: {  	s21 =	simm.s32 $0x14C00  }
0x55c: {  	[tilespmem:s21], [sflag:$0x2] =	stream.indirect_vreg.gather [hbm4b:s6+s3], $0x80, v3, vm0, $0xb8;
	[tilespmem:$0x18400] =	vst v63  }
0x55d: {  	v3 =	vld [tilespmem:$0x3F0];
	_ =	sdelay $0x4  }
0x55e: {  	v63 =	vshrl.u32 v3, $0x3  }
0x55f: {  	v4 =	vmul.u32 $0x30, v63  }
0x560: {  	v3 =	vand.u32 $0x7, v3  }
0x561: {  	v3 =	vor.u32 v3, v4  }
0x562: {  	v4 =	vperm.xlane v3, v0;
	_ =	sdelay $0x1  }
0x563: {  	v4 =	vadd.s32 v1, v4;
	_ =	sdelay $0x3  }
0x564: {  	s22 =	simm.s32 $0x15400;
	v3 =	vperm.xlane v3, v2  }
0x565: {  	[tilespmem:s22], [sflag:$0x2] =	stream.indirect_vreg.gather [hbm4b:s2+s3], $0x80, v4, vm0, $0xb8;
	[tilespmem:$0x18400] =	vst v63  }
0x566: {  	s23 =	simm.s32 $0x15C00;
	v3 =	vadd.s32 v1, v3  }
0x567: {  	[tilespmem:s23], [sflag:$0x2] =	stream.indirect_vreg.gather [hbm4b:s5+s3], $0x80, v4, vm0, $0xb8;
	[tilespmem:$0x18400] =	vst v63  }
0x568: {  	s24 =	simm.s32 $0x16400  }
0x569: {  	[tilespmem:s24], [sflag:$0x2] =	stream.indirect_vreg.gather [hbm4b:s6+s3], $0x80, v4, vm0, $0xb8;
	[tilespmem:$0x18400] =	vst v63  }
0x56a: {  	s25 =	simm.s32 $0x16C00  }
0x56b: {  	[tilespmem:s25], [sflag:$0x2] =	stream.indirect_vreg.gather [hbm4b:s2+s3], $0x80, v3, vm0, $0xb8;
	[tilespmem:$0x18400] =	vst v63  }
0x56c: {  	s26 =	simm.s32 $0x17400  }
0x56d: {  	[tilespmem:s26], [sflag:$0x2] =	stream.indirect_vreg.gather [hbm4b:s5+s3], $0x80, v3, vm0, $0xb8;
	[tilespmem:$0x18400] =	vst v63  }
0x56e: {  	s28 =	simm.s32 $0x17C00  }
0x56f: {  	[tilespmem:s28], [sflag:$0x2] =	stream.indirect_vreg.gather [hbm4b:s6+s3], $0x80, v3, vm0, $0xb8;
	[tilespmem:$0x18400] =	vst v63  }
0x570: {  	s7 =	rddreg [dreg:$0x17];
	_ =	swait.ge [sflag:s1], $0x6000  }
0x571: {  	[sflag:s1] =	ssyncset.done $0x0  }
0x572: {  	[sflag:s1] =	ssyncadd.s32 $0xFFFFA000  }
0x573: {  	_ =	swait.ge [sflag:s1], $0x6000  }
0x574: {  	[sflag:s1] =	ssyncset.done $0x0  }
0x575: {  	s29 =	rddreg [dreg:$0x12];
	[sflag:s1] =	ssyncadd.s32 $0xFFFFA000  }
0x576: {  	[hbm4b:s29+s3] =	stream.linear.scatter [tilespmem:s30], [sflag:$0x3], $0xC000, $0x38;
	[tilespmem:$0x18400] =	vst v63  }
0x577: {  	_ =	swait.ge [sflag:s10], $0x6000  }
0x578: {  	[sflag:s10] =	ssyncset.done $0x0  }
0x579: {  	[sflag:s10] =	ssyncadd.s32 $0xFFFFA000  }
0x57a: {  	_ =	swait.ge [sflag:s10], $0x6000  }
0x57b: {  	[sflag:s10] =	ssyncset.done $0x0  }
0x57c: {  	s31 =	rddreg [dreg:$0x13];
	[sflag:s10] =	ssyncadd.s32 $0xFFFFA000  }
0x57d: {  	[hbm4b:s31+s3] =	stream.linear.scatter [tilespmem:s4], [sflag:$0x4], $0xC000, $0x38;
	[tilespmem:$0x18400] =	vst v63  }
0x57e: {  	p0 =	sne.s32 s7, $0x1;
	_ =	swait.ge [sflag:s8], $0xC000  }
.Ltmp0:
0x57f: {  	[sflag:s8] =	ssyncset.done $0x0;
	(pc) =	sbr.rel @p0 .LBB2_1-.Ltmp0, $4  }
0x580: {  	[sflag:s8] =	ssyncadd.s32 $0xFFFF4000  }
0x581: {  	_ =	swait.ge [sflag:s11], $0xC000  }
0x582: {  	[sflag:s11] =	ssyncset.done $0x0  }
0x583: {  	s7 =	sadd.s32 $0xFFFFFFFF, s7;
	[sflag:s11] =	ssyncadd.s32 $0xFFFF4000  }
0x584: {  	_ =	sfence.sel $0x180000  }
0x585: {  	[bflag:$0x0] =	sbarrier.arrive $0xFFFF  }
0x586: {  	_ =	strace $0x90000047  }
0x587: {  	s0 =	stileid.u32;
	[bflag:$0x2] =	sbarrier.arrive $0xFFFF  }
0x588: {  	p0 =	sne.s32 s0, $0x0;
	s0 =	rddreg [dreg:$0x3]  }
0x589: {  	s0 =	sadd.s32 @!p0 $0x100000, s0  }
0x58a: {  	[sflag:s0] =	ssyncadd.tile.s32 @!p0 $0x1;
	_ =	shalt  }
.Lfunc_end2:
_tile_overlayer_lowered:
.L_overlay_start_2:
0x58b: {  	(tag) =	ssettag $0x2  }
0x58c: {  	s0 =	rddreg [dreg:$0x0];
	s2 =	stileid.u32  }
0x58d: {  	s1 =	rddreg [dreg:$0x1];
	p0 =	sne.s32 s2, $0x0  }
0x58e: {  	s3 =	rddreg [dreg:$0x2];
	[bflag:$0x3] =	sbarrier.arrive $0xFFFF;
	s2 =	simm.s32 @!p0 $0x1C05  }
0x58f: {  	[timem:s3], [sflag:s2] =	dma.local @!p0 [hbm:s0], s1  }
0x590: {  	s0 =	simm.s32 @!p0 $0x5  }
0x591: {  	_ =	swait.ge @!p0 [sflag:s0], s1  }
0x592: {  	s1 =	ssub.s32 @!p0 $0x0, s1;
	[sflag:s0] =	ssyncset.done @!p0 $0x0  }
0x593: {  	[sflag:s0] =	ssyncadd.s32 @!p0 s1  }
0x594: {  	[bflag:$0x3] =	sbarrier.arrive $0xFFFF  }
0x595: {  	_ =	shalt  }

</sc_bundles>
